<compile_context>
chip_gen: v7x
topology: tpu7x:2x2x1
jax: 0.10.2.dev20260603
libtpu: 0.0.44.dev20260713+nightly
codegen_flags: <defaults>
</compile_context>

<pallas_src>
import jax
import jax.numpy as jnp
from jax import lax
from jax.experimental import pallas as pl
from jax.experimental.pallas import tpu as pltpu
from jax.experimental.pallas import tpu_sc as plsc

N = 10000
NP = 10240
F = 128
T = 4
EL_PAD = 327680
EG_PAD = 163840
EW = 64
RPB = 32
NBLK_L = 10
NBLK_G = 5
SLICE = NP // 16

_f32 = jnp.float32
_i32 = jnp.int32


def _mesh():
    return plsc.VectorSubcoreMesh(core_axis_name="c", subcore_axis_name="s")


def _babylon_dinv(x):
    s = 0.5 * (1.0 + x)
    for _ in range(18):
        s = 0.5 * (s + x / s)
    return 1.0 / s


def _deg_body(dstl, wl, dstg, wg, dinvl, dinvg, buf_v, dst_b, w_b, spdeg):
    c = lax.axis_index("c")
    s = lax.axis_index("s")
    zero16 = jnp.zeros((16,), _f32)

    def run_graph(dst_h, w_h, out_h, nblk):
        def zbody(i, carry):
            buf_v[pl.ds(i * 16, 16)] = zero16
            return carry
        lax.fori_loop(0, NP // 16, zbody, 0)

        @pl.when(s == 0)
        def _():
            pltpu.sync_copy(buf_v, spdeg)
        plsc.subcore_barrier()

        base = s * nblk * RPB

        def sblk(blk, carry):
            r0 = base + blk * RPB
            pltpu.sync_copy(dst_h.at[pl.ds(r0, RPB)], dst_b)
            pltpu.sync_copy(w_h.at[pl.ds(r0, RPB)], w_b)
            for k in range(RPB):
                pltpu.sync_copy(w_b.at[k], spdeg.at[dst_b.at[k]], add=True)
            return carry
        lax.fori_loop(0, nblk, sblk, 0)
        plsc.subcore_barrier()

        pltpu.sync_copy(spdeg.at[pl.ds(s * SLICE, SLICE)],
                        buf_v.at[pl.ds(0, SLICE)])

        def dbody(i, carry):
            x = buf_v[pl.ds(i * 16, 16)] + 1.0
            buf_v[pl.ds(i * 16, 16)] = _babylon_dinv(x)
            return carry
        lax.fori_loop(0, SLICE // 16, dbody, 0)
        pltpu.sync_copy(buf_v.at[pl.ds(0, SLICE)],
                        out_h.at[pl.ds(s * SLICE, SLICE)])

    @pl.when(c == 0)
    def _():
        run_graph(dstl, wl, dinvl, NBLK_L)

    @pl.when(c == 1)
    def _():
        run_graph(dstg, wg, dinvg, NBLK_G)


@jax.jit
def _deg_kernel(dstl, wl, dstg, wg):
    out_type = [
        jax.ShapeDtypeStruct((NP,), _f32),
        jax.ShapeDtypeStruct((NP,), _f32),
    ]
    scratch = [
        pltpu.VMEM((NP,), _f32),
        pltpu.VMEM((RPB, EW), _i32),
        pltpu.VMEM((RPB, EW), _f32),
        pltpu.VMEM_SHARED((NP,), _f32),
    ]
    return pl.kernel(_deg_body, out_type=out_type, mesh=_mesh(),
                     scratch_types=scratch)(dstl, wl, dstg, wg)


def _prescale_body(x_ref, dinv_ref, y_ref):
    y_ref[...] = x_ref[...] * dinv_ref[...]


@jax.jit
def _prescale(x, dinv):
    blk = 1024
    return pl.pallas_call(
        _prescale_body,
        grid=(2, T, NP // blk),
        in_specs=[
            pl.BlockSpec((1, 1, blk, F), lambda g, t, i: (g, t, i, 0)),
            pl.BlockSpec((1, blk, 1), lambda g, t, i: (g, i, 0)),
        ],
        out_specs=pl.BlockSpec((1, 1, blk, F), lambda g, t, i: (g, t, i, 0)),
        out_shape=jax.ShapeDtypeStruct((2, T, NP, F), _f32),
    )(x, dinv)


def _scatter_pass(y4, src_h, dst_h, w_h, out4, q, oq, nblk, ebase, s,
                  gbuf, src_b, dst_b, w_b, accum, sg, ss):
    pltpu.sync_copy(y4.at[q, pl.ds(s * SLICE, SLICE)],
                    accum.at[pl.ds(s * SLICE, SLICE)])
    plsc.subcore_barrier()

    base = ebase + s * nblk * RPB
    y_h = y4.at[q]

    def scale(b, k):
        def gbody(g, carry):
            wv = w_b[k, pl.ds(g * 16, 16)]
            for i in range(16):
                wsc = lax.index_in_dim(wv, i, keepdims=False)
                e = g * 16 + i
                for j in range(8):
                    gbuf[b, e, pl.ds(j * 16, 16)] = (
                        gbuf[b, e, pl.ds(j * 16, 16)] * wsc)
            return carry
        lax.fori_loop(0, EW // 16, gbody, 0)

    def wait_gather(b):
        pltpu.make_async_copy(y_h.at[src_b.at[0]], gbuf.at[b], sg[b]).wait()

    def wait_scatter(b):
        pltpu.make_async_copy(
            gbuf.at[b], accum.at[dst_b.at[0]], ss[b]).wait()

    def bblk(blk, carry):
        r0 = base + blk * RPB
        pltpu.sync_copy(src_h.at[pl.ds(r0, RPB)], src_b)
        pltpu.sync_copy(dst_h.at[pl.ds(r0, RPB)], dst_b)
        pltpu.sync_copy(w_h.at[pl.ds(r0, RPB)], w_b)
        pltpu.async_copy(y_h.at[src_b.at[0]], gbuf.at[0], sg[0])
        pltpu.async_copy(y_h.at[src_b.at[1]], gbuf.at[1], sg[1])

        def round_(m, carry2):
            for b in range(4):
                k = m * 4 + b
                b2 = (b + 2) % 4
                wait_gather(b)
                scale(b, k)
                pltpu.async_copy(gbuf.at[b], accum.at[dst_b.at[k]],
                                 ss[b], add=True)
                if b < 2:
                    @pl.when(m > 0)
                    def _():
                        wait_scatter(b2)
                    pltpu.async_copy(y_h.at[src_b.at[k + 2]],
                                     gbuf.at[b2], sg[b2])
                else:
                    wait_scatter(b2)

                    @pl.when(m < RPB // 4 - 1)
                    def _():
                        pltpu.async_copy(y_h.at[src_b.at[k + 2]],
                                         gbuf.at[b2], sg[b2])
            return carry2
        lax.fori_loop(0, RPB // 4, round_, 0)
        wait_scatter(2)
        wait_scatter(3)
        return carry
    lax.fori_loop(0, nblk, bblk, 0)
    plsc.subcore_barrier()

    pltpu.sync_copy(accum.at[pl.ds(s * SLICE, SLICE)],
                    out4.at[oq, pl.ds(s * SLICE, SLICE)])


_LROWS = EL_PAD // EW


def _scatter_body(y4, srcA, dstA, wA, out4,
                  gbuf, src_b, dst_b, w_b, accum,
                  sg0, sg1, sg2, sg3, ss0, ss1, ss2, ss3):
    c = lax.axis_index("c")
    s = lax.axis_index("s")
    scr = (gbuf, src_b, dst_b, w_b, accum,
           (sg0, sg1, sg2, sg3), (ss0, ss1, ss2, ss3))

    def run_pass(q):
        is_local = q < 4
        ebase = jnp.where(is_local, 0, _LROWS)
        nblk = jnp.where(is_local, NBLK_L, NBLK_G)
        _scatter_pass(y4, srcA, dstA, wA, out4, q, q, nblk, ebase, s, *scr)
        return 0

    @pl.when(c == 0)
    def _():
        lax.fori_loop(0, 3, lambda p, car: run_pass(p), 0)

    @pl.when(c == 1)
    def _():
        lax.fori_loop(0, 5, lambda p, car: run_pass(jnp.where(p == 0, 3, p + 3)), 0)


@jax.jit
def _scatter_kernel(y4, srcA, dstA, wA):
    out_type = jax.ShapeDtypeStruct((8, NP, F), _f32)
    scratch = [
        pltpu.VMEM((4, EW, F), _f32),
        pltpu.VMEM((RPB, EW), _i32),
        pltpu.VMEM((RPB, EW), _i32),
        pltpu.VMEM((RPB, EW), _f32),
        pltpu.VMEM_SHARED((NP, F), _f32),
    ] + [pltpu.SemaphoreType.DMA] * 8
    return pl.kernel(_scatter_body, out_type=out_type, mesh=_mesh(),
                     scratch_types=scratch)(y4, srcA, dstA, wA)


def _wprep_body(wcat, l1s, bcat, lbcat, wc, bc):
    for g in range(3):
        l1 = l1s[g]
        wc[:, g * 128:(g + 1) * 128] = jnp.dot(
            wcat[:, g * 128:(g + 1) * 128], l1, preferred_element_type=_f32)
        bc[:, g * 128:(g + 1) * 128] = jnp.dot(
            bcat[:, g * 128:(g + 1) * 128], l1, preferred_element_type=_f32
        ) + lbcat[:, g * 128:(g + 1) * 128]


@jax.jit
def _wprep(params):
    wcat = jnp.concatenate([params["conv_W_" + g] for g in "zrh"], axis=1)
    l1s = jnp.stack([params["lin_W_" + g][:F] for g in "zrh"])
    bcat = jnp.concatenate(
        [params["conv_b_" + g][None, :] for g in "zrh"], axis=1)
    lbcat = jnp.concatenate(
        [params["lin_b_" + g][None, :] for g in "zrh"], axis=1)
    wc, bc = pl.pallas_call(
        _wprep_body,
        out_shape=[jax.ShapeDtypeStruct((F, 3 * F), _f32),
                   jax.ShapeDtypeStruct((1, 3 * F), _f32)],
    )(wcat, l1s, bcat, lbcat)
    lq = jnp.concatenate([params["lin_W_z"][F:], params["lin_W_r"][F:]], axis=1)
    lh2 = params["lin_W_h"][F:]
    return wc, bc, lq, lh2


def _gru_body(zref, dinvl, dinvg,
              wcl, bcl, lql, lh2l, wcg, bcg, lqg, lh2g, out):
    def run(zrefs, dinv_r, wc_r, bc_r, lq_r, lh2_r):
        wc = wc_r[...]
        bc = bc_r[...]
        lq = lq_r[...]
        lh2 = lh2_r[...]
        dinv = dinv_r[...]
        h = jnp.zeros((zrefs[0].shape[0], F), _f32)
        for t in range(T):
            st = zrefs[t][...] * dinv
            p = jnp.dot(st, wc, preferred_element_type=_f32) + bc
            q = jnp.dot(h, lq, preferred_element_type=_f32)
            z = jax.nn.sigmoid(p[:, :F] + q[:, :F])
            r = jax.nn.sigmoid(p[:, F:2 * F] + q[:, F:2 * F])
            ht = jnp.tanh(p[:, 2 * F:] +
                          jnp.dot(h * r, lh2, preferred_element_type=_f32))
            h = z * h + (1.0 - z) * ht
        return h
    zs = [zref.at[t] for t in range(8)]
    out[:, :F] = run(zs[:4], dinvl, wcl, bcl, lql, lh2l)
    out[:, F:] = run(zs[4:], dinvg, wcg, bcg, lqg, lh2g)


@jax.jit
def _gru_kernel(z8, dinvl, dinvg, wl, bl, lql, lh2l, wg, bg, lqg, lh2g):
    blk = 512
    grid = (NP // blk,)
    z_spec = pl.BlockSpec((8, blk, F), lambda i: (0, i, 0))
    d_spec = pl.BlockSpec((blk, 1), lambda i: (i, 0))
    full = lambda shape: pl.BlockSpec(shape, lambda i: (0, 0))
    return pl.pallas_call(
        _gru_body,
        grid=grid,
        in_specs=[z_spec] + [d_spec] * 2 + [
            full((F, 3 * F)), full((1, 3 * F)), full((F, 2 * F)), full((F, F)),
            full((F, 3 * F)), full((1, 3 * F)), full((F, 2 * F)), full((F, F)),
        ],
        out_specs=pl.BlockSpec((blk, 2 * F), lambda i: (i, 0)),
        out_shape=jax.ShapeDtypeStruct((NP, 2 * F), _f32),
    )(z8, dinvl, dinvg, wl, bl, lql, lh2l, wg, bg, lqg, lh2g)


def _prep_edges(ei, ew, epad):
    e = ew.shape[0]
    pad = epad - e
    fill = jnp.arange(pad, dtype=_i32) % N
    src = jnp.concatenate([ei[0].astype(_i32), fill]).reshape(-1, EW)
    dst = jnp.concatenate([ei[1].astype(_i32), fill]).reshape(-1, EW)
    w = jnp.concatenate([ew, jnp.zeros((pad,), _f32)]).reshape(-1, EW)
    return src, dst, w


def kernel(local_x, global_x, local_edge_index, global_edge_index,
           local_edge_weight, global_edge_weight, readout_batch,
           local_params, global_params):
    srcl, dstl, wl = _prep_edges(local_edge_index, local_edge_weight, EL_PAD)
    srcg, dstg, wg = _prep_edges(global_edge_index, global_edge_weight, EG_PAD)
    dinvl, dinvg = _deg_kernel(dstl, wl, dstg, wg)

    x = jnp.stack([
        jnp.pad(jnp.transpose(local_x, (2, 0, 1)), ((0, 0), (0, NP - N), (0, 0))),
        jnp.pad(jnp.transpose(global_x, (2, 0, 1)), ((0, 0), (0, NP - N), (0, 0))),
    ])
    dinv2 = jnp.stack([dinvl[:, None], dinvg[:, None]])
    y4 = _prescale(x, dinv2).reshape(8, NP, F)

    srcA = jnp.concatenate([srcl, srcg])
    dstA = jnp.concatenate([dstl, dstg])
    wA = jnp.concatenate([wl, wg])
    z8 = _scatter_kernel(y4, srcA, dstA, wA)

    wcl, bcl, lql, lh2l = _wprep(local_params)
    wcg, bcg, lqg, lh2g = _wprep(global_params)
    out = _gru_kernel(z8, dinvl[:, None], dinvg[:, None],
                      wcl, bcl, lql, lh2l, wcg, bcg, lqg, lh2g)
    return out[:N]

# --- scband reference (transcript-rebuilt; emitter-appended) ---
"""Pipeline reference for scband-local-global-model-28063316312139 (READ-ONLY COPY).

The authoritative reference and input builder live on the scoring server;
editing this copy changes nothing except your own understanding.
"""

import jax, jax.numpy as jnp
import numpy as np

N = 10000
PERIODS = 4
F_LOCAL = 128
F_GLOBAL = 128
H_LOCAL = 128
H_GLOBAL = 128


def _glorot(key, shape):
    s = jnp.sqrt(6.0 / (shape[0] + shape[1]))
    return jax.random.uniform(key, shape, jnp.float32, -s, s)


def _make_tgcn_params(key, in_ch, out_ch):
    ks = jax.random.split(key, 6)
    p = {}
    for i, g in enumerate(["z", "r", "h"]):
        p["conv_W_" + g] = _glorot(ks[2 * i], (in_ch, out_ch))
        p["conv_b_" + g] = jnp.zeros((out_ch,), jnp.float32)
        p["lin_W_" + g] = _glorot(ks[2 * i + 1], (2 * out_ch, out_ch))
        p["lin_b_" + g] = jnp.zeros((out_ch,), jnp.float32)
    return p


def gcn_conv(X, src, dst, ew, W, b, n):
    loop = jnp.arange(n)
    s = jnp.concatenate([src, loop])
    d = jnp.concatenate([dst, loop])
    w = jnp.concatenate([ew, jnp.ones((n,), X.dtype)])
    deg = jnp.zeros((n,), X.dtype).at[d].add(w)
    dinv = jnp.where(deg > 0, jax.lax.rsqrt(jnp.maximum(deg, 1e-12)), 0.0)
    norm = dinv[s] * w * dinv[d]
    XW = X @ W
    out = jnp.zeros((n, W.shape[1]), X.dtype).at[d].add(XW[s] * norm[:, None])
    return out + b


def tgcn_step(X, src, dst, ew, H, p, n):
    Z = jax.nn.sigmoid(
        jnp.concatenate([gcn_conv(X, src, dst, ew, p["conv_W_z"], p["conv_b_z"], n), H], axis=1)
        @ p["lin_W_z"] + p["lin_b_z"])
    R = jax.nn.sigmoid(
        jnp.concatenate([gcn_conv(X, src, dst, ew, p["conv_W_r"], p["conv_b_r"], n), H], axis=1)
        @ p["lin_W_r"] + p["lin_b_r"])
    H_tilde = jnp.tanh(
        jnp.concatenate([gcn_conv(X, src, dst, ew, p["conv_W_h"], p["conv_b_h"], n), H * R], axis=1)
        @ p["lin_W_h"] + p["lin_b_h"])
    return Z * H + (1.0 - Z) * H_tilde


def setup_inputs(seed: int = 0) -> dict:
    key = jax.random.key(seed)
    ks = jax.random.split(key, 9)
    local_x = jax.random.normal(ks[0], (N, F_LOCAL, PERIODS), jnp.float32)
    global_x = jax.random.normal(ks[1], (N, F_GLOBAL, PERIODS), jnp.float32)
    local_edge_index = jax.random.randint(ks[2], (2, 320000), 0, N, jnp.int64 if jax.config.jax_enable_x64 else jnp.int32)
    global_edge_index = jax.random.randint(ks[3], (2, 160000), 0, N, jnp.int64 if jax.config.jax_enable_x64 else jnp.int32)
    local_edge_weight = jax.random.uniform(ks[4], (320000,), jnp.float32)
    global_edge_weight = jax.random.uniform(ks[5], (160000,), jnp.float32)
    readout_batch = jnp.zeros((N,), jnp.int32)
    local_params = _make_tgcn_params(ks[6], F_LOCAL, H_LOCAL)
    global_params = _make_tgcn_params(ks[7], F_GLOBAL, H_GLOBAL)
    return {
        "local_x": local_x,
        "global_x": global_x,
        "local_edge_index": local_edge_index,
        "global_edge_index": global_edge_index,
        "local_edge_weight": local_edge_weight,
        "global_edge_weight": global_edge_weight,
        "readout_batch": readout_batch,
        "local_params": local_params,
        "global_params": global_params,
    }


def reference(local_x, global_x, local_edge_index, global_edge_index,
              local_edge_weight, global_edge_weight, readout_batch,
              local_params, global_params):
    ls, ld = local_edge_index[0], local_edge_index[1]
    gs, gd = global_edge_index[0], global_edge_index[1]
    lH = jnp.zeros((N, H_LOCAL), jnp.float32)
    gH = jnp.zeros((N, H_GLOBAL), jnp.float32)
    for t in range(PERIODS):
        lH = tgcn_step(local_x[:, :, t], ls, ld, local_edge_weight, lH, local_params, N)
        gH = tgcn_step(global_x[:, :, t], gs, gd, global_edge_weight, gH, global_params, N)
    return jnp.concatenate([lH, gH], axis=1)

if __name__ == "__main__":
    import jax
    _d = setup_inputs()
    print(jax.jit(kernel)(*tuple(_d.values())))

</pallas_src>

<mosaic_0001>
#map = affine_map<(d0, d1) -> (0, 0)>
#map1 = affine_map<(d0, d1) -> (0)>
module attributes {stable_mosaic.version = 14 : i64} {
  func.func @_deg_body(%arg0: i32, %arg1: i32, %arg2: memref<5120x64xi32, #tpu.memory_space<hbm>>, %arg3: memref<5120x64xf32, #tpu.memory_space<hbm>>, %arg4: memref<2560x64xi32, #tpu.memory_space<hbm>>, %arg5: memref<2560x64xf32, #tpu.memory_space<hbm>>, %arg6: memref<10240xf32, #tpu.memory_space<hbm>>, %arg7: memref<10240xf32, #tpu.memory_space<hbm>>, %arg8: memref<10240xf32, #tpu.memory_space<vmem>>, %arg9: memref<32x64xi32, #tpu.memory_space<vmem>>, %arg10: memref<32x64xf32, #tpu.memory_space<vmem>>, %arg11: memref<10240xf32, #tpu.memory_space<vmem_shared>>) attributes {dimension_semantics = [#tpu.dimension_semantics<core_parallel>, #tpu.dimension_semantics<subcore_parallel>], iteration_bounds = array<i64: 2, 16>, scalar_prefetch = 0 : i64, scratch_operands = 4 : i64, tpu.core_type = #tpu.core_type<sc_vector_subcore>, window_params = [{transform_indices = #map}, {transform_indices = #map}, {transform_indices = #map}, {transform_indices = #map}, {transform_indices = #map1}, {transform_indices = #map1}]} {
    %broadcast_in_dim3A = arith.constant 0.000000e+00 : f32
    %broadcast_in_dim3A_0 = vector.broadcast %broadcast_in_dim3A : f32 to vector<16xf32>
    %eq3A = arith.constant 0 : i32
    %eq3A_1 = arith.cmpi eq, %arg0, %eq3A : i32
    %convert_element_type3A = arith.extui %eq3A_1 : i1 to i32
    %cond3A = arith.constant 0 : i32
    %cond3A_2 = arith.cmpi ne, %convert_element_type3A, %cond3A : i32
    scf.if %cond3A_2 {
      %scan3A = arith.constant 0 : i32
      %scan3A_8 = arith.constant 0 : i32
      %scan3A_9 = arith.constant 640 : i32
      %scan3A_10 = arith.addi %scan3A_8, %scan3A_9 : i32
      %scan3A_11 = arith.constant 1 : i32
      scf.for %scan3A_38 = %scan3A_8 to %scan3A_10 step %scan3A_11  : i32 {
        %mul3A_39 = arith.constant 16 : i32
        %mul3A_40 = arith.muli %scan3A_38, %mul3A_39 : i32
        %swap3A = arith.index_cast %mul3A_40 : i32 to index
        %swap3A_41 = tpu.vector_load %arg8[%swap3A] {strides = array<i32>} : memref<10240xf32, #tpu.memory_space<vmem>>, vector<16xf32>,
        %swap3A_42 = vector.shape_cast %swap3A_41 : vector<16xf32> to vector<16xf32>
        %swap3A_43 = vector.shape_cast %broadcast_in_dim3A_0 : vector<16xf32> to vector<16xf32>
        tpu.vector_store %arg8[%swap3A], %swap3A_43 {strides = array<i32>} : memref<10240xf32, #tpu.memory_space<vmem>>, vector<16xf32>,
      }
      %scan3A_12 = arith.constant 640 : i32
      %eq3A_13 = arith.constant 0 : i32
      %eq3A_14 = arith.cmpi eq, %arg1, %eq3A_13 : i32
      %convert_element_type3A_15 = arith.extui %eq3A_14 : i1 to i32
      %cond3A_16 = arith.constant 0 : i32
      %cond3A_17 = arith.cmpi ne, %convert_element_type3A_15, %cond3A_16 : i32
      scf.if %cond3A_17 {
        "tpu.region"() ({
          %run_scoped3A = tpu.sem_alloc : memref<!tpu.dma_semaphore, #tpu.memory_space<semaphore_mem>>
          tpu.enqueue_dma source(%arg8 : memref<10240xf32, #tpu.memory_space<vmem>>) target(%arg11 : memref<10240xf32, #tpu.memory_space<vmem_shared>>) target_semaphore(%run_scoped3A : memref<!tpu.dma_semaphore, #tpu.memory_space<semaphore_mem>>)
          tpu.wait_dma2 semaphore(%run_scoped3A : memref<!tpu.dma_semaphore, #tpu.memory_space<semaphore_mem>>) src(%arg8 : memref<10240xf32, #tpu.memory_space<vmem>>) dst(%arg11 : memref<10240xf32, #tpu.memory_space<vmem_shared>>)
          tpu.yield
        }) : () -> ()
      } else {
      }
      %barrier3A = arith.constant 0 : index
      tpu.barrier barrier_id(%barrier3A)
      %mul3A = arith.constant 10 : i32
      %mul3A_18 = arith.muli %arg1, %mul3A : i32
      %mul3A_19 = arith.constant 32 : i32
      %mul3A_20 = arith.muli %mul3A_18, %mul3A_19 : i32
      %scan3A_21 = arith.constant 0 : i32
      %scan3A_22 = arith.constant 0 : i32
      %scan3A_23 = arith.constant 10 : i32
      %scan3A_24 = arith.addi %scan3A_22, %scan3A_23 : i32
      %scan3A_25 = arith.constant 1 : i32
      scf.for %scan3A_38 = %scan3A_22 to %scan3A_24 step %scan3A_25  : i32 {
        %mul3A_39 = arith.constant 32 : i32
        %mul3A_40 = arith.muli %scan3A_38, %mul3A_39 : i32
        %add3A = arith.addi %mul3A_20, %mul3A_40 : i32
        "tpu.region"() ({
          %run_scoped3A_104 = tpu.sem_alloc : memref<!tpu.dma_semaphore, #tpu.memory_space<semaphore_mem>>
          %dma_start3A = arith.constant 0 : i32
          %dma_start3A_105 = tpu.memref_slice %arg2[%add3A, %dma_start3A] : memref<5120x64xi32, #tpu.memory_space<hbm>> -> memref<32x64xi32, #tpu.memory_space<hbm>>
          %dma_start3A_106 = arith.constant 0 : i32
          %dma_start3A_107 = tpu.memref_slice %arg2[%add3A, %dma_start3A_106] : memref<5120x64xi32, #tpu.memory_space<hbm>> -> memref<32x64xi32, #tpu.memory_space<hbm>>
          tpu.enqueue_dma source(%dma_start3A_107 : memref<32x64xi32, #tpu.memory_space<hbm>>) target(%arg9 : memref<32x64xi32, #tpu.memory_space<vmem>>) target_semaphore(%run_scoped3A_104 : memref<!tpu.dma_semaphore, #tpu.memory_space<semaphore_mem>>)
          %dma_wait3A = arith.constant 0 : i32
          %dma_wait3A_108 = tpu.memref_slice %arg2[%add3A, %dma_wait3A] : memref<5120x64xi32, #tpu.memory_space<hbm>> -> memref<32x64xi32, #tpu.memory_space<hbm>>
          %dma_wait3A_109 = arith.constant 0 : i32
          %dma_wait3A_110 = tpu.memref_slice %arg2[%add3A, %dma_wait3A_109] : memref<5120x64xi32, #tpu.memory_space<hbm>> -> memref<32x64xi32, #tpu.memory_space<hbm>>
          tpu.wait_dma2 semaphore(%run_scoped3A_104 : memref<!tpu.dma_semaphore, #tpu.memory_space<semaphore_mem>>) src(%dma_wait3A_110 : memref<32x64xi32, #tpu.memory_space<hbm>>) dst(%arg9 : memref<32x64xi32, #tpu.memory_space<vmem>>)
          tpu.yield
        }) : () -> ()
        "tpu.region"() ({
          %run_scoped3A_104 = tpu.sem_alloc : memref<!tpu.dma_semaphore, #tpu.memory_space<semaphore_mem>>
          %dma_start3A = arith.constant 0 : i32
          %dma_start3A_105 = tpu.memref_slice %arg3[%add3A, %dma_start3A] : memref<5120x64xf32, #tpu.memory_space<hbm>> -> memref<32x64xf32, #tpu.memory_space<hbm>>
          %dma_start3A_106 = arith.constant 0 : i32
          %dma_start3A_107 = tpu.memref_slice %arg3[%add3A, %dma_start3A_106] : memref<5120x64xf32, #tpu.memory_space<hbm>> -> memref<32x64xf32, #tpu.memory_space<hbm>>
          tpu.enqueue_dma source(%dma_start3A_107 : memref<32x64xf32, #tpu.memory_space<hbm>>) target(%arg10 : memref<32x64xf32, #tpu.memory_space<vmem>>) target_semaphore(%run_scoped3A_104 : memref<!tpu.dma_semaphore, #tpu.memory_space<semaphore_mem>>)
          %dma_wait3A = arith.constant 0 : i32
          %dma_wait3A_108 = tpu.memref_slice %arg3[%add3A, %dma_wait3A] : memref<5120x64xf32, #tpu.memory_space<hbm>> -> memref<32x64xf32, #tpu.memory_space<hbm>>
          %dma_wait3A_109 = arith.constant 0 : i32
          %dma_wait3A_110 = tpu.memref_slice %arg3[%add3A, %dma_wait3A_109] : memref<5120x64xf32, #tpu.memory_space<hbm>> -> memref<32x64xf32, #tpu.memory_space<hbm>>
          tpu.wait_dma2 semaphore(%run_scoped3A_104 : memref<!tpu.dma_semaphore, #tpu.memory_space<semaphore_mem>>) src(%dma_wait3A_110 : memref<32x64xf32, #tpu.memory_space<hbm>>) dst(%arg10 : memref<32x64xf32, #tpu.memory_space<vmem>>)
          tpu.yield
        }) : () -> ()
        %run_scoped3A = arith.constant 0 : i32
        %run_scoped3A_41 = arith.constant 0 : i32
        "tpu.region"() ({
          %run_scoped3A_104 = tpu.sem_alloc : memref<!tpu.dma_semaphore, #tpu.memory_space<semaphore_mem>>
          %dma_start3A = arith.constant 0 : i32
          %dma_start3A_105 = tpu.memref_slice %arg10[%run_scoped3A, %dma_start3A] : memref<32x64xf32, #tpu.memory_space<vmem>> -> memref<1x64xf32, #tpu.memory_space<vmem>>
          %dma_start3A_106 = tpu.memref_squeeze %dma_start3A_105 : memref<1x64xf32, #tpu.memory_space<vmem>> -> memref<64xf32, #tpu.memory_space<vmem>>
          %dma_start3A_107 = arith.constant 0 : i32
          %dma_start3A_108 = tpu.memref_slice %arg9[%run_scoped3A_41, %dma_start3A_107] : memref<32x64xi32, #tpu.memory_space<vmem>> -> memref<1x64xi32, #tpu.memory_space<vmem>>
          %dma_start3A_109 = tpu.memref_squeeze %dma_start3A_108 : memref<1x64xi32, #tpu.memory_space<vmem>> -> memref<64xi32, #tpu.memory_space<vmem>>
          %dma_start3A_110 = arith.constant 0 : i32
          %dma_start3A_111 = tpu.memref_slice %arg11[%dma_start3A_110] : memref<10240xf32, #tpu.memory_space<vmem_shared>> -> memref<10240xf32, #tpu.memory_space<vmem_shared>>
          tpu.enqueue_indirect_dma source(%dma_start3A_106 : memref<64xf32, #tpu.memory_space<vmem>>) target(%dma_start3A_111 : memref<10240xf32, #tpu.memory_space<vmem_shared>>) offsets(%dma_start3A_109 : memref<64xi32, #tpu.memory_space<vmem>>) semaphore(%run_scoped3A_104 : memref<!tpu.dma_semaphore, #tpu.memory_space<semaphore_mem>>) {add = true}
          %dma_wait3A = arith.constant 0 : i32
          %dma_wait3A_112 = tpu.memref_slice %arg10[%run_scoped3A, %dma_wait3A] : memref<32x64xf32, #tpu.memory_space<vmem>> -> memref<1x64xf32, #tpu.memory_space<vmem>>
          %dma_wait3A_113 = tpu.memref_squeeze %dma_wait3A_112 : memref<1x64xf32, #tpu.memory_space<vmem>> -> memref<64xf32, #tpu.memory_space<vmem>>
          %dma_wait3A_114 = arith.constant 0 : i32
          %dma_wait3A_115 = tpu.memref_slice %arg9[%run_scoped3A_41, %dma_wait3A_114] : memref<32x64xi32, #tpu.memory_space<vmem>> -> memref<1x64xi32, #tpu.memory_space<vmem>>
          %dma_wait3A_116 = tpu.memref_squeeze %dma_wait3A_115 : memref<1x64xi32, #tpu.memory_space<vmem>> -> memref<64xi32, #tpu.memory_space<vmem>>
          %dma_wait3A_117 = arith.constant 0 : i32
          %dma_wait3A_118 = tpu.memref_slice %arg11[%dma_wait3A_117] : memref<10240xf32, #tpu.memory_space<vmem_shared>> -> memref<10240xf32, #tpu.memory_space<vmem_shared>>
          tpu.wait_indirect_dma semaphore(%run_scoped3A_104 : memref<!tpu.dma_semaphore, #tpu.memory_space<semaphore_mem>>) src(%dma_wait3A_113 : memref<64xf32, #tpu.memory_space<vmem>>) dst(%dma_wait3A_118 : memref<10240xf32, #tpu.memory_space<vmem_shared>>)
          tpu.yield
        }) : () -> ()
        %run_scoped3A_42 = arith.constant 1 : i32
        %run_scoped3A_43 = arith.constant 1 : i32
        "tpu.region"() ({
          %run_scoped3A_104 = tpu.sem_alloc : memref<!tpu.dma_semaphore, #tpu.memory_space<semaphore_mem>>
          %dma_start3A = arith.constant 0 : i32
          %dma_start3A_105 = tpu.memref_slice %arg10[%run_scoped3A_42, %dma_start3A] : memref<32x64xf32, #tpu.memory_space<vmem>> -> memref<1x64xf32, #tpu.memory_space<vmem>>
          %dma_start3A_106 = tpu.memref_squeeze %dma_start3A_105 : memref<1x64xf32, #tpu.memory_space<vmem>> -> memref<64xf32, #tpu.memory_space<vmem>>
          %dma_start3A_107 = arith.constant 0 : i32
          %dma_start3A_108 = tpu.memref_slice %arg9[%run_scoped3A_43, %dma_start3A_107] : memref<32x64xi32, #tpu.memory_space<vmem>> -> memref<1x64xi32, #tpu.memory_space<vmem>>
          %dma_start3A_109 = tpu.memref_squeeze %dma_start3A_108 : memref<1x64xi32, #tpu.memory_space<vmem>> -> memref<64xi32, #tpu.memory_space<vmem>>
          %dma_start3A_110 = arith.constant 0 : i32
          %dma_start3A_111 = tpu.memref_slice %arg11[%dma_start3A_110] : memref<10240xf32, #tpu.memory_space<vmem_shared>> -> memref<10240xf32, #tpu.memory_space<vmem_shared>>
          tpu.enqueue_indirect_dma source(%dma_start3A_106 : memref<64xf32, #tpu.memory_space<vmem>>) target(%dma_start3A_111 : memref<10240xf32, #tpu.memory_space<vmem_shared>>) offsets(%dma_start3A_109 : memref<64xi32, #tpu.memory_space<vmem>>) semaphore(%run_scoped3A_104 : memref<!tpu.dma_semaphore, #tpu.memory_space<semaphore_mem>>) {add = true}
          %dma_wait3A = arith.constant 0 : i32
          %dma_wait3A_112 = tpu.memref_slice %arg10[%run_scoped3A_42, %dma_wait3A] : memref<32x64xf32, #tpu.memory_space<vmem>> -> memref<1x64xf32, #tpu.memory_space<vmem>>
          %dma_wait3A_113 = tpu.memref_squeeze %dma_wait3A_112 : memref<1x64xf32, #tpu.memory_space<vmem>> -> memref<64xf32, #tpu.memory_space<vmem>>
          %dma_wait3A_114 = arith.constant 0 : i32
          %dma_wait3A_115 = tpu.memref_slice %arg9[%run_scoped3A_43, %dma_wait3A_114] : memref<32x64xi32, #tpu.memory_space<vmem>> -> memref<1x64xi32, #tpu.memory_space<vmem>>
          %dma_wait3A_116 = tpu.memref_squeeze %dma_wait3A_115 : memref<1x64xi32, #tpu.memory_space<vmem>> -> memref<64xi32, #tpu.memory_space<vmem>>
          %dma_wait3A_117 = arith.constant 0 : i32
          %dma_wait3A_118 = tpu.memref_slice %arg11[%dma_wait3A_117] : memref<10240xf32, #tpu.memory_space<vmem_shared>> -> memref<10240xf32, #tpu.memory_space<vmem_shared>>
          tpu.wait_indirect_dma semaphore(%run_scoped3A_104 : memref<!tpu.dma_semaphore, #tpu.memory_space<semaphore_mem>>) src(%dma_wait3A_113 : memref<64xf32, #tpu.memory_space<vmem>>) dst(%dma_wait3A_118 : memref<10240xf32, #tpu.memory_space<vmem_shared>>)
          tpu.yield
        }) : () -> ()
        %run_scoped3A_44 = arith.constant 2 : i32
        %run_scoped3A_45 = arith.constant 2 : i32
        "tpu.region"() ({
          %run_scoped3A_104 = tpu.sem_alloc : memref<!tpu.dma_semaphore, #tpu.memory_space<semaphore_mem>>
          %dma_start3A = arith.constant 0 : i32
          %dma_start3A_105 = tpu.memref_slice %arg10[%run_scoped3A_44, %dma_start3A] : memref<32x64xf32, #tpu.memory_space<vmem>> -> memref<1x64xf32, #tpu.memory_space<vmem>>
          %dma_start3A_106 = tpu.memref_squeeze %dma_start3A_105 : memref<1x64xf32, #tpu.memory_space<vmem>> -> memref<64xf32, #tpu.memory_space<vmem>>
          %dma_start3A_107 = arith.constant 0 : i32
          %dma_start3A_108 = tpu.memref_slice %arg9[%run_scoped3A_45, %dma_start3A_107] : memref<32x64xi32, #tpu.memory_space<vmem>> -> memref<1x64xi32, #tpu.memory_space<vmem>>
          %dma_start3A_109 = tpu.memref_squeeze %dma_start3A_108 : memref<1x64xi32, #tpu.memory_space<vmem>> -> memref<64xi32, #tpu.memory_space<vmem>>
          %dma_start3A_110 = arith.constant 0 : i32
          %dma_start3A_111 = tpu.memref_slice %arg11[%dma_start3A_110] : memref<10240xf32, #tpu.memory_space<vmem_shared>> -> memref<10240xf32, #tpu.memory_space<vmem_shared>>
          tpu.enqueue_indirect_dma source(%dma_start3A_106 : memref<64xf32, #tpu.memory_space<vmem>>) target(%dma_start3A_111 : memref<10240xf32, #tpu.memory_space<vmem_shared>>) offsets(%dma_start3A_109 : memref<64xi32, #tpu.memory_space<vmem>>) semaphore(%run_scoped3A_104 : memref<!tpu.dma_semaphore, #tpu.memory_space<semaphore_mem>>) {add = true}
          %dma_wait3A = arith.constant 0 : i32
          %dma_wait3A_112 = tpu.memref_slice %arg10[%run_scoped3A_44, %dma_wait3A] : memref<32x64xf32, #tpu.memory_space<vmem>> -> memref<1x64xf32, #tpu.memory_space<vmem>>
          %dma_wait3A_113 = tpu.memref_squeeze %dma_wait3A_112 : memref<1x64xf32, #tpu.memory_space<vmem>> -> memref<64xf32, #tpu.memory_space<vmem>>
          %dma_wait3A_114 = arith.constant 0 : i32
          %dma_wait3A_115 = tpu.memref_slice %arg9[%run_scoped3A_45, %dma_wait3A_114] : memref<32x64xi32, #tpu.memory_space<vmem>> -> memref<1x64xi32, #tpu.memory_space<vmem>>
          %dma_wait3A_116 = tpu.memref_squeeze %dma_wait3A_115 : memref<1x64xi32, #tpu.memory_space<vmem>> -> memref<64xi32, #tpu.memory_space<vmem>>
          %dma_wait3A_117 = arith.constant 0 : i32
          %dma_wait3A_118 = tpu.memref_slice %arg11[%dma_wait3A_117] : memref<10240xf32, #tpu.memory_space<vmem_shared>> -> memref<10240xf32, #tpu.memory_space<vmem_shared>>
          tpu.wait_indirect_dma semaphore(%run_scoped3A_104 : memref<!tpu.dma_semaphore, #tpu.memory_space<semaphore_mem>>) src(%dma_wait3A_113 : memref<64xf32, #tpu.memory_space<vmem>>) dst(%dma_wait3A_118 : memref<10240xf32, #tpu.memory_space<vmem_shared>>)
          tpu.yield
        }) : () -> ()
        %run_scoped3A_46 = arith.constant 3 : i32
        %run_scoped3A_47 = arith.constant 3 : i32
        "tpu.region"() ({
          %run_scoped3A_104 = tpu.sem_alloc : memref<!tpu.dma_semaphore, #tpu.memory_space<semaphore_mem>>
          %dma_start3A = arith.constant 0 : i32
          %dma_start3A_105 = tpu.memref_slice %arg10[%run_scoped3A_46, %dma_start3A] : memref<32x64xf32, #tpu.memory_space<vmem>> -> memref<1x64xf32, #tpu.memory_space<vmem>>
          %dma_start3A_106 = tpu.memref_squeeze %dma_start3A_105 : memref<1x64xf32, #tpu.memory_space<vmem>> -> memref<64xf32, #tpu.memory_space<vmem>>
          %dma_start3A_107 = arith.constant 0 : i32
          %dma_start3A_108 = tpu.memref_slice %arg9[%run_scoped3A_47, %dma_start3A_107] : memref<32x64xi32, #tpu.memory_space<vmem>> -> memref<1x64xi32, #tpu.memory_space<vmem>>
          %dma_start3A_109 = tpu.memref_squeeze %dma_start3A_108 : memref<1x64xi32, #tpu.memory_space<vmem>> -> memref<64xi32, #tpu.memory_space<vmem>>
          %dma_start3A_110 = arith.constant 0 : i32
          %dma_start3A_111 = tpu.memref_slice %arg11[%dma_start3A_110] : memref<10240xf32, #tpu.memory_space<vmem_shared>> -> memref<10240xf32, #tpu.memory_space<vmem_shared>>
          tpu.enqueue_indirect_dma source(%dma_start3A_106 : memref<64xf32, #tpu.memory_space<vmem>>) target(%dma_start3A_111 : memref<10240xf32, #tpu.memory_space<vmem_shared>>) offsets(%dma_start3A_109 : memref<64xi32, #tpu.memory_space<vmem>>) semaphore(%run_scoped3A_104 : memref<!tpu.dma_semaphore, #tpu.memory_space<semaphore_mem>>) {add = true}
          %dma_wait3A = arith.constant 0 : i32
          %dma_wait3A_112 = tpu.memref_slice %arg10[%run_scoped3A_46, %dma_wait3A] : memref<32x64xf32, #tpu.memory_space<vmem>> -> memref<1x64xf32, #tpu.memory_space<vmem>>
          %dma_wait3A_113 = tpu.memref_squeeze %dma_wait3A_112 : memref<1x64xf32, #tpu.memory_space<vmem>> -> memref<64xf32, #tpu.memory_space<vmem>>
          %dma_wait3A_114 = arith.constant 0 : i32
          %dma_wait3A_115 = tpu.memref_slice %arg9[%run_scoped3A_47, %dma_wait3A_114] : memref<32x64xi32, #tpu.memory_space<vmem>> -> memref<1x64xi32, #tpu.memory_space<vmem>>
          %dma_wait3A_116 = tpu.memref_squeeze %dma_wait3A_115 : memref<1x64xi32, #tpu.memory_space<vmem>> -> memref<64xi32, #tpu.memory_space<vmem>>
          %dma_wait3A_117 = arith.constant 0 : i32
          %dma_wait3A_118 = tpu.memref_slice %arg11[%dma_wait3A_117] : memref<10240xf32, #tpu.memory_space<vmem_shared>> -> memref<10240xf32, #tpu.memory_space<vmem_shared>>
          tpu.wait_indirect_dma semaphore(%run_scoped3A_104 : memref<!tpu.dma_semaphore, #tpu.memory_space<semaphore_mem>>) src(%dma_wait3A_113 : memref<64xf32, #tpu.memory_space<vmem>>) dst(%dma_wait3A_118 : memref<10240xf32, #tpu.memory_space<vmem_shared>>)
          tpu.yield
        }) : () -> ()
        %run_scoped3A_48 = arith.constant 4 : i32
        %run_scoped3A_49 = arith.constant 4 : i32
        "tpu.region"() ({
          %run_scoped3A_104 = tpu.sem_alloc : memref<!tpu.dma_semaphore, #tpu.memory_space<semaphore_mem>>
          %dma_start3A = arith.constant 0 : i32
          %dma_start3A_105 = tpu.memref_slice %arg10[%run_scoped3A_48, %dma_start3A] : memref<32x64xf32, #tpu.memory_space<vmem>> -> memref<1x64xf32, #tpu.memory_space<vmem>>
          %dma_start3A_106 = tpu.memref_squeeze %dma_start3A_105 : memref<1x64xf32, #tpu.memory_space<vmem>> -> memref<64xf32, #tpu.memory_space<vmem>>
          %dma_start3A_107 = arith.constant 0 : i32
          %dma_start3A_108 = tpu.memref_slice %arg9[%run_scoped3A_49, %dma_start3A_107] : memref<32x64xi32, #tpu.memory_space<vmem>> -> memref<1x64xi32, #tpu.memory_space<vmem>>
          %dma_start3A_109 = tpu.memref_squeeze %dma_start3A_108 : memref<1x64xi32, #tpu.memory_space<vmem>> -> memref<64xi32, #tpu.memory_space<vmem>>
          %dma_start3A_110 = arith.constant 0 : i32
          %dma_start3A_111 = tpu.memref_slice %arg11[%dma_start3A_110] : memref<10240xf32, #tpu.memory_space<vmem_shared>> -> memref<10240xf32, #tpu.memory_space<vmem_shared>>
          tpu.enqueue_indirect_dma source(%dma_start3A_106 : memref<64xf32, #tpu.memory_space<vmem>>) target(%dma_start3A_111 : memref<10240xf32, #tpu.memory_space<vmem_shared>>) offsets(%dma_start3A_109 : memref<64xi32, #tpu.memory_space<vmem>>) semaphore(%run_scoped3A_104 : memref<!tpu.dma_semaphore, #tpu.memory_space<semaphore_mem>>) {add = true}
          %dma_wait3A = arith.constant 0 : i32
          %dma_wait3A_112 = tpu.memref_slice %arg10[%run_scoped3A_48, %dma_wait3A] : memref<32x64xf32, #tpu.memory_space<vmem>> -> memref<1x64xf32, #tpu.memory_space<vmem>>
          %dma_wait3A_113 = tpu.memref_squeeze %dma_wait3A_112 : memref<1x64xf32, #tpu.memory_space<vmem>> -> memref<64xf32, #tpu.memory_space<vmem>>
          %dma_wait3A_114 = arith.constant 0 : i32
          %dma_wait3A_115 = tpu.memref_slice %arg9[%run_scoped3A_49, %dma_wait3A_114] : memref<32x64xi32, #tpu.memory_space<vmem>> -> memref<1x64xi32, #tpu.memory_space<vmem>>
          %dma_wait3A_116 = tpu.memref_squeeze %dma_wait3A_115 : memref<1x64xi32, #tpu.memory_space<vmem>> -> memref<64xi32, #tpu.memory_space<vmem>>
          %dma_wait3A_117 = arith.constant 0 : i32
          %dma_wait3A_118 = tpu.memref_slice %arg11[%dma_wait3A_117] : memref<10240xf32, #tpu.memory_space<vmem_shared>> -> memref<10240xf32, #tpu.memory_space<vmem_shared>>
          tpu.wait_indirect_dma semaphore(%run_scoped3A_104 : memref<!tpu.dma_semaphore, #tpu.memory_space<semaphore_mem>>) src(%dma_wait3A_113 : memref<64xf32, #tpu.memory_space<vmem>>) dst(%dma_wait3A_118 : memref<10240xf32, #tpu.memory_space<vmem_shared>>)
          tpu.yield
        }) : () -> ()
        %run_scoped3A_50 = arith.constant 5 : i32
        %run_scoped3A_51 = arith.constant 5 : i32
        "tpu.region"() ({
          %run_scoped3A_104 = tpu.sem_alloc : memref<!tpu.dma_semaphore, #tpu.memory_space<semaphore_mem>>
          %dma_start3A = arith.constant 0 : i32
          %dma_start3A_105 = tpu.memref_slice %arg10[%run_scoped3A_50, %dma_start3A] : memref<32x64xf32, #tpu.memory_space<vmem>> -> memref<1x64xf32, #tpu.memory_space<vmem>>
          %dma_start3A_106 = tpu.memref_squeeze %dma_start3A_105 : memref<1x64xf32, #tpu.memory_space<vmem>> -> memref<64xf32, #tpu.memory_space<vmem>>
          %dma_start3A_107 = arith.constant 0 : i32
          %dma_start3A_108 = tpu.memref_slice %arg9[%run_scoped3A_51, %dma_start3A_107] : memref<32x64xi32, #tpu.memory_space<vmem>> -> memref<1x64xi32, #tpu.memory_space<vmem>>
          %dma_start3A_109 = tpu.memref_squeeze %dma_start3A_108 : memref<1x64xi32, #tpu.memory_space<vmem>> -> memref<64xi32, #tpu.memory_space<vmem>>
          %dma_start3A_110 = arith.constant 0 : i32
          %dma_start3A_111 = tpu.memref_slice %arg11[%dma_start3A_110] : memref<10240xf32, #tpu.memory_space<vmem_shared>> -> memref<10240xf32, #tpu.memory_space<vmem_shared>>
          tpu.enqueue_indirect_dma source(%dma_start3A_106 : memref<64xf32, #tpu.memory_space<vmem>>) target(%dma_start3A_111 : memref<10240xf32, #tpu.memory_space<vmem_shared>>) offsets(%dma_start3A_109 : memref<64xi32, #tpu.memory_space<vmem>>) semaphore(%run_scoped3A_104 : memref<!tpu.dma_semaphore, #tpu.memory_space<semaphore_mem>>) {add = true}
          %dma_wait3A = arith.constant 0 : i32
          %dma_wait3A_112 = tpu.memref_slice %arg10[%run_scoped3A_50, %dma_wait3A] : memref<32x64xf32, #tpu.memory_space<vmem>> -> memref<1x64xf32, #tpu.memory_space<vmem>>
          %dma_wait3A_113 = tpu.memref_squeeze %dma_wait3A_112 : memref<1x64xf32, #tpu.memory_space<vmem>> -> memref<64xf32, #tpu.memory_space<vmem>>
          %dma_wait3A_114 = arith.constant 0 : i32
          %dma_wait3A_115 = tpu.memref_slice %arg9[%run_scoped3A_51, %dma_wait3A_114] : memref<32x64xi32, #tpu.memory_space<vmem>> -> memref<1x64xi32, #tpu.memory_space<vmem>>
          %dma_wait3A_116 = tpu.memref_squeeze %dma_wait3A_115 : memref<1x64xi32, #tpu.memory_space<vmem>> -> memref<64xi32, #tpu.memory_space<vmem>>
          %dma_wait3A_117 = arith.constant 0 : i32
          %dma_wait3A_118 = tpu.memref_slice %arg11[%dma_wait3A_117] : memref<10240xf32, #tpu.memory_space<vmem_shared>> -> memref<10240xf32, #tpu.memory_space<vmem_shared>>
          tpu.wait_indirect_dma semaphore(%run_scoped3A_104 : memref<!tpu.dma_semaphore, #tpu.memory_space<semaphore_mem>>) src(%dma_wait3A_113 : memref<64xf32, #tpu.memory_space<vmem>>) dst(%dma_wait3A_118 : memref<10240xf32, #tpu.memory_space<vmem_shared>>)
          tpu.yield
        }) : () -> ()
        %run_scoped3A_52 = arith.constant 6 : i32
        %run_scoped3A_53 = arith.constant 6 : i32
        "tpu.region"() ({
          %run_scoped3A_104 = tpu.sem_alloc : memref<!tpu.dma_semaphore, #tpu.memory_space<semaphore_mem>>
          %dma_start3A = arith.constant 0 : i32
          %dma_start3A_105 = tpu.memref_slice %arg10[%run_scoped3A_52, %dma_start3A] : memref<32x64xf32, #tpu.memory_space<vmem>> -> memref<1x64xf32, #tpu.memory_space<vmem>>
          %dma_start3A_106 = tpu.memref_squeeze %dma_start3A_105 : memref<1x64xf32, #tpu.memory_space<vmem>> -> memref<64xf32, #tpu.memory_space<vmem>>
          %dma_start3A_107 = arith.constant 0 : i32
          %dma_start3A_108 = tpu.memref_slice %arg9[%run_scoped3A_53, %dma_start3A_107] : memref<32x64xi32, #tpu.memory_space<vmem>> -> memref<1x64xi32, #tpu.memory_space<vmem>>
          %dma_start3A_109 = tpu.memref_squeeze %dma_start3A_108 : memref<1x64xi32, #tpu.memory_space<vmem>> -> memref<64xi32, #tpu.memory_space<vmem>>
          %dma_start3A_110 = arith.constant 0 : i32
          %dma_start3A_111 = tpu.memref_slice %arg11[%dma_start3A_110] : memref<10240xf32, #tpu.memory_space<vmem_shared>> -> memref<10240xf32, #tpu.memory_space<vmem_shared>>
          tpu.enqueue_indirect_dma source(%dma_start3A_106 : memref<64xf32, #tpu.memory_space<vmem>>) target(%dma_start3A_111 : memref<10240xf32, #tpu.memory_space<vmem_shared>>) offsets(%dma_start3A_109 : memref<64xi32, #tpu.memory_space<vmem>>) semaphore(%run_scoped3A_104 : memref<!tpu.dma_semaphore, #tpu.memory_space<semaphore_mem>>) {add = true}
          %dma_wait3A = arith.constant 0 : i32
          %dma_wait3A_112 = tpu.memref_slice %arg10[%run_scoped3A_52, %dma_wait3A] : memref<32x64xf32, #tpu.memory_space<vmem>> -> memref<1x64xf32, #tpu.memory_space<vmem>>
          %dma_wait3A_113 = tpu.memref_squeeze %dma_wait3A_112 : memref<1x64xf32, #tpu.memory_space<vmem>> -> memref<64xf32, #tpu.memory_space<vmem>>
          %dma_wait3A_114 = arith.constant 0 : i32
          %dma_wait3A_115 = tpu.memref_slice %arg9[%run_scoped3A_53, %dma_wait3A_114] : memref<32x64xi32, #tpu.memory_space<vmem>> -> memref<1x64xi32, #tpu.memory_space<vmem>>
          %dma_wait3A_116 = tpu.memref_squeeze %dma_wait3A_115 : memref<1x64xi32, #tpu.memory_space<vmem>> -> memref<64xi32, #tpu.memory_space<vmem>>
          %dma_wait3A_117 = arith.constant 0 : i32
          %dma_wait3A_118 = tpu.memref_slice %arg11[%dma_wait3A_117] : memref<10240xf32, #tpu.memory_space<vmem_shared>> -> memref<10240xf32, #tpu.memory_space<vmem_shared>>
          tpu.wait_indirect_dma semaphore(%run_scoped3A_104 : memref<!tpu.dma_semaphore, #tpu.memory_space<semaphore_mem>>) src(%dma_wait3A_113 : memref<64xf32, #tpu.memory_space<vmem>>) dst(%dma_wait3A_118 : memref<10240xf32, #tpu.memory_space<vmem_shared>>)
          tpu.yield
        }) : () -> ()
        %run_scoped3A_54 = arith.constant 7 : i32
        %run_scoped3A_55 = arith.constant 7 : i32
        "tpu.region"() ({
          %run_scoped3A_104 = tpu.sem_alloc : memref<!tpu.dma_semaphore, #tpu.memory_space<semaphore_mem>>
          %dma_start3A = arith.constant 0 : i32
          %dma_start3A_105 = tpu.memref_slice %arg10[%run_scoped3A_54, %dma_start3A] : memref<32x64xf32, #tpu.memory_space<vmem>> -> memref<1x64xf32, #tpu.memory_space<vmem>>
          %dma_start3A_106 = tpu.memref_squeeze %dma_start3A_105 : memref<1x64xf32, #tpu.memory_space<vmem>> -> memref<64xf32, #tpu.memory_space<vmem>>
          %dma_start3A_107 = arith.constant 0 : i32
          %dma_start3A_108 = tpu.memref_slice %arg9[%run_scoped3A_55, %dma_start3A_107] : memref<32x64xi32, #tpu.memory_space<vmem>> -> memref<1x64xi32, #tpu.memory_space<vmem>>
          %dma_start3A_109 = tpu.memref_squeeze %dma_start3A_108 : memref<1x64xi32, #tpu.memory_space<vmem>> -> memref<64xi32, #tpu.memory_space<vmem>>
          %dma_start3A_110 = arith.constant 0 : i32
          %dma_start3A_111 = tpu.memref_slice %arg11[%dma_start3A_110] : memref<10240xf32, #tpu.memory_space<vmem_shared>> -> memref<10240xf32, #tpu.memory_space<vmem_shared>>
          tpu.enqueue_indirect_dma source(%dma_start3A_106 : memref<64xf32, #tpu.memory_space<vmem>>) target(%dma_start3A_111 : memref<10240xf32, #tpu.memory_space<vmem_shared>>) offsets(%dma_start3A_109 : memref<64xi32, #tpu.memory_space<vmem>>) semaphore(%run_scoped3A_104 : memref<!tpu.dma_semaphore, #tpu.memory_space<semaphore_mem>>) {add = true}
          %dma_wait3A = arith.constant 0 : i32
          %dma_wait3A_112 = tpu.memref_slice %arg10[%run_scoped3A_54, %dma_wait3A] : memref<32x64xf32, #tpu.memory_space<vmem>> -> memref<1x64xf32, #tpu.memory_space<vmem>>
          %dma_wait3A_113 = tpu.memref_squeeze %dma_wait3A_112 : memref<1x64xf32, #tpu.memory_space<vmem>> -> memref<64xf32, #tpu.memory_space<vmem>>
          %dma_wait3A_114 = arith.constant 0 : i32
          %dma_wait3A_115 = tpu.memref_slice %arg9[%run_scoped3A_55, %dma_wait3A_114] : memref<32x64xi32, #tpu.memory_space<vmem>> -> memref<1x64xi32, #tpu.memory_space<vmem>>
          %dma_wait3A_116 = tpu.memref_squeeze %dma_wait3A_115 : memref<1x64xi32, #tpu.memory_space<vmem>> -> memref<64xi32, #tpu.memory_space<vmem>>
          %dma_wait3A_117 = arith.constant 0 : i32
          %dma_wait3A_118 = tpu.memref_slice %arg11[%dma_wait3A_117] : memref<10240xf32, #tpu.memory_space<vmem_shared>> -> memref<10240xf32, #tpu.memory_space<vmem_shared>>
          tpu.wait_indirect_dma semaphore(%run_scoped3A_104 : memref<!tpu.dma_semaphore, #tpu.memory_space<semaphore_mem>>) src(%dma_wait3A_113 : memref<64xf32, #tpu.memory_space<vmem>>) dst(%dma_wait3A_118 : memref<10240xf32, #tpu.memory_space<vmem_shared>>)
          tpu.yield
        }) : () -> ()
        %run_scoped3A_56 = arith.constant 8 : i32
        %run_scoped3A_57 = arith.constant 8 : i32
        "tpu.region"() ({
          %run_scoped3A_104 = tpu.sem_alloc : memref<!tpu.dma_semaphore, #tpu.memory_space<semaphore_mem>>
          %dma_start3A = arith.constant 0 : i32
          %dma_start3A_105 = tpu.memref_slice %arg10[%run_scoped3A_56, %dma_start3A] : memref<32x64xf32, #tpu.memory_space<vmem>> -> memref<1x64xf32, #tpu.memory_space<vmem>>
          %dma_start3A_106 = tpu.memref_squeeze %dma_start3A_105 : memref<1x64xf32, #tpu.memory_space<vmem>> -> memref<64xf32, #tpu.memory_space<vmem>>
          %dma_start3A_107 = arith.constant 0 : i32
          %dma_start3A_108 = tpu.memref_slice %arg9[%run_scoped3A_57, %dma_start3A_107] : memref<32x64xi32, #tpu.memory_space<vmem>> -> memref<1x64xi32, #tpu.memory_space<vmem>>
          %dma_start3A_109 = tpu.memref_squeeze %dma_start3A_108 : memref<1x64xi32, #tpu.memory_space<vmem>> -> memref<64xi32, #tpu.memory_space<vmem>>
          %dma_start3A_110 = arith.constant 0 : i32
          %dma_start3A_111 = tpu.memref_slice %arg11[%dma_start3A_110] : memref<10240xf32, #tpu.memory_space<vmem_shared>> -> memref<10240xf32, #tpu.memory_space<vmem_shared>>
          tpu.enqueue_indirect_dma source(%dma_start3A_106 : memref<64xf32, #tpu.memory_space<vmem>>) target(%dma_start3A_111 : memref<10240xf32, #tpu.memory_space<vmem_shared>>) offsets(%dma_start3A_109 : memref<64xi32, #tpu.memory_space<vmem>>) semaphore(%run_scoped3A_104 : memref<!tpu.dma_semaphore, #tpu.memory_space<semaphore_mem>>) {add = true}
          %dma_wait3A = arith.constant 0 : i32
          %dma_wait3A_112 = tpu.memref_slice %arg10[%run_scoped3A_56, %dma_wait3A] : memref<32x64xf32, #tpu.memory_space<vmem>> -> memref<1x64xf32, #tpu.memory_space<vmem>>
          %dma_wait3A_113 = tpu.memref_squeeze %dma_wait3A_112 : memref<1x64xf32, #tpu.memory_space<vmem>> -> memref<64xf32, #tpu.memory_space<vmem>>
          %dma_wait3A_114 = arith.constant 0 : i32
          %dma_wait3A_115 = tpu.memref_slice %arg9[%run_scoped3A_57, %dma_wait3A_114] : memref<32x64xi32, #tpu.memory_space<vmem>> -> memref<1x64xi32, #tpu.memory_space<vmem>>
          %dma_wait3A_116 = tpu.memref_squeeze %dma_wait3A_115 : memref<1x64xi32, #tpu.memory_space<vmem>> -> memref<64xi32, #tpu.memory_space<vmem>>
          %dma_wait3A_117 = arith.constant 0 : i32
          %dma_wait3A_118 = tpu.memref_slice %arg11[%dma_wait3A_117] : memref<10240xf32, #tpu.memory_space<vmem_shared>> -> memref<10240xf32, #tpu.memory_space<vmem_shared>>
          tpu.wait_indirect_dma semaphore(%run_scoped3A_104 : memref<!tpu.dma_semaphore, #tpu.memory_space<semaphore_mem>>) src(%dma_wait3A_113 : memref<64xf32, #tpu.memory_space<vmem>>) dst(%dma_wait3A_118 : memref<10240xf32, #tpu.memory_space<vmem_shared>>)
          tpu.yield
        }) : () -> ()
        %run_scoped3A_58 = arith.constant 9 : i32
        %run_scoped3A_59 = arith.constant 9 : i32
        "tpu.region"() ({
          %run_scoped3A_104 = tpu.sem_alloc : memref<!tpu.dma_semaphore, #tpu.memory_space<semaphore_mem>>
          %dma_start3A = arith.constant 0 : i32
          %dma_start3A_105 = tpu.memref_slice %arg10[%run_scoped3A_58, %dma_start3A] : memref<32x64xf32, #tpu.memory_space<vmem>> -> memref<1x64xf32, #tpu.memory_space<vmem>>
          %dma_start3A_106 = tpu.memref_squeeze %dma_start3A_105 : memref<1x64xf32, #tpu.memory_space<vmem>> -> memref<64xf32, #tpu.memory_space<vmem>>
          %dma_start3A_107 = arith.constant 0 : i32
          %dma_start3A_108 = tpu.memref_slice %arg9[%run_scoped3A_59, %dma_start3A_107] : memref<32x64xi32, #tpu.memory_space<vmem>> -> memref<1x64xi32, #tpu.memory_space<vmem>>
          %dma_start3A_109 = tpu.memref_squeeze %dma_start3A_108 : memref<1x64xi32, #tpu.memory_space<vmem>> -> memref<64xi32, #tpu.memory_space<vmem>>
          %dma_start3A_110 = arith.constant 0 : i32
          %dma_start3A_111 = tpu.memref_slice %arg11[%dma_start3A_110] : memref<10240xf32, #tpu.memory_space<vmem_shared>> -> memref<10240xf32, #tpu.memory_space<vmem_shared>>
          tpu.enqueue_indirect_dma source(%dma_start3A_106 : memref<64xf32, #tpu.memory_space<vmem>>) target(%dma_start3A_111 : memref<10240xf32, #tpu.memory_space<vmem_shared>>) offsets(%dma_start3A_109 : memref<64xi32, #tpu.memory_space<vmem>>) semaphore(%run_scoped3A_104 : memref<!tpu.dma_semaphore, #tpu.memory_space<semaphore_mem>>) {add = true}
          %dma_wait3A = arith.constant 0 : i32
          %dma_wait3A_112 = tpu.memref_slice %arg10[%run_scoped3A_58, %dma_wait3A] : memref<32x64xf32, #tpu.memory_space<vmem>> -> memref<1x64xf32, #tpu.memory_space<vmem>>
          %dma_wait3A_113 = tpu.memref_squeeze %dma_wait3A_112 : memref<1x64xf32, #tpu.memory_space<vmem>> -> memref<64xf32, #tpu.memory_space<vmem>>
          %dma_wait3A_114 = arith.constant 0 : i32
          %dma_wait3A_115 = tpu.memref_slice %arg9[%run_scoped3A_59, %dma_wait3A_114] : memref<32x64xi32, #tpu.memory_space<vmem>> -> memref<1x64xi32, #tpu.memory_space<vmem>>
          %dma_wait3A_116 = tpu.memref_squeeze %dma_wait3A_115 : memref<1x64xi32, #tpu.memory_space<vmem>> -> memref<64xi32, #tpu.memory_space<vmem>>
          %dma_wait3A_117 = arith.constant 0 : i32
          %dma_wait3A_118 = tpu.memref_slice %arg11[%dma_wait3A_117] : memref<10240xf32, #tpu.memory_space<vmem_shared>> -> memref<10240xf32, #tpu.memory_space<vmem_shared>>
          tpu.wait_indirect_dma semaphore(%run_scoped3A_104 : memref<!tpu.dma_semaphore, #tpu.memory_space<semaphore_mem>>) src(%dma_wait3A_113 : memref<64xf32, #tpu.memory_space<vmem>>) dst(%dma_wait3A_118 : memref<10240xf32, #tpu.memory_space<vmem_shared>>)
          tpu.yield
        }) : () -> ()
        %run_scoped3A_60 = arith.constant 10 : i32
        %run_scoped3A_61 = arith.constant 10 : i32
        "tpu.region"() ({
          %run_scoped3A_104 = tpu.sem_alloc : memref<!tpu.dma_semaphore, #tpu.memory_space<semaphore_mem>>
          %dma_start3A = arith.constant 0 : i32
          %dma_start3A_105 = tpu.memref_slice %arg10[%run_scoped3A_60, %dma_start3A] : memref<32x64xf32, #tpu.memory_space<vmem>> -> memref<1x64xf32, #tpu.memory_space<vmem>>
          %dma_start3A_106 = tpu.memref_squeeze %dma_start3A_105 : memref<1x64xf32, #tpu.memory_space<vmem>> -> memref<64xf32, #tpu.memory_space<vmem>>
          %dma_start3A_107 = arith.constant 0 : i32
          %dma_start3A_108 = tpu.memref_slice %arg9[%run_scoped3A_61, %dma_start3A_107] : memref<32x64xi32, #tpu.memory_space<vmem>> -> memref<1x64xi32, #tpu.memory_space<vmem>>
          %dma_start3A_109 = tpu.memref_squeeze %dma_start3A_108 : memref<1x64xi32, #tpu.memory_space<vmem>> -> memref<64xi32, #tpu.memory_space<vmem>>
          %dma_start3A_110 = arith.constant 0 : i32
          %dma_start3A_111 = tpu.memref_slice %arg11[%dma_start3A_110] : memref<10240xf32, #tpu.memory_space<vmem_shared>> -> memref<10240xf32, #tpu.memory_space<vmem_shared>>
          tpu.enqueue_indirect_dma source(%dma_start3A_106 : memref<64xf32, #tpu.memory_space<vmem>>) target(%dma_start3A_111 : memref<10240xf32, #tpu.memory_space<vmem_shared>>) offsets(%dma_start3A_109 : memref<64xi32, #tpu.memory_space<vmem>>) semaphore(%run_scoped3A_104 : memref<!tpu.dma_semaphore, #tpu.memory_space<semaphore_mem>>) {add = true}
          %dma_wait3A = arith.constant 0 : i32
          %dma_wait3A_112 = tpu.memref_slice %arg10[%run_scoped3A_60, %dma_wait3A] : memref<32x64xf32, #tpu.memory_space<vmem>> -> memref<1x64xf32, #tpu.memory_space<vmem>>
          %dma_wait3A_113 = tpu.memref_squeeze %dma_wait3A_112 : memref<1x64xf32, #tpu.memory_space<vmem>> -> memref<64xf32, #tpu.memory_space<vmem>>
          %dma_wait3A_114 = arith.constant 0 : i32
          %dma_wait3A_115 = tpu.memref_slice %arg9[%run_scoped3A_61, %dma_wait3A_114] : memref<32x64xi32, #tpu.memory_space<vmem>> -> memref<1x64xi32, #tpu.memory_space<vmem>>
          %dma_wait3A_116 = tpu.memref_squeeze %dma_wait3A_115 : memref<1x64xi32, #tpu.memory_space<vmem>> -> memref<64xi32, #tpu.memory_space<vmem>>
          %dma_wait3A_117 = arith.constant 0 : i32
          %dma_wait3A_118 = tpu.memref_slice %arg11[%dma_wait3A_117] : memref<10240xf32, #tpu.memory_space<vmem_shared>> -> memref<10240xf32, #tpu.memory_space<vmem_shared>>
          tpu.wait_indirect_dma semaphore(%run_scoped3A_104 : memref<!tpu.dma_semaphore, #tpu.memory_space<semaphore_mem>>) src(%dma_wait3A_113 : memref<64xf32, #tpu.memory_space<vmem>>) dst(%dma_wait3A_118 : memref<10240xf32, #tpu.memory_space<vmem_shared>>)
          tpu.yield
        }) : () -> ()
        %run_scoped3A_62 = arith.constant 11 : i32
        %run_scoped3A_63 = arith.constant 11 : i32
        "tpu.region"() ({
          %run_scoped3A_104 = tpu.sem_alloc : memref<!tpu.dma_semaphore, #tpu.memory_space<semaphore_mem>>
          %dma_start3A = arith.constant 0 : i32
          %dma_start3A_105 = tpu.memref_slice %arg10[%run_scoped3A_62, %dma_start3A] : memref<32x64xf32, #tpu.memory_space<vmem>> -> memref<1x64xf32, #tpu.memory_space<vmem>>
          %dma_start3A_106 = tpu.memref_squeeze %dma_start3A_105 : memref<1x64xf32, #tpu.memory_space<vmem>> -> memref<64xf32, #tpu.memory_space<vmem>>
          %dma_start3A_107 = arith.constant 0 : i32
          %dma_start3A_108 = tpu.memref_slice %arg9[%run_scoped3A_63, %dma_start3A_107] : memref<32x64xi32, #tpu.memory_space<vmem>> -> memref<1x64xi32, #tpu.memory_space<vmem>>
          %dma_start3A_109 = tpu.memref_squeeze %dma_start3A_108 : memref<1x64xi32, #tpu.memory_space<vmem>> -> memref<64xi32, #tpu.memory_space<vmem>>
          %dma_start3A_110 = arith.constant 0 : i32
          %dma_start3A_111 = tpu.memref_slice %arg11[%dma_start3A_110] : memref<10240xf32, #tpu.memory_space<vmem_shared>> -> memref<10240xf32, #tpu.memory_space<vmem_shared>>
          tpu.enqueue_indirect_dma source(%dma_start3A_106 : memref<64xf32, #tpu.memory_space<vmem>>) target(%dma_start3A_111 : memref<10240xf32, #tpu.memory_space<vmem_shared>>) offsets(%dma_start3A_109 : memref<64xi32, #tpu.memory_space<vmem>>) semaphore(%run_scoped3A_104 : memref<!tpu.dma_semaphore, #tpu.memory_space<semaphore_mem>>) {add = true}
          %dma_wait3A = arith.constant 0 : i32
          %dma_wait3A_112 = tpu.memref_slice %arg10[%run_scoped3A_62, %dma_wait3A] : memref<32x64xf32, #tpu.memory_space<vmem>> -> memref<1x64xf32, #tpu.memory_space<vmem>>
          %dma_wait3A_113 = tpu.memref_squeeze %dma_wait3A_112 : memref<1x64xf32, #tpu.memory_space<vmem>> -> memref<64xf32, #tpu.memory_space<vmem>>
          %dma_wait3A_114 = arith.constant 0 : i32
          %dma_wait3A_115 = tpu.memref_slice %arg9[%run_scoped3A_63, %dma_wait3A_114] : memref<32x64xi32, #tpu.memory_space<vmem>> -> memref<1x64xi32, #tpu.memory_space<vmem>>
          %dma_wait3A_116 = tpu.memref_squeeze %dma_wait3A_115 : memref<1x64xi32, #tpu.memory_space<vmem>> -> memref<64xi32, #tpu.memory_space<vmem>>
          %dma_wait3A_117 = arith.constant 0 : i32
          %dma_wait3A_118 = tpu.memref_slice %arg11[%dma_wait3A_117] : memref<10240xf32, #tpu.memory_space<vmem_shared>> -> memref<10240xf32, #tpu.memory_space<vmem_shared>>
          tpu.wait_indirect_dma semaphore(%run_scoped3A_104 : memref<!tpu.dma_semaphore, #tpu.memory_space<semaphore_mem>>) src(%dma_wait3A_113 : memref<64xf32, #tpu.memory_space<vmem>>) dst(%dma_wait3A_118 : memref<10240xf32, #tpu.memory_space<vmem_shared>>)
          tpu.yield
        }) : () -> ()
        %run_scoped3A_64 = arith.constant 12 : i32
        %run_scoped3A_65 = arith.constant 12 : i32
        "tpu.region"() ({
          %run_scoped3A_104 = tpu.sem_alloc : memref<!tpu.dma_semaphore, #tpu.memory_space<semaphore_mem>>
          %dma_start3A = arith.constant 0 : i32
          %dma_start3A_105 = tpu.memref_slice %arg10[%run_scoped3A_64, %dma_start3A] : memref<32x64xf32, #tpu.memory_space<vmem>> -> memref<1x64xf32, #tpu.memory_space<vmem>>
          %dma_start3A_106 = tpu.memref_squeeze %dma_start3A_105 : memref<1x64xf32, #tpu.memory_space<vmem>> -> memref<64xf32, #tpu.memory_space<vmem>>
          %dma_start3A_107 = arith.constant 0 : i32
          %dma_start3A_108 = tpu.memref_slice %arg9[%run_scoped3A_65, %dma_start3A_107] : memref<32x64xi32, #tpu.memory_space<vmem>> -> memref<1x64xi32, #tpu.memory_space<vmem>>
          %dma_start3A_109 = tpu.memref_squeeze %dma_start3A_108 : memref<1x64xi32, #tpu.memory_space<vmem>> -> memref<64xi32, #tpu.memory_space<vmem>>
          %dma_start3A_110 = arith.constant 0 : i32
          %dma_start3A_111 = tpu.memref_slice %arg11[%dma_start3A_110] : memref<10240xf32, #tpu.memory_space<vmem_shared>> -> memref<10240xf32, #tpu.memory_space<vmem_shared>>
          tpu.enqueue_indirect_dma source(%dma_start3A_106 : memref<64xf32, #tpu.memory_space<vmem>>) target(%dma_start3A_111 : memref<10240xf32, #tpu.memory_space<vmem_shared>>) offsets(%dma_start3A_109 : memref<64xi32, #tpu.memory_space<vmem>>) semaphore(%run_scoped3A_104 : memref<!tpu.dma_semaphore, #tpu.memory_space<semaphore_mem>>) {add = true}
          %dma_wait3A = arith.constant 0 : i32
          %dma_wait3A_112 = tpu.memref_slice %arg10[%run_scoped3A_64, %dma_wait3A] : memref<32x64xf32, #tpu.memory_space<vmem>> -> memref<1x64xf32, #tpu.memory_space<vmem>>
          %dma_wait3A_113 = tpu.memref_squeeze %dma_wait3A_112 : memref<1x64xf32, #tpu.memory_space<vmem>> -> memref<64xf32, #tpu.memory_space<vmem>>
          %dma_wait3A_114 = arith.constant 0 : i32
          %dma_wait3A_115 = tpu.memref_slice %arg9[%run_scoped3A_65, %dma_wait3A_114] : memref<32x64xi32, #tpu.memory_space<vmem>> -> memref<1x64xi32, #tpu.memory_space<vmem>>
          %dma_wait3A_116 = tpu.memref_squeeze %dma_wait3A_115 : memref<1x64xi32, #tpu.memory_space<vmem>> -> memref<64xi32, #tpu.memory_space<vmem>>
          %dma_wait3A_117 = arith.constant 0 : i32
          %dma_wait3A_118 = tpu.memref_slice %arg11[%dma_wait3A_117] : memref<10240xf32, #tpu.memory_space<vmem_shared>> -> memref<10240xf32, #tpu.memory_space<vmem_shared>>
          tpu.wait_indirect_dma semaphore(%run_scoped3A_104 : memref<!tpu.dma_semaphore, #tpu.memory_space<semaphore_mem>>) src(%dma_wait3A_113 : memref<64xf32, #tpu.memory_space<vmem>>) dst(%dma_wait3A_118 : memref<10240xf32, #tpu.memory_space<vmem_shared>>)
          tpu.yield
        }) : () -> ()
        %run_scoped3A_66 = arith.constant 13 : i32
        %run_scoped3A_67 = arith.constant 13 : i32
        "tpu.region"() ({
          %run_scoped3A_104 = tpu.sem_alloc : memref<!tpu.dma_semaphore, #tpu.memory_space<semaphore_mem>>
          %dma_start3A = arith.constant 0 : i32
          %dma_start3A_105 = tpu.memref_slice %arg10[%run_scoped3A_66, %dma_start3A] : memref<32x64xf32, #tpu.memory_space<vmem>> -> memref<1x64xf32, #tpu.memory_space<vmem>>
          %dma_start3A_106 = tpu.memref_squeeze %dma_start3A_105 : memref<1x64xf32, #tpu.memory_space<vmem>> -> memref<64xf32, #tpu.memory_space<vmem>>
          %dma_start3A_107 = arith.constant 0 : i32
          %dma_start3A_108 = tpu.memref_slice %arg9[%run_scoped3A_67, %dma_start3A_107] : memref<32x64xi32, #tpu.memory_space<vmem>> -> memref<1x64xi32, #tpu.memory_space<vmem>>
          %dma_start3A_109 = tpu.memref_squeeze %dma_start3A_108 : memref<1x64xi32, #tpu.memory_space<vmem>> -> memref<64xi32, #tpu.memory_space<vmem>>
          %dma_start3A_110 = arith.constant 0 : i32
          %dma_start3A_111 = tpu.memref_slice %arg11[%dma_start3A_110] : memref<10240xf32, #tpu.memory_space<vmem_shared>> -> memref<10240xf32, #tpu.memory_space<vmem_shared>>
          tpu.enqueue_indirect_dma source(%dma_start3A_106 : memref<64xf32, #tpu.memory_space<vmem>>) target(%dma_start3A_111 : memref<10240xf32, #tpu.memory_space<vmem_shared>>) offsets(%dma_start3A_109 : memref<64xi32, #tpu.memory_space<vmem>>) semaphore(%run_scoped3A_104 : memref<!tpu.dma_semaphore, #tpu.memory_space<semaphore_mem>>) {add = true}
          %dma_wait3A = arith.constant 0 : i32
          %dma_wait3A_112 = tpu.memref_slice %arg10[%run_scoped3A_66, %dma_wait3A] : memref<32x64xf32, #tpu.memory_space<vmem>> -> memref<1x64xf32, #tpu.memory_space<vmem>>
          %dma_wait3A_113 = tpu.memref_squeeze %dma_wait3A_112 : memref<1x64xf32, #tpu.memory_space<vmem>> -> memref<64xf32, #tpu.memory_space<vmem>>
          %dma_wait3A_114 = arith.constant 0 : i32
          %dma_wait3A_115 = tpu.memref_slice %arg9[%run_scoped3A_67, %dma_wait3A_114] : memref<32x64xi32, #tpu.memory_space<vmem>> -> memref<1x64xi32, #tpu.memory_space<vmem>>
          %dma_wait3A_116 = tpu.memref_squeeze %dma_wait3A_115 : memref<1x64xi32, #tpu.memory_space<vmem>> -> memref<64xi32, #tpu.memory_space<vmem>>
          %dma_wait3A_117 = arith.constant 0 : i32
          %dma_wait3A_118 = tpu.memref_slice %arg11[%dma_wait3A_117] : memref<10240xf32, #tpu.memory_space<vmem_shared>> -> memref<10240xf32, #tpu.memory_space<vmem_shared>>
          tpu.wait_indirect_dma semaphore(%run_scoped3A_104 : memref<!tpu.dma_semaphore, #tpu.memory_space<semaphore_mem>>) src(%dma_wait3A_113 : memref<64xf32, #tpu.memory_space<vmem>>) dst(%dma_wait3A_118 : memref<10240xf32, #tpu.memory_space<vmem_shared>>)
          tpu.yield
        }) : () -> ()
        %run_scoped3A_68 = arith.constant 14 : i32
        %run_scoped3A_69 = arith.constant 14 : i32
        "tpu.region"() ({
          %run_scoped3A_104 = tpu.sem_alloc : memref<!tpu.dma_semaphore, #tpu.memory_space<semaphore_mem>>
          %dma_start3A = arith.constant 0 : i32
          %dma_start3A_105 = tpu.memref_slice %arg10[%run_scoped3A_68, %dma_start3A] : memref<32x64xf32, #tpu.memory_space<vmem>> -> memref<1x64xf32, #tpu.memory_space<vmem>>
          %dma_start3A_106 = tpu.memref_squeeze %dma_start3A_105 : memref<1x64xf32, #tpu.memory_space<vmem>> -> memref<64xf32, #tpu.memory_space<vmem>>
          %dma_start3A_107 = arith.constant 0 : i32
          %dma_start3A_108 = tpu.memref_slice %arg9[%run_scoped3A_69, %dma_start3A_107] : memref<32x64xi32, #tpu.memory_space<vmem>> -> memref<1x64xi32, #tpu.memory_space<vmem>>
          %dma_start3A_109 = tpu.memref_squeeze %dma_start3A_108 : memref<1x64xi32, #tpu.memory_space<vmem>> -> memref<64xi32, #tpu.memory_space<vmem>>
          %dma_start3A_110 = arith.constant 0 : i32
          %dma_start3A_111 = tpu.memref_slice %arg11[%dma_start3A_110] : memref<10240xf32, #tpu.memory_space<vmem_shared>> -> memref<10240xf32, #tpu.memory_space<vmem_shared>>
          tpu.enqueue_indirect_dma source(%dma_start3A_106 : memref<64xf32, #tpu.memory_space<vmem>>) target(%dma_start3A_111 : memref<10240xf32, #tpu.memory_space<vmem_shared>>) offsets(%dma_start3A_109 : memref<64xi32, #tpu.memory_space<vmem>>) semaphore(%run_scoped3A_104 : memref<!tpu.dma_semaphore, #tpu.memory_space<semaphore_mem>>) {add = true}
          %dma_wait3A = arith.constant 0 : i32
          %dma_wait3A_112 = tpu.memref_slice %arg10[%run_scoped3A_68, %dma_wait3A] : memref<32x64xf32, #tpu.memory_space<vmem>> -> memref<1x64xf32, #tpu.memory_space<vmem>>
          %dma_wait3A_113 = tpu.memref_squeeze %dma_wait3A_112 : memref<1x64xf32, #tpu.memory_space<vmem>> -> memref<64xf32, #tpu.memory_space<vmem>>
          %dma_wait3A_114 = arith.constant 0 : i32
          %dma_wait3A_115 = tpu.memref_slice %arg9[%run_scoped3A_69, %dma_wait3A_114] : memref<32x64xi32, #tpu.memory_space<vmem>> -> memref<1x64xi32, #tpu.memory_space<vmem>>
          %dma_wait3A_116 = tpu.memref_squeeze %dma_wait3A_115 : memref<1x64xi32, #tpu.memory_space<vmem>> -> memref<64xi32, #tpu.memory_space<vmem>>
          %dma_wait3A_117 = arith.constant 0 : i32
          %dma_wait3A_118 = tpu.memref_slice %arg11[%dma_wait3A_117] : memref<10240xf32, #tpu.memory_space<vmem_shared>> -> memref<10240xf32, #tpu.memory_space<vmem_shared>>
          tpu.wait_indirect_dma semaphore(%run_scoped3A_104 : memref<!tpu.dma_semaphore, #tpu.memory_space<semaphore_mem>>) src(%dma_wait3A_113 : memref<64xf32, #tpu.memory_space<vmem>>) dst(%dma_wait3A_118 : memref<10240xf32, #tpu.memory_space<vmem_shared>>)
          tpu.yield
        }) : () -> ()
        %run_scoped3A_70 = arith.constant 15 : i32
        %run_scoped3A_71 = arith.constant 15 : i32
        "tpu.region"() ({
          %run_scoped3A_104 = tpu.sem_alloc : memref<!tpu.dma_semaphore, #tpu.memory_space<semaphore_mem>>
          %dma_start3A = arith.constant 0 : i32
          %dma_start3A_105 = tpu.memref_slice %arg10[%run_scoped3A_70, %dma_start3A] : memref<32x64xf32, #tpu.memory_space<vmem>> -> memref<1x64xf32, #tpu.memory_space<vmem>>
          %dma_start3A_106 = tpu.memref_squeeze %dma_start3A_105 : memref<1x64xf32, #tpu.memory_space<vmem>> -> memref<64xf32, #tpu.memory_space<vmem>>
          %dma_start3A_107 = arith.constant 0 : i32
          %dma_start3A_108 = tpu.memref_slice %arg9[%run_scoped3A_71, %dma_start3A_107] : memref<32x64xi32, #tpu.memory_space<vmem>> -> memref<1x64xi32, #tpu.memory_space<vmem>>
          %dma_start3A_109 = tpu.memref_squeeze %dma_start3A_108 : memref<1x64xi32, #tpu.memory_space<vmem>> -> memref<64xi32, #tpu.memory_space<vmem>>
          %dma_start3A_110 = arith.constant 0 : i32
          %dma_start3A_111 = tpu.memref_slice %arg11[%dma_start3A_110] : memref<10240xf32, #tpu.memory_space<vmem_shared>> -> memref<10240xf32, #tpu.memory_space<vmem_shared>>
          tpu.enqueue_indirect_dma source(%dma_start3A_106 : memref<64xf32, #tpu.memory_space<vmem>>) target(%dma_start3A_111 : memref<10240xf32, #tpu.memory_space<vmem_shared>>) offsets(%dma_start3A_109 : memref<64xi32, #tpu.memory_space<vmem>>) semaphore(%run_scoped3A_104 : memref<!tpu.dma_semaphore, #tpu.memory_space<semaphore_mem>>) {add = true}
          %dma_wait3A = arith.constant 0 : i32
          %dma_wait3A_112 = tpu.memref_slice %arg10[%run_scoped3A_70, %dma_wait3A] : memref<32x64xf32, #tpu.memory_space<vmem>> -> memref<1x64xf32, #tpu.memory_space<vmem>>
          %dma_wait3A_113 = tpu.memref_squeeze %dma_wait3A_112 : memref<1x64xf32, #tpu.memory_space<vmem>> -> memref<64xf32, #tpu.memory_space<vmem>>
          %dma_wait3A_114 = arith.constant 0 : i32
          %dma_wait3A_115 = tpu.memref_slice %arg9[%run_scoped3A_71, %dma_wait3A_114] : memref<32x64xi32, #tpu.memory_space<vmem>> -> memref<1x64xi32, #tpu.memory_space<vmem>>
          %dma_wait3A_116 = tpu.memref_squeeze %dma_wait3A_115 : memref<1x64xi32, #tpu.memory_space<vmem>> -> memref<64xi32, #tpu.memory_space<vmem>>
          %dma_wait3A_117 = arith.constant 0 : i32
          %dma_wait3A_118 = tpu.memref_slice %arg11[%dma_wait3A_117] : memref<10240xf32, #tpu.memory_space<vmem_shared>> -> memref<10240xf32, #tpu.memory_space<vmem_shared>>
          tpu.wait_indirect_dma semaphore(%run_scoped3A_104 : memref<!tpu.dma_semaphore, #tpu.memory_space<semaphore_mem>>) src(%dma_wait3A_113 : memref<64xf32, #tpu.memory_space<vmem>>) dst(%dma_wait3A_118 : memref<10240xf32, #tpu.memory_space<vmem_shared>>)
          tpu.yield
        }) : () -> ()
        %run_scoped3A_72 = arith.constant 16 : i32
        %run_scoped3A_73 = arith.constant 16 : i32
        "tpu.region"() ({
          %run_scoped3A_104 = tpu.sem_alloc : memref<!tpu.dma_semaphore, #tpu.memory_space<semaphore_mem>>
          %dma_start3A = arith.constant 0 : i32
          %dma_start3A_105 = tpu.memref_slice %arg10[%run_scoped3A_72, %dma_start3A] : memref<32x64xf32, #tpu.memory_space<vmem>> -> memref<1x64xf32, #tpu.memory_space<vmem>>
          %dma_start3A_106 = tpu.memref_squeeze %dma_start3A_105 : memref<1x64xf32, #tpu.memory_space<vmem>> -> memref<64xf32, #tpu.memory_space<vmem>>
          %dma_start3A_107 = arith.constant 0 : i32
          %dma_start3A_108 = tpu.memref_slice %arg9[%run_scoped3A_73, %dma_start3A_107] : memref<32x64xi32, #tpu.memory_space<vmem>> -> memref<1x64xi32, #tpu.memory_space<vmem>>
          %dma_start3A_109 = tpu.memref_squeeze %dma_start3A_108 : memref<1x64xi32, #tpu.memory_space<vmem>> -> memref<64xi32, #tpu.memory_space<vmem>>
          %dma_start3A_110 = arith.constant 0 : i32
          %dma_start3A_111 = tpu.memref_slice %arg11[%dma_start3A_110] : memref<10240xf32, #tpu.memory_space<vmem_shared>> -> memref<10240xf32, #tpu.memory_space<vmem_shared>>
          tpu.enqueue_indirect_dma source(%dma_start3A_106 : memref<64xf32, #tpu.memory_space<vmem>>) target(%dma_start3A_111 : memref<10240xf32, #tpu.memory_space<vmem_shared>>) offsets(%dma_start3A_109 : memref<64xi32, #tpu.memory_space<vmem>>) semaphore(%run_scoped3A_104 : memref<!tpu.dma_semaphore, #tpu.memory_space<semaphore_mem>>) {add = true}
          %dma_wait3A = arith.constant 0 : i32
          %dma_wait3A_112 = tpu.memref_slice %arg10[%run_scoped3A_72, %dma_wait3A] : memref<32x64xf32, #tpu.memory_space<vmem>> -> memref<1x64xf32, #tpu.memory_space<vmem>>
          %dma_wait3A_113 = tpu.memref_squeeze %dma_wait3A_112 : memref<1x64xf32, #tpu.memory_space<vmem>> -> memref<64xf32, #tpu.memory_space<vmem>>
          %dma_wait3A_114 = arith.constant 0 : i32
          %dma_wait3A_115 = tpu.memref_slice %arg9[%run_scoped3A_73, %dma_wait3A_114] : memref<32x64xi32, #tpu.memory_space<vmem>> -> memref<1x64xi32, #tpu.memory_space<vmem>>
          %dma_wait3A_116 = tpu.memref_squeeze %dma_wait3A_115 : memref<1x64xi32, #tpu.memory_space<vmem>> -> memref<64xi32, #tpu.memory_space<vmem>>
          %dma_wait3A_117 = arith.constant 0 : i32
          %dma_wait3A_118 = tpu.memref_slice %arg11[%dma_wait3A_117] : memref<10240xf32, #tpu.memory_space<vmem_shared>> -> memref<10240xf32, #tpu.memory_space<vmem_shared>>
          tpu.wait_indirect_dma semaphore(%run_scoped3A_104 : memref<!tpu.dma_semaphore, #tpu.memory_space<semaphore_mem>>) src(%dma_wait3A_113 : memref<64xf32, #tpu.memory_space<vmem>>) dst(%dma_wait3A_118 : memref<10240xf32, #tpu.memory_space<vmem_shared>>)
          tpu.yield
        }) : () -> ()
        %run_scoped3A_74 = arith.constant 17 : i32
        %run_scoped3A_75 = arith.constant 17 : i32
        "tpu.region"() ({
          %run_scoped3A_104 = tpu.sem_alloc : memref<!tpu.dma_semaphore, #tpu.memory_space<semaphore_mem>>
          %dma_start3A = arith.constant 0 : i32
          %dma_start3A_105 = tpu.memref_slice %arg10[%run_scoped3A_74, %dma_start3A] : memref<32x64xf32, #tpu.memory_space<vmem>> -> memref<1x64xf32, #tpu.memory_space<vmem>>
          %dma_start3A_106 = tpu.memref_squeeze %dma_start3A_105 : memref<1x64xf32, #tpu.memory_space<vmem>> -> memref<64xf32, #tpu.memory_space<vmem>>
          %dma_start3A_107 = arith.constant 0 : i32
          %dma_start3A_108 = tpu.memref_slice %arg9[%run_scoped3A_75, %dma_start3A_107] : memref<32x64xi32, #tpu.memory_space<vmem>> -> memref<1x64xi32, #tpu.memory_space<vmem>>
          %dma_start3A_109 = tpu.memref_squeeze %dma_start3A_108 : memref<1x64xi32, #tpu.memory_space<vmem>> -> memref<64xi32, #tpu.memory_space<vmem>>
          %dma_start3A_110 = arith.constant 0 : i32
          %dma_start3A_111 = tpu.memref_slice %arg11[%dma_start3A_110] : memref<10240xf32, #tpu.memory_space<vmem_shared>> -> memref<10240xf32, #tpu.memory_space<vmem_shared>>
          tpu.enqueue_indirect_dma source(%dma_start3A_106 : memref<64xf32, #tpu.memory_space<vmem>>) target(%dma_start3A_111 : memref<10240xf32, #tpu.memory_space<vmem_shared>>) offsets(%dma_start3A_109 : memref<64xi32, #tpu.memory_space<vmem>>) semaphore(%run_scoped3A_104 : memref<!tpu.dma_semaphore, #tpu.memory_space<semaphore_mem>>) {add = true}
          %dma_wait3A = arith.constant 0 : i32
          %dma_wait3A_112 = tpu.memref_slice %arg10[%run_scoped3A_74, %dma_wait3A] : memref<32x64xf32, #tpu.memory_space<vmem>> -> memref<1x64xf32, #tpu.memory_space<vmem>>
          %dma_wait3A_113 = tpu.memref_squeeze %dma_wait3A_112 : memref<1x64xf32, #tpu.memory_space<vmem>> -> memref<64xf32, #tpu.memory_space<vmem>>
          %dma_wait3A_114 = arith.constant 0 : i32
          %dma_wait3A_115 = tpu.memref_slice %arg9[%run_scoped3A_75, %dma_wait3A_114] : memref<32x64xi32, #tpu.memory_space<vmem>> -> memref<1x64xi32, #tpu.memory_space<vmem>>
          %dma_wait3A_116 = tpu.memref_squeeze %dma_wait3A_115 : memref<1x64xi32, #tpu.memory_space<vmem>> -> memref<64xi32, #tpu.memory_space<vmem>>
          %dma_wait3A_117 = arith.constant 0 : i32
          %dma_wait3A_118 = tpu.memref_slice %arg11[%dma_wait3A_117] : memref<10240xf32, #tpu.memory_space<vmem_shared>> -> memref<10240xf32, #tpu.memory_space<vmem_shared>>
          tpu.wait_indirect_dma semaphore(%run_scoped3A_104 : memref<!tpu.dma_semaphore, #tpu.memory_space<semaphore_mem>>) src(%dma_wait3A_113 : memref<64xf32, #tpu.memory_space<vmem>>) dst(%dma_wait3A_118 : memref<10240xf32, #tpu.memory_space<vmem_shared>>)
          tpu.yield
        }) : () -> ()
        %run_scoped3A_76 = arith.constant 18 : i32
        %run_scoped3A_77 = arith.constant 18 : i32
        "tpu.region"() ({
          %run_scoped3A_104 = tpu.sem_alloc : memref<!tpu.dma_semaphore, #tpu.memory_space<semaphore_mem>>
          %dma_start3A = arith.constant 0 : i32
          %dma_start3A_105 = tpu.memref_slice %arg10[%run_scoped3A_76, %dma_start3A] : memref<32x64xf32, #tpu.memory_space<vmem>> -> memref<1x64xf32, #tpu.memory_space<vmem>>
          %dma_start3A_106 = tpu.memref_squeeze %dma_start3A_105 : memref<1x64xf32, #tpu.memory_space<vmem>> -> memref<64xf32, #tpu.memory_space<vmem>>
          %dma_start3A_107 = arith.constant 0 : i32
          %dma_start3A_108 = tpu.memref_slice %arg9[%run_scoped3A_77, %dma_start3A_107] : memref<32x64xi32, #tpu.memory_space<vmem>> -> memref<1x64xi32, #tpu.memory_space<vmem>>
          %dma_start3A_109 = tpu.memref_squeeze %dma_start3A_108 : memref<1x64xi32, #tpu.memory_space<vmem>> -> memref<64xi32, #tpu.memory_space<vmem>>
          %dma_start3A_110 = arith.constant 0 : i32
          %dma_start3A_111 = tpu.memref_slice %arg11[%dma_start3A_110] : memref<10240xf32, #tpu.memory_space<vmem_shared>> -> memref<10240xf32, #tpu.memory_space<vmem_shared>>
          tpu.enqueue_indirect_dma source(%dma_start3A_106 : memref<64xf32, #tpu.memory_space<vmem>>) target(%dma_start3A_111 : memref<10240xf32, #tpu.memory_space<vmem_shared>>) offsets(%dma_start3A_109 : memref<64xi32, #tpu.memory_space<vmem>>) semaphore(%run_scoped3A_104 : memref<!tpu.dma_semaphore, #tpu.memory_space<semaphore_mem>>) {add = true}
          %dma_wait3A = arith.constant 0 : i32
          %dma_wait3A_112 = tpu.memref_slice %arg10[%run_scoped3A_76, %dma_wait3A] : memref<32x64xf32, #tpu.memory_space<vmem>> -> memref<1x64xf32, #tpu.memory_space<vmem>>
          %dma_wait3A_113 = tpu.memref_squeeze %dma_wait3A_112 : memref<1x64xf32, #tpu.memory_space<vmem>> -> memref<64xf32, #tpu.memory_space<vmem>>
          %dma_wait3A_114 = arith.constant 0 : i32
          %dma_wait3A_115 = tpu.memref_slice %arg9[%run_scoped3A_77, %dma_wait3A_114] : memref<32x64xi32, #tpu.memory_space<vmem>> -> memref<1x64xi32, #tpu.memory_space<vmem>>
          %dma_wait3A_116 = tpu.memref_squeeze %dma_wait3A_115 : memref<1x64xi32, #tpu.memory_space<vmem>> -> memref<64xi32, #tpu.memory_space<vmem>>
          %dma_wait3A_117 = arith.constant 0 : i32
          %dma_wait3A_118 = tpu.memref_slice %arg11[%dma_wait3A_117] : memref<10240xf32, #tpu.memory_space<vmem_shared>> -> memref<10240xf32, #tpu.memory_space<vmem_shared>>
          tpu.wait_indirect_dma semaphore(%run_scoped3A_104 : memref<!tpu.dma_semaphore, #tpu.memory_space<semaphore_mem>>) src(%dma_wait3A_113 : memref<64xf32, #tpu.memory_space<vmem>>) dst(%dma_wait3A_118 : memref<10240xf32, #tpu.memory_space<vmem_shared>>)
          tpu.yield
        }) : () -> ()
        %run_scoped3A_78 = arith.constant 19 : i32
        %run_scoped3A_79 = arith.constant 19 : i32
        "tpu.region"() ({
          %run_scoped3A_104 = tpu.sem_alloc : memref<!tpu.dma_semaphore, #tpu.memory_space<semaphore_mem>>
          %dma_start3A = arith.constant 0 : i32
          %dma_start3A_105 = tpu.memref_slice %arg10[%run_scoped3A_78, %dma_start3A] : memref<32x64xf32, #tpu.memory_space<vmem>> -> memref<1x64xf32, #tpu.memory_space<vmem>>
          %dma_start3A_106 = tpu.memref_squeeze %dma_start3A_105 : memref<1x64xf32, #tpu.memory_space<vmem>> -> memref<64xf32, #tpu.memory_space<vmem>>
          %dma_start3A_107 = arith.constant 0 : i32
          %dma_start3A_108 = tpu.memref_slice %arg9[%run_scoped3A_79, %dma_start3A_107] : memref<32x64xi32, #tpu.memory_space<vmem>> -> memref<1x64xi32, #tpu.memory_space<vmem>>
          %dma_start3A_109 = tpu.memref_squeeze %dma_start3A_108 : memref<1x64xi32, #tpu.memory_space<vmem>> -> memref<64xi32, #tpu.memory_space<vmem>>
          %dma_start3A_110 = arith.constant 0 : i32
          %dma_start3A_111 = tpu.memref_slice %arg11[%dma_start3A_110] : memref<10240xf32, #tpu.memory_space<vmem_shared>> -> memref<10240xf32, #tpu.memory_space<vmem_shared>>
          tpu.enqueue_indirect_dma source(%dma_start3A_106 : memref<64xf32, #tpu.memory_space<vmem>>) target(%dma_start3A_111 : memref<10240xf32, #tpu.memory_space<vmem_shared>>) offsets(%dma_start3A_109 : memref<64xi32, #tpu.memory_space<vmem>>) semaphore(%run_scoped3A_104 : memref<!tpu.dma_semaphore, #tpu.memory_space<semaphore_mem>>) {add = true}
          %dma_wait3A = arith.constant 0 : i32
          %dma_wait3A_112 = tpu.memref_slice %arg10[%run_scoped3A_78, %dma_wait3A] : memref<32x64xf32, #tpu.memory_space<vmem>> -> memref<1x64xf32, #tpu.memory_space<vmem>>
          %dma_wait3A_113 = tpu.memref_squeeze %dma_wait3A_112 : memref<1x64xf32, #tpu.memory_space<vmem>> -> memref<64xf32, #tpu.memory_space<vmem>>
          %dma_wait3A_114 = arith.constant 0 : i32
          %dma_wait3A_115 = tpu.memref_slice %arg9[%run_scoped3A_79, %dma_wait3A_114] : memref<32x64xi32, #tpu.memory_space<vmem>> -> memref<1x64xi32, #tpu.memory_space<vmem>>
          %dma_wait3A_116 = tpu.memref_squeeze %dma_wait3A_115 : memref<1x64xi32, #tpu.memory_space<vmem>> -> memref<64xi32, #tpu.memory_space<vmem>>
          %dma_wait3A_117 = arith.constant 0 : i32
          %dma_wait3A_118 = tpu.memref_slice %arg11[%dma_wait3A_117] : memref<10240xf32, #tpu.memory_space<vmem_shared>> -> memref<10240xf32, #tpu.memory_space<vmem_shared>>
          tpu.wait_indirect_dma semaphore(%run_scoped3A_104 : memref<!tpu.dma_semaphore, #tpu.memory_space<semaphore_mem>>) src(%dma_wait3A_113 : memref<64xf32, #tpu.memory_space<vmem>>) dst(%dma_wait3A_118 : memref<10240xf32, #tpu.memory_space<vmem_shared>>)
          tpu.yield
        }) : () -> ()
        %run_scoped3A_80 = arith.constant 20 : i32
        %run_scoped3A_81 = arith.constant 20 : i32
        "tpu.region"() ({
          %run_scoped3A_104 = tpu.sem_alloc : memref<!tpu.dma_semaphore, #tpu.memory_space<semaphore_mem>>
          %dma_start3A = arith.constant 0 : i32
          %dma_start3A_105 = tpu.memref_slice %arg10[%run_scoped3A_80, %dma_start3A] : memref<32x64xf32, #tpu.memory_space<vmem>> -> memref<1x64xf32, #tpu.memory_space<vmem>>
          %dma_start3A_106 = tpu.memref_squeeze %dma_start3A_105 : memref<1x64xf32, #tpu.memory_space<vmem>> -> memref<64xf32, #tpu.memory_space<vmem>>
          %dma_start3A_107 = arith.constant 0 : i32
          %dma_start3A_108 = tpu.memref_slice %arg9[%run_scoped3A_81, %dma_start3A_107] : memref<32x64xi32, #tpu.memory_space<vmem>> -> memref<1x64xi32, #tpu.memory_space<vmem>>
          %dma_start3A_109 = tpu.memref_squeeze %dma_start3A_108 : memref<1x64xi32, #tpu.memory_space<vmem>> -> memref<64xi32, #tpu.memory_space<vmem>>
          %dma_start3A_110 = arith.constant 0 : i32
          %dma_start3A_111 = tpu.memref_slice %arg11[%dma_start3A_110] : memref<10240xf32, #tpu.memory_space<vmem_shared>> -> memref<10240xf32, #tpu.memory_space<vmem_shared>>
          tpu.enqueue_indirect_dma source(%dma_start3A_106 : memref<64xf32, #tpu.memory_space<vmem>>) target(%dma_start3A_111 : memref<10240xf32, #tpu.memory_space<vmem_shared>>) offsets(%dma_start3A_109 : memref<64xi32, #tpu.memory_space<vmem>>) semaphore(%run_scoped3A_104 : memref<!tpu.dma_semaphore, #tpu.memory_space<semaphore_mem>>) {add = true}
          %dma_wait3A = arith.constant 0 : i32
          %dma_wait3A_112 = tpu.memref_slice %arg10[%run_scoped3A_80, %dma_wait3A] : memref<32x64xf32, #tpu.memory_space<vmem>> -> memref<1x64xf32, #tpu.memory_space<vmem>>
          %dma_wait3A_113 = tpu.memref_squeeze %dma_wait3A_112 : memref<1x64xf32, #tpu.memory_space<vmem>> -> memref<64xf32, #tpu.memory_space<vmem>>
          %dma_wait3A_114 = arith.constant 0 : i32
          %dma_wait3A_115 = tpu.memref_slice %arg9[%run_scoped3A_81, %dma_wait3A_114] : memref<32x64xi32, #tpu.memory_space<vmem>> -> memref<1x64xi32, #tpu.memory_space<vmem>>
          %dma_wait3A_116 = tpu.memref_squeeze %dma_wait3A_115 : memref<1x64xi32, #tpu.memory_space<vmem>> -> memref<64xi32, #tpu.memory_space<vmem>>
          %dma_wait3A_117 = arith.constant 0 : i32
          %dma_wait3A_118 = tpu.memref_slice %arg11[%dma_wait3A_117] : memref<10240xf32, #tpu.memory_space<vmem_shared>> -> memref<10240xf32, #tpu.memory_space<vmem_shared>>
          tpu.wait_indirect_dma semaphore(%run_scoped3A_104 : memref<!tpu.dma_semaphore, #tpu.memory_space<semaphore_mem>>) src(%dma_wait3A_113 : memref<64xf32, #tpu.memory_space<vmem>>) dst(%dma_wait3A_118 : memref<10240xf32, #tpu.memory_space<vmem_shared>>)
          tpu.yield
        }) : () -> ()
        %run_scoped3A_82 = arith.constant 21 : i32
        %run_scoped3A_83 = arith.constant 21 : i32
        "tpu.region"() ({
          %run_scoped3A_104 = tpu.sem_alloc : memref<!tpu.dma_semaphore, #tpu.memory_space<semaphore_mem>>
          %dma_start3A = arith.constant 0 : i32
          %dma_start3A_105 = tpu.memref_slice %arg10[%run_scoped3A_82, %dma_start3A] : memref<32x64xf32, #tpu.memory_space<vmem>> -> memref<1x64xf32, #tpu.memory_space<vmem>>
          %dma_start3A_106 = tpu.memref_squeeze %dma_start3A_105 : memref<1x64xf32, #tpu.memory_space<vmem>> -> memref<64xf32, #tpu.memory_space<vmem>>
          %dma_start3A_107 = arith.constant 0 : i32
          %dma_start3A_108 = tpu.memref_slice %arg9[%run_scoped3A_83, %dma_start3A_107] : memref<32x64xi32, #tpu.memory_space<vmem>> -> memref<1x64xi32, #tpu.memory_space<vmem>>
          %dma_start3A_109 = tpu.memref_squeeze %dma_start3A_108 : memref<1x64xi32, #tpu.memory_space<vmem>> -> memref<64xi32, #tpu.memory_space<vmem>>
          %dma_start3A_110 = arith.constant 0 : i32
          %dma_start3A_111 = tpu.memref_slice %arg11[%dma_start3A_110] : memref<10240xf32, #tpu.memory_space<vmem_shared>> -> memref<10240xf32, #tpu.memory_space<vmem_shared>>
          tpu.enqueue_indirect_dma source(%dma_start3A_106 : memref<64xf32, #tpu.memory_space<vmem>>) target(%dma_start3A_111 : memref<10240xf32, #tpu.memory_space<vmem_shared>>) offsets(%dma_start3A_109 : memref<64xi32, #tpu.memory_space<vmem>>) semaphore(%run_scoped3A_104 : memref<!tpu.dma_semaphore, #tpu.memory_space<semaphore_mem>>) {add = true}
          %dma_wait3A = arith.constant 0 : i32
          %dma_wait3A_112 = tpu.memref_slice %arg10[%run_scoped3A_82, %dma_wait3A] : memref<32x64xf32, #tpu.memory_space<vmem>> -> memref<1x64xf32, #tpu.memory_space<vmem>>
          %dma_wait3A_113 = tpu.memref_squeeze %dma_wait3A_112 : memref<1x64xf32, #tpu.memory_space<vmem>> -> memref<64xf32, #tpu.memory_space<vmem>>
          %dma_wait3A_114 = arith.constant 0 : i32
          %dma_wait3A_115 = tpu.memref_slice %arg9[%run_scoped3A_83, %dma_wait3A_114] : memref<32x64xi32, #tpu.memory_space<vmem>> -> memref<1x64xi32, #tpu.memory_space<vmem>>
          %dma_wait3A_116 = tpu.memref_squeeze %dma_wait3A_115 : memref<1x64xi32, #tpu.memory_space<vmem>> -> memref<64xi32, #tpu.memory_space<vmem>>
          %dma_wait3A_117 = arith.constant 0 : i32
          %dma_wait3A_118 = tpu.memref_slice %arg11[%dma_wait3A_117] : memref<10240xf32, #tpu.memory_space<vmem_shared>> -> memref<10240xf32, #tpu.memory_space<vmem_shared>>
          tpu.wait_indirect_dma semaphore(%run_scoped3A_104 : memref<!tpu.dma_semaphore, #tpu.memory_space<semaphore_mem>>) src(%dma_wait3A_113 : memref<64xf32, #tpu.memory_space<vmem>>) dst(%dma_wait3A_118 : memref<10240xf32, #tpu.memory_space<vmem_shared>>)
          tpu.yield
        }) : () -> ()
        %run_scoped3A_84 = arith.constant 22 : i32
        %run_scoped3A_85 = arith.constant 22 : i32
        "tpu.region"() ({
          %run_scoped3A_104 = tpu.sem_alloc : memref<!tpu.dma_semaphore, #tpu.memory_space<semaphore_mem>>
          %dma_start3A = arith.constant 0 : i32
          %dma_start3A_105 = tpu.memref_slice %arg10[%run_scoped3A_84, %dma_start3A] : memref<32x64xf32, #tpu.memory_space<vmem>> -> memref<1x64xf32, #tpu.memory_space<vmem>>
          %dma_start3A_106 = tpu.memref_squeeze %dma_start3A_105 : memref<1x64xf32, #tpu.memory_space<vmem>> -> memref<64xf32, #tpu.memory_space<vmem>>
          %dma_start3A_107 = arith.constant 0 : i32
          %dma_start3A_108 = tpu.memref_slice %arg9[%run_scoped3A_85, %dma_start3A_107] : memref<32x64xi32, #tpu.memory_space<vmem>> -> memref<1x64xi32, #tpu.memory_space<vmem>>
          %dma_start3A_109 = tpu.memref_squeeze %dma_start3A_108 : memref<1x64xi32, #tpu.memory_space<vmem>> -> memref<64xi32, #tpu.memory_space<vmem>>
          %dma_start3A_110 = arith.constant 0 : i32
          %dma_start3A_111 = tpu.memref_slice %arg11[%dma_start3A_110] : memref<10240xf32, #tpu.memory_space<vmem_shared>> -> memref<10240xf32, #tpu.memory_space<vmem_shared>>
          tpu.enqueue_indirect_dma source(%dma_start3A_106 : memref<64xf32, #tpu.memory_space<vmem>>) target(%dma_start3A_111 : memref<10240xf32, #tpu.memory_space<vmem_shared>>) offsets(%dma_start3A_109 : memref<64xi32, #tpu.memory_space<vmem>>) semaphore(%run_scoped3A_104 : memref<!tpu.dma_semaphore, #tpu.memory_space<semaphore_mem>>) {add = true}
          %dma_wait3A = arith.constant 0 : i32
          %dma_wait3A_112 = tpu.memref_slice %arg10[%run_scoped3A_84, %dma_wait3A] : memref<32x64xf32, #tpu.memory_space<vmem>> -> memref<1x64xf32, #tpu.memory_space<vmem>>
          %dma_wait3A_113 = tpu.memref_squeeze %dma_wait3A_112 : memref<1x64xf32, #tpu.memory_space<vmem>> -> memref<64xf32, #tpu.memory_space<vmem>>
          %dma_wait3A_114 = arith.constant 0 : i32
          %dma_wait3A_115 = tpu.memref_slice %arg9[%run_scoped3A_85, %dma_wait3A_114] : memref<32x64xi32, #tpu.memory_space<vmem>> -> memref<1x64xi32, #tpu.memory_space<vmem>>
          %dma_wait3A_116 = tpu.memref_squeeze %dma_wait3A_115 : memref<1x64xi32, #tpu.memory_space<vmem>> -> memref<64xi32, #tpu.memory_space<vmem>>
          %dma_wait3A_117 = arith.constant 0 : i32
          %dma_wait3A_118 = tpu.memref_slice %arg11[%dma_wait3A_117] : memref<10240xf32, #tpu.memory_space<vmem_shared>> -> memref<10240xf32, #tpu.memory_space<vmem_shared>>
          tpu.wait_indirect_dma semaphore(%run_scoped3A_104 : memref<!tpu.dma_semaphore, #tpu.memory_space<semaphore_mem>>) src(%dma_wait3A_113 : memref<64xf32, #tpu.memory_space<vmem>>) dst(%dma_wait3A_118 : memref<10240xf32, #tpu.memory_space<vmem_shared>>)
          tpu.yield
        }) : () -> ()
        %run_scoped3A_86 = arith.constant 23 : i32
        %run_scoped3A_87 = arith.constant 23 : i32
        "tpu.region"() ({
          %run_scoped3A_104 = tpu.sem_alloc : memref<!tpu.dma_semaphore, #tpu.memory_space<semaphore_mem>>
          %dma_start3A = arith.constant 0 : i32
          %dma_start3A_105 = tpu.memref_slice %arg10[%run_scoped3A_86, %dma_start3A] : memref<32x64xf32, #tpu.memory_space<vmem>> -> memref<1x64xf32, #tpu.memory_space<vmem>>
          %dma_start3A_106 = tpu.memref_squeeze %dma_start3A_105 : memref<1x64xf32, #tpu.memory_space<vmem>> -> memref<64xf32, #tpu.memory_space<vmem>>
          %dma_start3A_107 = arith.constant 0 : i32
          %dma_start3A_108 = tpu.memref_slice %arg9[%run_scoped3A_87, %dma_start3A_107] : memref<32x64xi32, #tpu.memory_space<vmem>> -> memref<1x64xi32, #tpu.memory_space<vmem>>
          %dma_start3A_109 = tpu.memref_squeeze %dma_start3A_108 : memref<1x64xi32, #tpu.memory_space<vmem>> -> memref<64xi32, #tpu.memory_space<vmem>>
          %dma_start3A_110 = arith.constant 0 : i32
          %dma_start3A_111 = tpu.memref_slice %arg11[%dma_start3A_110] : memref<10240xf32, #tpu.memory_space<vmem_shared>> -> memref<10240xf32, #tpu.memory_space<vmem_shared>>
          tpu.enqueue_indirect_dma source(%dma_start3A_106 : memref<64xf32, #tpu.memory_space<vmem>>) target(%dma_start3A_111 : memref<10240xf32, #tpu.memory_space<vmem_shared>>) offsets(%dma_start3A_109 : memref<64xi32, #tpu.memory_space<vmem>>) semaphore(%run_scoped3A_104 : memref<!tpu.dma_semaphore, #tpu.memory_space<semaphore_mem>>) {add = true}
          %dma_wait3A = arith.constant 0 : i32
          %dma_wait3A_112 = tpu.memref_slice %arg10[%run_scoped3A_86, %dma_wait3A] : memref<32x64xf32, #tpu.memory_space<vmem>> -> memref<1x64xf32, #tpu.memory_space<vmem>>
          %dma_wait3A_113 = tpu.memref_squeeze %dma_wait3A_112 : memref<1x64xf32, #tpu.memory_space<vmem>> -> memref<64xf32, #tpu.memory_space<vmem>>
          %dma_wait3A_114 = arith.constant 0 : i32
          %dma_wait3A_115 = tpu.memref_slice %arg9[%run_scoped3A_87, %dma_wait3A_114] : memref<32x64xi32, #tpu.memory_space<vmem>> -> memref<1x64xi32, #tpu.memory_space<vmem>>
          %dma_wait3A_116 = tpu.memref_squeeze %dma_wait3A_115 : memref<1x64xi32, #tpu.memory_space<vmem>> -> memref<64xi32, #tpu.memory_space<vmem>>
          %dma_wait3A_117 = arith.constant 0 : i32
          %dma_wait3A_118 = tpu.memref_slice %arg11[%dma_wait3A_117] : memref<10240xf32, #tpu.memory_space<vmem_shared>> -> memref<10240xf32, #tpu.memory_space<vmem_shared>>
          tpu.wait_indirect_dma semaphore(%run_scoped3A_104 : memref<!tpu.dma_semaphore, #tpu.memory_space<semaphore_mem>>) src(%dma_wait3A_113 : memref<64xf32, #tpu.memory_space<vmem>>) dst(%dma_wait3A_118 : memref<10240xf32, #tpu.memory_space<vmem_shared>>)
          tpu.yield
        }) : () -> ()
        %run_scoped3A_88 = arith.constant 24 : i32
        %run_scoped3A_89 = arith.constant 24 : i32
        "tpu.region"() ({
          %run_scoped3A_104 = tpu.sem_alloc : memref<!tpu.dma_semaphore, #tpu.memory_space<semaphore_mem>>
          %dma_start3A = arith.constant 0 : i32
          %dma_start3A_105 = tpu.memref_slice %arg10[%run_scoped3A_88, %dma_start3A] : memref<32x64xf32, #tpu.memory_space<vmem>> -> memref<1x64xf32, #tpu.memory_space<vmem>>
          %dma_start3A_106 = tpu.memref_squeeze %dma_start3A_105 : memref<1x64xf32, #tpu.memory_space<vmem>> -> memref<64xf32, #tpu.memory_space<vmem>>
          %dma_start3A_107 = arith.constant 0 : i32
          %dma_start3A_108 = tpu.memref_slice %arg9[%run_scoped3A_89, %dma_start3A_107] : memref<32x64xi32, #tpu.memory_space<vmem>> -> memref<1x64xi32, #tpu.memory_space<vmem>>
          %dma_start3A_109 = tpu.memref_squeeze %dma_start3A_108 : memref<1x64xi32, #tpu.memory_space<vmem>> -> memref<64xi32, #tpu.memory_space<vmem>>
          %dma_start3A_110 = arith.constant 0 : i32
          %dma_start3A_111 = tpu.memref_slice %arg11[%dma_start3A_110] : memref<10240xf32, #tpu.memory_space<vmem_shared>> -> memref<10240xf32, #tpu.memory_space<vmem_shared>>
          tpu.enqueue_indirect_dma source(%dma_start3A_106 : memref<64xf32, #tpu.memory_space<vmem>>) target(%dma_start3A_111 : memref<10240xf32, #tpu.memory_space<vmem_shared>>) offsets(%dma_start3A_109 : memref<64xi32, #tpu.memory_space<vmem>>) semaphore(%run_scoped3A_104 : memref<!tpu.dma_semaphore, #tpu.memory_space<semaphore_mem>>) {add = true}
          %dma_wait3A = arith.constant 0 : i32
          %dma_wait3A_112 = tpu.memref_slice %arg10[%run_scoped3A_88, %dma_wait3A] : memref<32x64xf32, #tpu.memory_space<vmem>> -> memref<1x64xf32, #tpu.memory_space<vmem>>
          %dma_wait3A_113 = tpu.memref_squeeze %dma_wait3A_112 : memref<1x64xf32, #tpu.memory_space<vmem>> -> memref<64xf32, #tpu.memory_space<vmem>>
          %dma_wait3A_114 = arith.constant 0 : i32
          %dma_wait3A_115 = tpu.memref_slice %arg9[%run_scoped3A_89, %dma_wait3A_114] : memref<32x64xi32, #tpu.memory_space<vmem>> -> memref<1x64xi32, #tpu.memory_space<vmem>>
          %dma_wait3A_116 = tpu.memref_squeeze %dma_wait3A_115 : memref<1x64xi32, #tpu.memory_space<vmem>> -> memref<64xi32, #tpu.memory_space<vmem>>
          %dma_wait3A_117 = arith.constant 0 : i32
          %dma_wait3A_118 = tpu.memref_slice %arg11[%dma_wait3A_117] : memref<10240xf32, #tpu.memory_space<vmem_shared>> -> memref<10240xf32, #tpu.memory_space<vmem_shared>>
          tpu.wait_indirect_dma semaphore(%run_scoped3A_104 : memref<!tpu.dma_semaphore, #tpu.memory_space<semaphore_mem>>) src(%dma_wait3A_113 : memref<64xf32, #tpu.memory_space<vmem>>) dst(%dma_wait3A_118 : memref<10240xf32, #tpu.memory_space<vmem_shared>>)
          tpu.yield
        }) : () -> ()
        %run_scoped3A_90 = arith.constant 25 : i32
        %run_scoped3A_91 = arith.constant 25 : i32
        "tpu.region"() ({
          %run_scoped3A_104 = tpu.sem_alloc : memref<!tpu.dma_semaphore, #tpu.memory_space<semaphore_mem>>
          %dma_start3A = arith.constant 0 : i32
          %dma_start3A_105 = tpu.memref_slice %arg10[%run_scoped3A_90, %dma_start3A] : memref<32x64xf32, #tpu.memory_space<vmem>> -> memref<1x64xf32, #tpu.memory_space<vmem>>
          %dma_start3A_106 = tpu.memref_squeeze %dma_start3A_105 : memref<1x64xf32, #tpu.memory_space<vmem>> -> memref<64xf32, #tpu.memory_space<vmem>>
          %dma_start3A_107 = arith.constant 0 : i32
          %dma_start3A_108 = tpu.memref_slice %arg9[%run_scoped3A_91, %dma_start3A_107] : memref<32x64xi32, #tpu.memory_space<vmem>> -> memref<1x64xi32, #tpu.memory_space<vmem>>
          %dma_start3A_109 = tpu.memref_squeeze %dma_start3A_108 : memref<1x64xi32, #tpu.memory_space<vmem>> -> memref<64xi32, #tpu.memory_space<vmem>>
          %dma_start3A_110 = arith.constant 0 : i32
          %dma_start3A_111 = tpu.memref_slice %arg11[%dma_start3A_110] : memref<10240xf32, #tpu.memory_space<vmem_shared>> -> memref<10240xf32, #tpu.memory_space<vmem_shared>>
          tpu.enqueue_indirect_dma source(%dma_start3A_106 : memref<64xf32, #tpu.memory_space<vmem>>) target(%dma_start3A_111 : memref<10240xf32, #tpu.memory_space<vmem_shared>>) offsets(%dma_start3A_109 : memref<64xi32, #tpu.memory_space<vmem>>) semaphore(%run_scoped3A_104 : memref<!tpu.dma_semaphore, #tpu.memory_space<semaphore_mem>>) {add = true}
          %dma_wait3A = arith.constant 0 : i32
          %dma_wait3A_112 = tpu.memref_slice %arg10[%run_scoped3A_90, %dma_wait3A] : memref<32x64xf32, #tpu.memory_space<vmem>> -> memref<1x64xf32, #tpu.memory_space<vmem>>
          %dma_wait3A_113 = tpu.memref_squeeze %dma_wait3A_112 : memref<1x64xf32, #tpu.memory_space<vmem>> -> memref<64xf32, #tpu.memory_space<vmem>>
          %dma_wait3A_114 = arith.constant 0 : i32
          %dma_wait3A_115 = tpu.memref_slice %arg9[%run_scoped3A_91, %dma_wait3A_114] : memref<32x64xi32, #tpu.memory_space<vmem>> -> memref<1x64xi32, #tpu.memory_space<vmem>>
          %dma_wait3A_116 = tpu.memref_squeeze %dma_wait3A_115 : memref<1x64xi32, #tpu.memory_space<vmem>> -> memref<64xi32, #tpu.memory_space<vmem>>
          %dma_wait3A_117 = arith.constant 0 : i32
          %dma_wait3A_118 = tpu.memref_slice %arg11[%dma_wait3A_117] : memref<10240xf32, #tpu.memory_space<vmem_shared>> -> memref<10240xf32, #tpu.memory_space<vmem_shared>>
          tpu.wait_indirect_dma semaphore(%run_scoped3A_104 : memref<!tpu.dma_semaphore, #tpu.memory_space<semaphore_mem>>) src(%dma_wait3A_113 : memref<64xf32, #tpu.memory_space<vmem>>) dst(%dma_wait3A_118 : memref<10240xf32, #tpu.memory_space<vmem_shared>>)
          tpu.yield
        }) : () -> ()
        %run_scoped3A_92 = arith.constant 26 : i32
        %run_scoped3A_93 = arith.constant 26 : i32
        "tpu.region"() ({
          %run_scoped3A_104 = tpu.sem_alloc : memref<!tpu.dma_semaphore, #tpu.memory_space<semaphore_mem>>
          %dma_start3A = arith.constant 0 : i32
          %dma_start3A_105 = tpu.memref_slice %arg10[%run_scoped3A_92, %dma_start3A] : memref<32x64xf32, #tpu.memory_space<vmem>> -> memref<1x64xf32, #tpu.memory_space<vmem>>
          %dma_start3A_106 = tpu.memref_squeeze %dma_start3A_105 : memref<1x64xf32, #tpu.memory_space<vmem>> -> memref<64xf32, #tpu.memory_space<vmem>>
          %dma_start3A_107 = arith.constant 0 : i32
          %dma_start3A_108 = tpu.memref_slice %arg9[%run_scoped3A_93, %dma_start3A_107] : memref<32x64xi32, #tpu.memory_space<vmem>> -> memref<1x64xi32, #tpu.memory_space<vmem>>
          %dma_start3A_109 = tpu.memref_squeeze %dma_start3A_108 : memref<1x64xi32, #tpu.memory_space<vmem>> -> memref<64xi32, #tpu.memory_space<vmem>>
          %dma_start3A_110 = arith.constant 0 : i32
          %dma_start3A_111 = tpu.memref_slice %arg11[%dma_start3A_110] : memref<10240xf32, #tpu.memory_space<vmem_shared>> -> memref<10240xf32, #tpu.memory_space<vmem_shared>>
          tpu.enqueue_indirect_dma source(%dma_start3A_106 : memref<64xf32, #tpu.memory_space<vmem>>) target(%dma_start3A_111 : memref<10240xf32, #tpu.memory_space<vmem_shared>>) offsets(%dma_start3A_109 : memref<64xi32, #tpu.memory_space<vmem>>) semaphore(%run_scoped3A_104 : memref<!tpu.dma_semaphore, #tpu.memory_space<semaphore_mem>>) {add = true}
          %dma_wait3A = arith.constant 0 : i32
          %dma_wait3A_112 = tpu.memref_slice %arg10[%run_scoped3A_92, %dma_wait3A] : memref<32x64xf32, #tpu.memory_space<vmem>> -> memref<1x64xf32, #tpu.memory_space<vmem>>
          %dma_wait3A_113 = tpu.memref_squeeze %dma_wait3A_112 : memref<1x64xf32, #tpu.memory_space<vmem>> -> memref<64xf32, #tpu.memory_space<vmem>>
          %dma_wait3A_114 = arith.constant 0 : i32
          %dma_wait3A_115 = tpu.memref_slice %arg9[%run_scoped3A_93, %dma_wait3A_114] : memref<32x64xi32, #tpu.memory_space<vmem>> -> memref<1x64xi32, #tpu.memory_space<vmem>>
          %dma_wait3A_116 = tpu.memref_squeeze %dma_wait3A_115 : memref<1x64xi32, #tpu.memory_space<vmem>> -> memref<64xi32, #tpu.memory_space<vmem>>
          %dma_wait3A_117 = arith.constant 0 : i32
          %dma_wait3A_118 = tpu.memref_slice %arg11[%dma_wait3A_117] : memref<10240xf32, #tpu.memory_space<vmem_shared>> -> memref<10240xf32, #tpu.memory_space<vmem_shared>>
          tpu.wait_indirect_dma semaphore(%run_scoped3A_104 : memref<!tpu.dma_semaphore, #tpu.memory_space<semaphore_mem>>) src(%dma_wait3A_113 : memref<64xf32, #tpu.memory_space<vmem>>) dst(%dma_wait3A_118 : memref<10240xf32, #tpu.memory_space<vmem_shared>>)
          tpu.yield
        }) : () -> ()
        %run_scoped3A_94 = arith.constant 27 : i32
        %run_scoped3A_95 = arith.constant 27 : i32
        "tpu.region"() ({
          %run_scoped3A_104 = tpu.sem_alloc : memref<!tpu.dma_semaphore, #tpu.memory_space<semaphore_mem>>
          %dma_start3A = arith.constant 0 : i32
          %dma_start3A_105 = tpu.memref_slice %arg10[%run_scoped3A_94, %dma_start3A] : memref<32x64xf32, #tpu.memory_space<vmem>> -> memref<1x64xf32, #tpu.memory_space<vmem>>
          %dma_start3A_106 = tpu.memref_squeeze %dma_start3A_105 : memref<1x64xf32, #tpu.memory_space<vmem>> -> memref<64xf32, #tpu.memory_space<vmem>>
          %dma_start3A_107 = arith.constant 0 : i32
          %dma_start3A_108 = tpu.memref_slice %arg9[%run_scoped3A_95, %dma_start3A_107] : memref<32x64xi32, #tpu.memory_space<vmem>> -> memref<1x64xi32, #tpu.memory_space<vmem>>
          %dma_start3A_109 = tpu.memref_squeeze %dma_start3A_108 : memref<1x64xi32, #tpu.memory_space<vmem>> -> memref<64xi32, #tpu.memory_space<vmem>>
          %dma_start3A_110 = arith.constant 0 : i32
          %dma_start3A_111 = tpu.memref_slice %arg11[%dma_start3A_110] : memref<10240xf32, #tpu.memory_space<vmem_shared>> -> memref<10240xf32, #tpu.memory_space<vmem_shared>>
          tpu.enqueue_indirect_dma source(%dma_start3A_106 : memref<64xf32, #tpu.memory_space<vmem>>) target(%dma_start3A_111 : memref<10240xf32, #tpu.memory_space<vmem_shared>>) offsets(%dma_start3A_109 : memref<64xi32, #tpu.memory_space<vmem>>) semaphore(%run_scoped3A_104 : memref<!tpu.dma_semaphore, #tpu.memory_space<semaphore_mem>>) {add = true}
          %dma_wait3A = arith.constant 0 : i32
          %dma_wait3A_112 = tpu.memref_slice %arg10[%run_scoped3A_94, %dma_wait3A] : memref<32x64xf32, #tpu.memory_space<vmem>> -> memref<1x64xf32, #tpu.memory_space<vmem>>
          %dma_wait3A_113 = tpu.memref_squeeze %dma_wait3A_112 : memref<1x64xf32, #tpu.memory_space<vmem>> -> memref<64xf32, #tpu.memory_space<vmem>>
          %dma_wait3A_114 = arith.constant 0 : i32
          %dma_wait3A_115 = tpu.memref_slice %arg9[%run_scoped3A_95, %dma_wait3A_114] : memref<32x64xi32, #tpu.memory_space<vmem>> -> memref<1x64xi32, #tpu.memory_space<vmem>>
          %dma_wait3A_116 = tpu.memref_squeeze %dma_wait3A_115 : memref<1x64xi32, #tpu.memory_space<vmem>> -> memref<64xi32, #tpu.memory_space<vmem>>
          %dma_wait3A_117 = arith.constant 0 : i32
          %dma_wait3A_118 = tpu.memref_slice %arg11[%dma_wait3A_117] : memref<10240xf32, #tpu.memory_space<vmem_shared>> -> memref<10240xf32, #tpu.memory_space<vmem_shared>>
          tpu.wait_indirect_dma semaphore(%run_scoped3A_104 : memref<!tpu.dma_semaphore, #tpu.memory_space<semaphore_mem>>) src(%dma_wait3A_113 : memref<64xf32, #tpu.memory_space<vmem>>) dst(%dma_wait3A_118 : memref<10240xf32, #tpu.memory_space<vmem_shared>>)
          tpu.yield
        }) : () -> ()
        %run_scoped3A_96 = arith.constant 28 : i32
        %run_scoped3A_97 = arith.constant 28 : i32
        "tpu.region"() ({
          %run_scoped3A_104 = tpu.sem_alloc : memref<!tpu.dma_semaphore, #tpu.memory_space<semaphore_mem>>
          %dma_start3A = arith.constant 0 : i32
          %dma_start3A_105 = tpu.memref_slice %arg10[%run_scoped3A_96, %dma_start3A] : memref<32x64xf32, #tpu.memory_space<vmem>> -> memref<1x64xf32, #tpu.memory_space<vmem>>
          %dma_start3A_106 = tpu.memref_squeeze %dma_start3A_105 : memref<1x64xf32, #tpu.memory_space<vmem>> -> memref<64xf32, #tpu.memory_space<vmem>>
          %dma_start3A_107 = arith.constant 0 : i32
          %dma_start3A_108 = tpu.memref_slice %arg9[%run_scoped3A_97, %dma_start3A_107] : memref<32x64xi32, #tpu.memory_space<vmem>> -> memref<1x64xi32, #tpu.memory_space<vmem>>
          %dma_start3A_109 = tpu.memref_squeeze %dma_start3A_108 : memref<1x64xi32, #tpu.memory_space<vmem>> -> memref<64xi32, #tpu.memory_space<vmem>>
          %dma_start3A_110 = arith.constant 0 : i32
          %dma_start3A_111 = tpu.memref_slice %arg11[%dma_start3A_110] : memref<10240xf32, #tpu.memory_space<vmem_shared>> -> memref<10240xf32, #tpu.memory_space<vmem_shared>>
          tpu.enqueue_indirect_dma source(%dma_start3A_106 : memref<64xf32, #tpu.memory_space<vmem>>) target(%dma_start3A_111 : memref<10240xf32, #tpu.memory_space<vmem_shared>>) offsets(%dma_start3A_109 : memref<64xi32, #tpu.memory_space<vmem>>) semaphore(%run_scoped3A_104 : memref<!tpu.dma_semaphore, #tpu.memory_space<semaphore_mem>>) {add = true}
          %dma_wait3A = arith.constant 0 : i32
          %dma_wait3A_112 = tpu.memref_slice %arg10[%run_scoped3A_96, %dma_wait3A] : memref<32x64xf32, #tpu.memory_space<vmem>> -> memref<1x64xf32, #tpu.memory_space<vmem>>
          %dma_wait3A_113 = tpu.memref_squeeze %dma_wait3A_112 : memref<1x64xf32, #tpu.memory_space<vmem>> -> memref<64xf32, #tpu.memory_space<vmem>>
          %dma_wait3A_114 = arith.constant 0 : i32
          %dma_wait3A_115 = tpu.memref_slice %arg9[%run_scoped3A_97, %dma_wait3A_114] : memref<32x64xi32, #tpu.memory_space<vmem>> -> memref<1x64xi32, #tpu.memory_space<vmem>>
          %dma_wait3A_116 = tpu.memref_squeeze %dma_wait3A_115 : memref<1x64xi32, #tpu.memory_space<vmem>> -> memref<64xi32, #tpu.memory_space<vmem>>
          %dma_wait3A_117 = arith.constant 0 : i32
          %dma_wait3A_118 = tpu.memref_slice %arg11[%dma_wait3A_117] : memref<10240xf32, #tpu.memory_space<vmem_shared>> -> memref<10240xf32, #tpu.memory_space<vmem_shared>>
          tpu.wait_indirect_dma semaphore(%run_scoped3A_104 : memref<!tpu.dma_semaphore, #tpu.memory_space<semaphore_mem>>) src(%dma_wait3A_113 : memref<64xf32, #tpu.memory_space<vmem>>) dst(%dma_wait3A_118 : memref<10240xf32, #tpu.memory_space<vmem_shared>>)
          tpu.yield
        }) : () -> ()
        %run_scoped3A_98 = arith.constant 29 : i32
        %run_scoped3A_99 = arith.constant 29 : i32
        "tpu.region"() ({
          %run_scoped3A_104 = tpu.sem_alloc : memref<!tpu.dma_semaphore, #tpu.memory_space<semaphore_mem>>
          %dma_start3A = arith.constant 0 : i32
          %dma_start3A_105 = tpu.memref_slice %arg10[%run_scoped3A_98, %dma_start3A] : memref<32x64xf32, #tpu.memory_space<vmem>> -> memref<1x64xf32, #tpu.memory_space<vmem>>
          %dma_start3A_106 = tpu.memref_squeeze %dma_start3A_105 : memref<1x64xf32, #tpu.memory_space<vmem>> -> memref<64xf32, #tpu.memory_space<vmem>>
          %dma_start3A_107 = arith.constant 0 : i32
          %dma_start3A_108 = tpu.memref_slice %arg9[%run_scoped3A_99, %dma_start3A_107] : memref<32x64xi32, #tpu.memory_space<vmem>> -> memref<1x64xi32, #tpu.memory_space<vmem>>
          %dma_start3A_109 = tpu.memref_squeeze %dma_start3A_108 : memref<1x64xi32, #tpu.memory_space<vmem>> -> memref<64xi32, #tpu.memory_space<vmem>>
          %dma_start3A_110 = arith.constant 0 : i32
          %dma_start3A_111 = tpu.memref_slice %arg11[%dma_start3A_110] : memref<10240xf32, #tpu.memory_space<vmem_shared>> -> memref<10240xf32, #tpu.memory_space<vmem_shared>>
          tpu.enqueue_indirect_dma source(%dma_start3A_106 : memref<64xf32, #tpu.memory_space<vmem>>) target(%dma_start3A_111 : memref<10240xf32, #tpu.memory_space<vmem_shared>>) offsets(%dma_start3A_109 : memref<64xi32, #tpu.memory_space<vmem>>) semaphore(%run_scoped3A_104 : memref<!tpu.dma_semaphore, #tpu.memory_space<semaphore_mem>>) {add = true}
          %dma_wait3A = arith.constant 0 : i32
          %dma_wait3A_112 = tpu.memref_slice %arg10[%run_scoped3A_98, %dma_wait3A] : memref<32x64xf32, #tpu.memory_space<vmem>> -> memref<1x64xf32, #tpu.memory_space<vmem>>
          %dma_wait3A_113 = tpu.memref_squeeze %dma_wait3A_112 : memref<1x64xf32, #tpu.memory_space<vmem>> -> memref<64xf32, #tpu.memory_space<vmem>>
          %dma_wait3A_114 = arith.constant 0 : i32
          %dma_wait3A_115 = tpu.memref_slice %arg9[%run_scoped3A_99, %dma_wait3A_114] : memref<32x64xi32, #tpu.memory_space<vmem>> -> memref<1x64xi32, #tpu.memory_space<vmem>>
          %dma_wait3A_116 = tpu.memref_squeeze %dma_wait3A_115 : memref<1x64xi32, #tpu.memory_space<vmem>> -> memref<64xi32, #tpu.memory_space<vmem>>
          %dma_wait3A_117 = arith.constant 0 : i32
          %dma_wait3A_118 = tpu.memref_slice %arg11[%dma_wait3A_117] : memref<10240xf32, #tpu.memory_space<vmem_shared>> -> memref<10240xf32, #tpu.memory_space<vmem_shared>>
          tpu.wait_indirect_dma semaphore(%run_scoped3A_104 : memref<!tpu.dma_semaphore, #tpu.memory_space<semaphore_mem>>) src(%dma_wait3A_113 : memref<64xf32, #tpu.memory_space<vmem>>) dst(%dma_wait3A_118 : memref<10240xf32, #tpu.memory_space<vmem_shared>>)
          tpu.yield
        }) : () -> ()
        %run_scoped3A_100 = arith.constant 30 : i32
        %run_scoped3A_101 = arith.constant 30 : i32
        "tpu.region"() ({
          %run_scoped3A_104 = tpu.sem_alloc : memref<!tpu.dma_semaphore, #tpu.memory_space<semaphore_mem>>
          %dma_start3A = arith.constant 0 : i32
          %dma_start3A_105 = tpu.memref_slice %arg10[%run_scoped3A_100, %dma_start3A] : memref<32x64xf32, #tpu.memory_space<vmem>> -> memref<1x64xf32, #tpu.memory_space<vmem>>
          %dma_start3A_106 = tpu.memref_squeeze %dma_start3A_105 : memref<1x64xf32, #tpu.memory_space<vmem>> -> memref<64xf32, #tpu.memory_space<vmem>>
          %dma_start3A_107 = arith.constant 0 : i32
          %dma_start3A_108 = tpu.memref_slice %arg9[%run_scoped3A_101, %dma_start3A_107] : memref<32x64xi32, #tpu.memory_space<vmem>> -> memref<1x64xi32, #tpu.memory_space<vmem>>
          %dma_start3A_109 = tpu.memref_squeeze %dma_start3A_108 : memref<1x64xi32, #tpu.memory_space<vmem>> -> memref<64xi32, #tpu.memory_space<vmem>>
          %dma_start3A_110 = arith.constant 0 : i32
          %dma_start3A_111 = tpu.memref_slice %arg11[%dma_start3A_110] : memref<10240xf32, #tpu.memory_space<vmem_shared>> -> memref<10240xf32, #tpu.memory_space<vmem_shared>>
          tpu.enqueue_indirect_dma source(%dma_start3A_106 : memref<64xf32, #tpu.memory_space<vmem>>) target(%dma_start3A_111 : memref<10240xf32, #tpu.memory_space<vmem_shared>>) offsets(%dma_start3A_109 : memref<64xi32, #tpu.memory_space<vmem>>) semaphore(%run_scoped3A_104 : memref<!tpu.dma_semaphore, #tpu.memory_space<semaphore_mem>>) {add = true}
          %dma_wait3A = arith.constant 0 : i32
          %dma_wait3A_112 = tpu.memref_slice %arg10[%run_scoped3A_100, %dma_wait3A] : memref<32x64xf32, #tpu.memory_space<vmem>> -> memref<1x64xf32, #tpu.memory_space<vmem>>
          %dma_wait3A_113 = tpu.memref_squeeze %dma_wait3A_112 : memref<1x64xf32, #tpu.memory_space<vmem>> -> memref<64xf32, #tpu.memory_space<vmem>>
          %dma_wait3A_114 = arith.constant 0 : i32
          %dma_wait3A_115 = tpu.memref_slice %arg9[%run_scoped3A_101, %dma_wait3A_114] : memref<32x64xi32, #tpu.memory_space<vmem>> -> memref<1x64xi32, #tpu.memory_space<vmem>>
          %dma_wait3A_116 = tpu.memref_squeeze %dma_wait3A_115 : memref<1x64xi32, #tpu.memory_space<vmem>> -> memref<64xi32, #tpu.memory_space<vmem>>
          %dma_wait3A_117 = arith.constant 0 : i32
          %dma_wait3A_118 = tpu.memref_slice %arg11[%dma_wait3A_117] : memref<10240xf32, #tpu.memory_space<vmem_shared>> -> memref<10240xf32, #tpu.memory_space<vmem_shared>>
          tpu.wait_indirect_dma semaphore(%run_scoped3A_104 : memref<!tpu.dma_semaphore, #tpu.memory_space<semaphore_mem>>) src(%dma_wait3A_113 : memref<64xf32, #tpu.memory_space<vmem>>) dst(%dma_wait3A_118 : memref<10240xf32, #tpu.memory_space<vmem_shared>>)
          tpu.yield
        }) : () -> ()
        %run_scoped3A_102 = arith.constant 31 : i32
        %run_scoped3A_103 = arith.constant 31 : i32
        "tpu.region"() ({
          %run_scoped3A_104 = tpu.sem_alloc : memref<!tpu.dma_semaphore, #tpu.memory_space<semaphore_mem>>
          %dma_start3A = arith.constant 0 : i32
          %dma_start3A_105 = tpu.memref_slice %arg10[%run_scoped3A_102, %dma_start3A] : memref<32x64xf32, #tpu.memory_space<vmem>> -> memref<1x64xf32, #tpu.memory_space<vmem>>
          %dma_start3A_106 = tpu.memref_squeeze %dma_start3A_105 : memref<1x64xf32, #tpu.memory_space<vmem>> -> memref<64xf32, #tpu.memory_space<vmem>>
          %dma_start3A_107 = arith.constant 0 : i32
          %dma_start3A_108 = tpu.memref_slice %arg9[%run_scoped3A_103, %dma_start3A_107] : memref<32x64xi32, #tpu.memory_space<vmem>> -> memref<1x64xi32, #tpu.memory_space<vmem>>
          %dma_start3A_109 = tpu.memref_squeeze %dma_start3A_108 : memref<1x64xi32, #tpu.memory_space<vmem>> -> memref<64xi32, #tpu.memory_space<vmem>>
          %dma_start3A_110 = arith.constant 0 : i32
          %dma_start3A_111 = tpu.memref_slice %arg11[%dma_start3A_110] : memref<10240xf32, #tpu.memory_space<vmem_shared>> -> memref<10240xf32, #tpu.memory_space<vmem_shared>>
          tpu.enqueue_indirect_dma source(%dma_start3A_106 : memref<64xf32, #tpu.memory_space<vmem>>) target(%dma_start3A_111 : memref<10240xf32, #tpu.memory_space<vmem_shared>>) offsets(%dma_start3A_109 : memref<64xi32, #tpu.memory_space<vmem>>) semaphore(%run_scoped3A_104 : memref<!tpu.dma_semaphore, #tpu.memory_space<semaphore_mem>>) {add = true}
          %dma_wait3A = arith.constant 0 : i32
          %dma_wait3A_112 = tpu.memref_slice %arg10[%run_scoped3A_102, %dma_wait3A] : memref<32x64xf32, #tpu.memory_space<vmem>> -> memref<1x64xf32, #tpu.memory_space<vmem>>
          %dma_wait3A_113 = tpu.memref_squeeze %dma_wait3A_112 : memref<1x64xf32, #tpu.memory_space<vmem>> -> memref<64xf32, #tpu.memory_space<vmem>>
          %dma_wait3A_114 = arith.constant 0 : i32
          %dma_wait3A_115 = tpu.memref_slice %arg9[%run_scoped3A_103, %dma_wait3A_114] : memref<32x64xi32, #tpu.memory_space<vmem>> -> memref<1x64xi32, #tpu.memory_space<vmem>>
          %dma_wait3A_116 = tpu.memref_squeeze %dma_wait3A_115 : memref<1x64xi32, #tpu.memory_space<vmem>> -> memref<64xi32, #tpu.memory_space<vmem>>
          %dma_wait3A_117 = arith.constant 0 : i32
          %dma_wait3A_118 = tpu.memref_slice %arg11[%dma_wait3A_117] : memref<10240xf32, #tpu.memory_space<vmem_shared>> -> memref<10240xf32, #tpu.memory_space<vmem_shared>>
          tpu.wait_indirect_dma semaphore(%run_scoped3A_104 : memref<!tpu.dma_semaphore, #tpu.memory_space<semaphore_mem>>) src(%dma_wait3A_113 : memref<64xf32, #tpu.memory_space<vmem>>) dst(%dma_wait3A_118 : memref<10240xf32, #tpu.memory_space<vmem_shared>>)
          tpu.yield
        }) : () -> ()
      }
      %scan3A_26 = arith.constant 10 : i32
      %barrier3A_27 = arith.constant 0 : index
      tpu.barrier barrier_id(%barrier3A_27)
      %mul3A_28 = arith.constant 640 : i32
      %mul3A_29 = arith.muli %arg1, %mul3A_28 : i32
      "tpu.region"() ({
        %run_scoped3A = tpu.sem_alloc : memref<!tpu.dma_semaphore, #tpu.memory_space<semaphore_mem>>
        %dma_start3A = arith.constant 0 : i32
        %dma_start3A_38 = tpu.memref_slice %arg8[%dma_start3A] : memref<10240xf32, #tpu.memory_space<vmem>> -> memref<640xf32, #tpu.memory_space<vmem>>
        %dma_start3A_39 = tpu.memref_slice %arg11[%mul3A_29] : memref<10240xf32, #tpu.memory_space<vmem_shared>> -> memref<640xf32, #tpu.memory_space<vmem_shared>>
        %dma_start3A_40 = arith.constant 0 : i32
        %dma_start3A_41 = tpu.memref_slice %arg8[%dma_start3A_40] : memref<10240xf32, #tpu.memory_space<vmem>> -> memref<640xf32, #tpu.memory_space<vmem>>
        %dma_start3A_42 = tpu.memref_slice %arg11[%mul3A_29] : memref<10240xf32, #tpu.memory_space<vmem_shared>> -> memref<640xf32, #tpu.memory_space<vmem_shared>>
        tpu.enqueue_dma source(%dma_start3A_42 : memref<640xf32, #tpu.memory_space<vmem_shared>>) target(%dma_start3A_41 : memref<640xf32, #tpu.memory_space<vmem>>) target_semaphore(%run_scoped3A : memref<!tpu.dma_semaphore, #tpu.memory_space<semaphore_mem>>)
        %dma_wait3A = arith.constant 0 : i32
        %dma_wait3A_43 = tpu.memref_slice %arg8[%dma_wait3A] : memref<10240xf32, #tpu.memory_space<vmem>> -> memref<640xf32, #tpu.memory_space<vmem>>
        %dma_wait3A_44 = tpu.memref_slice %arg11[%mul3A_29] : memref<10240xf32, #tpu.memory_space<vmem_shared>> -> memref<640xf32, #tpu.memory_space<vmem_shared>>
        %dma_wait3A_45 = arith.constant 0 : i32
        %dma_wait3A_46 = tpu.memref_slice %arg8[%dma_wait3A_45] : memref<10240xf32, #tpu.memory_space<vmem>> -> memref<640xf32, #tpu.memory_space<vmem>>
        %dma_wait3A_47 = tpu.memref_slice %arg11[%mul3A_29] : memref<10240xf32, #tpu.memory_space<vmem_shared>> -> memref<640xf32, #tpu.memory_space<vmem_shared>>
        tpu.wait_dma2 semaphore(%run_scoped3A : memref<!tpu.dma_semaphore, #tpu.memory_space<semaphore_mem>>) src(%dma_wait3A_47 : memref<640xf32, #tpu.memory_space<vmem_shared>>) dst(%dma_wait3A_46 : memref<640xf32, #tpu.memory_space<vmem>>)
        tpu.yield
      }) : () -> ()
      %scan3A_30 = arith.constant 0 : i32
      %scan3A_31 = arith.constant 0 : i32
      %scan3A_32 = arith.constant 40 : i32
      %scan3A_33 = arith.addi %scan3A_31, %scan3A_32 : i32
      %scan3A_34 = arith.constant 1 : i32
      scf.for %scan3A_38 = %scan3A_31 to %scan3A_33 step %scan3A_34  : i32 {
        %mul3A_39 = arith.constant 16 : i32
        %mul3A_40 = arith.muli %scan3A_38, %mul3A_39 : i32
        %get3A = arith.index_cast %mul3A_40 : i32 to index
        %get3A_41 = tpu.vector_load %arg8[%get3A] {strides = array<i32>} : memref<10240xf32, #tpu.memory_space<vmem>>, vector<16xf32>,
        %get3A_42 = vector.shape_cast %get3A_41 : vector<16xf32> to vector<16xf32>
        %add3A = arith.constant 1.000000e+00 : f32
        %add3A_43 = vector.broadcast %add3A : f32 to vector<16xf32>
        %add3A_44 = arith.addf %get3A_42, %add3A_43 : vector<16xf32>
        %add3A_45 = arith.constant 1.000000e+00 : f32
        %add3A_46 = vector.broadcast %add3A_45 : f32 to vector<16xf32>
        %add3A_47 = arith.addf %add3A_46, %add3A_44 : vector<16xf32>
        %mul3A_48 = arith.constant 5.000000e-01 : f32
        %mul3A_49 = vector.broadcast %mul3A_48 : f32 to vector<16xf32>
        %mul3A_50 = arith.mulf %mul3A_49, %add3A_47 : vector<16xf32>
        %div3A = arith.divf %add3A_44, %mul3A_50 : vector<16xf32>
        %add3A_51 = arith.addf %mul3A_50, %div3A : vector<16xf32>
        %mul3A_52 = arith.constant 5.000000e-01 : f32
        %mul3A_53 = vector.broadcast %mul3A_52 : f32 to vector<16xf32>
        %mul3A_54 = arith.mulf %mul3A_53, %add3A_51 : vector<16xf32>
        %div3A_55 = arith.divf %add3A_44, %mul3A_54 : vector<16xf32>
        %add3A_56 = arith.addf %mul3A_54, %div3A_55 : vector<16xf32>
        %mul3A_57 = arith.constant 5.000000e-01 : f32
        %mul3A_58 = vector.broadcast %mul3A_57 : f32 to vector<16xf32>
        %mul3A_59 = arith.mulf %mul3A_58, %add3A_56 : vector<16xf32>
        %div3A_60 = arith.divf %add3A_44, %mul3A_59 : vector<16xf32>
        %add3A_61 = arith.addf %mul3A_59, %div3A_60 : vector<16xf32>
        %mul3A_62 = arith.constant 5.000000e-01 : f32
        %mul3A_63 = vector.broadcast %mul3A_62 : f32 to vector<16xf32>
        %mul3A_64 = arith.mulf %mul3A_63, %add3A_61 : vector<16xf32>
        %div3A_65 = arith.divf %add3A_44, %mul3A_64 : vector<16xf32>
        %add3A_66 = arith.addf %mul3A_64, %div3A_65 : vector<16xf32>
        %mul3A_67 = arith.constant 5.000000e-01 : f32
        %mul3A_68 = vector.broadcast %mul3A_67 : f32 to vector<16xf32>
        %mul3A_69 = arith.mulf %mul3A_68, %add3A_66 : vector<16xf32>
        %div3A_70 = arith.divf %add3A_44, %mul3A_69 : vector<16xf32>
        %add3A_71 = arith.addf %mul3A_69, %div3A_70 : vector<16xf32>
        %mul3A_72 = arith.constant 5.000000e-01 : f32
        %mul3A_73 = vector.broadcast %mul3A_72 : f32 to vector<16xf32>
        %mul3A_74 = arith.mulf %mul3A_73, %add3A_71 : vector<16xf32>
        %div3A_75 = arith.divf %add3A_44, %mul3A_74 : vector<16xf32>
        %add3A_76 = arith.addf %mul3A_74, %div3A_75 : vector<16xf32>
        %mul3A_77 = arith.constant 5.000000e-01 : f32
        %mul3A_78 = vector.broadcast %mul3A_77 : f32 to vector<16xf32>
        %mul3A_79 = arith.mulf %mul3A_78, %add3A_76 : vector<16xf32>
        %div3A_80 = arith.divf %add3A_44, %mul3A_79 : vector<16xf32>
        %add3A_81 = arith.addf %mul3A_79, %div3A_80 : vector<16xf32>
        %mul3A_82 = arith.constant 5.000000e-01 : f32
        %mul3A_83 = vector.broadcast %mul3A_82 : f32 to vector<16xf32>
        %mul3A_84 = arith.mulf %mul3A_83, %add3A_81 : vector<16xf32>
        %div3A_85 = arith.divf %add3A_44, %mul3A_84 : vector<16xf32>
        %add3A_86 = arith.addf %mul3A_84, %div3A_85 : vector<16xf32>
        %mul3A_87 = arith.constant 5.000000e-01 : f32
        %mul3A_88 = vector.broadcast %mul3A_87 : f32 to vector<16xf32>
        %mul3A_89 = arith.mulf %mul3A_88, %add3A_86 : vector<16xf32>
        %div3A_90 = arith.divf %add3A_44, %mul3A_89 : vector<16xf32>
        %add3A_91 = arith.addf %mul3A_89, %div3A_90 : vector<16xf32>
        %mul3A_92 = arith.constant 5.000000e-01 : f32
        %mul3A_93 = vector.broadcast %mul3A_92 : f32 to vector<16xf32>
        %mul3A_94 = arith.mulf %mul3A_93, %add3A_91 : vector<16xf32>
        %div3A_95 = arith.divf %add3A_44, %mul3A_94 : vector<16xf32>
        %add3A_96 = arith.addf %mul3A_94, %div3A_95 : vector<16xf32>
        %mul3A_97 = arith.constant 5.000000e-01 : f32
        %mul3A_98 = vector.broadcast %mul3A_97 : f32 to vector<16xf32>
        %mul3A_99 = arith.mulf %mul3A_98, %add3A_96 : vector<16xf32>
        %div3A_100 = arith.divf %add3A_44, %mul3A_99 : vector<16xf32>
        %add3A_101 = arith.addf %mul3A_99, %div3A_100 : vector<16xf32>
        %mul3A_102 = arith.constant 5.000000e-01 : f32
        %mul3A_103 = vector.broadcast %mul3A_102 : f32 to vector<16xf32>
        %mul3A_104 = arith.mulf %mul3A_103, %add3A_101 : vector<16xf32>
        %div3A_105 = arith.divf %add3A_44, %mul3A_104 : vector<16xf32>
        %add3A_106 = arith.addf %mul3A_104, %div3A_105 : vector<16xf32>
        %mul3A_107 = arith.constant 5.000000e-01 : f32
        %mul3A_108 = vector.broadcast %mul3A_107 : f32 to vector<16xf32>
        %mul3A_109 = arith.mulf %mul3A_108, %add3A_106 : vector<16xf32>
        %div3A_110 = arith.divf %add3A_44, %mul3A_109 : vector<16xf32>
        %add3A_111 = arith.addf %mul3A_109, %div3A_110 : vector<16xf32>
        %mul3A_112 = arith.constant 5.000000e-01 : f32
        %mul3A_113 = vector.broadcast %mul3A_112 : f32 to vector<16xf32>
        %mul3A_114 = arith.mulf %mul3A_113, %add3A_111 : vector<16xf32>
        %div3A_115 = arith.divf %add3A_44, %mul3A_114 : vector<16xf32>
        %add3A_116 = arith.addf %mul3A_114, %div3A_115 : vector<16xf32>
        %mul3A_117 = arith.constant 5.000000e-01 : f32
        %mul3A_118 = vector.broadcast %mul3A_117 : f32 to vector<16xf32>
        %mul3A_119 = arith.mulf %mul3A_118, %add3A_116 : vector<16xf32>
        %div3A_120 = arith.divf %add3A_44, %mul3A_119 : vector<16xf32>
        %add3A_121 = arith.addf %mul3A_119, %div3A_120 : vector<16xf32>
        %mul3A_122 = arith.constant 5.000000e-01 : f32
        %mul3A_123 = vector.broadcast %mul3A_122 : f32 to vector<16xf32>
        %mul3A_124 = arith.mulf %mul3A_123, %add3A_121 : vector<16xf32>
        %div3A_125 = arith.divf %add3A_44, %mul3A_124 : vector<16xf32>
        %add3A_126 = arith.addf %mul3A_124, %div3A_125 : vector<16xf32>
        %mul3A_127 = arith.constant 5.000000e-01 : f32
        %mul3A_128 = vector.broadcast %mul3A_127 : f32 to vector<16xf32>
        %mul3A_129 = arith.mulf %mul3A_128, %add3A_126 : vector<16xf32>
        %div3A_130 = arith.divf %add3A_44, %mul3A_129 : vector<16xf32>
        %add3A_131 = arith.addf %mul3A_129, %div3A_130 : vector<16xf32>
        %mul3A_132 = arith.constant 5.000000e-01 : f32
        %mul3A_133 = vector.broadcast %mul3A_132 : f32 to vector<16xf32>
        %mul3A_134 = arith.mulf %mul3A_133, %add3A_131 : vector<16xf32>
        %div3A_135 = arith.divf %add3A_44, %mul3A_134 : vector<16xf32>
        %add3A_136 = arith.addf %mul3A_134, %div3A_135 : vector<16xf32>
        %mul3A_137 = arith.constant 5.000000e-01 : f32
        %mul3A_138 = vector.broadcast %mul3A_137 : f32 to vector<16xf32>
        %mul3A_139 = arith.mulf %mul3A_138, %add3A_136 : vector<16xf32>
        %div3A_140 = arith.constant 1.000000e+00 : f32
        %div3A_141 = vector.broadcast %div3A_140 : f32 to vector<16xf32>
        %div3A_142 = arith.divf %div3A_141, %mul3A_139 : vector<16xf32>
        %mul3A_143 = arith.constant 16 : i32
        %mul3A_144 = arith.muli %scan3A_38, %mul3A_143 : i32
        %swap3A = arith.index_cast %mul3A_144 : i32 to index
        %swap3A_145 = tpu.vector_load %arg8[%swap3A] {strides = array<i32>} : memref<10240xf32, #tpu.memory_space<vmem>>, vector<16xf32>,
        %swap3A_146 = vector.shape_cast %swap3A_145 : vector<16xf32> to vector<16xf32>
        %swap3A_147 = vector.shape_cast %div3A_142 : vector<16xf32> to vector<16xf32>
        tpu.vector_store %arg8[%swap3A], %swap3A_147 {strides = array<i32>} : memref<10240xf32, #tpu.memory_space<vmem>>, vector<16xf32>,
      }
      %scan3A_35 = arith.constant 40 : i32
      %mul3A_36 = arith.constant 640 : i32
      %mul3A_37 = arith.muli %arg1, %mul3A_36 : i32
      "tpu.region"() ({
        %run_scoped3A = tpu.sem_alloc : memref<!tpu.dma_semaphore, #tpu.memory_space<semaphore_mem>>
        %dma_start3A = arith.constant 0 : i32
        %dma_start3A_38 = tpu.memref_slice %arg8[%dma_start3A] : memref<10240xf32, #tpu.memory_space<vmem>> -> memref<640xf32, #tpu.memory_space<vmem>>
        %dma_start3A_39 = tpu.memref_slice %arg6[%mul3A_37] : memref<10240xf32, #tpu.memory_space<hbm>> -> memref<640xf32, #tpu.memory_space<hbm>>
        %dma_start3A_40 = tpu.memref_slice %arg6[%mul3A_37] : memref<10240xf32, #tpu.memory_space<hbm>> -> memref<640xf32, #tpu.memory_space<hbm>>
        %dma_start3A_41 = arith.constant 0 : i32
        %dma_start3A_42 = tpu.memref_slice %arg8[%dma_start3A_41] : memref<10240xf32, #tpu.memory_space<vmem>> -> memref<640xf32, #tpu.memory_space<vmem>>
        tpu.enqueue_dma source(%dma_start3A_42 : memref<640xf32, #tpu.memory_space<vmem>>) target(%dma_start3A_40 : memref<640xf32, #tpu.memory_space<hbm>>) target_semaphore(%run_scoped3A : memref<!tpu.dma_semaphore, #tpu.memory_space<semaphore_mem>>)
        %dma_wait3A = arith.constant 0 : i32
        %dma_wait3A_43 = tpu.memref_slice %arg8[%dma_wait3A] : memref<10240xf32, #tpu.memory_space<vmem>> -> memref<640xf32, #tpu.memory_space<vmem>>
        %dma_wait3A_44 = tpu.memref_slice %arg6[%mul3A_37] : memref<10240xf32, #tpu.memory_space<hbm>> -> memref<640xf32, #tpu.memory_space<hbm>>
        %dma_wait3A_45 = tpu.memref_slice %arg6[%mul3A_37] : memref<10240xf32, #tpu.memory_space<hbm>> -> memref<640xf32, #tpu.memory_space<hbm>>
        %dma_wait3A_46 = arith.constant 0 : i32
        %dma_wait3A_47 = tpu.memref_slice %arg8[%dma_wait3A_46] : memref<10240xf32, #tpu.memory_space<vmem>> -> memref<640xf32, #tpu.memory_space<vmem>>
        tpu.wait_dma2 semaphore(%run_scoped3A : memref<!tpu.dma_semaphore, #tpu.memory_space<semaphore_mem>>) src(%dma_wait3A_47 : memref<640xf32, #tpu.memory_space<vmem>>) dst(%dma_wait3A_45 : memref<640xf32, #tpu.memory_space<hbm>>)
        tpu.yield
      }) : () -> ()
    } else {
    }
    %eq3A_3 = arith.constant 1 : i32
    %eq3A_4 = arith.cmpi eq, %arg0, %eq3A_3 : i32
    %convert_element_type3A_5 = arith.extui %eq3A_4 : i1 to i32
    %cond3A_6 = arith.constant 0 : i32
    %cond3A_7 = arith.cmpi ne, %convert_element_type3A_5, %cond3A_6 : i32
    scf.if %cond3A_7 {
      %scan3A = arith.constant 0 : i32
      %scan3A_8 = arith.constant 0 : i32
      %scan3A_9 = arith.constant 640 : i32
      %scan3A_10 = arith.addi %scan3A_8, %scan3A_9 : i32
      %scan3A_11 = arith.constant 1 : i32
      scf.for %scan3A_38 = %scan3A_8 to %scan3A_10 step %scan3A_11  : i32 {
        %mul3A_39 = arith.constant 16 : i32
        %mul3A_40 = arith.muli %scan3A_38, %mul3A_39 : i32
        %swap3A = arith.index_cast %mul3A_40 : i32 to index
        %swap3A_41 = tpu.vector_load %arg8[%swap3A] {strides = array<i32>} : memref<10240xf32, #tpu.memory_space<vmem>>, vector<16xf32>,
        %swap3A_42 = vector.shape_cast %swap3A_41 : vector<16xf32> to vector<16xf32>
        %swap3A_43 = vector.shape_cast %broadcast_in_dim3A_0 : vector<16xf32> to vector<16xf32>
        tpu.vector_store %arg8[%swap3A], %swap3A_43 {strides = array<i32>} : memref<10240xf32, #tpu.memory_space<vmem>>, vector<16xf32>,
      }
      %scan3A_12 = arith.constant 640 : i32
      %eq3A_13 = arith.constant 0 : i32
      %eq3A_14 = arith.cmpi eq, %arg1, %eq3A_13 : i32
      %convert_element_type3A_15 = arith.extui %eq3A_14 : i1 to i32
      %cond3A_16 = arith.constant 0 : i32
      %cond3A_17 = arith.cmpi ne, %convert_element_type3A_15, %cond3A_16 : i32
      scf.if %cond3A_17 {
        "tpu.region"() ({
          %run_scoped3A = tpu.sem_alloc : memref<!tpu.dma_semaphore, #tpu.memory_space<semaphore_mem>>
          tpu.enqueue_dma source(%arg8 : memref<10240xf32, #tpu.memory_space<vmem>>) target(%arg11 : memref<10240xf32, #tpu.memory_space<vmem_shared>>) target_semaphore(%run_scoped3A : memref<!tpu.dma_semaphore, #tpu.memory_space<semaphore_mem>>)
          tpu.wait_dma2 semaphore(%run_scoped3A : memref<!tpu.dma_semaphore, #tpu.memory_space<semaphore_mem>>) src(%arg8 : memref<10240xf32, #tpu.memory_space<vmem>>) dst(%arg11 : memref<10240xf32, #tpu.memory_space<vmem_shared>>)
          tpu.yield
        }) : () -> ()
      } else {
      }
      %barrier3A = arith.constant 0 : index
      tpu.barrier barrier_id(%barrier3A)
      %mul3A = arith.constant 5 : i32
      %mul3A_18 = arith.muli %arg1, %mul3A : i32
      %mul3A_19 = arith.constant 32 : i32
      %mul3A_20 = arith.muli %mul3A_18, %mul3A_19 : i32
      %scan3A_21 = arith.constant 0 : i32
      %scan3A_22 = arith.constant 0 : i32
      %scan3A_23 = arith.constant 5 : i32
      %scan3A_24 = arith.addi %scan3A_22, %scan3A_23 : i32
      %scan3A_25 = arith.constant 1 : i32
      scf.for %scan3A_38 = %scan3A_22 to %scan3A_24 step %scan3A_25  : i32 {
        %mul3A_39 = arith.constant 32 : i32
        %mul3A_40 = arith.muli %scan3A_38, %mul3A_39 : i32
        %add3A = arith.addi %mul3A_20, %mul3A_40 : i32
        "tpu.region"() ({
          %run_scoped3A_104 = tpu.sem_alloc : memref<!tpu.dma_semaphore, #tpu.memory_space<semaphore_mem>>
          %dma_start3A = arith.constant 0 : i32
          %dma_start3A_105 = tpu.memref_slice %arg4[%add3A, %dma_start3A] : memref<2560x64xi32, #tpu.memory_space<hbm>> -> memref<32x64xi32, #tpu.memory_space<hbm>>
          %dma_start3A_106 = arith.constant 0 : i32
          %dma_start3A_107 = tpu.memref_slice %arg4[%add3A, %dma_start3A_106] : memref<2560x64xi32, #tpu.memory_space<hbm>> -> memref<32x64xi32, #tpu.memory_space<hbm>>
          tpu.enqueue_dma source(%dma_start3A_107 : memref<32x64xi32, #tpu.memory_space<hbm>>) target(%arg9 : memref<32x64xi32, #tpu.memory_space<vmem>>) target_semaphore(%run_scoped3A_104 : memref<!tpu.dma_semaphore, #tpu.memory_space<semaphore_mem>>)
          %dma_wait3A = arith.constant 0 : i32
          %dma_wait3A_108 = tpu.memref_slice %arg4[%add3A, %dma_wait3A] : memref<2560x64xi32, #tpu.memory_space<hbm>> -> memref<32x64xi32, #tpu.memory_space<hbm>>
          %dma_wait3A_109 = arith.constant 0 : i32
          %dma_wait3A_110 = tpu.memref_slice %arg4[%add3A, %dma_wait3A_109] : memref<2560x64xi32, #tpu.memory_space<hbm>> -> memref<32x64xi32, #tpu.memory_space<hbm>>
          tpu.wait_dma2 semaphore(%run_scoped3A_104 : memref<!tpu.dma_semaphore, #tpu.memory_space<semaphore_mem>>) src(%dma_wait3A_110 : memref<32x64xi32, #tpu.memory_space<hbm>>) dst(%arg9 : memref<32x64xi32, #tpu.memory_space<vmem>>)
          tpu.yield
        }) : () -> ()
        "tpu.region"() ({
          %run_scoped3A_104 = tpu.sem_alloc : memref<!tpu.dma_semaphore, #tpu.memory_space<semaphore_mem>>
          %dma_start3A = arith.constant 0 : i32
          %dma_start3A_105 = tpu.memref_slice %arg5[%add3A, %dma_start3A] : memref<2560x64xf32, #tpu.memory_space<hbm>> -> memref<32x64xf32, #tpu.memory_space<hbm>>
          %dma_start3A_106 = arith.constant 0 : i32
          %dma_start3A_107 = tpu.memref_slice %arg5[%add3A, %dma_start3A_106] : memref<2560x64xf32, #tpu.memory_space<hbm>> -> memref<32x64xf32, #tpu.memory_space<hbm>>
          tpu.enqueue_dma source(%dma_start3A_107 : memref<32x64xf32, #tpu.memory_space<hbm>>) target(%arg10 : memref<32x64xf32, #tpu.memory_space<vmem>>) target_semaphore(%run_scoped3A_104 : memref<!tpu.dma_semaphore, #tpu.memory_space<semaphore_mem>>)
          %dma_wait3A = arith.constant 0 : i32
          %dma_wait3A_108 = tpu.memref_slice %arg5[%add3A, %dma_wait3A] : memref<2560x64xf32, #tpu.memory_space<hbm>> -> memref<32x64xf32, #tpu.memory_space<hbm>>
          %dma_wait3A_109 = arith.constant 0 : i32
          %dma_wait3A_110 = tpu.memref_slice %arg5[%add3A, %dma_wait3A_109] : memref<2560x64xf32, #tpu.memory_space<hbm>> -> memref<32x64xf32, #tpu.memory_space<hbm>>
          tpu.wait_dma2 semaphore(%run_scoped3A_104 : memref<!tpu.dma_semaphore, #tpu.memory_space<semaphore_mem>>) src(%dma_wait3A_110 : memref<32x64xf32, #tpu.memory_space<hbm>>) dst(%arg10 : memref<32x64xf32, #tpu.memory_space<vmem>>)
          tpu.yield
        }) : () -> ()
        %run_scoped3A = arith.constant 0 : i32
        %run_scoped3A_41 = arith.constant 0 : i32
        "tpu.region"() ({
          %run_scoped3A_104 = tpu.sem_alloc : memref<!tpu.dma_semaphore, #tpu.memory_space<semaphore_mem>>
          %dma_start3A = arith.constant 0 : i32
          %dma_start3A_105 = tpu.memref_slice %arg10[%run_scoped3A, %dma_start3A] : memref<32x64xf32, #tpu.memory_space<vmem>> -> memref<1x64xf32, #tpu.memory_space<vmem>>
          %dma_start3A_106 = tpu.memref_squeeze %dma_start3A_105 : memref<1x64xf32, #tpu.memory_space<vmem>> -> memref<64xf32, #tpu.memory_space<vmem>>
          %dma_start3A_107 = arith.constant 0 : i32
          %dma_start3A_108 = tpu.memref_slice %arg9[%run_scoped3A_41, %dma_start3A_107] : memref<32x64xi32, #tpu.memory_space<vmem>> -> memref<1x64xi32, #tpu.memory_space<vmem>>
          %dma_start3A_109 = tpu.memref_squeeze %dma_start3A_108 : memref<1x64xi32, #tpu.memory_space<vmem>> -> memref<64xi32, #tpu.memory_space<vmem>>
          %dma_start3A_110 = arith.constant 0 : i32
          %dma_start3A_111 = tpu.memref_slice %arg11[%dma_start3A_110] : memref<10240xf32, #tpu.memory_space<vmem_shared>> -> memref<10240xf32, #tpu.memory_space<vmem_shared>>
          tpu.enqueue_indirect_dma source(%dma_start3A_106 : memref<64xf32, #tpu.memory_space<vmem>>) target(%dma_start3A_111 : memref<10240xf32, #tpu.memory_space<vmem_shared>>) offsets(%dma_start3A_109 : memref<64xi32, #tpu.memory_space<vmem>>) semaphore(%run_scoped3A_104 : memref<!tpu.dma_semaphore, #tpu.memory_space<semaphore_mem>>) {add = true}
          %dma_wait3A = arith.constant 0 : i32
          %dma_wait3A_112 = tpu.memref_slice %arg10[%run_scoped3A, %dma_wait3A] : memref<32x64xf32, #tpu.memory_space<vmem>> -> memref<1x64xf32, #tpu.memory_space<vmem>>
          %dma_wait3A_113 = tpu.memref_squeeze %dma_wait3A_112 : memref<1x64xf32, #tpu.memory_space<vmem>> -> memref<64xf32, #tpu.memory_space<vmem>>
          %dma_wait3A_114 = arith.constant 0 : i32
          %dma_wait3A_115 = tpu.memref_slice %arg9[%run_scoped3A_41, %dma_wait3A_114] : memref<32x64xi32, #tpu.memory_space<vmem>> -> memref<1x64xi32, #tpu.memory_space<vmem>>
          %dma_wait3A_116 = tpu.memref_squeeze %dma_wait3A_115 : memref<1x64xi32, #tpu.memory_space<vmem>> -> memref<64xi32, #tpu.memory_space<vmem>>
          %dma_wait3A_117 = arith.constant 0 : i32
          %dma_wait3A_118 = tpu.memref_slice %arg11[%dma_wait3A_117] : memref<10240xf32, #tpu.memory_space<vmem_shared>> -> memref<10240xf32, #tpu.memory_space<vmem_shared>>
          tpu.wait_indirect_dma semaphore(%run_scoped3A_104 : memref<!tpu.dma_semaphore, #tpu.memory_space<semaphore_mem>>) src(%dma_wait3A_113 : memref<64xf32, #tpu.memory_space<vmem>>) dst(%dma_wait3A_118 : memref<10240xf32, #tpu.memory_space<vmem_shared>>)
          tpu.yield
        }) : () -> ()
        %run_scoped3A_42 = arith.constant 1 : i32
        %run_scoped3A_43 = arith.constant 1 : i32
        "tpu.region"() ({
          %run_scoped3A_104 = tpu.sem_alloc : memref<!tpu.dma_semaphore, #tpu.memory_space<semaphore_mem>>
          %dma_start3A = arith.constant 0 : i32
          %dma_start3A_105 = tpu.memref_slice %arg10[%run_scoped3A_42, %dma_start3A] : memref<32x64xf32, #tpu.memory_space<vmem>> -> memref<1x64xf32, #tpu.memory_space<vmem>>
          %dma_start3A_106 = tpu.memref_squeeze %dma_start3A_105 : memref<1x64xf32, #tpu.memory_space<vmem>> -> memref<64xf32, #tpu.memory_space<vmem>>
          %dma_start3A_107 = arith.constant 0 : i32
          %dma_start3A_108 = tpu.memref_slice %arg9[%run_scoped3A_43, %dma_start3A_107] : memref<32x64xi32, #tpu.memory_space<vmem>> -> memref<1x64xi32, #tpu.memory_space<vmem>>
          %dma_start3A_109 = tpu.memref_squeeze %dma_start3A_108 : memref<1x64xi32, #tpu.memory_space<vmem>> -> memref<64xi32, #tpu.memory_space<vmem>>
          %dma_start3A_110 = arith.constant 0 : i32
          %dma_start3A_111 = tpu.memref_slice %arg11[%dma_start3A_110] : memref<10240xf32, #tpu.memory_space<vmem_shared>> -> memref<10240xf32, #tpu.memory_space<vmem_shared>>
          tpu.enqueue_indirect_dma source(%dma_start3A_106 : memref<64xf32, #tpu.memory_space<vmem>>) target(%dma_start3A_111 : memref<10240xf32, #tpu.memory_space<vmem_shared>>) offsets(%dma_start3A_109 : memref<64xi32, #tpu.memory_space<vmem>>) semaphore(%run_scoped3A_104 : memref<!tpu.dma_semaphore, #tpu.memory_space<semaphore_mem>>) {add = true}
          %dma_wait3A = arith.constant 0 : i32
          %dma_wait3A_112 = tpu.memref_slice %arg10[%run_scoped3A_42, %dma_wait3A] : memref<32x64xf32, #tpu.memory_space<vmem>> -> memref<1x64xf32, #tpu.memory_space<vmem>>
          %dma_wait3A_113 = tpu.memref_squeeze %dma_wait3A_112 : memref<1x64xf32, #tpu.memory_space<vmem>> -> memref<64xf32, #tpu.memory_space<vmem>>
          %dma_wait3A_114 = arith.constant 0 : i32
          %dma_wait3A_115 = tpu.memref_slice %arg9[%run_scoped3A_43, %dma_wait3A_114] : memref<32x64xi32, #tpu.memory_space<vmem>> -> memref<1x64xi32, #tpu.memory_space<vmem>>
          %dma_wait3A_116 = tpu.memref_squeeze %dma_wait3A_115 : memref<1x64xi32, #tpu.memory_space<vmem>> -> memref<64xi32, #tpu.memory_space<vmem>>
          %dma_wait3A_117 = arith.constant 0 : i32
          %dma_wait3A_118 = tpu.memref_slice %arg11[%dma_wait3A_117] : memref<10240xf32, #tpu.memory_space<vmem_shared>> -> memref<10240xf32, #tpu.memory_space<vmem_shared>>
          tpu.wait_indirect_dma semaphore(%run_scoped3A_104 : memref<!tpu.dma_semaphore, #tpu.memory_space<semaphore_mem>>) src(%dma_wait3A_113 : memref<64xf32, #tpu.memory_space<vmem>>) dst(%dma_wait3A_118 : memref<10240xf32, #tpu.memory_space<vmem_shared>>)
          tpu.yield
        }) : () -> ()
        %run_scoped3A_44 = arith.constant 2 : i32
        %run_scoped3A_45 = arith.constant 2 : i32
        "tpu.region"() ({
          %run_scoped3A_104 = tpu.sem_alloc : memref<!tpu.dma_semaphore, #tpu.memory_space<semaphore_mem>>
          %dma_start3A = arith.constant 0 : i32
          %dma_start3A_105 = tpu.memref_slice %arg10[%run_scoped3A_44, %dma_start3A] : memref<32x64xf32, #tpu.memory_space<vmem>> -> memref<1x64xf32, #tpu.memory_space<vmem>>
          %dma_start3A_106 = tpu.memref_squeeze %dma_start3A_105 : memref<1x64xf32, #tpu.memory_space<vmem>> -> memref<64xf32, #tpu.memory_space<vmem>>
          %dma_start3A_107 = arith.constant 0 : i32
          %dma_start3A_108 = tpu.memref_slice %arg9[%run_scoped3A_45, %dma_start3A_107] : memref<32x64xi32, #tpu.memory_space<vmem>> -> memref<1x64xi32, #tpu.memory_space<vmem>>
          %dma_start3A_109 = tpu.memref_squeeze %dma_start3A_108 : memref<1x64xi32, #tpu.memory_space<vmem>> -> memref<64xi32, #tpu.memory_space<vmem>>
          %dma_start3A_110 = arith.constant 0 : i32
          %dma_start3A_111 = tpu.memref_slice %arg11[%dma_start3A_110] : memref<10240xf32, #tpu.memory_space<vmem_shared>> -> memref<10240xf32, #tpu.memory_space<vmem_shared>>
          tpu.enqueue_indirect_dma source(%dma_start3A_106 : memref<64xf32, #tpu.memory_space<vmem>>) target(%dma_start3A_111 : memref<10240xf32, #tpu.memory_space<vmem_shared>>) offsets(%dma_start3A_109 : memref<64xi32, #tpu.memory_space<vmem>>) semaphore(%run_scoped3A_104 : memref<!tpu.dma_semaphore, #tpu.memory_space<semaphore_mem>>) {add = true}
          %dma_wait3A = arith.constant 0 : i32
          %dma_wait3A_112 = tpu.memref_slice %arg10[%run_scoped3A_44, %dma_wait3A] : memref<32x64xf32, #tpu.memory_space<vmem>> -> memref<1x64xf32, #tpu.memory_space<vmem>>
          %dma_wait3A_113 = tpu.memref_squeeze %dma_wait3A_112 : memref<1x64xf32, #tpu.memory_space<vmem>> -> memref<64xf32, #tpu.memory_space<vmem>>
          %dma_wait3A_114 = arith.constant 0 : i32
          %dma_wait3A_115 = tpu.memref_slice %arg9[%run_scoped3A_45, %dma_wait3A_114] : memref<32x64xi32, #tpu.memory_space<vmem>> -> memref<1x64xi32, #tpu.memory_space<vmem>>
          %dma_wait3A_116 = tpu.memref_squeeze %dma_wait3A_115 : memref<1x64xi32, #tpu.memory_space<vmem>> -> memref<64xi32, #tpu.memory_space<vmem>>
          %dma_wait3A_117 = arith.constant 0 : i32
          %dma_wait3A_118 = tpu.memref_slice %arg11[%dma_wait3A_117] : memref<10240xf32, #tpu.memory_space<vmem_shared>> -> memref<10240xf32, #tpu.memory_space<vmem_shared>>
          tpu.wait_indirect_dma semaphore(%run_scoped3A_104 : memref<!tpu.dma_semaphore, #tpu.memory_space<semaphore_mem>>) src(%dma_wait3A_113 : memref<64xf32, #tpu.memory_space<vmem>>) dst(%dma_wait3A_118 : memref<10240xf32, #tpu.memory_space<vmem_shared>>)
          tpu.yield
        }) : () -> ()
        %run_scoped3A_46 = arith.constant 3 : i32
        %run_scoped3A_47 = arith.constant 3 : i32
        "tpu.region"() ({
          %run_scoped3A_104 = tpu.sem_alloc : memref<!tpu.dma_semaphore, #tpu.memory_space<semaphore_mem>>
          %dma_start3A = arith.constant 0 : i32
          %dma_start3A_105 = tpu.memref_slice %arg10[%run_scoped3A_46, %dma_start3A] : memref<32x64xf32, #tpu.memory_space<vmem>> -> memref<1x64xf32, #tpu.memory_space<vmem>>
          %dma_start3A_106 = tpu.memref_squeeze %dma_start3A_105 : memref<1x64xf32, #tpu.memory_space<vmem>> -> memref<64xf32, #tpu.memory_space<vmem>>
          %dma_start3A_107 = arith.constant 0 : i32
          %dma_start3A_108 = tpu.memref_slice %arg9[%run_scoped3A_47, %dma_start3A_107] : memref<32x64xi32, #tpu.memory_space<vmem>> -> memref<1x64xi32, #tpu.memory_space<vmem>>
          %dma_start3A_109 = tpu.memref_squeeze %dma_start3A_108 : memref<1x64xi32, #tpu.memory_space<vmem>> -> memref<64xi32, #tpu.memory_space<vmem>>
          %dma_start3A_110 = arith.constant 0 : i32
          %dma_start3A_111 = tpu.memref_slice %arg11[%dma_start3A_110] : memref<10240xf32, #tpu.memory_space<vmem_shared>> -> memref<10240xf32, #tpu.memory_space<vmem_shared>>
          tpu.enqueue_indirect_dma source(%dma_start3A_106 : memref<64xf32, #tpu.memory_space<vmem>>) target(%dma_start3A_111 : memref<10240xf32, #tpu.memory_space<vmem_shared>>) offsets(%dma_start3A_109 : memref<64xi32, #tpu.memory_space<vmem>>) semaphore(%run_scoped3A_104 : memref<!tpu.dma_semaphore, #tpu.memory_space<semaphore_mem>>) {add = true}
          %dma_wait3A = arith.constant 0 : i32
          %dma_wait3A_112 = tpu.memref_slice %arg10[%run_scoped3A_46, %dma_wait3A] : memref<32x64xf32, #tpu.memory_space<vmem>> -> memref<1x64xf32, #tpu.memory_space<vmem>>
          %dma_wait3A_113 = tpu.memref_squeeze %dma_wait3A_112 : memref<1x64xf32, #tpu.memory_space<vmem>> -> memref<64xf32, #tpu.memory_space<vmem>>
          %dma_wait3A_114 = arith.constant 0 : i32
          %dma_wait3A_115 = tpu.memref_slice %arg9[%run_scoped3A_47, %dma_wait3A_114] : memref<32x64xi32, #tpu.memory_space<vmem>> -> memref<1x64xi32, #tpu.memory_space<vmem>>
          %dma_wait3A_116 = tpu.memref_squeeze %dma_wait3A_115 : memref<1x64xi32, #tpu.memory_space<vmem>> -> memref<64xi32, #tpu.memory_space<vmem>>
          %dma_wait3A_117 = arith.constant 0 : i32
          %dma_wait3A_118 = tpu.memref_slice %arg11[%dma_wait3A_117] : memref<10240xf32, #tpu.memory_space<vmem_shared>> -> memref<10240xf32, #tpu.memory_space<vmem_shared>>
          tpu.wait_indirect_dma semaphore(%run_scoped3A_104 : memref<!tpu.dma_semaphore, #tpu.memory_space<semaphore_mem>>) src(%dma_wait3A_113 : memref<64xf32, #tpu.memory_space<vmem>>) dst(%dma_wait3A_118 : memref<10240xf32, #tpu.memory_space<vmem_shared>>)
          tpu.yield
        }) : () -> ()
        %run_scoped3A_48 = arith.constant 4 : i32
        %run_scoped3A_49 = arith.constant 4 : i32
        "tpu.region"() ({
          %run_scoped3A_104 = tpu.sem_alloc : memref<!tpu.dma_semaphore, #tpu.memory_space<semaphore_mem>>
          %dma_start3A = arith.constant 0 : i32
          %dma_start3A_105 = tpu.memref_slice %arg10[%run_scoped3A_48, %dma_start3A] : memref<32x64xf32, #tpu.memory_space<vmem>> -> memref<1x64xf32, #tpu.memory_space<vmem>>
          %dma_start3A_106 = tpu.memref_squeeze %dma_start3A_105 : memref<1x64xf32, #tpu.memory_space<vmem>> -> memref<64xf32, #tpu.memory_space<vmem>>
          %dma_start3A_107 = arith.constant 0 : i32
          %dma_start3A_108 = tpu.memref_slice %arg9[%run_scoped3A_49, %dma_start3A_107] : memref<32x64xi32, #tpu.memory_space<vmem>> -> memref<1x64xi32, #tpu.memory_space<vmem>>
          %dma_start3A_109 = tpu.memref_squeeze %dma_start3A_108 : memref<1x64xi32, #tpu.memory_space<vmem>> -> memref<64xi32, #tpu.memory_space<vmem>>
          %dma_start3A_110 = arith.constant 0 : i32
          %dma_start3A_111 = tpu.memref_slice %arg11[%dma_start3A_110] : memref<10240xf32, #tpu.memory_space<vmem_shared>> -> memref<10240xf32, #tpu.memory_space<vmem_shared>>
          tpu.enqueue_indirect_dma source(%dma_start3A_106 : memref<64xf32, #tpu.memory_space<vmem>>) target(%dma_start3A_111 : memref<10240xf32, #tpu.memory_space<vmem_shared>>) offsets(%dma_start3A_109 : memref<64xi32, #tpu.memory_space<vmem>>) semaphore(%run_scoped3A_104 : memref<!tpu.dma_semaphore, #tpu.memory_space<semaphore_mem>>) {add = true}
          %dma_wait3A = arith.constant 0 : i32
          %dma_wait3A_112 = tpu.memref_slice %arg10[%run_scoped3A_48, %dma_wait3A] : memref<32x64xf32, #tpu.memory_space<vmem>> -> memref<1x64xf32, #tpu.memory_space<vmem>>
          %dma_wait3A_113 = tpu.memref_squeeze %dma_wait3A_112 : memref<1x64xf32, #tpu.memory_space<vmem>> -> memref<64xf32, #tpu.memory_space<vmem>>
          %dma_wait3A_114 = arith.constant 0 : i32
          %dma_wait3A_115 = tpu.memref_slice %arg9[%run_scoped3A_49, %dma_wait3A_114] : memref<32x64xi32, #tpu.memory_space<vmem>> -> memref<1x64xi32, #tpu.memory_space<vmem>>
          %dma_wait3A_116 = tpu.memref_squeeze %dma_wait3A_115 : memref<1x64xi32, #tpu.memory_space<vmem>> -> memref<64xi32, #tpu.memory_space<vmem>>
          %dma_wait3A_117 = arith.constant 0 : i32
          %dma_wait3A_118 = tpu.memref_slice %arg11[%dma_wait3A_117] : memref<10240xf32, #tpu.memory_space<vmem_shared>> -> memref<10240xf32, #tpu.memory_space<vmem_shared>>
          tpu.wait_indirect_dma semaphore(%run_scoped3A_104 : memref<!tpu.dma_semaphore, #tpu.memory_space<semaphore_mem>>) src(%dma_wait3A_113 : memref<64xf32, #tpu.memory_space<vmem>>) dst(%dma_wait3A_118 : memref<10240xf32, #tpu.memory_space<vmem_shared>>)
          tpu.yield
        }) : () -> ()
        %run_scoped3A_50 = arith.constant 5 : i32
        %run_scoped3A_51 = arith.constant 5 : i32
        "tpu.region"() ({
          %run_scoped3A_104 = tpu.sem_alloc : memref<!tpu.dma_semaphore, #tpu.memory_space<semaphore_mem>>
          %dma_start3A = arith.constant 0 : i32
          %dma_start3A_105 = tpu.memref_slice %arg10[%run_scoped3A_50, %dma_start3A] : memref<32x64xf32, #tpu.memory_space<vmem>> -> memref<1x64xf32, #tpu.memory_space<vmem>>
          %dma_start3A_106 = tpu.memref_squeeze %dma_start3A_105 : memref<1x64xf32, #tpu.memory_space<vmem>> -> memref<64xf32, #tpu.memory_space<vmem>>
          %dma_start3A_107 = arith.constant 0 : i32
          %dma_start3A_108 = tpu.memref_slice %arg9[%run_scoped3A_51, %dma_start3A_107] : memref<32x64xi32, #tpu.memory_space<vmem>> -> memref<1x64xi32, #tpu.memory_space<vmem>>
          %dma_start3A_109 = tpu.memref_squeeze %dma_start3A_108 : memref<1x64xi32, #tpu.memory_space<vmem>> -> memref<64xi32, #tpu.memory_space<vmem>>
          %dma_start3A_110 = arith.constant 0 : i32
          %dma_start3A_111 = tpu.memref_slice %arg11[%dma_start3A_110] : memref<10240xf32, #tpu.memory_space<vmem_shared>> -> memref<10240xf32, #tpu.memory_space<vmem_shared>>
          tpu.enqueue_indirect_dma source(%dma_start3A_106 : memref<64xf32, #tpu.memory_space<vmem>>) target(%dma_start3A_111 : memref<10240xf32, #tpu.memory_space<vmem_shared>>) offsets(%dma_start3A_109 : memref<64xi32, #tpu.memory_space<vmem>>) semaphore(%run_scoped3A_104 : memref<!tpu.dma_semaphore, #tpu.memory_space<semaphore_mem>>) {add = true}
          %dma_wait3A = arith.constant 0 : i32
          %dma_wait3A_112 = tpu.memref_slice %arg10[%run_scoped3A_50, %dma_wait3A] : memref<32x64xf32, #tpu.memory_space<vmem>> -> memref<1x64xf32, #tpu.memory_space<vmem>>
          %dma_wait3A_113 = tpu.memref_squeeze %dma_wait3A_112 : memref<1x64xf32, #tpu.memory_space<vmem>> -> memref<64xf32, #tpu.memory_space<vmem>>
          %dma_wait3A_114 = arith.constant 0 : i32
          %dma_wait3A_115 = tpu.memref_slice %arg9[%run_scoped3A_51, %dma_wait3A_114] : memref<32x64xi32, #tpu.memory_space<vmem>> -> memref<1x64xi32, #tpu.memory_space<vmem>>
          %dma_wait3A_116 = tpu.memref_squeeze %dma_wait3A_115 : memref<1x64xi32, #tpu.memory_space<vmem>> -> memref<64xi32, #tpu.memory_space<vmem>>
          %dma_wait3A_117 = arith.constant 0 : i32
          %dma_wait3A_118 = tpu.memref_slice %arg11[%dma_wait3A_117] : memref<10240xf32, #tpu.memory_space<vmem_shared>> -> memref<10240xf32, #tpu.memory_space<vmem_shared>>
          tpu.wait_indirect_dma semaphore(%run_scoped3A_104 : memref<!tpu.dma_semaphore, #tpu.memory_space<semaphore_mem>>) src(%dma_wait3A_113 : memref<64xf32, #tpu.memory_space<vmem>>) dst(%dma_wait3A_118 : memref<10240xf32, #tpu.memory_space<vmem_shared>>)
          tpu.yield
        }) : () -> ()
        %run_scoped3A_52 = arith.constant 6 : i32
        %run_scoped3A_53 = arith.constant 6 : i32
        "tpu.region"() ({
          %run_scoped3A_104 = tpu.sem_alloc : memref<!tpu.dma_semaphore, #tpu.memory_space<semaphore_mem>>
          %dma_start3A = arith.constant 0 : i32
          %dma_start3A_105 = tpu.memref_slice %arg10[%run_scoped3A_52, %dma_start3A] : memref<32x64xf32, #tpu.memory_space<vmem>> -> memref<1x64xf32, #tpu.memory_space<vmem>>
          %dma_start3A_106 = tpu.memref_squeeze %dma_start3A_105 : memref<1x64xf32, #tpu.memory_space<vmem>> -> memref<64xf32, #tpu.memory_space<vmem>>
          %dma_start3A_107 = arith.constant 0 : i32
          %dma_start3A_108 = tpu.memref_slice %arg9[%run_scoped3A_53, %dma_start3A_107] : memref<32x64xi32, #tpu.memory_space<vmem>> -> memref<1x64xi32, #tpu.memory_space<vmem>>
          %dma_start3A_109 = tpu.memref_squeeze %dma_start3A_108 : memref<1x64xi32, #tpu.memory_space<vmem>> -> memref<64xi32, #tpu.memory_space<vmem>>
          %dma_start3A_110 = arith.constant 0 : i32
          %dma_start3A_111 = tpu.memref_slice %arg11[%dma_start3A_110] : memref<10240xf32, #tpu.memory_space<vmem_shared>> -> memref<10240xf32, #tpu.memory_space<vmem_shared>>
          tpu.enqueue_indirect_dma source(%dma_start3A_106 : memref<64xf32, #tpu.memory_space<vmem>>) target(%dma_start3A_111 : memref<10240xf32, #tpu.memory_space<vmem_shared>>) offsets(%dma_start3A_109 : memref<64xi32, #tpu.memory_space<vmem>>) semaphore(%run_scoped3A_104 : memref<!tpu.dma_semaphore, #tpu.memory_space<semaphore_mem>>) {add = true}
          %dma_wait3A = arith.constant 0 : i32
          %dma_wait3A_112 = tpu.memref_slice %arg10[%run_scoped3A_52, %dma_wait3A] : memref<32x64xf32, #tpu.memory_space<vmem>> -> memref<1x64xf32, #tpu.memory_space<vmem>>
          %dma_wait3A_113 = tpu.memref_squeeze %dma_wait3A_112 : memref<1x64xf32, #tpu.memory_space<vmem>> -> memref<64xf32, #tpu.memory_space<vmem>>
          %dma_wait3A_114 = arith.constant 0 : i32
          %dma_wait3A_115 = tpu.memref_slice %arg9[%run_scoped3A_53, %dma_wait3A_114] : memref<32x64xi32, #tpu.memory_space<vmem>> -> memref<1x64xi32, #tpu.memory_space<vmem>>
          %dma_wait3A_116 = tpu.memref_squeeze %dma_wait3A_115 : memref<1x64xi32, #tpu.memory_space<vmem>> -> memref<64xi32, #tpu.memory_space<vmem>>
          %dma_wait3A_117 = arith.constant 0 : i32
          %dma_wait3A_118 = tpu.memref_slice %arg11[%dma_wait3A_117] : memref<10240xf32, #tpu.memory_space<vmem_shared>> -> memref<10240xf32, #tpu.memory_space<vmem_shared>>
          tpu.wait_indirect_dma semaphore(%run_scoped3A_104 : memref<!tpu.dma_semaphore, #tpu.memory_space<semaphore_mem>>) src(%dma_wait3A_113 : memref<64xf32, #tpu.memory_space<vmem>>) dst(%dma_wait3A_118 : memref<10240xf32, #tpu.memory_space<vmem_shared>>)
          tpu.yield
        }) : () -> ()
        %run_scoped3A_54 = arith.constant 7 : i32
        %run_scoped3A_55 = arith.constant 7 : i32
        "tpu.region"() ({
          %run_scoped3A_104 = tpu.sem_alloc : memref<!tpu.dma_semaphore, #tpu.memory_space<semaphore_mem>>
          %dma_start3A = arith.constant 0 : i32
          %dma_start3A_105 = tpu.memref_slice %arg10[%run_scoped3A_54, %dma_start3A] : memref<32x64xf32, #tpu.memory_space<vmem>> -> memref<1x64xf32, #tpu.memory_space<vmem>>
          %dma_start3A_106 = tpu.memref_squeeze %dma_start3A_105 : memref<1x64xf32, #tpu.memory_space<vmem>> -> memref<64xf32, #tpu.memory_space<vmem>>
          %dma_start3A_107 = arith.constant 0 : i32
          %dma_start3A_108 = tpu.memref_slice %arg9[%run_scoped3A_55, %dma_start3A_107] : memref<32x64xi32, #tpu.memory_space<vmem>> -> memref<1x64xi32, #tpu.memory_space<vmem>>
          %dma_start3A_109 = tpu.memref_squeeze %dma_start3A_108 : memref<1x64xi32, #tpu.memory_space<vmem>> -> memref<64xi32, #tpu.memory_space<vmem>>
          %dma_start3A_110 = arith.constant 0 : i32
          %dma_start3A_111 = tpu.memref_slice %arg11[%dma_start3A_110] : memref<10240xf32, #tpu.memory_space<vmem_shared>> -> memref<10240xf32, #tpu.memory_space<vmem_shared>>
          tpu.enqueue_indirect_dma source(%dma_start3A_106 : memref<64xf32, #tpu.memory_space<vmem>>) target(%dma_start3A_111 : memref<10240xf32, #tpu.memory_space<vmem_shared>>) offsets(%dma_start3A_109 : memref<64xi32, #tpu.memory_space<vmem>>) semaphore(%run_scoped3A_104 : memref<!tpu.dma_semaphore, #tpu.memory_space<semaphore_mem>>) {add = true}
          %dma_wait3A = arith.constant 0 : i32
          %dma_wait3A_112 = tpu.memref_slice %arg10[%run_scoped3A_54, %dma_wait3A] : memref<32x64xf32, #tpu.memory_space<vmem>> -> memref<1x64xf32, #tpu.memory_space<vmem>>
          %dma_wait3A_113 = tpu.memref_squeeze %dma_wait3A_112 : memref<1x64xf32, #tpu.memory_space<vmem>> -> memref<64xf32, #tpu.memory_space<vmem>>
          %dma_wait3A_114 = arith.constant 0 : i32
          %dma_wait3A_115 = tpu.memref_slice %arg9[%run_scoped3A_55, %dma_wait3A_114] : memref<32x64xi32, #tpu.memory_space<vmem>> -> memref<1x64xi32, #tpu.memory_space<vmem>>
          %dma_wait3A_116 = tpu.memref_squeeze %dma_wait3A_115 : memref<1x64xi32, #tpu.memory_space<vmem>> -> memref<64xi32, #tpu.memory_space<vmem>>
          %dma_wait3A_117 = arith.constant 0 : i32
          %dma_wait3A_118 = tpu.memref_slice %arg11[%dma_wait3A_117] : memref<10240xf32, #tpu.memory_space<vmem_shared>> -> memref<10240xf32, #tpu.memory_space<vmem_shared>>
          tpu.wait_indirect_dma semaphore(%run_scoped3A_104 : memref<!tpu.dma_semaphore, #tpu.memory_space<semaphore_mem>>) src(%dma_wait3A_113 : memref<64xf32, #tpu.memory_space<vmem>>) dst(%dma_wait3A_118 : memref<10240xf32, #tpu.memory_space<vmem_shared>>)
          tpu.yield
        }) : () -> ()
        %run_scoped3A_56 = arith.constant 8 : i32
        %run_scoped3A_57 = arith.constant 8 : i32
        "tpu.region"() ({
          %run_scoped3A_104 = tpu.sem_alloc : memref<!tpu.dma_semaphore, #tpu.memory_space<semaphore_mem>>
          %dma_start3A = arith.constant 0 : i32
          %dma_start3A_105 = tpu.memref_slice %arg10[%run_scoped3A_56, %dma_start3A] : memref<32x64xf32, #tpu.memory_space<vmem>> -> memref<1x64xf32, #tpu.memory_space<vmem>>
          %dma_start3A_106 = tpu.memref_squeeze %dma_start3A_105 : memref<1x64xf32, #tpu.memory_space<vmem>> -> memref<64xf32, #tpu.memory_space<vmem>>
          %dma_start3A_107 = arith.constant 0 : i32
          %dma_start3A_108 = tpu.memref_slice %arg9[%run_scoped3A_57, %dma_start3A_107] : memref<32x64xi32, #tpu.memory_space<vmem>> -> memref<1x64xi32, #tpu.memory_space<vmem>>
          %dma_start3A_109 = tpu.memref_squeeze %dma_start3A_108 : memref<1x64xi32, #tpu.memory_space<vmem>> -> memref<64xi32, #tpu.memory_space<vmem>>
          %dma_start3A_110 = arith.constant 0 : i32
          %dma_start3A_111 = tpu.memref_slice %arg11[%dma_start3A_110] : memref<10240xf32, #tpu.memory_space<vmem_shared>> -> memref<10240xf32, #tpu.memory_space<vmem_shared>>
          tpu.enqueue_indirect_dma source(%dma_start3A_106 : memref<64xf32, #tpu.memory_space<vmem>>) target(%dma_start3A_111 : memref<10240xf32, #tpu.memory_space<vmem_shared>>) offsets(%dma_start3A_109 : memref<64xi32, #tpu.memory_space<vmem>>) semaphore(%run_scoped3A_104 : memref<!tpu.dma_semaphore, #tpu.memory_space<semaphore_mem>>) {add = true}
          %dma_wait3A = arith.constant 0 : i32
          %dma_wait3A_112 = tpu.memref_slice %arg10[%run_scoped3A_56, %dma_wait3A] : memref<32x64xf32, #tpu.memory_space<vmem>> -> memref<1x64xf32, #tpu.memory_space<vmem>>
          %dma_wait3A_113 = tpu.memref_squeeze %dma_wait3A_112 : memref<1x64xf32, #tpu.memory_space<vmem>> -> memref<64xf32, #tpu.memory_space<vmem>>
          %dma_wait3A_114 = arith.constant 0 : i32
          %dma_wait3A_115 = tpu.memref_slice %arg9[%run_scoped3A_57, %dma_wait3A_114] : memref<32x64xi32, #tpu.memory_space<vmem>> -> memref<1x64xi32, #tpu.memory_space<vmem>>
          %dma_wait3A_116 = tpu.memref_squeeze %dma_wait3A_115 : memref<1x64xi32, #tpu.memory_space<vmem>> -> memref<64xi32, #tpu.memory_space<vmem>>
          %dma_wait3A_117 = arith.constant 0 : i32
          %dma_wait3A_118 = tpu.memref_slice %arg11[%dma_wait3A_117] : memref<10240xf32, #tpu.memory_space<vmem_shared>> -> memref<10240xf32, #tpu.memory_space<vmem_shared>>
          tpu.wait_indirect_dma semaphore(%run_scoped3A_104 : memref<!tpu.dma_semaphore, #tpu.memory_space<semaphore_mem>>) src(%dma_wait3A_113 : memref<64xf32, #tpu.memory_space<vmem>>) dst(%dma_wait3A_118 : memref<10240xf32, #tpu.memory_space<vmem_shared>>)
          tpu.yield
        }) : () -> ()
        %run_scoped3A_58 = arith.constant 9 : i32
        %run_scoped3A_59 = arith.constant 9 : i32
        "tpu.region"() ({
          %run_scoped3A_104 = tpu.sem_alloc : memref<!tpu.dma_semaphore, #tpu.memory_space<semaphore_mem>>
          %dma_start3A = arith.constant 0 : i32
          %dma_start3A_105 = tpu.memref_slice %arg10[%run_scoped3A_58, %dma_start3A] : memref<32x64xf32, #tpu.memory_space<vmem>> -> memref<1x64xf32, #tpu.memory_space<vmem>>
          %dma_start3A_106 = tpu.memref_squeeze %dma_start3A_105 : memref<1x64xf32, #tpu.memory_space<vmem>> -> memref<64xf32, #tpu.memory_space<vmem>>
          %dma_start3A_107 = arith.constant 0 : i32
          %dma_start3A_108 = tpu.memref_slice %arg9[%run_scoped3A_59, %dma_start3A_107] : memref<32x64xi32, #tpu.memory_space<vmem>> -> memref<1x64xi32, #tpu.memory_space<vmem>>
          %dma_start3A_109 = tpu.memref_squeeze %dma_start3A_108 : memref<1x64xi32, #tpu.memory_space<vmem>> -> memref<64xi32, #tpu.memory_space<vmem>>
          %dma_start3A_110 = arith.constant 0 : i32
          %dma_start3A_111 = tpu.memref_slice %arg11[%dma_start3A_110] : memref<10240xf32, #tpu.memory_space<vmem_shared>> -> memref<10240xf32, #tpu.memory_space<vmem_shared>>
          tpu.enqueue_indirect_dma source(%dma_start3A_106 : memref<64xf32, #tpu.memory_space<vmem>>) target(%dma_start3A_111 : memref<10240xf32, #tpu.memory_space<vmem_shared>>) offsets(%dma_start3A_109 : memref<64xi32, #tpu.memory_space<vmem>>) semaphore(%run_scoped3A_104 : memref<!tpu.dma_semaphore, #tpu.memory_space<semaphore_mem>>) {add = true}
          %dma_wait3A = arith.constant 0 : i32
          %dma_wait3A_112 = tpu.memref_slice %arg10[%run_scoped3A_58, %dma_wait3A] : memref<32x64xf32, #tpu.memory_space<vmem>> -> memref<1x64xf32, #tpu.memory_space<vmem>>
          %dma_wait3A_113 = tpu.memref_squeeze %dma_wait3A_112 : memref<1x64xf32, #tpu.memory_space<vmem>> -> memref<64xf32, #tpu.memory_space<vmem>>
          %dma_wait3A_114 = arith.constant 0 : i32
          %dma_wait3A_115 = tpu.memref_slice %arg9[%run_scoped3A_59, %dma_wait3A_114] : memref<32x64xi32, #tpu.memory_space<vmem>> -> memref<1x64xi32, #tpu.memory_space<vmem>>
          %dma_wait3A_116 = tpu.memref_squeeze %dma_wait3A_115 : memref<1x64xi32, #tpu.memory_space<vmem>> -> memref<64xi32, #tpu.memory_space<vmem>>
          %dma_wait3A_117 = arith.constant 0 : i32
          %dma_wait3A_118 = tpu.memref_slice %arg11[%dma_wait3A_117] : memref<10240xf32, #tpu.memory_space<vmem_shared>> -> memref<10240xf32, #tpu.memory_space<vmem_shared>>
          tpu.wait_indirect_dma semaphore(%run_scoped3A_104 : memref<!tpu.dma_semaphore, #tpu.memory_space<semaphore_mem>>) src(%dma_wait3A_113 : memref<64xf32, #tpu.memory_space<vmem>>) dst(%dma_wait3A_118 : memref<10240xf32, #tpu.memory_space<vmem_shared>>)
          tpu.yield
        }) : () -> ()
        %run_scoped3A_60 = arith.constant 10 : i32
        %run_scoped3A_61 = arith.constant 10 : i32
        "tpu.region"() ({
          %run_scoped3A_104 = tpu.sem_alloc : memref<!tpu.dma_semaphore, #tpu.memory_space<semaphore_mem>>
          %dma_start3A = arith.constant 0 : i32
          %dma_start3A_105 = tpu.memref_slice %arg10[%run_scoped3A_60, %dma_start3A] : memref<32x64xf32, #tpu.memory_space<vmem>> -> memref<1x64xf32, #tpu.memory_space<vmem>>
          %dma_start3A_106 = tpu.memref_squeeze %dma_start3A_105 : memref<1x64xf32, #tpu.memory_space<vmem>> -> memref<64xf32, #tpu.memory_space<vmem>>
          %dma_start3A_107 = arith.constant 0 : i32
          %dma_start3A_108 = tpu.memref_slice %arg9[%run_scoped3A_61, %dma_start3A_107] : memref<32x64xi32, #tpu.memory_space<vmem>> -> memref<1x64xi32, #tpu.memory_space<vmem>>
          %dma_start3A_109 = tpu.memref_squeeze %dma_start3A_108 : memref<1x64xi32, #tpu.memory_space<vmem>> -> memref<64xi32, #tpu.memory_space<vmem>>
          %dma_start3A_110 = arith.constant 0 : i32
          %dma_start3A_111 = tpu.memref_slice %arg11[%dma_start3A_110] : memref<10240xf32, #tpu.memory_space<vmem_shared>> -> memref<10240xf32, #tpu.memory_space<vmem_shared>>
          tpu.enqueue_indirect_dma source(%dma_start3A_106 : memref<64xf32, #tpu.memory_space<vmem>>) target(%dma_start3A_111 : memref<10240xf32, #tpu.memory_space<vmem_shared>>) offsets(%dma_start3A_109 : memref<64xi32, #tpu.memory_space<vmem>>) semaphore(%run_scoped3A_104 : memref<!tpu.dma_semaphore, #tpu.memory_space<semaphore_mem>>) {add = true}
          %dma_wait3A = arith.constant 0 : i32
          %dma_wait3A_112 = tpu.memref_slice %arg10[%run_scoped3A_60, %dma_wait3A] : memref<32x64xf32, #tpu.memory_space<vmem>> -> memref<1x64xf32, #tpu.memory_space<vmem>>
          %dma_wait3A_113 = tpu.memref_squeeze %dma_wait3A_112 : memref<1x64xf32, #tpu.memory_space<vmem>> -> memref<64xf32, #tpu.memory_space<vmem>>
          %dma_wait3A_114 = arith.constant 0 : i32
          %dma_wait3A_115 = tpu.memref_slice %arg9[%run_scoped3A_61, %dma_wait3A_114] : memref<32x64xi32, #tpu.memory_space<vmem>> -> memref<1x64xi32, #tpu.memory_space<vmem>>
          %dma_wait3A_116 = tpu.memref_squeeze %dma_wait3A_115 : memref<1x64xi32, #tpu.memory_space<vmem>> -> memref<64xi32, #tpu.memory_space<vmem>>
          %dma_wait3A_117 = arith.constant 0 : i32
          %dma_wait3A_118 = tpu.memref_slice %arg11[%dma_wait3A_117] : memref<10240xf32, #tpu.memory_space<vmem_shared>> -> memref<10240xf32, #tpu.memory_space<vmem_shared>>
          tpu.wait_indirect_dma semaphore(%run_scoped3A_104 : memref<!tpu.dma_semaphore, #tpu.memory_space<semaphore_mem>>) src(%dma_wait3A_113 : memref<64xf32, #tpu.memory_space<vmem>>) dst(%dma_wait3A_118 : memref<10240xf32, #tpu.memory_space<vmem_shared>>)
          tpu.yield
        }) : () -> ()
        %run_scoped3A_62 = arith.constant 11 : i32
        %run_scoped3A_63 = arith.constant 11 : i32
        "tpu.region"() ({
          %run_scoped3A_104 = tpu.sem_alloc : memref<!tpu.dma_semaphore, #tpu.memory_space<semaphore_mem>>
          %dma_start3A = arith.constant 0 : i32
          %dma_start3A_105 = tpu.memref_slice %arg10[%run_scoped3A_62, %dma_start3A] : memref<32x64xf32, #tpu.memory_space<vmem>> -> memref<1x64xf32, #tpu.memory_space<vmem>>
          %dma_start3A_106 = tpu.memref_squeeze %dma_start3A_105 : memref<1x64xf32, #tpu.memory_space<vmem>> -> memref<64xf32, #tpu.memory_space<vmem>>
          %dma_start3A_107 = arith.constant 0 : i32
          %dma_start3A_108 = tpu.memref_slice %arg9[%run_scoped3A_63, %dma_start3A_107] : memref<32x64xi32, #tpu.memory_space<vmem>> -> memref<1x64xi32, #tpu.memory_space<vmem>>
          %dma_start3A_109 = tpu.memref_squeeze %dma_start3A_108 : memref<1x64xi32, #tpu.memory_space<vmem>> -> memref<64xi32, #tpu.memory_space<vmem>>
          %dma_start3A_110 = arith.constant 0 : i32
          %dma_start3A_111 = tpu.memref_slice %arg11[%dma_start3A_110] : memref<10240xf32, #tpu.memory_space<vmem_shared>> -> memref<10240xf32, #tpu.memory_space<vmem_shared>>
          tpu.enqueue_indirect_dma source(%dma_start3A_106 : memref<64xf32, #tpu.memory_space<vmem>>) target(%dma_start3A_111 : memref<10240xf32, #tpu.memory_space<vmem_shared>>) offsets(%dma_start3A_109 : memref<64xi32, #tpu.memory_space<vmem>>) semaphore(%run_scoped3A_104 : memref<!tpu.dma_semaphore, #tpu.memory_space<semaphore_mem>>) {add = true}
          %dma_wait3A = arith.constant 0 : i32
          %dma_wait3A_112 = tpu.memref_slice %arg10[%run_scoped3A_62, %dma_wait3A] : memref<32x64xf32, #tpu.memory_space<vmem>> -> memref<1x64xf32, #tpu.memory_space<vmem>>
          %dma_wait3A_113 = tpu.memref_squeeze %dma_wait3A_112 : memref<1x64xf32, #tpu.memory_space<vmem>> -> memref<64xf32, #tpu.memory_space<vmem>>
          %dma_wait3A_114 = arith.constant 0 : i32
          %dma_wait3A_115 = tpu.memref_slice %arg9[%run_scoped3A_63, %dma_wait3A_114] : memref<32x64xi32, #tpu.memory_space<vmem>> -> memref<1x64xi32, #tpu.memory_space<vmem>>
          %dma_wait3A_116 = tpu.memref_squeeze %dma_wait3A_115 : memref<1x64xi32, #tpu.memory_space<vmem>> -> memref<64xi32, #tpu.memory_space<vmem>>
          %dma_wait3A_117 = arith.constant 0 : i32
          %dma_wait3A_118 = tpu.memref_slice %arg11[%dma_wait3A_117] : memref<10240xf32, #tpu.memory_space<vmem_shared>> -> memref<10240xf32, #tpu.memory_space<vmem_shared>>
          tpu.wait_indirect_dma semaphore(%run_scoped3A_104 : memref<!tpu.dma_semaphore, #tpu.memory_space<semaphore_mem>>) src(%dma_wait3A_113 : memref<64xf32, #tpu.memory_space<vmem>>) dst(%dma_wait3A_118 : memref<10240xf32, #tpu.memory_space<vmem_shared>>)
          tpu.yield
        }) : () -> ()
        %run_scoped3A_64 = arith.constant 12 : i32
        %run_scoped3A_65 = arith.constant 12 : i32
        "tpu.region"() ({
          %run_scoped3A_104 = tpu.sem_alloc : memref<!tpu.dma_semaphore, #tpu.memory_space<semaphore_mem>>
          %dma_start3A = arith.constant 0 : i32
          %dma_start3A_105 = tpu.memref_slice %arg10[%run_scoped3A_64, %dma_start3A] : memref<32x64xf32, #tpu.memory_space<vmem>> -> memref<1x64xf32, #tpu.memory_space<vmem>>
          %dma_start3A_106 = tpu.memref_squeeze %dma_start3A_105 : memref<1x64xf32, #tpu.memory_space<vmem>> -> memref<64xf32, #tpu.memory_space<vmem>>
          %dma_start3A_107 = arith.constant 0 : i32
          %dma_start3A_108 = tpu.memref_slice %arg9[%run_scoped3A_65, %dma_start3A_107] : memref<32x64xi32, #tpu.memory_space<vmem>> -> memref<1x64xi32, #tpu.memory_space<vmem>>
          %dma_start3A_109 = tpu.memref_squeeze %dma_start3A_108 : memref<1x64xi32, #tpu.memory_space<vmem>> -> memref<64xi32, #tpu.memory_space<vmem>>
          %dma_start3A_110 = arith.constant 0 : i32
          %dma_start3A_111 = tpu.memref_slice %arg11[%dma_start3A_110] : memref<10240xf32, #tpu.memory_space<vmem_shared>> -> memref<10240xf32, #tpu.memory_space<vmem_shared>>
          tpu.enqueue_indirect_dma source(%dma_start3A_106 : memref<64xf32, #tpu.memory_space<vmem>>) target(%dma_start3A_111 : memref<10240xf32, #tpu.memory_space<vmem_shared>>) offsets(%dma_start3A_109 : memref<64xi32, #tpu.memory_space<vmem>>) semaphore(%run_scoped3A_104 : memref<!tpu.dma_semaphore, #tpu.memory_space<semaphore_mem>>) {add = true}
          %dma_wait3A = arith.constant 0 : i32
          %dma_wait3A_112 = tpu.memref_slice %arg10[%run_scoped3A_64, %dma_wait3A] : memref<32x64xf32, #tpu.memory_space<vmem>> -> memref<1x64xf32, #tpu.memory_space<vmem>>
          %dma_wait3A_113 = tpu.memref_squeeze %dma_wait3A_112 : memref<1x64xf32, #tpu.memory_space<vmem>> -> memref<64xf32, #tpu.memory_space<vmem>>
          %dma_wait3A_114 = arith.constant 0 : i32
          %dma_wait3A_115 = tpu.memref_slice %arg9[%run_scoped3A_65, %dma_wait3A_114] : memref<32x64xi32, #tpu.memory_space<vmem>> -> memref<1x64xi32, #tpu.memory_space<vmem>>
          %dma_wait3A_116 = tpu.memref_squeeze %dma_wait3A_115 : memref<1x64xi32, #tpu.memory_space<vmem>> -> memref<64xi32, #tpu.memory_space<vmem>>
          %dma_wait3A_117 = arith.constant 0 : i32
          %dma_wait3A_118 = tpu.memref_slice %arg11[%dma_wait3A_117] : memref<10240xf32, #tpu.memory_space<vmem_shared>> -> memref<10240xf32, #tpu.memory_space<vmem_shared>>
          tpu.wait_indirect_dma semaphore(%run_scoped3A_104 : memref<!tpu.dma_semaphore, #tpu.memory_space<semaphore_mem>>) src(%dma_wait3A_113 : memref<64xf32, #tpu.memory_space<vmem>>) dst(%dma_wait3A_118 : memref<10240xf32, #tpu.memory_space<vmem_shared>>)
          tpu.yield
        }) : () -> ()
        %run_scoped3A_66 = arith.constant 13 : i32
        %run_scoped3A_67 = arith.constant 13 : i32
        "tpu.region"() ({
          %run_scoped3A_104 = tpu.sem_alloc : memref<!tpu.dma_semaphore, #tpu.memory_space<semaphore_mem>>
          %dma_start3A = arith.constant 0 : i32
          %dma_start3A_105 = tpu.memref_slice %arg10[%run_scoped3A_66, %dma_start3A] : memref<32x64xf32, #tpu.memory_space<vmem>> -> memref<1x64xf32, #tpu.memory_space<vmem>>
          %dma_start3A_106 = tpu.memref_squeeze %dma_start3A_105 : memref<1x64xf32, #tpu.memory_space<vmem>> -> memref<64xf32, #tpu.memory_space<vmem>>
          %dma_start3A_107 = arith.constant 0 : i32
          %dma_start3A_108 = tpu.memref_slice %arg9[%run_scoped3A_67, %dma_start3A_107] : memref<32x64xi32, #tpu.memory_space<vmem>> -> memref<1x64xi32, #tpu.memory_space<vmem>>
          %dma_start3A_109 = tpu.memref_squeeze %dma_start3A_108 : memref<1x64xi32, #tpu.memory_space<vmem>> -> memref<64xi32, #tpu.memory_space<vmem>>
          %dma_start3A_110 = arith.constant 0 : i32
          %dma_start3A_111 = tpu.memref_slice %arg11[%dma_start3A_110] : memref<10240xf32, #tpu.memory_space<vmem_shared>> -> memref<10240xf32, #tpu.memory_space<vmem_shared>>
          tpu.enqueue_indirect_dma source(%dma_start3A_106 : memref<64xf32, #tpu.memory_space<vmem>>) target(%dma_start3A_111 : memref<10240xf32, #tpu.memory_space<vmem_shared>>) offsets(%dma_start3A_109 : memref<64xi32, #tpu.memory_space<vmem>>) semaphore(%run_scoped3A_104 : memref<!tpu.dma_semaphore, #tpu.memory_space<semaphore_mem>>) {add = true}
          %dma_wait3A = arith.constant 0 : i32
          %dma_wait3A_112 = tpu.memref_slice %arg10[%run_scoped3A_66, %dma_wait3A] : memref<32x64xf32, #tpu.memory_space<vmem>> -> memref<1x64xf32, #tpu.memory_space<vmem>>
          %dma_wait3A_113 = tpu.memref_squeeze %dma_wait3A_112 : memref<1x64xf32, #tpu.memory_space<vmem>> -> memref<64xf32, #tpu.memory_space<vmem>>
          %dma_wait3A_114 = arith.constant 0 : i32
          %dma_wait3A_115 = tpu.memref_slice %arg9[%run_scoped3A_67, %dma_wait3A_114] : memref<32x64xi32, #tpu.memory_space<vmem>> -> memref<1x64xi32, #tpu.memory_space<vmem>>
          %dma_wait3A_116 = tpu.memref_squeeze %dma_wait3A_115 : memref<1x64xi32, #tpu.memory_space<vmem>> -> memref<64xi32, #tpu.memory_space<vmem>>
          %dma_wait3A_117 = arith.constant 0 : i32
          %dma_wait3A_118 = tpu.memref_slice %arg11[%dma_wait3A_117] : memref<10240xf32, #tpu.memory_space<vmem_shared>> -> memref<10240xf32, #tpu.memory_space<vmem_shared>>
          tpu.wait_indirect_dma semaphore(%run_scoped3A_104 : memref<!tpu.dma_semaphore, #tpu.memory_space<semaphore_mem>>) src(%dma_wait3A_113 : memref<64xf32, #tpu.memory_space<vmem>>) dst(%dma_wait3A_118 : memref<10240xf32, #tpu.memory_space<vmem_shared>>)
          tpu.yield
        }) : () -> ()
        %run_scoped3A_68 = arith.constant 14 : i32
        %run_scoped3A_69 = arith.constant 14 : i32
        "tpu.region"() ({
          %run_scoped3A_104 = tpu.sem_alloc : memref<!tpu.dma_semaphore, #tpu.memory_space<semaphore_mem>>
          %dma_start3A = arith.constant 0 : i32
          %dma_start3A_105 = tpu.memref_slice %arg10[%run_scoped3A_68, %dma_start3A] : memref<32x64xf32, #tpu.memory_space<vmem>> -> memref<1x64xf32, #tpu.memory_space<vmem>>
          %dma_start3A_106 = tpu.memref_squeeze %dma_start3A_105 : memref<1x64xf32, #tpu.memory_space<vmem>> -> memref<64xf32, #tpu.memory_space<vmem>>
          %dma_start3A_107 = arith.constant 0 : i32
          %dma_start3A_108 = tpu.memref_slice %arg9[%run_scoped3A_69, %dma_start3A_107] : memref<32x64xi32, #tpu.memory_space<vmem>> -> memref<1x64xi32, #tpu.memory_space<vmem>>
          %dma_start3A_109 = tpu.memref_squeeze %dma_start3A_108 : memref<1x64xi32, #tpu.memory_space<vmem>> -> memref<64xi32, #tpu.memory_space<vmem>>
          %dma_start3A_110 = arith.constant 0 : i32
          %dma_start3A_111 = tpu.memref_slice %arg11[%dma_start3A_110] : memref<10240xf32, #tpu.memory_space<vmem_shared>> -> memref<10240xf32, #tpu.memory_space<vmem_shared>>
          tpu.enqueue_indirect_dma source(%dma_start3A_106 : memref<64xf32, #tpu.memory_space<vmem>>) target(%dma_start3A_111 : memref<10240xf32, #tpu.memory_space<vmem_shared>>) offsets(%dma_start3A_109 : memref<64xi32, #tpu.memory_space<vmem>>) semaphore(%run_scoped3A_104 : memref<!tpu.dma_semaphore, #tpu.memory_space<semaphore_mem>>) {add = true}
          %dma_wait3A = arith.constant 0 : i32
          %dma_wait3A_112 = tpu.memref_slice %arg10[%run_scoped3A_68, %dma_wait3A] : memref<32x64xf32, #tpu.memory_space<vmem>> -> memref<1x64xf32, #tpu.memory_space<vmem>>
          %dma_wait3A_113 = tpu.memref_squeeze %dma_wait3A_112 : memref<1x64xf32, #tpu.memory_space<vmem>> -> memref<64xf32, #tpu.memory_space<vmem>>
          %dma_wait3A_114 = arith.constant 0 : i32
          %dma_wait3A_115 = tpu.memref_slice %arg9[%run_scoped3A_69, %dma_wait3A_114] : memref<32x64xi32, #tpu.memory_space<vmem>> -> memref<1x64xi32, #tpu.memory_space<vmem>>
          %dma_wait3A_116 = tpu.memref_squeeze %dma_wait3A_115 : memref<1x64xi32, #tpu.memory_space<vmem>> -> memref<64xi32, #tpu.memory_space<vmem>>
          %dma_wait3A_117 = arith.constant 0 : i32
          %dma_wait3A_118 = tpu.memref_slice %arg11[%dma_wait3A_117] : memref<10240xf32, #tpu.memory_space<vmem_shared>> -> memref<10240xf32, #tpu.memory_space<vmem_shared>>
          tpu.wait_indirect_dma semaphore(%run_scoped3A_104 : memref<!tpu.dma_semaphore, #tpu.memory_space<semaphore_mem>>) src(%dma_wait3A_113 : memref<64xf32, #tpu.memory_space<vmem>>) dst(%dma_wait3A_118 : memref<10240xf32, #tpu.memory_space<vmem_shared>>)
          tpu.yield
        }) : () -> ()
        %run_scoped3A_70 = arith.constant 15 : i32
        %run_scoped3A_71 = arith.constant 15 : i32
        "tpu.region"() ({
          %run_scoped3A_104 = tpu.sem_alloc : memref<!tpu.dma_semaphore, #tpu.memory_space<semaphore_mem>>
          %dma_start3A = arith.constant 0 : i32
          %dma_start3A_105 = tpu.memref_slice %arg10[%run_scoped3A_70, %dma_start3A] : memref<32x64xf32, #tpu.memory_space<vmem>> -> memref<1x64xf32, #tpu.memory_space<vmem>>
          %dma_start3A_106 = tpu.memref_squeeze %dma_start3A_105 : memref<1x64xf32, #tpu.memory_space<vmem>> -> memref<64xf32, #tpu.memory_space<vmem>>
          %dma_start3A_107 = arith.constant 0 : i32
          %dma_start3A_108 = tpu.memref_slice %arg9[%run_scoped3A_71, %dma_start3A_107] : memref<32x64xi32, #tpu.memory_space<vmem>> -> memref<1x64xi32, #tpu.memory_space<vmem>>
          %dma_start3A_109 = tpu.memref_squeeze %dma_start3A_108 : memref<1x64xi32, #tpu.memory_space<vmem>> -> memref<64xi32, #tpu.memory_space<vmem>>
          %dma_start3A_110 = arith.constant 0 : i32
          %dma_start3A_111 = tpu.memref_slice %arg11[%dma_start3A_110] : memref<10240xf32, #tpu.memory_space<vmem_shared>> -> memref<10240xf32, #tpu.memory_space<vmem_shared>>
          tpu.enqueue_indirect_dma source(%dma_start3A_106 : memref<64xf32, #tpu.memory_space<vmem>>) target(%dma_start3A_111 : memref<10240xf32, #tpu.memory_space<vmem_shared>>) offsets(%dma_start3A_109 : memref<64xi32, #tpu.memory_space<vmem>>) semaphore(%run_scoped3A_104 : memref<!tpu.dma_semaphore, #tpu.memory_space<semaphore_mem>>) {add = true}
          %dma_wait3A = arith.constant 0 : i32
          %dma_wait3A_112 = tpu.memref_slice %arg10[%run_scoped3A_70, %dma_wait3A] : memref<32x64xf32, #tpu.memory_space<vmem>> -> memref<1x64xf32, #tpu.memory_space<vmem>>
          %dma_wait3A_113 = tpu.memref_squeeze %dma_wait3A_112 : memref<1x64xf32, #tpu.memory_space<vmem>> -> memref<64xf32, #tpu.memory_space<vmem>>
          %dma_wait3A_114 = arith.constant 0 : i32
          %dma_wait3A_115 = tpu.memref_slice %arg9[%run_scoped3A_71, %dma_wait3A_114] : memref<32x64xi32, #tpu.memory_space<vmem>> -> memref<1x64xi32, #tpu.memory_space<vmem>>
          %dma_wait3A_116 = tpu.memref_squeeze %dma_wait3A_115 : memref<1x64xi32, #tpu.memory_space<vmem>> -> memref<64xi32, #tpu.memory_space<vmem>>
          %dma_wait3A_117 = arith.constant 0 : i32
          %dma_wait3A_118 = tpu.memref_slice %arg11[%dma_wait3A_117] : memref<10240xf32, #tpu.memory_space<vmem_shared>> -> memref<10240xf32, #tpu.memory_space<vmem_shared>>
          tpu.wait_indirect_dma semaphore(%run_scoped3A_104 : memref<!tpu.dma_semaphore, #tpu.memory_space<semaphore_mem>>) src(%dma_wait3A_113 : memref<64xf32, #tpu.memory_space<vmem>>) dst(%dma_wait3A_118 : memref<10240xf32, #tpu.memory_space<vmem_shared>>)
          tpu.yield
        }) : () -> ()
        %run_scoped3A_72 = arith.constant 16 : i32
        %run_scoped3A_73 = arith.constant 16 : i32
        "tpu.region"() ({
          %run_scoped3A_104 = tpu.sem_alloc : memref<!tpu.dma_semaphore, #tpu.memory_space<semaphore_mem>>
          %dma_start3A = arith.constant 0 : i32
          %dma_start3A_105 = tpu.memref_slice %arg10[%run_scoped3A_72, %dma_start3A] : memref<32x64xf32, #tpu.memory_space<vmem>> -> memref<1x64xf32, #tpu.memory_space<vmem>>
          %dma_start3A_106 = tpu.memref_squeeze %dma_start3A_105 : memref<1x64xf32, #tpu.memory_space<vmem>> -> memref<64xf32, #tpu.memory_space<vmem>>
          %dma_start3A_107 = arith.constant 0 : i32
          %dma_start3A_108 = tpu.memref_slice %arg9[%run_scoped3A_73, %dma_start3A_107] : memref<32x64xi32, #tpu.memory_space<vmem>> -> memref<1x64xi32, #tpu.memory_space<vmem>>
          %dma_start3A_109 = tpu.memref_squeeze %dma_start3A_108 : memref<1x64xi32, #tpu.memory_space<vmem>> -> memref<64xi32, #tpu.memory_space<vmem>>
          %dma_start3A_110 = arith.constant 0 : i32
          %dma_start3A_111 = tpu.memref_slice %arg11[%dma_start3A_110] : memref<10240xf32, #tpu.memory_space<vmem_shared>> -> memref<10240xf32, #tpu.memory_space<vmem_shared>>
          tpu.enqueue_indirect_dma source(%dma_start3A_106 : memref<64xf32, #tpu.memory_space<vmem>>) target(%dma_start3A_111 : memref<10240xf32, #tpu.memory_space<vmem_shared>>) offsets(%dma_start3A_109 : memref<64xi32, #tpu.memory_space<vmem>>) semaphore(%run_scoped3A_104 : memref<!tpu.dma_semaphore, #tpu.memory_space<semaphore_mem>>) {add = true}
          %dma_wait3A = arith.constant 0 : i32
          %dma_wait3A_112 = tpu.memref_slice %arg10[%run_scoped3A_72, %dma_wait3A] : memref<32x64xf32, #tpu.memory_space<vmem>> -> memref<1x64xf32, #tpu.memory_space<vmem>>
          %dma_wait3A_113 = tpu.memref_squeeze %dma_wait3A_112 : memref<1x64xf32, #tpu.memory_space<vmem>> -> memref<64xf32, #tpu.memory_space<vmem>>
          %dma_wait3A_114 = arith.constant 0 : i32
          %dma_wait3A_115 = tpu.memref_slice %arg9[%run_scoped3A_73, %dma_wait3A_114] : memref<32x64xi32, #tpu.memory_space<vmem>> -> memref<1x64xi32, #tpu.memory_space<vmem>>
          %dma_wait3A_116 = tpu.memref_squeeze %dma_wait3A_115 : memref<1x64xi32, #tpu.memory_space<vmem>> -> memref<64xi32, #tpu.memory_space<vmem>>
          %dma_wait3A_117 = arith.constant 0 : i32
          %dma_wait3A_118 = tpu.memref_slice %arg11[%dma_wait3A_117] : memref<10240xf32, #tpu.memory_space<vmem_shared>> -> memref<10240xf32, #tpu.memory_space<vmem_shared>>
          tpu.wait_indirect_dma semaphore(%run_scoped3A_104 : memref<!tpu.dma_semaphore, #tpu.memory_space<semaphore_mem>>) src(%dma_wait3A_113 : memref<64xf32, #tpu.memory_space<vmem>>) dst(%dma_wait3A_118 : memref<10240xf32, #tpu.memory_space<vmem_shared>>)
          tpu.yield
        }) : () -> ()
        %run_scoped3A_74 = arith.constant 17 : i32
        %run_scoped3A_75 = arith.constant 17 : i32
        "tpu.region"() ({
          %run_scoped3A_104 = tpu.sem_alloc : memref<!tpu.dma_semaphore, #tpu.memory_space<semaphore_mem>>
          %dma_start3A = arith.constant 0 : i32
          %dma_start3A_105 = tpu.memref_slice %arg10[%run_scoped3A_74, %dma_start3A] : memref<32x64xf32, #tpu.memory_space<vmem>> -> memref<1x64xf32, #tpu.memory_space<vmem>>
          %dma_start3A_106 = tpu.memref_squeeze %dma_start3A_105 : memref<1x64xf32, #tpu.memory_space<vmem>> -> memref<64xf32, #tpu.memory_space<vmem>>
          %dma_start3A_107 = arith.constant 0 : i32
          %dma_start3A_108 = tpu.memref_slice %arg9[%run_scoped3A_75, %dma_start3A_107] : memref<32x64xi32, #tpu.memory_space<vmem>> -> memref<1x64xi32, #tpu.memory_space<vmem>>
          %dma_start3A_109 = tpu.memref_squeeze %dma_start3A_108 : memref<1x64xi32, #tpu.memory_space<vmem>> -> memref<64xi32, #tpu.memory_space<vmem>>
          %dma_start3A_110 = arith.constant 0 : i32
          %dma_start3A_111 = tpu.memref_slice %arg11[%dma_start3A_110] : memref<10240xf32, #tpu.memory_space<vmem_shared>> -> memref<10240xf32, #tpu.memory_space<vmem_shared>>
          tpu.enqueue_indirect_dma source(%dma_start3A_106 : memref<64xf32, #tpu.memory_space<vmem>>) target(%dma_start3A_111 : memref<10240xf32, #tpu.memory_space<vmem_shared>>) offsets(%dma_start3A_109 : memref<64xi32, #tpu.memory_space<vmem>>) semaphore(%run_scoped3A_104 : memref<!tpu.dma_semaphore, #tpu.memory_space<semaphore_mem>>) {add = true}
          %dma_wait3A = arith.constant 0 : i32
          %dma_wait3A_112 = tpu.memref_slice %arg10[%run_scoped3A_74, %dma_wait3A] : memref<32x64xf32, #tpu.memory_space<vmem>> -> memref<1x64xf32, #tpu.memory_space<vmem>>
          %dma_wait3A_113 = tpu.memref_squeeze %dma_wait3A_112 : memref<1x64xf32, #tpu.memory_space<vmem>> -> memref<64xf32, #tpu.memory_space<vmem>>
          %dma_wait3A_114 = arith.constant 0 : i32
          %dma_wait3A_115 = tpu.memref_slice %arg9[%run_scoped3A_75, %dma_wait3A_114] : memref<32x64xi32, #tpu.memory_space<vmem>> -> memref<1x64xi32, #tpu.memory_space<vmem>>
          %dma_wait3A_116 = tpu.memref_squeeze %dma_wait3A_115 : memref<1x64xi32, #tpu.memory_space<vmem>> -> memref<64xi32, #tpu.memory_space<vmem>>
          %dma_wait3A_117 = arith.constant 0 : i32
          %dma_wait3A_118 = tpu.memref_slice %arg11[%dma_wait3A_117] : memref<10240xf32, #tpu.memory_space<vmem_shared>> -> memref<10240xf32, #tpu.memory_space<vmem_shared>>
          tpu.wait_indirect_dma semaphore(%run_scoped3A_104 : memref<!tpu.dma_semaphore, #tpu.memory_space<semaphore_mem>>) src(%dma_wait3A_113 : memref<64xf32, #tpu.memory_space<vmem>>) dst(%dma_wait3A_118 : memref<10240xf32, #tpu.memory_space<vmem_shared>>)
          tpu.yield
        }) : () -> ()
        %run_scoped3A_76 = arith.constant 18 : i32
        %run_scoped3A_77 = arith.constant 18 : i32
        "tpu.region"() ({
          %run_scoped3A_104 = tpu.sem_alloc : memref<!tpu.dma_semaphore, #tpu.memory_space<semaphore_mem>>
          %dma_start3A = arith.constant 0 : i32
          %dma_start3A_105 = tpu.memref_slice %arg10[%run_scoped3A_76, %dma_start3A] : memref<32x64xf32, #tpu.memory_space<vmem>> -> memref<1x64xf32, #tpu.memory_space<vmem>>
          %dma_start3A_106 = tpu.memref_squeeze %dma_start3A_105 : memref<1x64xf32, #tpu.memory_space<vmem>> -> memref<64xf32, #tpu.memory_space<vmem>>
          %dma_start3A_107 = arith.constant 0 : i32
          %dma_start3A_108 = tpu.memref_slice %arg9[%run_scoped3A_77, %dma_start3A_107] : memref<32x64xi32, #tpu.memory_space<vmem>> -> memref<1x64xi32, #tpu.memory_space<vmem>>
          %dma_start3A_109 = tpu.memref_squeeze %dma_start3A_108 : memref<1x64xi32, #tpu.memory_space<vmem>> -> memref<64xi32, #tpu.memory_space<vmem>>
          %dma_start3A_110 = arith.constant 0 : i32
          %dma_start3A_111 = tpu.memref_slice %arg11[%dma_start3A_110] : memref<10240xf32, #tpu.memory_space<vmem_shared>> -> memref<10240xf32, #tpu.memory_space<vmem_shared>>
          tpu.enqueue_indirect_dma source(%dma_start3A_106 : memref<64xf32, #tpu.memory_space<vmem>>) target(%dma_start3A_111 : memref<10240xf32, #tpu.memory_space<vmem_shared>>) offsets(%dma_start3A_109 : memref<64xi32, #tpu.memory_space<vmem>>) semaphore(%run_scoped3A_104 : memref<!tpu.dma_semaphore, #tpu.memory_space<semaphore_mem>>) {add = true}
          %dma_wait3A = arith.constant 0 : i32
          %dma_wait3A_112 = tpu.memref_slice %arg10[%run_scoped3A_76, %dma_wait3A] : memref<32x64xf32, #tpu.memory_space<vmem>> -> memref<1x64xf32, #tpu.memory_space<vmem>>
          %dma_wait3A_113 = tpu.memref_squeeze %dma_wait3A_112 : memref<1x64xf32, #tpu.memory_space<vmem>> -> memref<64xf32, #tpu.memory_space<vmem>>
          %dma_wait3A_114 = arith.constant 0 : i32
          %dma_wait3A_115 = tpu.memref_slice %arg9[%run_scoped3A_77, %dma_wait3A_114] : memref<32x64xi32, #tpu.memory_space<vmem>> -> memref<1x64xi32, #tpu.memory_space<vmem>>
          %dma_wait3A_116 = tpu.memref_squeeze %dma_wait3A_115 : memref<1x64xi32, #tpu.memory_space<vmem>> -> memref<64xi32, #tpu.memory_space<vmem>>
          %dma_wait3A_117 = arith.constant 0 : i32
          %dma_wait3A_118 = tpu.memref_slice %arg11[%dma_wait3A_117] : memref<10240xf32, #tpu.memory_space<vmem_shared>> -> memref<10240xf32, #tpu.memory_space<vmem_shared>>
          tpu.wait_indirect_dma semaphore(%run_scoped3A_104 : memref<!tpu.dma_semaphore, #tpu.memory_space<semaphore_mem>>) src(%dma_wait3A_113 : memref<64xf32, #tpu.memory_space<vmem>>) dst(%dma_wait3A_118 : memref<10240xf32, #tpu.memory_space<vmem_shared>>)
          tpu.yield
        }) : () -> ()
        %run_scoped3A_78 = arith.constant 19 : i32
        %run_scoped3A_79 = arith.constant 19 : i32
        "tpu.region"() ({
          %run_scoped3A_104 = tpu.sem_alloc : memref<!tpu.dma_semaphore, #tpu.memory_space<semaphore_mem>>
          %dma_start3A = arith.constant 0 : i32
          %dma_start3A_105 = tpu.memref_slice %arg10[%run_scoped3A_78, %dma_start3A] : memref<32x64xf32, #tpu.memory_space<vmem>> -> memref<1x64xf32, #tpu.memory_space<vmem>>
          %dma_start3A_106 = tpu.memref_squeeze %dma_start3A_105 : memref<1x64xf32, #tpu.memory_space<vmem>> -> memref<64xf32, #tpu.memory_space<vmem>>
          %dma_start3A_107 = arith.constant 0 : i32
          %dma_start3A_108 = tpu.memref_slice %arg9[%run_scoped3A_79, %dma_start3A_107] : memref<32x64xi32, #tpu.memory_space<vmem>> -> memref<1x64xi32, #tpu.memory_space<vmem>>
          %dma_start3A_109 = tpu.memref_squeeze %dma_start3A_108 : memref<1x64xi32, #tpu.memory_space<vmem>> -> memref<64xi32, #tpu.memory_space<vmem>>
          %dma_start3A_110 = arith.constant 0 : i32
          %dma_start3A_111 = tpu.memref_slice %arg11[%dma_start3A_110] : memref<10240xf32, #tpu.memory_space<vmem_shared>> -> memref<10240xf32, #tpu.memory_space<vmem_shared>>
          tpu.enqueue_indirect_dma source(%dma_start3A_106 : memref<64xf32, #tpu.memory_space<vmem>>) target(%dma_start3A_111 : memref<10240xf32, #tpu.memory_space<vmem_shared>>) offsets(%dma_start3A_109 : memref<64xi32, #tpu.memory_space<vmem>>) semaphore(%run_scoped3A_104 : memref<!tpu.dma_semaphore, #tpu.memory_space<semaphore_mem>>) {add = true}
          %dma_wait3A = arith.constant 0 : i32
          %dma_wait3A_112 = tpu.memref_slice %arg10[%run_scoped3A_78, %dma_wait3A] : memref<32x64xf32, #tpu.memory_space<vmem>> -> memref<1x64xf32, #tpu.memory_space<vmem>>
          %dma_wait3A_113 = tpu.memref_squeeze %dma_wait3A_112 : memref<1x64xf32, #tpu.memory_space<vmem>> -> memref<64xf32, #tpu.memory_space<vmem>>
          %dma_wait3A_114 = arith.constant 0 : i32
          %dma_wait3A_115 = tpu.memref_slice %arg9[%run_scoped3A_79, %dma_wait3A_114] : memref<32x64xi32, #tpu.memory_space<vmem>> -> memref<1x64xi32, #tpu.memory_space<vmem>>
          %dma_wait3A_116 = tpu.memref_squeeze %dma_wait3A_115 : memref<1x64xi32, #tpu.memory_space<vmem>> -> memref<64xi32, #tpu.memory_space<vmem>>
          %dma_wait3A_117 = arith.constant 0 : i32
          %dma_wait3A_118 = tpu.memref_slice %arg11[%dma_wait3A_117] : memref<10240xf32, #tpu.memory_space<vmem_shared>> -> memref<10240xf32, #tpu.memory_space<vmem_shared>>
          tpu.wait_indirect_dma semaphore(%run_scoped3A_104 : memref<!tpu.dma_semaphore, #tpu.memory_space<semaphore_mem>>) src(%dma_wait3A_113 : memref<64xf32, #tpu.memory_space<vmem>>) dst(%dma_wait3A_118 : memref<10240xf32, #tpu.memory_space<vmem_shared>>)
          tpu.yield
        }) : () -> ()
        %run_scoped3A_80 = arith.constant 20 : i32
        %run_scoped3A_81 = arith.constant 20 : i32
        "tpu.region"() ({
          %run_scoped3A_104 = tpu.sem_alloc : memref<!tpu.dma_semaphore, #tpu.memory_space<semaphore_mem>>
          %dma_start3A = arith.constant 0 : i32
          %dma_start3A_105 = tpu.memref_slice %arg10[%run_scoped3A_80, %dma_start3A] : memref<32x64xf32, #tpu.memory_space<vmem>> -> memref<1x64xf32, #tpu.memory_space<vmem>>
          %dma_start3A_106 = tpu.memref_squeeze %dma_start3A_105 : memref<1x64xf32, #tpu.memory_space<vmem>> -> memref<64xf32, #tpu.memory_space<vmem>>
          %dma_start3A_107 = arith.constant 0 : i32
          %dma_start3A_108 = tpu.memref_slice %arg9[%run_scoped3A_81, %dma_start3A_107] : memref<32x64xi32, #tpu.memory_space<vmem>> -> memref<1x64xi32, #tpu.memory_space<vmem>>
          %dma_start3A_109 = tpu.memref_squeeze %dma_start3A_108 : memref<1x64xi32, #tpu.memory_space<vmem>> -> memref<64xi32, #tpu.memory_space<vmem>>
          %dma_start3A_110 = arith.constant 0 : i32
          %dma_start3A_111 = tpu.memref_slice %arg11[%dma_start3A_110] : memref<10240xf32, #tpu.memory_space<vmem_shared>> -> memref<10240xf32, #tpu.memory_space<vmem_shared>>
          tpu.enqueue_indirect_dma source(%dma_start3A_106 : memref<64xf32, #tpu.memory_space<vmem>>) target(%dma_start3A_111 : memref<10240xf32, #tpu.memory_space<vmem_shared>>) offsets(%dma_start3A_109 : memref<64xi32, #tpu.memory_space<vmem>>) semaphore(%run_scoped3A_104 : memref<!tpu.dma_semaphore, #tpu.memory_space<semaphore_mem>>) {add = true}
          %dma_wait3A = arith.constant 0 : i32
          %dma_wait3A_112 = tpu.memref_slice %arg10[%run_scoped3A_80, %dma_wait3A] : memref<32x64xf32, #tpu.memory_space<vmem>> -> memref<1x64xf32, #tpu.memory_space<vmem>>
          %dma_wait3A_113 = tpu.memref_squeeze %dma_wait3A_112 : memref<1x64xf32, #tpu.memory_space<vmem>> -> memref<64xf32, #tpu.memory_space<vmem>>
          %dma_wait3A_114 = arith.constant 0 : i32
          %dma_wait3A_115 = tpu.memref_slice %arg9[%run_scoped3A_81, %dma_wait3A_114] : memref<32x64xi32, #tpu.memory_space<vmem>> -> memref<1x64xi32, #tpu.memory_space<vmem>>
          %dma_wait3A_116 = tpu.memref_squeeze %dma_wait3A_115 : memref<1x64xi32, #tpu.memory_space<vmem>> -> memref<64xi32, #tpu.memory_space<vmem>>
          %dma_wait3A_117 = arith.constant 0 : i32
          %dma_wait3A_118 = tpu.memref_slice %arg11[%dma_wait3A_117] : memref<10240xf32, #tpu.memory_space<vmem_shared>> -> memref<10240xf32, #tpu.memory_space<vmem_shared>>
          tpu.wait_indirect_dma semaphore(%run_scoped3A_104 : memref<!tpu.dma_semaphore, #tpu.memory_space<semaphore_mem>>) src(%dma_wait3A_113 : memref<64xf32, #tpu.memory_space<vmem>>) dst(%dma_wait3A_118 : memref<10240xf32, #tpu.memory_space<vmem_shared>>)
          tpu.yield
        }) : () -> ()
        %run_scoped3A_82 = arith.constant 21 : i32
        %run_scoped3A_83 = arith.constant 21 : i32
        "tpu.region"() ({
          %run_scoped3A_104 = tpu.sem_alloc : memref<!tpu.dma_semaphore, #tpu.memory_space<semaphore_mem>>
          %dma_start3A = arith.constant 0 : i32
          %dma_start3A_105 = tpu.memref_slice %arg10[%run_scoped3A_82, %dma_start3A] : memref<32x64xf32, #tpu.memory_space<vmem>> -> memref<1x64xf32, #tpu.memory_space<vmem>>
          %dma_start3A_106 = tpu.memref_squeeze %dma_start3A_105 : memref<1x64xf32, #tpu.memory_space<vmem>> -> memref<64xf32, #tpu.memory_space<vmem>>
          %dma_start3A_107 = arith.constant 0 : i32
          %dma_start3A_108 = tpu.memref_slice %arg9[%run_scoped3A_83, %dma_start3A_107] : memref<32x64xi32, #tpu.memory_space<vmem>> -> memref<1x64xi32, #tpu.memory_space<vmem>>
          %dma_start3A_109 = tpu.memref_squeeze %dma_start3A_108 : memref<1x64xi32, #tpu.memory_space<vmem>> -> memref<64xi32, #tpu.memory_space<vmem>>
          %dma_start3A_110 = arith.constant 0 : i32
          %dma_start3A_111 = tpu.memref_slice %arg11[%dma_start3A_110] : memref<10240xf32, #tpu.memory_space<vmem_shared>> -> memref<10240xf32, #tpu.memory_space<vmem_shared>>
          tpu.enqueue_indirect_dma source(%dma_start3A_106 : memref<64xf32, #tpu.memory_space<vmem>>) target(%dma_start3A_111 : memref<10240xf32, #tpu.memory_space<vmem_shared>>) offsets(%dma_start3A_109 : memref<64xi32, #tpu.memory_space<vmem>>) semaphore(%run_scoped3A_104 : memref<!tpu.dma_semaphore, #tpu.memory_space<semaphore_mem>>) {add = true}
          %dma_wait3A = arith.constant 0 : i32
          %dma_wait3A_112 = tpu.memref_slice %arg10[%run_scoped3A_82, %dma_wait3A] : memref<32x64xf32, #tpu.memory_space<vmem>> -> memref<1x64xf32, #tpu.memory_space<vmem>>
          %dma_wait3A_113 = tpu.memref_squeeze %dma_wait3A_112 : memref<1x64xf32, #tpu.memory_space<vmem>> -> memref<64xf32, #tpu.memory_space<vmem>>
          %dma_wait3A_114 = arith.constant 0 : i32
          %dma_wait3A_115 = tpu.memref_slice %arg9[%run_scoped3A_83, %dma_wait3A_114] : memref<32x64xi32, #tpu.memory_space<vmem>> -> memref<1x64xi32, #tpu.memory_space<vmem>>
          %dma_wait3A_116 = tpu.memref_squeeze %dma_wait3A_115 : memref<1x64xi32, #tpu.memory_space<vmem>> -> memref<64xi32, #tpu.memory_space<vmem>>
          %dma_wait3A_117 = arith.constant 0 : i32
          %dma_wait3A_118 = tpu.memref_slice %arg11[%dma_wait3A_117] : memref<10240xf32, #tpu.memory_space<vmem_shared>> -> memref<10240xf32, #tpu.memory_space<vmem_shared>>
          tpu.wait_indirect_dma semaphore(%run_scoped3A_104 : memref<!tpu.dma_semaphore, #tpu.memory_space<semaphore_mem>>) src(%dma_wait3A_113 : memref<64xf32, #tpu.memory_space<vmem>>) dst(%dma_wait3A_118 : memref<10240xf32, #tpu.memory_space<vmem_shared>>)
          tpu.yield
        }) : () -> ()
        %run_scoped3A_84 = arith.constant 22 : i32
        %run_scoped3A_85 = arith.constant 22 : i32
        "tpu.region"() ({
          %run_scoped3A_104 = tpu.sem_alloc : memref<!tpu.dma_semaphore, #tpu.memory_space<semaphore_mem>>
          %dma_start3A = arith.constant 0 : i32
          %dma_start3A_105 = tpu.memref_slice %arg10[%run_scoped3A_84, %dma_start3A] : memref<32x64xf32, #tpu.memory_space<vmem>> -> memref<1x64xf32, #tpu.memory_space<vmem>>
          %dma_start3A_106 = tpu.memref_squeeze %dma_start3A_105 : memref<1x64xf32, #tpu.memory_space<vmem>> -> memref<64xf32, #tpu.memory_space<vmem>>
          %dma_start3A_107 = arith.constant 0 : i32
          %dma_start3A_108 = tpu.memref_slice %arg9[%run_scoped3A_85, %dma_start3A_107] : memref<32x64xi32, #tpu.memory_space<vmem>> -> memref<1x64xi32, #tpu.memory_space<vmem>>
          %dma_start3A_109 = tpu.memref_squeeze %dma_start3A_108 : memref<1x64xi32, #tpu.memory_space<vmem>> -> memref<64xi32, #tpu.memory_space<vmem>>
          %dma_start3A_110 = arith.constant 0 : i32
          %dma_start3A_111 = tpu.memref_slice %arg11[%dma_start3A_110] : memref<10240xf32, #tpu.memory_space<vmem_shared>> -> memref<10240xf32, #tpu.memory_space<vmem_shared>>
          tpu.enqueue_indirect_dma source(%dma_start3A_106 : memref<64xf32, #tpu.memory_space<vmem>>) target(%dma_start3A_111 : memref<10240xf32, #tpu.memory_space<vmem_shared>>) offsets(%dma_start3A_109 : memref<64xi32, #tpu.memory_space<vmem>>) semaphore(%run_scoped3A_104 : memref<!tpu.dma_semaphore, #tpu.memory_space<semaphore_mem>>) {add = true}
          %dma_wait3A = arith.constant 0 : i32
          %dma_wait3A_112 = tpu.memref_slice %arg10[%run_scoped3A_84, %dma_wait3A] : memref<32x64xf32, #tpu.memory_space<vmem>> -> memref<1x64xf32, #tpu.memory_space<vmem>>
          %dma_wait3A_113 = tpu.memref_squeeze %dma_wait3A_112 : memref<1x64xf32, #tpu.memory_space<vmem>> -> memref<64xf32, #tpu.memory_space<vmem>>
          %dma_wait3A_114 = arith.constant 0 : i32
          %dma_wait3A_115 = tpu.memref_slice %arg9[%run_scoped3A_85, %dma_wait3A_114] : memref<32x64xi32, #tpu.memory_space<vmem>> -> memref<1x64xi32, #tpu.memory_space<vmem>>
          %dma_wait3A_116 = tpu.memref_squeeze %dma_wait3A_115 : memref<1x64xi32, #tpu.memory_space<vmem>> -> memref<64xi32, #tpu.memory_space<vmem>>
          %dma_wait3A_117 = arith.constant 0 : i32
          %dma_wait3A_118 = tpu.memref_slice %arg11[%dma_wait3A_117] : memref<10240xf32, #tpu.memory_space<vmem_shared>> -> memref<10240xf32, #tpu.memory_space<vmem_shared>>
          tpu.wait_indirect_dma semaphore(%run_scoped3A_104 : memref<!tpu.dma_semaphore, #tpu.memory_space<semaphore_mem>>) src(%dma_wait3A_113 : memref<64xf32, #tpu.memory_space<vmem>>) dst(%dma_wait3A_118 : memref<10240xf32, #tpu.memory_space<vmem_shared>>)
          tpu.yield
        }) : () -> ()
        %run_scoped3A_86 = arith.constant 23 : i32
        %run_scoped3A_87 = arith.constant 23 : i32
        "tpu.region"() ({
          %run_scoped3A_104 = tpu.sem_alloc : memref<!tpu.dma_semaphore, #tpu.memory_space<semaphore_mem>>
          %dma_start3A = arith.constant 0 : i32
          %dma_start3A_105 = tpu.memref_slice %arg10[%run_scoped3A_86, %dma_start3A] : memref<32x64xf32, #tpu.memory_space<vmem>> -> memref<1x64xf32, #tpu.memory_space<vmem>>
          %dma_start3A_106 = tpu.memref_squeeze %dma_start3A_105 : memref<1x64xf32, #tpu.memory_space<vmem>> -> memref<64xf32, #tpu.memory_space<vmem>>
          %dma_start3A_107 = arith.constant 0 : i32
          %dma_start3A_108 = tpu.memref_slice %arg9[%run_scoped3A_87, %dma_start3A_107] : memref<32x64xi32, #tpu.memory_space<vmem>> -> memref<1x64xi32, #tpu.memory_space<vmem>>
          %dma_start3A_109 = tpu.memref_squeeze %dma_start3A_108 : memref<1x64xi32, #tpu.memory_space<vmem>> -> memref<64xi32, #tpu.memory_space<vmem>>
          %dma_start3A_110 = arith.constant 0 : i32
          %dma_start3A_111 = tpu.memref_slice %arg11[%dma_start3A_110] : memref<10240xf32, #tpu.memory_space<vmem_shared>> -> memref<10240xf32, #tpu.memory_space<vmem_shared>>
          tpu.enqueue_indirect_dma source(%dma_start3A_106 : memref<64xf32, #tpu.memory_space<vmem>>) target(%dma_start3A_111 : memref<10240xf32, #tpu.memory_space<vmem_shared>>) offsets(%dma_start3A_109 : memref<64xi32, #tpu.memory_space<vmem>>) semaphore(%run_scoped3A_104 : memref<!tpu.dma_semaphore, #tpu.memory_space<semaphore_mem>>) {add = true}
          %dma_wait3A = arith.constant 0 : i32
          %dma_wait3A_112 = tpu.memref_slice %arg10[%run_scoped3A_86, %dma_wait3A] : memref<32x64xf32, #tpu.memory_space<vmem>> -> memref<1x64xf32, #tpu.memory_space<vmem>>
          %dma_wait3A_113 = tpu.memref_squeeze %dma_wait3A_112 : memref<1x64xf32, #tpu.memory_space<vmem>> -> memref<64xf32, #tpu.memory_space<vmem>>
          %dma_wait3A_114 = arith.constant 0 : i32
          %dma_wait3A_115 = tpu.memref_slice %arg9[%run_scoped3A_87, %dma_wait3A_114] : memref<32x64xi32, #tpu.memory_space<vmem>> -> memref<1x64xi32, #tpu.memory_space<vmem>>
          %dma_wait3A_116 = tpu.memref_squeeze %dma_wait3A_115 : memref<1x64xi32, #tpu.memory_space<vmem>> -> memref<64xi32, #tpu.memory_space<vmem>>
          %dma_wait3A_117 = arith.constant 0 : i32
          %dma_wait3A_118 = tpu.memref_slice %arg11[%dma_wait3A_117] : memref<10240xf32, #tpu.memory_space<vmem_shared>> -> memref<10240xf32, #tpu.memory_space<vmem_shared>>
          tpu.wait_indirect_dma semaphore(%run_scoped3A_104 : memref<!tpu.dma_semaphore, #tpu.memory_space<semaphore_mem>>) src(%dma_wait3A_113 : memref<64xf32, #tpu.memory_space<vmem>>) dst(%dma_wait3A_118 : memref<10240xf32, #tpu.memory_space<vmem_shared>>)
          tpu.yield
        }) : () -> ()
        %run_scoped3A_88 = arith.constant 24 : i32
        %run_scoped3A_89 = arith.constant 24 : i32
        "tpu.region"() ({
          %run_scoped3A_104 = tpu.sem_alloc : memref<!tpu.dma_semaphore, #tpu.memory_space<semaphore_mem>>
          %dma_start3A = arith.constant 0 : i32
          %dma_start3A_105 = tpu.memref_slice %arg10[%run_scoped3A_88, %dma_start3A] : memref<32x64xf32, #tpu.memory_space<vmem>> -> memref<1x64xf32, #tpu.memory_space<vmem>>
          %dma_start3A_106 = tpu.memref_squeeze %dma_start3A_105 : memref<1x64xf32, #tpu.memory_space<vmem>> -> memref<64xf32, #tpu.memory_space<vmem>>
          %dma_start3A_107 = arith.constant 0 : i32
          %dma_start3A_108 = tpu.memref_slice %arg9[%run_scoped3A_89, %dma_start3A_107] : memref<32x64xi32, #tpu.memory_space<vmem>> -> memref<1x64xi32, #tpu.memory_space<vmem>>
          %dma_start3A_109 = tpu.memref_squeeze %dma_start3A_108 : memref<1x64xi32, #tpu.memory_space<vmem>> -> memref<64xi32, #tpu.memory_space<vmem>>
          %dma_start3A_110 = arith.constant 0 : i32
          %dma_start3A_111 = tpu.memref_slice %arg11[%dma_start3A_110] : memref<10240xf32, #tpu.memory_space<vmem_shared>> -> memref<10240xf32, #tpu.memory_space<vmem_shared>>
          tpu.enqueue_indirect_dma source(%dma_start3A_106 : memref<64xf32, #tpu.memory_space<vmem>>) target(%dma_start3A_111 : memref<10240xf32, #tpu.memory_space<vmem_shared>>) offsets(%dma_start3A_109 : memref<64xi32, #tpu.memory_space<vmem>>) semaphore(%run_scoped3A_104 : memref<!tpu.dma_semaphore, #tpu.memory_space<semaphore_mem>>) {add = true}
          %dma_wait3A = arith.constant 0 : i32
          %dma_wait3A_112 = tpu.memref_slice %arg10[%run_scoped3A_88, %dma_wait3A] : memref<32x64xf32, #tpu.memory_space<vmem>> -> memref<1x64xf32, #tpu.memory_space<vmem>>
          %dma_wait3A_113 = tpu.memref_squeeze %dma_wait3A_112 : memref<1x64xf32, #tpu.memory_space<vmem>> -> memref<64xf32, #tpu.memory_space<vmem>>
          %dma_wait3A_114 = arith.constant 0 : i32
          %dma_wait3A_115 = tpu.memref_slice %arg9[%run_scoped3A_89, %dma_wait3A_114] : memref<32x64xi32, #tpu.memory_space<vmem>> -> memref<1x64xi32, #tpu.memory_space<vmem>>
          %dma_wait3A_116 = tpu.memref_squeeze %dma_wait3A_115 : memref<1x64xi32, #tpu.memory_space<vmem>> -> memref<64xi32, #tpu.memory_space<vmem>>
          %dma_wait3A_117 = arith.constant 0 : i32
          %dma_wait3A_118 = tpu.memref_slice %arg11[%dma_wait3A_117] : memref<10240xf32, #tpu.memory_space<vmem_shared>> -> memref<10240xf32, #tpu.memory_space<vmem_shared>>
          tpu.wait_indirect_dma semaphore(%run_scoped3A_104 : memref<!tpu.dma_semaphore, #tpu.memory_space<semaphore_mem>>) src(%dma_wait3A_113 : memref<64xf32, #tpu.memory_space<vmem>>) dst(%dma_wait3A_118 : memref<10240xf32, #tpu.memory_space<vmem_shared>>)
          tpu.yield
        }) : () -> ()
        %run_scoped3A_90 = arith.constant 25 : i32
        %run_scoped3A_91 = arith.constant 25 : i32
        "tpu.region"() ({
          %run_scoped3A_104 = tpu.sem_alloc : memref<!tpu.dma_semaphore, #tpu.memory_space<semaphore_mem>>
          %dma_start3A = arith.constant 0 : i32
          %dma_start3A_105 = tpu.memref_slice %arg10[%run_scoped3A_90, %dma_start3A] : memref<32x64xf32, #tpu.memory_space<vmem>> -> memref<1x64xf32, #tpu.memory_space<vmem>>
          %dma_start3A_106 = tpu.memref_squeeze %dma_start3A_105 : memref<1x64xf32, #tpu.memory_space<vmem>> -> memref<64xf32, #tpu.memory_space<vmem>>
          %dma_start3A_107 = arith.constant 0 : i32
          %dma_start3A_108 = tpu.memref_slice %arg9[%run_scoped3A_91, %dma_start3A_107] : memref<32x64xi32, #tpu.memory_space<vmem>> -> memref<1x64xi32, #tpu.memory_space<vmem>>
          %dma_start3A_109 = tpu.memref_squeeze %dma_start3A_108 : memref<1x64xi32, #tpu.memory_space<vmem>> -> memref<64xi32, #tpu.memory_space<vmem>>
          %dma_start3A_110 = arith.constant 0 : i32
          %dma_start3A_111 = tpu.memref_slice %arg11[%dma_start3A_110] : memref<10240xf32, #tpu.memory_space<vmem_shared>> -> memref<10240xf32, #tpu.memory_space<vmem_shared>>
          tpu.enqueue_indirect_dma source(%dma_start3A_106 : memref<64xf32, #tpu.memory_space<vmem>>) target(%dma_start3A_111 : memref<10240xf32, #tpu.memory_space<vmem_shared>>) offsets(%dma_start3A_109 : memref<64xi32, #tpu.memory_space<vmem>>) semaphore(%run_scoped3A_104 : memref<!tpu.dma_semaphore, #tpu.memory_space<semaphore_mem>>) {add = true}
          %dma_wait3A = arith.constant 0 : i32
          %dma_wait3A_112 = tpu.memref_slice %arg10[%run_scoped3A_90, %dma_wait3A] : memref<32x64xf32, #tpu.memory_space<vmem>> -> memref<1x64xf32, #tpu.memory_space<vmem>>
          %dma_wait3A_113 = tpu.memref_squeeze %dma_wait3A_112 : memref<1x64xf32, #tpu.memory_space<vmem>> -> memref<64xf32, #tpu.memory_space<vmem>>
          %dma_wait3A_114 = arith.constant 0 : i32
          %dma_wait3A_115 = tpu.memref_slice %arg9[%run_scoped3A_91, %dma_wait3A_114] : memref<32x64xi32, #tpu.memory_space<vmem>> -> memref<1x64xi32, #tpu.memory_space<vmem>>
          %dma_wait3A_116 = tpu.memref_squeeze %dma_wait3A_115 : memref<1x64xi32, #tpu.memory_space<vmem>> -> memref<64xi32, #tpu.memory_space<vmem>>
          %dma_wait3A_117 = arith.constant 0 : i32
          %dma_wait3A_118 = tpu.memref_slice %arg11[%dma_wait3A_117] : memref<10240xf32, #tpu.memory_space<vmem_shared>> -> memref<10240xf32, #tpu.memory_space<vmem_shared>>
          tpu.wait_indirect_dma semaphore(%run_scoped3A_104 : memref<!tpu.dma_semaphore, #tpu.memory_space<semaphore_mem>>) src(%dma_wait3A_113 : memref<64xf32, #tpu.memory_space<vmem>>) dst(%dma_wait3A_118 : memref<10240xf32, #tpu.memory_space<vmem_shared>>)
          tpu.yield
        }) : () -> ()
        %run_scoped3A_92 = arith.constant 26 : i32
        %run_scoped3A_93 = arith.constant 26 : i32
        "tpu.region"() ({
          %run_scoped3A_104 = tpu.sem_alloc : memref<!tpu.dma_semaphore, #tpu.memory_space<semaphore_mem>>
          %dma_start3A = arith.constant 0 : i32
          %dma_start3A_105 = tpu.memref_slice %arg10[%run_scoped3A_92, %dma_start3A] : memref<32x64xf32, #tpu.memory_space<vmem>> -> memref<1x64xf32, #tpu.memory_space<vmem>>
          %dma_start3A_106 = tpu.memref_squeeze %dma_start3A_105 : memref<1x64xf32, #tpu.memory_space<vmem>> -> memref<64xf32, #tpu.memory_space<vmem>>
          %dma_start3A_107 = arith.constant 0 : i32
          %dma_start3A_108 = tpu.memref_slice %arg9[%run_scoped3A_93, %dma_start3A_107] : memref<32x64xi32, #tpu.memory_space<vmem>> -> memref<1x64xi32, #tpu.memory_space<vmem>>
          %dma_start3A_109 = tpu.memref_squeeze %dma_start3A_108 : memref<1x64xi32, #tpu.memory_space<vmem>> -> memref<64xi32, #tpu.memory_space<vmem>>
          %dma_start3A_110 = arith.constant 0 : i32
          %dma_start3A_111 = tpu.memref_slice %arg11[%dma_start3A_110] : memref<10240xf32, #tpu.memory_space<vmem_shared>> -> memref<10240xf32, #tpu.memory_space<vmem_shared>>
          tpu.enqueue_indirect_dma source(%dma_start3A_106 : memref<64xf32, #tpu.memory_space<vmem>>) target(%dma_start3A_111 : memref<10240xf32, #tpu.memory_space<vmem_shared>>) offsets(%dma_start3A_109 : memref<64xi32, #tpu.memory_space<vmem>>) semaphore(%run_scoped3A_104 : memref<!tpu.dma_semaphore, #tpu.memory_space<semaphore_mem>>) {add = true}
          %dma_wait3A = arith.constant 0 : i32
          %dma_wait3A_112 = tpu.memref_slice %arg10[%run_scoped3A_92, %dma_wait3A] : memref<32x64xf32, #tpu.memory_space<vmem>> -> memref<1x64xf32, #tpu.memory_space<vmem>>
          %dma_wait3A_113 = tpu.memref_squeeze %dma_wait3A_112 : memref<1x64xf32, #tpu.memory_space<vmem>> -> memref<64xf32, #tpu.memory_space<vmem>>
          %dma_wait3A_114 = arith.constant 0 : i32
          %dma_wait3A_115 = tpu.memref_slice %arg9[%run_scoped3A_93, %dma_wait3A_114] : memref<32x64xi32, #tpu.memory_space<vmem>> -> memref<1x64xi32, #tpu.memory_space<vmem>>
          %dma_wait3A_116 = tpu.memref_squeeze %dma_wait3A_115 : memref<1x64xi32, #tpu.memory_space<vmem>> -> memref<64xi32, #tpu.memory_space<vmem>>
          %dma_wait3A_117 = arith.constant 0 : i32
          %dma_wait3A_118 = tpu.memref_slice %arg11[%dma_wait3A_117] : memref<10240xf32, #tpu.memory_space<vmem_shared>> -> memref<10240xf32, #tpu.memory_space<vmem_shared>>
          tpu.wait_indirect_dma semaphore(%run_scoped3A_104 : memref<!tpu.dma_semaphore, #tpu.memory_space<semaphore_mem>>) src(%dma_wait3A_113 : memref<64xf32, #tpu.memory_space<vmem>>) dst(%dma_wait3A_118 : memref<10240xf32, #tpu.memory_space<vmem_shared>>)
          tpu.yield
        }) : () -> ()
        %run_scoped3A_94 = arith.constant 27 : i32
        %run_scoped3A_95 = arith.constant 27 : i32
        "tpu.region"() ({
          %run_scoped3A_104 = tpu.sem_alloc : memref<!tpu.dma_semaphore, #tpu.memory_space<semaphore_mem>>
          %dma_start3A = arith.constant 0 : i32
          %dma_start3A_105 = tpu.memref_slice %arg10[%run_scoped3A_94, %dma_start3A] : memref<32x64xf32, #tpu.memory_space<vmem>> -> memref<1x64xf32, #tpu.memory_space<vmem>>
          %dma_start3A_106 = tpu.memref_squeeze %dma_start3A_105 : memref<1x64xf32, #tpu.memory_space<vmem>> -> memref<64xf32, #tpu.memory_space<vmem>>
          %dma_start3A_107 = arith.constant 0 : i32
          %dma_start3A_108 = tpu.memref_slice %arg9[%run_scoped3A_95, %dma_start3A_107] : memref<32x64xi32, #tpu.memory_space<vmem>> -> memref<1x64xi32, #tpu.memory_space<vmem>>
          %dma_start3A_109 = tpu.memref_squeeze %dma_start3A_108 : memref<1x64xi32, #tpu.memory_space<vmem>> -> memref<64xi32, #tpu.memory_space<vmem>>
          %dma_start3A_110 = arith.constant 0 : i32
          %dma_start3A_111 = tpu.memref_slice %arg11[%dma_start3A_110] : memref<10240xf32, #tpu.memory_space<vmem_shared>> -> memref<10240xf32, #tpu.memory_space<vmem_shared>>
          tpu.enqueue_indirect_dma source(%dma_start3A_106 : memref<64xf32, #tpu.memory_space<vmem>>) target(%dma_start3A_111 : memref<10240xf32, #tpu.memory_space<vmem_shared>>) offsets(%dma_start3A_109 : memref<64xi32, #tpu.memory_space<vmem>>) semaphore(%run_scoped3A_104 : memref<!tpu.dma_semaphore, #tpu.memory_space<semaphore_mem>>) {add = true}
          %dma_wait3A = arith.constant 0 : i32
          %dma_wait3A_112 = tpu.memref_slice %arg10[%run_scoped3A_94, %dma_wait3A] : memref<32x64xf32, #tpu.memory_space<vmem>> -> memref<1x64xf32, #tpu.memory_space<vmem>>
          %dma_wait3A_113 = tpu.memref_squeeze %dma_wait3A_112 : memref<1x64xf32, #tpu.memory_space<vmem>> -> memref<64xf32, #tpu.memory_space<vmem>>
          %dma_wait3A_114 = arith.constant 0 : i32
          %dma_wait3A_115 = tpu.memref_slice %arg9[%run_scoped3A_95, %dma_wait3A_114] : memref<32x64xi32, #tpu.memory_space<vmem>> -> memref<1x64xi32, #tpu.memory_space<vmem>>
          %dma_wait3A_116 = tpu.memref_squeeze %dma_wait3A_115 : memref<1x64xi32, #tpu.memory_space<vmem>> -> memref<64xi32, #tpu.memory_space<vmem>>
          %dma_wait3A_117 = arith.constant 0 : i32
          %dma_wait3A_118 = tpu.memref_slice %arg11[%dma_wait3A_117] : memref<10240xf32, #tpu.memory_space<vmem_shared>> -> memref<10240xf32, #tpu.memory_space<vmem_shared>>
          tpu.wait_indirect_dma semaphore(%run_scoped3A_104 : memref<!tpu.dma_semaphore, #tpu.memory_space<semaphore_mem>>) src(%dma_wait3A_113 : memref<64xf32, #tpu.memory_space<vmem>>) dst(%dma_wait3A_118 : memref<10240xf32, #tpu.memory_space<vmem_shared>>)
          tpu.yield
        }) : () -> ()
        %run_scoped3A_96 = arith.constant 28 : i32
        %run_scoped3A_97 = arith.constant 28 : i32
        "tpu.region"() ({
          %run_scoped3A_104 = tpu.sem_alloc : memref<!tpu.dma_semaphore, #tpu.memory_space<semaphore_mem>>
          %dma_start3A = arith.constant 0 : i32
          %dma_start3A_105 = tpu.memref_slice %arg10[%run_scoped3A_96, %dma_start3A] : memref<32x64xf32, #tpu.memory_space<vmem>> -> memref<1x64xf32, #tpu.memory_space<vmem>>
          %dma_start3A_106 = tpu.memref_squeeze %dma_start3A_105 : memref<1x64xf32, #tpu.memory_space<vmem>> -> memref<64xf32, #tpu.memory_space<vmem>>
          %dma_start3A_107 = arith.constant 0 : i32
          %dma_start3A_108 = tpu.memref_slice %arg9[%run_scoped3A_97, %dma_start3A_107] : memref<32x64xi32, #tpu.memory_space<vmem>> -> memref<1x64xi32, #tpu.memory_space<vmem>>
          %dma_start3A_109 = tpu.memref_squeeze %dma_start3A_108 : memref<1x64xi32, #tpu.memory_space<vmem>> -> memref<64xi32, #tpu.memory_space<vmem>>
          %dma_start3A_110 = arith.constant 0 : i32
          %dma_start3A_111 = tpu.memref_slice %arg11[%dma_start3A_110] : memref<10240xf32, #tpu.memory_space<vmem_shared>> -> memref<10240xf32, #tpu.memory_space<vmem_shared>>
          tpu.enqueue_indirect_dma source(%dma_start3A_106 : memref<64xf32, #tpu.memory_space<vmem>>) target(%dma_start3A_111 : memref<10240xf32, #tpu.memory_space<vmem_shared>>) offsets(%dma_start3A_109 : memref<64xi32, #tpu.memory_space<vmem>>) semaphore(%run_scoped3A_104 : memref<!tpu.dma_semaphore, #tpu.memory_space<semaphore_mem>>) {add = true}
          %dma_wait3A = arith.constant 0 : i32
          %dma_wait3A_112 = tpu.memref_slice %arg10[%run_scoped3A_96, %dma_wait3A] : memref<32x64xf32, #tpu.memory_space<vmem>> -> memref<1x64xf32, #tpu.memory_space<vmem>>
          %dma_wait3A_113 = tpu.memref_squeeze %dma_wait3A_112 : memref<1x64xf32, #tpu.memory_space<vmem>> -> memref<64xf32, #tpu.memory_space<vmem>>
          %dma_wait3A_114 = arith.constant 0 : i32
          %dma_wait3A_115 = tpu.memref_slice %arg9[%run_scoped3A_97, %dma_wait3A_114] : memref<32x64xi32, #tpu.memory_space<vmem>> -> memref<1x64xi32, #tpu.memory_space<vmem>>
          %dma_wait3A_116 = tpu.memref_squeeze %dma_wait3A_115 : memref<1x64xi32, #tpu.memory_space<vmem>> -> memref<64xi32, #tpu.memory_space<vmem>>
          %dma_wait3A_117 = arith.constant 0 : i32
          %dma_wait3A_118 = tpu.memref_slice %arg11[%dma_wait3A_117] : memref<10240xf32, #tpu.memory_space<vmem_shared>> -> memref<10240xf32, #tpu.memory_space<vmem_shared>>
          tpu.wait_indirect_dma semaphore(%run_scoped3A_104 : memref<!tpu.dma_semaphore, #tpu.memory_space<semaphore_mem>>) src(%dma_wait3A_113 : memref<64xf32, #tpu.memory_space<vmem>>) dst(%dma_wait3A_118 : memref<10240xf32, #tpu.memory_space<vmem_shared>>)
          tpu.yield
        }) : () -> ()
        %run_scoped3A_98 = arith.constant 29 : i32
        %run_scoped3A_99 = arith.constant 29 : i32
        "tpu.region"() ({
          %run_scoped3A_104 = tpu.sem_alloc : memref<!tpu.dma_semaphore, #tpu.memory_space<semaphore_mem>>
          %dma_start3A = arith.constant 0 : i32
          %dma_start3A_105 = tpu.memref_slice %arg10[%run_scoped3A_98, %dma_start3A] : memref<32x64xf32, #tpu.memory_space<vmem>> -> memref<1x64xf32, #tpu.memory_space<vmem>>
          %dma_start3A_106 = tpu.memref_squeeze %dma_start3A_105 : memref<1x64xf32, #tpu.memory_space<vmem>> -> memref<64xf32, #tpu.memory_space<vmem>>
          %dma_start3A_107 = arith.constant 0 : i32
          %dma_start3A_108 = tpu.memref_slice %arg9[%run_scoped3A_99, %dma_start3A_107] : memref<32x64xi32, #tpu.memory_space<vmem>> -> memref<1x64xi32, #tpu.memory_space<vmem>>
          %dma_start3A_109 = tpu.memref_squeeze %dma_start3A_108 : memref<1x64xi32, #tpu.memory_space<vmem>> -> memref<64xi32, #tpu.memory_space<vmem>>
          %dma_start3A_110 = arith.constant 0 : i32
          %dma_start3A_111 = tpu.memref_slice %arg11[%dma_start3A_110] : memref<10240xf32, #tpu.memory_space<vmem_shared>> -> memref<10240xf32, #tpu.memory_space<vmem_shared>>
          tpu.enqueue_indirect_dma source(%dma_start3A_106 : memref<64xf32, #tpu.memory_space<vmem>>) target(%dma_start3A_111 : memref<10240xf32, #tpu.memory_space<vmem_shared>>) offsets(%dma_start3A_109 : memref<64xi32, #tpu.memory_space<vmem>>) semaphore(%run_scoped3A_104 : memref<!tpu.dma_semaphore, #tpu.memory_space<semaphore_mem>>) {add = true}
          %dma_wait3A = arith.constant 0 : i32
          %dma_wait3A_112 = tpu.memref_slice %arg10[%run_scoped3A_98, %dma_wait3A] : memref<32x64xf32, #tpu.memory_space<vmem>> -> memref<1x64xf32, #tpu.memory_space<vmem>>
          %dma_wait3A_113 = tpu.memref_squeeze %dma_wait3A_112 : memref<1x64xf32, #tpu.memory_space<vmem>> -> memref<64xf32, #tpu.memory_space<vmem>>
          %dma_wait3A_114 = arith.constant 0 : i32
          %dma_wait3A_115 = tpu.memref_slice %arg9[%run_scoped3A_99, %dma_wait3A_114] : memref<32x64xi32, #tpu.memory_space<vmem>> -> memref<1x64xi32, #tpu.memory_space<vmem>>
          %dma_wait3A_116 = tpu.memref_squeeze %dma_wait3A_115 : memref<1x64xi32, #tpu.memory_space<vmem>> -> memref<64xi32, #tpu.memory_space<vmem>>
          %dma_wait3A_117 = arith.constant 0 : i32
          %dma_wait3A_118 = tpu.memref_slice %arg11[%dma_wait3A_117] : memref<10240xf32, #tpu.memory_space<vmem_shared>> -> memref<10240xf32, #tpu.memory_space<vmem_shared>>
          tpu.wait_indirect_dma semaphore(%run_scoped3A_104 : memref<!tpu.dma_semaphore, #tpu.memory_space<semaphore_mem>>) src(%dma_wait3A_113 : memref<64xf32, #tpu.memory_space<vmem>>) dst(%dma_wait3A_118 : memref<10240xf32, #tpu.memory_space<vmem_shared>>)
          tpu.yield
        }) : () -> ()
        %run_scoped3A_100 = arith.constant 30 : i32
        %run_scoped3A_101 = arith.constant 30 : i32
        "tpu.region"() ({
          %run_scoped3A_104 = tpu.sem_alloc : memref<!tpu.dma_semaphore, #tpu.memory_space<semaphore_mem>>
          %dma_start3A = arith.constant 0 : i32
          %dma_start3A_105 = tpu.memref_slice %arg10[%run_scoped3A_100, %dma_start3A] : memref<32x64xf32, #tpu.memory_space<vmem>> -> memref<1x64xf32, #tpu.memory_space<vmem>>
          %dma_start3A_106 = tpu.memref_squeeze %dma_start3A_105 : memref<1x64xf32, #tpu.memory_space<vmem>> -> memref<64xf32, #tpu.memory_space<vmem>>
          %dma_start3A_107 = arith.constant 0 : i32
          %dma_start3A_108 = tpu.memref_slice %arg9[%run_scoped3A_101, %dma_start3A_107] : memref<32x64xi32, #tpu.memory_space<vmem>> -> memref<1x64xi32, #tpu.memory_space<vmem>>
          %dma_start3A_109 = tpu.memref_squeeze %dma_start3A_108 : memref<1x64xi32, #tpu.memory_space<vmem>> -> memref<64xi32, #tpu.memory_space<vmem>>
          %dma_start3A_110 = arith.constant 0 : i32
          %dma_start3A_111 = tpu.memref_slice %arg11[%dma_start3A_110] : memref<10240xf32, #tpu.memory_space<vmem_shared>> -> memref<10240xf32, #tpu.memory_space<vmem_shared>>
          tpu.enqueue_indirect_dma source(%dma_start3A_106 : memref<64xf32, #tpu.memory_space<vmem>>) target(%dma_start3A_111 : memref<10240xf32, #tpu.memory_space<vmem_shared>>) offsets(%dma_start3A_109 : memref<64xi32, #tpu.memory_space<vmem>>) semaphore(%run_scoped3A_104 : memref<!tpu.dma_semaphore, #tpu.memory_space<semaphore_mem>>) {add = true}
          %dma_wait3A = arith.constant 0 : i32
          %dma_wait3A_112 = tpu.memref_slice %arg10[%run_scoped3A_100, %dma_wait3A] : memref<32x64xf32, #tpu.memory_space<vmem>> -> memref<1x64xf32, #tpu.memory_space<vmem>>
          %dma_wait3A_113 = tpu.memref_squeeze %dma_wait3A_112 : memref<1x64xf32, #tpu.memory_space<vmem>> -> memref<64xf32, #tpu.memory_space<vmem>>
          %dma_wait3A_114 = arith.constant 0 : i32
          %dma_wait3A_115 = tpu.memref_slice %arg9[%run_scoped3A_101, %dma_wait3A_114] : memref<32x64xi32, #tpu.memory_space<vmem>> -> memref<1x64xi32, #tpu.memory_space<vmem>>
          %dma_wait3A_116 = tpu.memref_squeeze %dma_wait3A_115 : memref<1x64xi32, #tpu.memory_space<vmem>> -> memref<64xi32, #tpu.memory_space<vmem>>
          %dma_wait3A_117 = arith.constant 0 : i32
          %dma_wait3A_118 = tpu.memref_slice %arg11[%dma_wait3A_117] : memref<10240xf32, #tpu.memory_space<vmem_shared>> -> memref<10240xf32, #tpu.memory_space<vmem_shared>>
          tpu.wait_indirect_dma semaphore(%run_scoped3A_104 : memref<!tpu.dma_semaphore, #tpu.memory_space<semaphore_mem>>) src(%dma_wait3A_113 : memref<64xf32, #tpu.memory_space<vmem>>) dst(%dma_wait3A_118 : memref<10240xf32, #tpu.memory_space<vmem_shared>>)
          tpu.yield
        }) : () -> ()
        %run_scoped3A_102 = arith.constant 31 : i32
        %run_scoped3A_103 = arith.constant 31 : i32
        "tpu.region"() ({
          %run_scoped3A_104 = tpu.sem_alloc : memref<!tpu.dma_semaphore, #tpu.memory_space<semaphore_mem>>
          %dma_start3A = arith.constant 0 : i32
          %dma_start3A_105 = tpu.memref_slice %arg10[%run_scoped3A_102, %dma_start3A] : memref<32x64xf32, #tpu.memory_space<vmem>> -> memref<1x64xf32, #tpu.memory_space<vmem>>
          %dma_start3A_106 = tpu.memref_squeeze %dma_start3A_105 : memref<1x64xf32, #tpu.memory_space<vmem>> -> memref<64xf32, #tpu.memory_space<vmem>>
          %dma_start3A_107 = arith.constant 0 : i32
          %dma_start3A_108 = tpu.memref_slice %arg9[%run_scoped3A_103, %dma_start3A_107] : memref<32x64xi32, #tpu.memory_space<vmem>> -> memref<1x64xi32, #tpu.memory_space<vmem>>
          %dma_start3A_109 = tpu.memref_squeeze %dma_start3A_108 : memref<1x64xi32, #tpu.memory_space<vmem>> -> memref<64xi32, #tpu.memory_space<vmem>>
          %dma_start3A_110 = arith.constant 0 : i32
          %dma_start3A_111 = tpu.memref_slice %arg11[%dma_start3A_110] : memref<10240xf32, #tpu.memory_space<vmem_shared>> -> memref<10240xf32, #tpu.memory_space<vmem_shared>>
          tpu.enqueue_indirect_dma source(%dma_start3A_106 : memref<64xf32, #tpu.memory_space<vmem>>) target(%dma_start3A_111 : memref<10240xf32, #tpu.memory_space<vmem_shared>>) offsets(%dma_start3A_109 : memref<64xi32, #tpu.memory_space<vmem>>) semaphore(%run_scoped3A_104 : memref<!tpu.dma_semaphore, #tpu.memory_space<semaphore_mem>>) {add = true}
          %dma_wait3A = arith.constant 0 : i32
          %dma_wait3A_112 = tpu.memref_slice %arg10[%run_scoped3A_102, %dma_wait3A] : memref<32x64xf32, #tpu.memory_space<vmem>> -> memref<1x64xf32, #tpu.memory_space<vmem>>
          %dma_wait3A_113 = tpu.memref_squeeze %dma_wait3A_112 : memref<1x64xf32, #tpu.memory_space<vmem>> -> memref<64xf32, #tpu.memory_space<vmem>>
          %dma_wait3A_114 = arith.constant 0 : i32
          %dma_wait3A_115 = tpu.memref_slice %arg9[%run_scoped3A_103, %dma_wait3A_114] : memref<32x64xi32, #tpu.memory_space<vmem>> -> memref<1x64xi32, #tpu.memory_space<vmem>>
          %dma_wait3A_116 = tpu.memref_squeeze %dma_wait3A_115 : memref<1x64xi32, #tpu.memory_space<vmem>> -> memref<64xi32, #tpu.memory_space<vmem>>
          %dma_wait3A_117 = arith.constant 0 : i32
          %dma_wait3A_118 = tpu.memref_slice %arg11[%dma_wait3A_117] : memref<10240xf32, #tpu.memory_space<vmem_shared>> -> memref<10240xf32, #tpu.memory_space<vmem_shared>>
          tpu.wait_indirect_dma semaphore(%run_scoped3A_104 : memref<!tpu.dma_semaphore, #tpu.memory_space<semaphore_mem>>) src(%dma_wait3A_113 : memref<64xf32, #tpu.memory_space<vmem>>) dst(%dma_wait3A_118 : memref<10240xf32, #tpu.memory_space<vmem_shared>>)
          tpu.yield
        }) : () -> ()
      }
      %scan3A_26 = arith.constant 5 : i32
      %barrier3A_27 = arith.constant 0 : index
      tpu.barrier barrier_id(%barrier3A_27)
      %mul3A_28 = arith.constant 640 : i32
      %mul3A_29 = arith.muli %arg1, %mul3A_28 : i32
      "tpu.region"() ({
        %run_scoped3A = tpu.sem_alloc : memref<!tpu.dma_semaphore, #tpu.memory_space<semaphore_mem>>
        %dma_start3A = arith.constant 0 : i32
        %dma_start3A_38 = tpu.memref_slice %arg8[%dma_start3A] : memref<10240xf32, #tpu.memory_space<vmem>> -> memref<640xf32, #tpu.memory_space<vmem>>
        %dma_start3A_39 = tpu.memref_slice %arg11[%mul3A_29] : memref<10240xf32, #tpu.memory_space<vmem_shared>> -> memref<640xf32, #tpu.memory_space<vmem_shared>>
        %dma_start3A_40 = arith.constant 0 : i32
        %dma_start3A_41 = tpu.memref_slice %arg8[%dma_start3A_40] : memref<10240xf32, #tpu.memory_space<vmem>> -> memref<640xf32, #tpu.memory_space<vmem>>
        %dma_start3A_42 = tpu.memref_slice %arg11[%mul3A_29] : memref<10240xf32, #tpu.memory_space<vmem_shared>> -> memref<640xf32, #tpu.memory_space<vmem_shared>>
        tpu.enqueue_dma source(%dma_start3A_42 : memref<640xf32, #tpu.memory_space<vmem_shared>>) target(%dma_start3A_41 : memref<640xf32, #tpu.memory_space<vmem>>) target_semaphore(%run_scoped3A : memref<!tpu.dma_semaphore, #tpu.memory_space<semaphore_mem>>)
        %dma_wait3A = arith.constant 0 : i32
        %dma_wait3A_43 = tpu.memref_slice %arg8[%dma_wait3A] : memref<10240xf32, #tpu.memory_space<vmem>> -> memref<640xf32, #tpu.memory_space<vmem>>
        %dma_wait3A_44 = tpu.memref_slice %arg11[%mul3A_29] : memref<10240xf32, #tpu.memory_space<vmem_shared>> -> memref<640xf32, #tpu.memory_space<vmem_shared>>
        %dma_wait3A_45 = arith.constant 0 : i32
        %dma_wait3A_46 = tpu.memref_slice %arg8[%dma_wait3A_45] : memref<10240xf32, #tpu.memory_space<vmem>> -> memref<640xf32, #tpu.memory_space<vmem>>
        %dma_wait3A_47 = tpu.memref_slice %arg11[%mul3A_29] : memref<10240xf32, #tpu.memory_space<vmem_shared>> -> memref<640xf32, #tpu.memory_space<vmem_shared>>
        tpu.wait_dma2 semaphore(%run_scoped3A : memref<!tpu.dma_semaphore, #tpu.memory_space<semaphore_mem>>) src(%dma_wait3A_47 : memref<640xf32, #tpu.memory_space<vmem_shared>>) dst(%dma_wait3A_46 : memref<640xf32, #tpu.memory_space<vmem>>)
        tpu.yield
      }) : () -> ()
      %scan3A_30 = arith.constant 0 : i32
      %scan3A_31 = arith.constant 0 : i32
      %scan3A_32 = arith.constant 40 : i32
      %scan3A_33 = arith.addi %scan3A_31, %scan3A_32 : i32
      %scan3A_34 = arith.constant 1 : i32
      scf.for %scan3A_38 = %scan3A_31 to %scan3A_33 step %scan3A_34  : i32 {
        %mul3A_39 = arith.constant 16 : i32
        %mul3A_40 = arith.muli %scan3A_38, %mul3A_39 : i32
        %get3A = arith.index_cast %mul3A_40 : i32 to index
        %get3A_41 = tpu.vector_load %arg8[%get3A] {strides = array<i32>} : memref<10240xf32, #tpu.memory_space<vmem>>, vector<16xf32>,
        %get3A_42 = vector.shape_cast %get3A_41 : vector<16xf32> to vector<16xf32>
        %add3A = arith.constant 1.000000e+00 : f32
        %add3A_43 = vector.broadcast %add3A : f32 to vector<16xf32>
        %add3A_44 = arith.addf %get3A_42, %add3A_43 : vector<16xf32>
        %add3A_45 = arith.constant 1.000000e+00 : f32
        %add3A_46 = vector.broadcast %add3A_45 : f32 to vector<16xf32>
        %add3A_47 = arith.addf %add3A_46, %add3A_44 : vector<16xf32>
        %mul3A_48 = arith.constant 5.000000e-01 : f32
        %mul3A_49 = vector.broadcast %mul3A_48 : f32 to vector<16xf32>
        %mul3A_50 = arith.mulf %mul3A_49, %add3A_47 : vector<16xf32>
        %div3A = arith.divf %add3A_44, %mul3A_50 : vector<16xf32>
        %add3A_51 = arith.addf %mul3A_50, %div3A : vector<16xf32>
        %mul3A_52 = arith.constant 5.000000e-01 : f32
        %mul3A_53 = vector.broadcast %mul3A_52 : f32 to vector<16xf32>
        %mul3A_54 = arith.mulf %mul3A_53, %add3A_51 : vector<16xf32>
        %div3A_55 = arith.divf %add3A_44, %mul3A_54 : vector<16xf32>
        %add3A_56 = arith.addf %mul3A_54, %div3A_55 : vector<16xf32>
        %mul3A_57 = arith.constant 5.000000e-01 : f32
        %mul3A_58 = vector.broadcast %mul3A_57 : f32 to vector<16xf32>
        %mul3A_59 = arith.mulf %mul3A_58, %add3A_56 : vector<16xf32>
        %div3A_60 = arith.divf %add3A_44, %mul3A_59 : vector<16xf32>
        %add3A_61 = arith.addf %mul3A_59, %div3A_60 : vector<16xf32>
        %mul3A_62 = arith.constant 5.000000e-01 : f32
        %mul3A_63 = vector.broadcast %mul3A_62 : f32 to vector<16xf32>
        %mul3A_64 = arith.mulf %mul3A_63, %add3A_61 : vector<16xf32>
        %div3A_65 = arith.divf %add3A_44, %mul3A_64 : vector<16xf32>
        %add3A_66 = arith.addf %mul3A_64, %div3A_65 : vector<16xf32>
        %mul3A_67 = arith.constant 5.000000e-01 : f32
        %mul3A_68 = vector.broadcast %mul3A_67 : f32 to vector<16xf32>
        %mul3A_69 = arith.mulf %mul3A_68, %add3A_66 : vector<16xf32>
        %div3A_70 = arith.divf %add3A_44, %mul3A_69 : vector<16xf32>
        %add3A_71 = arith.addf %mul3A_69, %div3A_70 : vector<16xf32>
        %mul3A_72 = arith.constant 5.000000e-01 : f32
        %mul3A_73 = vector.broadcast %mul3A_72 : f32 to vector<16xf32>
        %mul3A_74 = arith.mulf %mul3A_73, %add3A_71 : vector<16xf32>
        %div3A_75 = arith.divf %add3A_44, %mul3A_74 : vector<16xf32>
        %add3A_76 = arith.addf %mul3A_74, %div3A_75 : vector<16xf32>
        %mul3A_77 = arith.constant 5.000000e-01 : f32
        %mul3A_78 = vector.broadcast %mul3A_77 : f32 to vector<16xf32>
        %mul3A_79 = arith.mulf %mul3A_78, %add3A_76 : vector<16xf32>
        %div3A_80 = arith.divf %add3A_44, %mul3A_79 : vector<16xf32>
        %add3A_81 = arith.addf %mul3A_79, %div3A_80 : vector<16xf32>
        %mul3A_82 = arith.constant 5.000000e-01 : f32
        %mul3A_83 = vector.broadcast %mul3A_82 : f32 to vector<16xf32>
        %mul3A_84 = arith.mulf %mul3A_83, %add3A_81 : vector<16xf32>
        %div3A_85 = arith.divf %add3A_44, %mul3A_84 : vector<16xf32>
        %add3A_86 = arith.addf %mul3A_84, %div3A_85 : vector<16xf32>
        %mul3A_87 = arith.constant 5.000000e-01 : f32
        %mul3A_88 = vector.broadcast %mul3A_87 : f32 to vector<16xf32>
        %mul3A_89 = arith.mulf %mul3A_88, %add3A_86 : vector<16xf32>
        %div3A_90 = arith.divf %add3A_44, %mul3A_89 : vector<16xf32>
        %add3A_91 = arith.addf %mul3A_89, %div3A_90 : vector<16xf32>
        %mul3A_92 = arith.constant 5.000000e-01 : f32
        %mul3A_93 = vector.broadcast %mul3A_92 : f32 to vector<16xf32>
        %mul3A_94 = arith.mulf %mul3A_93, %add3A_91 : vector<16xf32>
        %div3A_95 = arith.divf %add3A_44, %mul3A_94 : vector<16xf32>
        %add3A_96 = arith.addf %mul3A_94, %div3A_95 : vector<16xf32>
        %mul3A_97 = arith.constant 5.000000e-01 : f32
        %mul3A_98 = vector.broadcast %mul3A_97 : f32 to vector<16xf32>
        %mul3A_99 = arith.mulf %mul3A_98, %add3A_96 : vector<16xf32>
        %div3A_100 = arith.divf %add3A_44, %mul3A_99 : vector<16xf32>
        %add3A_101 = arith.addf %mul3A_99, %div3A_100 : vector<16xf32>
        %mul3A_102 = arith.constant 5.000000e-01 : f32
        %mul3A_103 = vector.broadcast %mul3A_102 : f32 to vector<16xf32>
        %mul3A_104 = arith.mulf %mul3A_103, %add3A_101 : vector<16xf32>
        %div3A_105 = arith.divf %add3A_44, %mul3A_104 : vector<16xf32>
        %add3A_106 = arith.addf %mul3A_104, %div3A_105 : vector<16xf32>
        %mul3A_107 = arith.constant 5.000000e-01 : f32
        %mul3A_108 = vector.broadcast %mul3A_107 : f32 to vector<16xf32>
        %mul3A_109 = arith.mulf %mul3A_108, %add3A_106 : vector<16xf32>
        %div3A_110 = arith.divf %add3A_44, %mul3A_109 : vector<16xf32>
        %add3A_111 = arith.addf %mul3A_109, %div3A_110 : vector<16xf32>
        %mul3A_112 = arith.constant 5.000000e-01 : f32
        %mul3A_113 = vector.broadcast %mul3A_112 : f32 to vector<16xf32>
        %mul3A_114 = arith.mulf %mul3A_113, %add3A_111 : vector<16xf32>
        %div3A_115 = arith.divf %add3A_44, %mul3A_114 : vector<16xf32>
        %add3A_116 = arith.addf %mul3A_114, %div3A_115 : vector<16xf32>
        %mul3A_117 = arith.constant 5.000000e-01 : f32
        %mul3A_118 = vector.broadcast %mul3A_117 : f32 to vector<16xf32>
        %mul3A_119 = arith.mulf %mul3A_118, %add3A_116 : vector<16xf32>
        %div3A_120 = arith.divf %add3A_44, %mul3A_119 : vector<16xf32>
        %add3A_121 = arith.addf %mul3A_119, %div3A_120 : vector<16xf32>
        %mul3A_122 = arith.constant 5.000000e-01 : f32
        %mul3A_123 = vector.broadcast %mul3A_122 : f32 to vector<16xf32>
        %mul3A_124 = arith.mulf %mul3A_123, %add3A_121 : vector<16xf32>
        %div3A_125 = arith.divf %add3A_44, %mul3A_124 : vector<16xf32>
        %add3A_126 = arith.addf %mul3A_124, %div3A_125 : vector<16xf32>
        %mul3A_127 = arith.constant 5.000000e-01 : f32
        %mul3A_128 = vector.broadcast %mul3A_127 : f32 to vector<16xf32>
        %mul3A_129 = arith.mulf %mul3A_128, %add3A_126 : vector<16xf32>
        %div3A_130 = arith.divf %add3A_44, %mul3A_129 : vector<16xf32>
        %add3A_131 = arith.addf %mul3A_129, %div3A_130 : vector<16xf32>
        %mul3A_132 = arith.constant 5.000000e-01 : f32
        %mul3A_133 = vector.broadcast %mul3A_132 : f32 to vector<16xf32>
        %mul3A_134 = arith.mulf %mul3A_133, %add3A_131 : vector<16xf32>
        %div3A_135 = arith.divf %add3A_44, %mul3A_134 : vector<16xf32>
        %add3A_136 = arith.addf %mul3A_134, %div3A_135 : vector<16xf32>
        %mul3A_137 = arith.constant 5.000000e-01 : f32
        %mul3A_138 = vector.broadcast %mul3A_137 : f32 to vector<16xf32>
        %mul3A_139 = arith.mulf %mul3A_138, %add3A_136 : vector<16xf32>
        %div3A_140 = arith.constant 1.000000e+00 : f32
        %div3A_141 = vector.broadcast %div3A_140 : f32 to vector<16xf32>
        %div3A_142 = arith.divf %div3A_141, %mul3A_139 : vector<16xf32>
        %mul3A_143 = arith.constant 16 : i32
        %mul3A_144 = arith.muli %scan3A_38, %mul3A_143 : i32
        %swap3A = arith.index_cast %mul3A_144 : i32 to index
        %swap3A_145 = tpu.vector_load %arg8[%swap3A] {strides = array<i32>} : memref<10240xf32, #tpu.memory_space<vmem>>, vector<16xf32>,
        %swap3A_146 = vector.shape_cast %swap3A_145 : vector<16xf32> to vector<16xf32>
        %swap3A_147 = vector.shape_cast %div3A_142 : vector<16xf32> to vector<16xf32>
        tpu.vector_store %arg8[%swap3A], %swap3A_147 {strides = array<i32>} : memref<10240xf32, #tpu.memory_space<vmem>>, vector<16xf32>,
      }
      %scan3A_35 = arith.constant 40 : i32
      %mul3A_36 = arith.constant 640 : i32
      %mul3A_37 = arith.muli %arg1, %mul3A_36 : i32
      "tpu.region"() ({
        %run_scoped3A = tpu.sem_alloc : memref<!tpu.dma_semaphore, #tpu.memory_space<semaphore_mem>>
        %dma_start3A = arith.constant 0 : i32
        %dma_start3A_38 = tpu.memref_slice %arg8[%dma_start3A] : memref<10240xf32, #tpu.memory_space<vmem>> -> memref<640xf32, #tpu.memory_space<vmem>>
        %dma_start3A_39 = tpu.memref_slice %arg7[%mul3A_37] : memref<10240xf32, #tpu.memory_space<hbm>> -> memref<640xf32, #tpu.memory_space<hbm>>
        %dma_start3A_40 = tpu.memref_slice %arg7[%mul3A_37] : memref<10240xf32, #tpu.memory_space<hbm>> -> memref<640xf32, #tpu.memory_space<hbm>>
        %dma_start3A_41 = arith.constant 0 : i32
        %dma_start3A_42 = tpu.memref_slice %arg8[%dma_start3A_41] : memref<10240xf32, #tpu.memory_space<vmem>> -> memref<640xf32, #tpu.memory_space<vmem>>
        tpu.enqueue_dma source(%dma_start3A_42 : memref<640xf32, #tpu.memory_space<vmem>>) target(%dma_start3A_40 : memref<640xf32, #tpu.memory_space<hbm>>) target_semaphore(%run_scoped3A : memref<!tpu.dma_semaphore, #tpu.memory_space<semaphore_mem>>)
        %dma_wait3A = arith.constant 0 : i32
        %dma_wait3A_43 = tpu.memref_slice %arg8[%dma_wait3A] : memref<10240xf32, #tpu.memory_space<vmem>> -> memref<640xf32, #tpu.memory_space<vmem>>
        %dma_wait3A_44 = tpu.memref_slice %arg7[%mul3A_37] : memref<10240xf32, #tpu.memory_space<hbm>> -> memref<640xf32, #tpu.memory_space<hbm>>
        %dma_wait3A_45 = tpu.memref_slice %arg7[%mul3A_37] : memref<10240xf32, #tpu.memory_space<hbm>> -> memref<640xf32, #tpu.memory_space<hbm>>
        %dma_wait3A_46 = arith.constant 0 : i32
        %dma_wait3A_47 = tpu.memref_slice %arg8[%dma_wait3A_46] : memref<10240xf32, #tpu.memory_space<vmem>> -> memref<640xf32, #tpu.memory_space<vmem>>
        tpu.wait_dma2 semaphore(%run_scoped3A : memref<!tpu.dma_semaphore, #tpu.memory_space<semaphore_mem>>) src(%dma_wait3A_47 : memref<640xf32, #tpu.memory_space<vmem>>) dst(%dma_wait3A_45 : memref<640xf32, #tpu.memory_space<hbm>>)
        tpu.yield
      }) : () -> ()
    } else {
    }
    return
  }
}

</mosaic_0001>

<sc_bundles>
// kernel: _deg_kernel.3.cloned.1.call-start
scs
__scs_entry_jumppad:
0x0: {  	(pc) =	sbr.rel $0x88, $3  }
0x1: {  	(tag) =	ssettag $0x0;
	lr =	simm.s32 $0x1  }
0x2: {  	[smem:$0x3F9D] =	sst lr;
	_ =	strace $0xD0000000  }
0x3: {  	_ = 	snop  }
0x4: {  	_ = 	snop  }
0x5: {  	_ = 	snop  }
0x6: {  	_ = 	snop  }
0x7: {  	_ = 	snop  }
__scs_overlays_trampoline_lowered:
0x8: {  	[smem:$0x3FAC] =	sst s0  }
0x9: {  	[smem:$0x3FAD] =	sst s1  }
0xa: {  	[smem:$0x3FAE] =	sst s2  }
0xb: {  	[smem:$0x3FAF] =	sst s3  }
0xc: {  	[smem:$0x3FB0] =	sst s4  }
0xd: {  	[smem:$0x3FB1] =	sst s5  }
0xe: {  	[smem:$0x3FB2] =	sst s6  }
0xf: {  	[smem:$0x3FB3] =	sst s7  }
0x10: {  	[smem:$0x3FB4] =	sst s8  }
0x11: {  	[smem:$0x3FB5] =	sst s9;
	s0 =	simm.s32 @!p0 $0x0  }
0x12: {  	s1 =	sld [smem:$0x3F9B];
	s0 =	simm.s32 @p0 $0x1  }
0x13: {  	[smem:$0x3FB6] =	sst s0;
	s0 =	simm.s32 @!p1 $0x0  }
0x14: {  	s2 =	sld [smem:$0x3F9A];
	s0 =	simm.s32 @p1 $0x1  }
0x15: {  	[smem:$0x3FB7] =	sst s0;
	s0 =	simm.s32 @!p2 $0x0  }
0x16: {  	s3 =	sld [smem:$0x3FDB];
	s0 =	simm.s32 @p2 $0x1  }
0x17: {  	s4 =	simm.s32 $0x1BF5;
	[smem:$0x3FB9] =	sst s0  }
0x18: {  	s0 =	sld [smem:$0x3F9C];
	_ =	swait.ge [sflag:s4], $0x0  }
0x19: {  	s7 =	sld [smem:$0x3F9D]  }
0x1a: {  	s8 =	sadd.s32 $0xFFFFE003, lr  }
0x1b: {  	s9 =	sadd.s32 $0xFFFFFEF7, lr;
	s5 =	simm.s32 $0xFFFFFFFF;
	p2 =	slt.u32 s8, $0xFFFFF086  }
0x1c: {  	p1 =	slt.u32 s9, $0xF7A;
	s5 =	simm.s32 @!p2 $0x0  }
0x1d: {  	s5 =	simm.s32 @p1 $0x1;
	p0 =	seq.s32 s7, s2  }
0x1e: {  	s7 =	smul.u32 @!p0 $0xF7A, s2;
	p2 =	seq.s32 @!p0 s5, $0x0  }
0x1f: {  	s9 =	smul.u32 $0xF7A, s1;
	s8 =	simm.s32 @!p0 $0x1BF5;
	p2 =	por !p2, p0  }
0x20: {  	[sflag:s8] =	ssyncset.s32 @!p0 $0xFFFFF086;
	s6 =	sadd.s32 @!p0 s3, s7;
	s7 =	simm.s32 @!p0 $0x108  }
0x21: {  	s3 =	sadd.s32 s3, s9;
	s6 =	sadd.s32 @!p0 $0x88, s6;
	s7 =	simm.s32 @p2 $0x1082  }
0x22: {  	[simem:s7], [sflag:s8] =	dma.local @!p0 [hbm:s6], $0xF7A  }
0x23: {  	s9 =	sor.u32 $0xD0000000, s2;
	s6 =	simm.s32 $0x108;
	_ =	swait.ge @!p0 [sflag:s8], $0x0  }
0x24: {  	s3 =	sadd.s32 $0x88, s3;
	s6 =	simm.s32 @!p1 $0x1082;
	[sflag:s4] =	ssyncset.s32 $0xFFFFF086  }
0x25: {  	[simem:s6], [sflag:s4] =	dma.local [hbm:s3], $0xF7A  }
0x26: {  	[smem:$0x3F9D] =	sst s1;
	(tag) =	ssettag s2;
	_ =	strace s9  }
0x27: {  	s1 =	sld [smem:$0x3FAD]  }
0x28: {  	s2 =	sld [smem:$0x3FAE]  }
0x29: {  	s4 =	sld [smem:$0x3FB0]  }
0x2a: {  	p0 =	seq.s32 s5, $0x0;
	s5 =	sld [smem:$0x3FB1]  }
0x2b: {  	s6 =	sld [smem:$0x3FB2]  }
0x2c: {  	s7 =	sld [smem:$0x3FB3]  }
0x2d: {  	s3 =	simm.s32 $0x108;
	s8 =	sld [smem:$0x3FB4]  }
0x2e: {  	s3 =	simm.s32 @!p0 $0x1082;
	s9 =	sld [smem:$0x3FB5]  }
0x2f: {  	lr =	sadd.s32 s0, s3;
	s0 =	sld [smem:$0x3FAC]  }
0x30: {  	s3 =	sld [smem:$0x3FAF]  }
0x31: {  	[smem:$0x3FB8] =	sst s10  }
0x32: {  	s10 =	sld [smem:$0x3FB6];
	_ =	sdelay $0x3  }
0x33: {  	p0 =	seq.s32 s10, $0x1;
	s10 =	sld [smem:$0x3FB8];
	_ =	sdelay $0x3  }
0x34: {  	[smem:$0x3FB8] =	sst s10  }
0x35: {  	s10 =	sld [smem:$0x3FB7];
	_ =	sdelay $0x3  }
0x36: {  	p1 =	seq.s32 s10, $0x1;
	s10 =	sld [smem:$0x3FB8];
	_ =	sdelay $0x3  }
0x37: {  	[smem:$0x3FB8] =	sst s10  }
0x38: {  	s10 =	sld [smem:$0x3FB9]  }
0x39: {  	_ = 	snop;
	(pc) =	sbr.ind lr, $3  }
0x3a: {  	_ = 	snop  }
0x3b: {  	_ = 	snop  }
0x3c: {  	p2 =	seq.s32 s10, $0x1;
	s10 =	sld [smem:$0x3FB8]  }
0x3d: {  	_ =	shalt  }
0x3e: {  	_ =	shalt  }
0x3f: {  	_ =	shalt  }
0x40: {  	_ =	shalt  }
0x41: {  	_ =	shalt  }
0x42: {  	_ =	shalt  }
0x43: {  	_ =	shalt  }
0x44: {  	_ =	shalt  }
0x45: {  	_ =	shalt  }
0x46: {  	_ =	shalt  }
0x47: {  	_ =	shalt  }
0x48: {  	_ =	shalt  }
0x49: {  	_ =	shalt  }
0x4a: {  	_ =	shalt  }
0x4b: {  	_ =	shalt  }
0x4c: {  	_ =	shalt  }
0x4d: {  	_ =	shalt  }
0x4e: {  	_ =	shalt  }
0x4f: {  	_ =	shalt  }
0x50: {  	_ =	shalt  }
0x51: {  	_ =	shalt  }
0x52: {  	_ =	shalt  }
0x53: {  	_ =	shalt  }
0x54: {  	_ =	shalt  }
0x55: {  	_ =	shalt  }
0x56: {  	_ =	shalt  }
0x57: {  	_ =	shalt  }
0x58: {  	_ =	shalt  }
0x59: {  	_ =	shalt  }
0x5a: {  	_ =	shalt  }
0x5b: {  	_ =	shalt  }
0x5c: {  	_ =	shalt  }
0x5d: {  	_ =	shalt  }
0x5e: {  	_ =	shalt  }
0x5f: {  	_ =	shalt  }
0x60: {  	_ =	shalt  }
0x61: {  	_ =	shalt  }
0x62: {  	_ =	shalt  }
0x63: {  	_ =	shalt  }
0x64: {  	_ =	shalt  }
0x65: {  	_ =	shalt  }
0x66: {  	_ =	shalt  }
0x67: {  	_ =	shalt  }
0x68: {  	_ =	shalt  }
0x69: {  	_ =	shalt  }
0x6a: {  	_ =	shalt  }
0x6b: {  	_ =	shalt  }
0x6c: {  	_ =	shalt  }
0x6d: {  	_ =	shalt  }
0x6e: {  	_ =	shalt  }
0x6f: {  	_ =	shalt  }
0x70: {  	_ =	shalt  }
0x71: {  	_ =	shalt  }
0x72: {  	_ =	shalt  }
0x73: {  	_ =	shalt  }
0x74: {  	_ =	shalt  }
0x75: {  	_ =	shalt  }
0x76: {  	_ =	shalt  }
0x77: {  	_ =	shalt  }
0x78: {  	_ =	shalt  }
0x79: {  	_ =	shalt  }
0x7a: {  	_ =	shalt  }
0x7b: {  	_ =	shalt  }
0x7c: {  	_ =	shalt  }
0x7d: {  	_ =	shalt  }
0x7e: {  	_ =	shalt  }
0x7f: {  	_ =	shalt  }
0x80: {  	_ =	shalt  }
0x81: {  	_ =	shalt  }
0x82: {  	_ =	shalt  }
0x83: {  	_ =	shalt  }
0x84: {  	_ =	shalt  }
0x85: {  	_ =	shalt  }
0x86: {  	_ =	shalt  }
0x87: {  	_ =	shalt  }
.Lfunc_end0:
.L_simem_size_0:
called_computation_lowered:
.L_overlay_start_0:
0x88: {  	s2 =	sld [smem:$0x3FD9]  }
0x89: {  	s3 =	sld [smem:$0x3FFE];
	_ =	sdelay $0x1  }
0x8a: {  	s1 =	srdreg.scid  }
0x8b: {  	s0 =	sand.u32 $0x1, s1  }
0x8c: {  	s14 =	sshll.u32 s0, $0xA;
	s2 =	sadd.s32 s3, s2  }
0x8d: {  	s2 =	sadd.s32 s2, s14  }
0x8e: {  	[smem:$0x3FC4] =	sst s2  }
0x8f: {  	_ = 	snop  }
0x90: {  	s2 =	sld [smem:$0x3FD0];
	_ =	sdelay $0x2  }
0x91: {  	s15 =	simm.s32 $0xA;
	s4 =	simm.s32 $0x10  }
0x92: {  	[smem:s4], [sflag:s15] =	dma.local [hbm:s2], $0x1  }
0x93: {  	_ =	swait.eq [sflag:s15], $0x1  }
0x94: {  	[sflag:s15] =	ssyncset.done $0x0  }
0x95: {  	s16 =	sld [smem:$0x10];
	[sflag:s15] =	ssyncadd.s32 $0xFFFFFFFF  }
0x96: {  	s17 =	sld [smem:$0x11];
	(tm) =	ssettm $0x1  }
0x97: {  	s18 =	sld [smem:$0x3FFB];
	_ =	sdelay $0x3  }
0x98: {  	_ =	strace s18  }
0x99: {  	s4 =	sld [smem:$0x3FFC];
	_ =	sdelay $0x3  }
0x9a: {  	_ =	strace s4  }
0x9b: {  	s4 =	sld [smem:$0x3FFD];
	_ =	sdelay $0x3  }
0x9c: {  	_ =	strace s4  }
0x9d: {  	_ =	strace $0x8FFFFFFF  }
0x9e: {  	s19 =	sld [smem:$0x3FDB];
	_ =	sdelay $0x1  }
0x9f: {  	s5 =	simm.s32 $_scs_section_size  }
0xa0: {  	s6 =	simm.s32 $_size__tile_overlayer_lowered;
	s7 =	simm.s32 $_tile_overlayer_lowered  }
0xa1: {  	s22 =	simm.s32 $0x1BFF;
	s21 =	sshll.u32 s7, $0x1;
	s4 =	sadd.s32 s5, s19  }
0xa2: {  	s8 =	simm.s32 $0x0;
	s20 =	sshll.u32 s6, $0x1;
	s6 =	sadd.s32 s21, s4  }
0xa3: {  	[timem:s8], [sflag:s22] =	dma.local [hbm:s6], s20  }
0xa4: {  	_ =	swait.ge [sflag:s22], s20  }
0xa5: {  	s5 =	ssub.s32 $0x0, s20;
	[sflag:s22] =	ssyncset.done $0x0  }
0xa6: {  	[sflag:s22] =	ssyncadd.s32 s5;
	_ =	sdelay $0x1  }
0xa7: {  	s23 =	simm.s32 $0x1B8B  }
0xa8: {  	_ =	swait.ge [sflag:s23], $0x1  }
0xa9: {  	[sflag:s23] =	ssyncset.done $0x0  }
0xaa: {  	s25 =	simm.s32 $0x1B8E;
	s24 =	sld [smem:$0x3FFE];
	[sflag:s23] =	ssyncadd.s32 $0xFFFFFFFF  }
0xab: {  	s26 =	simm.s32 $execute0_lowered;
	[smem:$0x3FD2] =	sst s25  }
0xac: {  	s6 =	sshll.u32 s26, $0x1;
	_ =	strace $0x80000046;
	[dreg:$0x1] =	wrdreg $0xFFFFFFFF  }
0xad: {  	s28 =	simm.s32 $_size_execute0_lowered;
	s4 =	sadd.s32 s4, s6;
	[dreg:$0x0] =	wrdreg $0x0  }
0xae: {  	s6 =	sshll.u32 s28, $0x1;
	[dreg:$0x2] =	wrdreg s4  }
0xaf: {  	[dreg:$0x3] =	wrdreg s6  }
0xb0: {  	[dreg:$0x4] =	wrdreg $0xC0  }
0xb1: {  	_ =	task [dreg:s8], $0x5FFFF  }
0xb2: {  	[dreg:$0x1] =	wrdreg $0xFFFFFFFF  }
0xb3: {  	[dreg:$0x0] =	wrdreg $0x60  }
0xb4: {  	[dreg:$0x2] =	wrdreg s24  }
0xb5: {  	[dreg:$0x3] =	wrdreg s16  }
0xb6: {  	[dreg:$0x4] =	wrdreg s17  }
0xb7: {  	[dreg:$0x5] =	wrdreg $0x48000  }
0xb8: {  	[dreg:$0x6] =	wrdreg $0x9  }
0xb9: {  	_ =	task.clear_ibuf [dreg:s8], $0x7FFFF;
	_ =	strace $0x90000046  }
0xba: {  	s29 =	simm.s32 $0x9;
	_ =	strace $0x80000048  }
0xbb: {  	_ =	swait.ge [sflag:s29], $0x1  }
0xbc: {  	[sflag:s29] =	ssyncadd.s32 $0xFFFFFFFF  }
0xbd: {  	_ =	strace $0x90000048  }
0xbe: {  	_ =	sfence  }
0xbf: {  	s30 =	sld [smem:$0x0];
	_ =	sdelay $0x2  }
0xc0: {  	s31 =	sshll.u32 s1, $0xD;
	s1 =	sshrl.u32 s1, $0x2  }
0xc1: {  	s3 =	sand.u32 $0x4000, s31;
	s1 =	sadd.s32 s1, s30  }
0xc2: {  	s0 =	sor.u32 s3, s0;
	s1 =	sshll.u32 s1, $0x11  }
0xc3: {  	s0 =	sor.u32 s1, s0  }
0xc4: {  	s0 =	sadd.s32 $0x8F2B, s0  }
0xc5: {  	[sflag:s0] =	ssyncadd.remote.s32 $0x1  }
0xc6: {  	_ =	sfence.sel $0xFFFF  }
0xc7: {  	[dreg:$0x0] =	wrdreg $0xFFFFFFFF;
	(pc) =	sbr.abs _section_cstart, $3  }
0xc8: {  	[dreg:$0x1] =	wrdreg $0xFFFFFFFF  }
0xc9: {  	_ =	task.clear_ibuf [dreg:s8], $0x2FFFF;
	_ =	strace $0x9FFFFFFF  }
0xca: {  	(tm) =	ssettm $0x7FFFFFFF  }
0xcb: {  	_ =	shalt  }
tec
execute0_lowered:
.L_overlay_start_1:
0x0: {  	(tag) =	ssettag $0x1  }
0x1: {  	s0 =	rddreg [dreg:$0x0]  }
0x2: {  	s3 =	rddreg [dreg:$0x3];
	s1 =	stileid.u32  }
0x3: {  	s4 =	simm.s32 $0x0;
	s5 =	srdreg.scid;
	s2 =	smul.u32 $0x1400, s1  }
0x4: {  	s9 =	simm.s32 $0x1;
	s11 =	simm.s32 $0x40;
	s6 =	smul.u32 $0xA00, s1  }
0x5: {  	[smem:$0x7FF] =	sst s4;
	s5 =	sand.u32 $0x1, s5;
	s8 =	smul.u32 $0x280, s1  }
0x6: {  	p1 =	sne.s32 s1, $0x0;
	s1 =	simm.s32 $0x3800;
	_ =	strace $0x80000047  }
0x7: {  	s7 =	ssub.s32 $0x2, s5;
	p0 =	seq.s32 s5, $0x1;
	s28 =	sadd.s32 s8, s3  }
0x8: {  	s2 =	sadd.s32 s2, s0;
	s29 =	sshrl.u32 s8, $0x3;
	[dreg:$0x9] =	wrdreg s28  }
0x9: {  	s0 =	sadd.s32 s6, s0;
	s26 =	sadd.s32 $0x28C00, s2;
	[dreg:$0xa] =	wrdreg s29  }
.Ltmp0:
0xa: {  	s2 =	sadd.s32 $0x14C00, s2;
	[dreg:$0x5] =	wrdreg s26;
	(pc) =	sbr.rel .LBB2_1-.Ltmp0, $4  }
0xb: {  	s25 =	sshrl.u32 s7, $0x1;
	s30 =	sadd.s32 $0xAC00, s0;
	[dreg:$0x6] =	wrdreg s2  }
0xc: {  	s6 =	ssub.s32 s7, s25;
	s0 =	sadd.s32 $0xC00, s0;
	[dreg:$0x7] =	wrdreg s30  }
0xd: {  	s31 =	smax.u32 s6, $0x1;
	[dreg:$0x8] =	wrdreg s0;
	s0 =	simm.s32 $0x2800  }
0xe: {  	v0 =	vimm.f32 $0.0e+00;
	s26 =	simm.s32 $0x2880;
	s2 =	simm.s32 $0x0;
	[dreg:$0xb] =	wrdreg s31  }
.LBB2_13:
0xf: {  	v1 =	vld [tilespmem:s24+$0x0];
	_ =	sdelay $0x4  }
0x10: {  	v1 =	vadd.f32 $1.000000000e+00, v1;
	_ =	sdelay $0x1  }
0x11: {  	v2 =	vadd.f32 $1.000000000e+00, v1;
	_ =	sdelay $0x1  }
0x12: {  	v2 =	vmul.f32 $5.000000000e-01, v2;
	_ =	sdelay $0x1  }
0x13: {  	(erf) = vrcp.f32 v2;
	_ =	sdelay $0x8  }
0x14: {  	v3 =	vpop (erf)  }
0x15: {  	v3 =	vmul.f32 v3, v1;
	_ =	sdelay $0x1  }
0x16: {  	v2 =	vadd.f32 v3, v2;
	_ =	sdelay $0x1  }
0x17: {  	v2 =	vmul.f32 $5.000000000e-01, v2;
	_ =	sdelay $0x1  }
0x18: {  	(erf) = vrcp.f32 v2;
	_ =	sdelay $0x8  }
0x19: {  	v3 =	vpop (erf)  }
0x1a: {  	v3 =	vmul.f32 v3, v1;
	_ =	sdelay $0x1  }
0x1b: {  	v2 =	vadd.f32 v3, v2;
	_ =	sdelay $0x1  }
0x1c: {  	v2 =	vmul.f32 $5.000000000e-01, v2;
	_ =	sdelay $0x1  }
0x1d: {  	(erf) = vrcp.f32 v2;
	_ =	sdelay $0x8  }
0x1e: {  	v3 =	vpop (erf)  }
0x1f: {  	v3 =	vmul.f32 v3, v1;
	_ =	sdelay $0x1  }
0x20: {  	v2 =	vadd.f32 v3, v2;
	_ =	sdelay $0x1  }
0x21: {  	v2 =	vmul.f32 $5.000000000e-01, v2;
	_ =	sdelay $0x1  }
0x22: {  	(erf) = vrcp.f32 v2;
	_ =	sdelay $0x8  }
0x23: {  	v3 =	vpop (erf)  }
0x24: {  	v3 =	vmul.f32 v3, v1;
	_ =	sdelay $0x1  }
0x25: {  	v2 =	vadd.f32 v3, v2;
	_ =	sdelay $0x1  }
0x26: {  	v2 =	vmul.f32 $5.000000000e-01, v2;
	_ =	sdelay $0x1  }
0x27: {  	(erf) = vrcp.f32 v2;
	_ =	sdelay $0x8  }
0x28: {  	v3 =	vpop (erf)  }
0x29: {  	v3 =	vmul.f32 v3, v1;
	_ =	sdelay $0x1  }
0x2a: {  	v2 =	vadd.f32 v3, v2;
	_ =	sdelay $0x1  }
0x2b: {  	v2 =	vmul.f32 $5.000000000e-01, v2;
	_ =	sdelay $0x1  }
0x2c: {  	(erf) = vrcp.f32 v2;
	_ =	sdelay $0x8  }
0x2d: {  	v3 =	vpop (erf)  }
0x2e: {  	v3 =	vmul.f32 v3, v1;
	_ =	sdelay $0x1  }
0x2f: {  	v2 =	vadd.f32 v3, v2;
	_ =	sdelay $0x1  }
0x30: {  	v2 =	vmul.f32 $5.000000000e-01, v2;
	_ =	sdelay $0x1  }
0x31: {  	(erf) = vrcp.f32 v2;
	_ =	sdelay $0x8  }
0x32: {  	v3 =	vpop (erf)  }
0x33: {  	v3 =	vmul.f32 v3, v1;
	_ =	sdelay $0x1  }
0x34: {  	v2 =	vadd.f32 v3, v2;
	_ =	sdelay $0x1  }
0x35: {  	v2 =	vmul.f32 $5.000000000e-01, v2;
	_ =	sdelay $0x1  }
0x36: {  	(erf) = vrcp.f32 v2;
	_ =	sdelay $0x8  }
0x37: {  	v3 =	vpop (erf)  }
0x38: {  	v3 =	vmul.f32 v3, v1;
	_ =	sdelay $0x1  }
0x39: {  	v2 =	vadd.f32 v3, v2;
	_ =	sdelay $0x1  }
0x3a: {  	v2 =	vmul.f32 $5.000000000e-01, v2;
	_ =	sdelay $0x1  }
0x3b: {  	(erf) = vrcp.f32 v2;
	_ =	sdelay $0x8  }
0x3c: {  	v3 =	vpop (erf)  }
0x3d: {  	v3 =	vmul.f32 v3, v1;
	_ =	sdelay $0x1  }
0x3e: {  	v2 =	vadd.f32 v3, v2;
	_ =	sdelay $0x1  }
0x3f: {  	v2 =	vmul.f32 $5.000000000e-01, v2;
	_ =	sdelay $0x1  }
0x40: {  	(erf) = vrcp.f32 v2;
	_ =	sdelay $0x8  }
0x41: {  	v3 =	vpop (erf)  }
0x42: {  	v3 =	vmul.f32 v3, v1;
	_ =	sdelay $0x1  }
0x43: {  	v2 =	vadd.f32 v3, v2;
	_ =	sdelay $0x1  }
0x44: {  	v2 =	vmul.f32 $5.000000000e-01, v2;
	_ =	sdelay $0x1  }
0x45: {  	(erf) = vrcp.f32 v2;
	_ =	sdelay $0x8  }
0x46: {  	v3 =	vpop (erf)  }
0x47: {  	v3 =	vmul.f32 v3, v1;
	_ =	sdelay $0x1  }
0x48: {  	v2 =	vadd.f32 v3, v2;
	_ =	sdelay $0x1  }
0x49: {  	v2 =	vmul.f32 $5.000000000e-01, v2;
	_ =	sdelay $0x1  }
0x4a: {  	(erf) = vrcp.f32 v2;
	_ =	sdelay $0x8  }
0x4b: {  	v3 =	vpop (erf)  }
0x4c: {  	v3 =	vmul.f32 v3, v1;
	_ =	sdelay $0x1  }
0x4d: {  	v2 =	vadd.f32 v3, v2;
	_ =	sdelay $0x1  }
0x4e: {  	v2 =	vmul.f32 $5.000000000e-01, v2;
	_ =	sdelay $0x1  }
0x4f: {  	(erf) = vrcp.f32 v2;
	_ =	sdelay $0x8  }
0x50: {  	v3 =	vpop (erf)  }
0x51: {  	v3 =	vmul.f32 v3, v1;
	_ =	sdelay $0x1  }
0x52: {  	v2 =	vadd.f32 v3, v2;
	_ =	sdelay $0x1  }
0x53: {  	v2 =	vmul.f32 $5.000000000e-01, v2;
	_ =	sdelay $0x1  }
0x54: {  	(erf) = vrcp.f32 v2;
	_ =	sdelay $0x8  }
0x55: {  	v3 =	vpop (erf)  }
0x56: {  	v3 =	vmul.f32 v3, v1;
	_ =	sdelay $0x1  }
0x57: {  	v2 =	vadd.f32 v3, v2;
	_ =	sdelay $0x1  }
0x58: {  	v2 =	vmul.f32 $5.000000000e-01, v2;
	_ =	sdelay $0x1  }
0x59: {  	(erf) = vrcp.f32 v2;
	_ =	sdelay $0x8  }
0x5a: {  	v3 =	vpop (erf)  }
0x5b: {  	v3 =	vmul.f32 v3, v1;
	_ =	sdelay $0x1  }
0x5c: {  	v2 =	vadd.f32 v3, v2;
	_ =	sdelay $0x1  }
0x5d: {  	v2 =	vmul.f32 $5.000000000e-01, v2;
	_ =	sdelay $0x1  }
0x5e: {  	(erf) = vrcp.f32 v2;
	_ =	sdelay $0x8  }
0x5f: {  	v3 =	vpop (erf)  }
0x60: {  	v3 =	vmul.f32 v3, v1;
	_ =	sdelay $0x1  }
0x61: {  	v2 =	vadd.f32 v3, v2;
	_ =	sdelay $0x1  }
0x62: {  	v2 =	vmul.f32 $5.000000000e-01, v2;
	_ =	sdelay $0x1  }
0x63: {  	(erf) = vrcp.f32 v2;
	_ =	sdelay $0x8  }
0x64: {  	v3 =	vpop (erf)  }
0x65: {  	v3 =	vmul.f32 v3, v1;
	_ =	sdelay $0x1  }
0x66: {  	v2 =	vadd.f32 v3, v2;
	_ =	sdelay $0x1  }
0x67: {  	v2 =	vmul.f32 $5.000000000e-01, v2;
	_ =	sdelay $0x1  }
0x68: {  	(erf) = vrcp.f32 v2;
	_ =	sdelay $0x8  }
0x69: {  	v3 =	vpop (erf)  }
0x6a: {  	v1 =	vmul.f32 v3, v1;
	_ =	sdelay $0x1  }
0x6b: {  	v1 =	vadd.f32 v1, v2;
	_ =	sdelay $0x1  }
0x6c: {  	v1 =	vmul.f32 $5.000000000e-01, v1;
	_ =	sdelay $0x1  }
0x6d: {  	(erf) = vrcp.f32 v1;
	_ =	sdelay $0x8  }
0x6e: {  	s4 =	simm.s32 $0x0;
	s2 =	rddreg [dreg:$0xc];
	v1 =	vpop (erf)  }
0x6f: {  	s0 =	simm.s32 $0x2800;
	s1 =	simm.s32 $0x3800;
	[tilespmem:s24+$0x0] =	vst v1;
	s24 =	rddreg [dreg:$0x2]  }
.LBB2_14:
0x70: {  	s25 =	rddreg [dreg:$0xa]  }
0x71: {  	s24 =	sadd.s32 s24, s25  }
0x72: {  	[hbm4b:s24+s4] =	stream.linear.scatter [tilespmem:s4], [sflag:$0x1], $0x280, $0x38;
	[tilespmem:$0x4A80] =	vst v63  }
0x73: {  	_ =	swait.ge [sflag:s9], $0x280  }
0x74: {  	s2 =	sadd.s32 $0x1, s2;
	s31 =	rddreg [dreg:$0xb]  }
0x75: {  	p2 =	sne.s32 s2, s31  }
.Ltmp1:
0x76: {  	_ = 	snop;
	(pc) =	sbr.rel @!p2 .LBB2_15-.Ltmp1, $3  }
0x77: {  	_ =	sdelay $0x1  }
0x78: {  	[sflag:s9] =	ssyncset.done $0x0  }
0x79: {  	[sflag:s9] =	ssyncadd.s32 $0xFFFFFD80  }
.LBB2_1:
.Ltmp2:
0x7a: {  	(pc) =	sbr.rel @!p0 .LBB2_2-.Ltmp2, $2  }
0x7b: {  	_ =	sdelay $0x2  }
0x7c: {  	[dreg:$0xc] =	wrdreg s2;
	s24 =	simm.s32 $0x40;
	s25 =	simm.s32 $0x0  }
.LBB2_8:
0x7d: {  	p2 =	sne.s32 s24, $0x9FC0;
	[tilespmem:s25+$0x0] =	vst v0;
	s25 =	smov.u32 s24;
	s24 =	sadd.s32 $0x40, s24  }
.Ltmp3:
0x7e: {  	(pc) =	sbr.rel @p2 .LBB2_8-.Ltmp3, $2  }
0x7f: {  	_ =	sdelay $0x2  }
0x80: {  	s25 =	sshra.s32 s25, $0x2  }
0x81: {  	[tilespmem:s25+$0x0] =	vst v0;
	s24 =	simm.s32 @!p1 $0x0  }
0x82: {  	[spmem:s3] =	stream.linear.scatter @!p1 [tilespmem:s24], [sflag:$0x1], $0x2800, $0x38;
	[tilespmem:$0x4A80] =	vst v63  }
0x83: {  	s24 =	simm.s32 @!p1 $0x1  }
0x84: {  	_ =	swait.ge @!p1 [sflag:s24], $0x2800  }
0x85: {  	[sflag:s24] =	ssyncset.done @!p1 $0x0  }
0x86: {  	[sflag:s24] =	ssyncadd.s32 @!p1 $0xFFFFD800  }
0x87: {  	[bflag:$0x0] =	sbarrier.arrive $0xFFFF  }
0x88: {  	s18 =	rddreg [dreg:$0x8]  }
0x89: {  	s24 =	sadd.s32 $0x0, s18  }
0x8a: {  	[tilespmem:s0], [sflag:$0x1] =	stream.linear.gather [hbm4b:s24+s4], $0x1000, $0x38;
	[tilespmem:$0x4A80] =	vst v63  }
0x8b: {  	_ =	swait.ge [sflag:s9], $0x1000  }
0x8c: {  	s19 =	rddreg [dreg:$0x7];
	[sflag:s9] =	ssyncset.done $0x0  }
0x8d: {  	[sflag:s9] =	ssyncadd.s32 $0xFFFFF000;
	s24 =	sadd.s32 $0x0, s19  }
0x8e: {  	[tilespmem:s1], [sflag:$0x1] =	stream.linear.gather [hbm4b:s24+s4], $0x1000, $0x38;
	[tilespmem:$0x4A80] =	vst v63  }
0x8f: {  	_ =	swait.ge [sflag:s9], $0x1000  }
0x90: {  	[sflag:s9] =	ssyncset.done $0x0  }
0x91: {  	[sflag:s9] =	ssyncadd.s32 $0xFFFFF000  }
0x92: {  	[spmem:s3] =	stream.indirect.scatter.add.f32 [tilespmem:s1], [sflag:$0x1], $0x1, s0, s11, $0xb8;
	[tilespmem:$0x4A80] =	vst v63  }
0x93: {  	_ =	swait.ge [sflag:s9], $0x40  }
0x94: {  	[sflag:s9] =	ssyncset.done $0x0  }
0x95: {  	s20 =	simm.s32 $0x3880;
	[sflag:s9] =	ssyncadd.s32 $0xFFFFFFC0  }
0x96: {  	[spmem:s3] =	stream.indirect.scatter.add.f32 [tilespmem:s20], [sflag:$0x1], $0x1, s26, s11, $0xb8;
	[tilespmem:$0x4A80] =	vst v63  }
0x97: {  	_ =	swait.ge [sflag:s9], $0x40  }
0x98: {  	[sflag:s9] =	ssyncset.done $0x0  }
0x99: {  	s21 =	simm.s32 $0x2900;
	s22 =	simm.s32 $0x3900;
	[sflag:s9] =	ssyncadd.s32 $0xFFFFFFC0  }
0x9a: {  	[spmem:s3] =	stream.indirect.scatter.add.f32 [tilespmem:s22], [sflag:$0x1], $0x1, s21, s11, $0xb8;
	[tilespmem:$0x4A80] =	vst v63  }
0x9b: {  	_ =	swait.ge [sflag:s9], $0x40  }
0x9c: {  	[sflag:s9] =	ssyncset.done $0x0  }
0x9d: {  	s23 =	simm.s32 $0x2980;
	s24 =	simm.s32 $0x3980;
	[sflag:s9] =	ssyncadd.s32 $0xFFFFFFC0  }
0x9e: {  	[spmem:s3] =	stream.indirect.scatter.add.f32 [tilespmem:s24], [sflag:$0x1], $0x1, s23, s11, $0xb8;
	[tilespmem:$0x4A80] =	vst v63  }
0x9f: {  	_ =	swait.ge [sflag:s9], $0x40  }
0xa0: {  	[sflag:s9] =	ssyncset.done $0x0  }
0xa1: {  	s25 =	simm.s32 $0x2A00;
	s26 =	simm.s32 $0x3A00;
	[sflag:s9] =	ssyncadd.s32 $0xFFFFFFC0  }
0xa2: {  	[spmem:s3] =	stream.indirect.scatter.add.f32 [tilespmem:s26], [sflag:$0x1], $0x1, s25, s11, $0xb8;
	[tilespmem:$0x4A80] =	vst v63  }
0xa3: {  	_ =	swait.ge [sflag:s9], $0x40  }
0xa4: {  	[sflag:s9] =	ssyncset.done $0x0  }
0xa5: {  	s2 =	simm.s32 $0x3A80;
	s1 =	simm.s32 $0x2A80;
	[sflag:s9] =	ssyncadd.s32 $0xFFFFFFC0  }
0xa6: {  	[spmem:s3] =	stream.indirect.scatter.add.f32 [tilespmem:s2], [sflag:$0x1], $0x1, s1, s11, $0xb8;
	[tilespmem:$0x4A80] =	vst v63  }
0xa7: {  	_ =	swait.ge [sflag:s9], $0x40  }
0xa8: {  	[sflag:s9] =	ssyncset.done $0x0  }
0xa9: {  	s5 =	simm.s32 $0x3B00;
	s4 =	simm.s32 $0x2B00;
	[sflag:s9] =	ssyncadd.s32 $0xFFFFFFC0  }
0xaa: {  	[spmem:s3] =	stream.indirect.scatter.add.f32 [tilespmem:s5], [sflag:$0x1], $0x1, s4, s11, $0xb8;
	[tilespmem:$0x4A80] =	vst v63  }
0xab: {  	_ =	swait.ge [sflag:s9], $0x40  }
0xac: {  	[sflag:s9] =	ssyncset.done $0x0  }
0xad: {  	s6 =	simm.s32 $0x2B80;
	s7 =	simm.s32 $0x3B80;
	[sflag:s9] =	ssyncadd.s32 $0xFFFFFFC0  }
0xae: {  	[spmem:s3] =	stream.indirect.scatter.add.f32 [tilespmem:s7], [sflag:$0x1], $0x1, s6, s11, $0xb8;
	[tilespmem:$0x4A80] =	vst v63  }
0xaf: {  	_ =	swait.ge [sflag:s9], $0x40  }
0xb0: {  	[sflag:s9] =	ssyncset.done $0x0  }
0xb1: {  	s8 =	simm.s32 $0x2C00;
	s12 =	simm.s32 $0x3C00;
	[sflag:s9] =	ssyncadd.s32 $0xFFFFFFC0  }
0xb2: {  	[spmem:s3] =	stream.indirect.scatter.add.f32 [tilespmem:s12], [sflag:$0x1], $0x1, s8, s11, $0xb8;
	[tilespmem:$0x4A80] =	vst v63  }
0xb3: {  	_ =	swait.ge [sflag:s9], $0x40  }
0xb4: {  	[sflag:s9] =	ssyncset.done $0x0  }
0xb5: {  	s13 =	simm.s32 $0x2C80;
	s14 =	simm.s32 $0x3C80;
	[sflag:s9] =	ssyncadd.s32 $0xFFFFFFC0  }
0xb6: {  	[spmem:s3] =	stream.indirect.scatter.add.f32 [tilespmem:s14], [sflag:$0x1], $0x1, s13, s11, $0xb8;
	[tilespmem:$0x4A80] =	vst v63  }
0xb7: {  	_ =	swait.ge [sflag:s9], $0x40  }
0xb8: {  	[sflag:s9] =	ssyncset.done $0x0  }
0xb9: {  	s15 =	simm.s32 $0x2D00;
	s16 =	simm.s32 $0x3D00;
	[sflag:s9] =	ssyncadd.s32 $0xFFFFFFC0  }
0xba: {  	[spmem:s3] =	stream.indirect.scatter.add.f32 [tilespmem:s16], [sflag:$0x1], $0x1, s15, s11, $0xb8;
	[tilespmem:$0x4A80] =	vst v63  }
0xbb: {  	_ =	swait.ge [sflag:s9], $0x40  }
0xbc: {  	[sflag:s9] =	ssyncset.done $0x0  }
0xbd: {  	s17 =	simm.s32 $0x2D80;
	s18 =	simm.s32 $0x3D80;
	[sflag:s9] =	ssyncadd.s32 $0xFFFFFFC0  }
0xbe: {  	[spmem:s3] =	stream.indirect.scatter.add.f32 [tilespmem:s18], [sflag:$0x1], $0x1, s17, s11, $0xb8;
	[tilespmem:$0x4A80] =	vst v63  }
0xbf: {  	_ =	swait.ge [sflag:s9], $0x40  }
0xc0: {  	[sflag:s9] =	ssyncset.done $0x0  }
0xc1: {  	s19 =	simm.s32 $0x2E00;
	s20 =	simm.s32 $0x3E00;
	[sflag:s9] =	ssyncadd.s32 $0xFFFFFFC0  }
0xc2: {  	[spmem:s3] =	stream.indirect.scatter.add.f32 [tilespmem:s20], [sflag:$0x1], $0x1, s19, s11, $0xb8;
	[tilespmem:$0x4A80] =	vst v63  }
0xc3: {  	_ =	swait.ge [sflag:s9], $0x40  }
0xc4: {  	[sflag:s9] =	ssyncset.done $0x0  }
0xc5: {  	s21 =	simm.s32 $0x2E80;
	s22 =	simm.s32 $0x3E80;
	[sflag:s9] =	ssyncadd.s32 $0xFFFFFFC0  }
0xc6: {  	[spmem:s3] =	stream.indirect.scatter.add.f32 [tilespmem:s22], [sflag:$0x1], $0x1, s21, s11, $0xb8;
	[tilespmem:$0x4A80] =	vst v63  }
0xc7: {  	_ =	swait.ge [sflag:s9], $0x40  }
0xc8: {  	[sflag:s9] =	ssyncset.done $0x0  }
0xc9: {  	s23 =	simm.s32 $0x2F00;
	s24 =	simm.s32 $0x3F00;
	[sflag:s9] =	ssyncadd.s32 $0xFFFFFFC0  }
0xca: {  	[spmem:s3] =	stream.indirect.scatter.add.f32 [tilespmem:s24], [sflag:$0x1], $0x1, s23, s11, $0xb8;
	[tilespmem:$0x4A80] =	vst v63  }
0xcb: {  	_ =	swait.ge [sflag:s9], $0x40  }
0xcc: {  	[sflag:s9] =	ssyncset.done $0x0  }
0xcd: {  	s25 =	simm.s32 $0x2F80;
	s26 =	simm.s32 $0x3F80;
	[sflag:s9] =	ssyncadd.s32 $0xFFFFFFC0  }
0xce: {  	[spmem:s3] =	stream.indirect.scatter.add.f32 [tilespmem:s26], [sflag:$0x1], $0x1, s25, s11, $0xb8;
	[tilespmem:$0x4A80] =	vst v63  }
0xcf: {  	_ =	swait.ge [sflag:s9], $0x40  }
0xd0: {  	[sflag:s9] =	ssyncset.done $0x0  }
0xd1: {  	s1 =	simm.s32 $0x3000;
	s2 =	simm.s32 $0x4000;
	[sflag:s9] =	ssyncadd.s32 $0xFFFFFFC0  }
0xd2: {  	[spmem:s3] =	stream.indirect.scatter.add.f32 [tilespmem:s2], [sflag:$0x1], $0x1, s1, s11, $0xb8;
	[tilespmem:$0x4A80] =	vst v63  }
0xd3: {  	_ =	swait.ge [sflag:s9], $0x40  }
0xd4: {  	[sflag:s9] =	ssyncset.done $0x0  }
0xd5: {  	s4 =	simm.s32 $0x3080;
	s5 =	simm.s32 $0x4080;
	[sflag:s9] =	ssyncadd.s32 $0xFFFFFFC0  }
0xd6: {  	[spmem:s3] =	stream.indirect.scatter.add.f32 [tilespmem:s5], [sflag:$0x1], $0x1, s4, s11, $0xb8;
	[tilespmem:$0x4A80] =	vst v63  }
0xd7: {  	_ =	swait.ge [sflag:s9], $0x40  }
0xd8: {  	[sflag:s9] =	ssyncset.done $0x0  }
0xd9: {  	s6 =	simm.s32 $0x3100;
	s7 =	simm.s32 $0x4100;
	[sflag:s9] =	ssyncadd.s32 $0xFFFFFFC0  }
0xda: {  	[spmem:s3] =	stream.indirect.scatter.add.f32 [tilespmem:s7], [sflag:$0x1], $0x1, s6, s11, $0xb8;
	[tilespmem:$0x4A80] =	vst v63  }
0xdb: {  	_ =	swait.ge [sflag:s9], $0x40  }
0xdc: {  	[sflag:s9] =	ssyncset.done $0x0  }
0xdd: {  	s12 =	simm.s32 $0x3180;
	s13 =	simm.s32 $0x4180;
	[sflag:s9] =	ssyncadd.s32 $0xFFFFFFC0  }
0xde: {  	[spmem:s3] =	stream.indirect.scatter.add.f32 [tilespmem:s13], [sflag:$0x1], $0x1, s12, s11, $0xb8;
	[tilespmem:$0x4A80] =	vst v63  }
0xdf: {  	_ =	swait.ge [sflag:s9], $0x40  }
0xe0: {  	[sflag:s9] =	ssyncset.done $0x0  }
0xe1: {  	s14 =	simm.s32 $0x3200;
	s15 =	simm.s32 $0x4200;
	[sflag:s9] =	ssyncadd.s32 $0xFFFFFFC0  }
0xe2: {  	[spmem:s3] =	stream.indirect.scatter.add.f32 [tilespmem:s15], [sflag:$0x1], $0x1, s14, s11, $0xb8;
	[tilespmem:$0x4A80] =	vst v63  }
0xe3: {  	_ =	swait.ge [sflag:s9], $0x40  }
0xe4: {  	[sflag:s9] =	ssyncset.done $0x0  }
0xe5: {  	s16 =	simm.s32 $0x3280;
	s2 =	simm.s32 $0x4280;
	[sflag:s9] =	ssyncadd.s32 $0xFFFFFFC0  }
0xe6: {  	[spmem:s3] =	stream.indirect.scatter.add.f32 [tilespmem:s2], [sflag:$0x1], $0x1, s16, s11, $0xb8;
	[tilespmem:$0x4A80] =	vst v63  }
0xe7: {  	_ =	swait.ge [sflag:s9], $0x40  }
0xe8: {  	[sflag:s9] =	ssyncset.done $0x0  }
0xe9: {  	s17 =	simm.s32 $0x3300;
	s18 =	simm.s32 $0x4300;
	[sflag:s9] =	ssyncadd.s32 $0xFFFFFFC0  }
0xea: {  	[spmem:s3] =	stream.indirect.scatter.add.f32 [tilespmem:s18], [sflag:$0x1], $0x1, s17, s11, $0xb8;
	[tilespmem:$0x4A80] =	vst v63  }
0xeb: {  	_ =	swait.ge [sflag:s9], $0x40  }
0xec: {  	[sflag:s9] =	ssyncset.done $0x0  }
0xed: {  	s5 =	simm.s32 $0x3380;
	s6 =	simm.s32 $0x4380;
	[sflag:s9] =	ssyncadd.s32 $0xFFFFFFC0  }
0xee: {  	[spmem:s3] =	stream.indirect.scatter.add.f32 [tilespmem:s6], [sflag:$0x1], $0x1, s5, s11, $0xb8;
	[tilespmem:$0x4A80] =	vst v63  }
0xef: {  	_ =	swait.ge [sflag:s9], $0x40  }
0xf0: {  	[sflag:s9] =	ssyncset.done $0x0  }
0xf1: {  	s19 =	simm.s32 $0x3400;
	s21 =	simm.s32 $0x4400;
	[sflag:s9] =	ssyncadd.s32 $0xFFFFFFC0  }
0xf2: {  	[spmem:s3] =	stream.indirect.scatter.add.f32 [tilespmem:s21], [sflag:$0x1], $0x1, s19, s11, $0xb8;
	[tilespmem:$0x4A80] =	vst v63  }
0xf3: {  	_ =	swait.ge [sflag:s9], $0x40  }
0xf4: {  	[sflag:s9] =	ssyncset.done $0x0  }
0xf5: {  	s23 =	simm.s32 $0x3480;
	s7 =	simm.s32 $0x4480;
	[sflag:s9] =	ssyncadd.s32 $0xFFFFFFC0  }
0xf6: {  	[spmem:s3] =	stream.indirect.scatter.add.f32 [tilespmem:s7], [sflag:$0x1], $0x1, s23, s11, $0xb8;
	[tilespmem:$0x4A80] =	vst v63  }
0xf7: {  	_ =	swait.ge [sflag:s9], $0x40  }
0xf8: {  	[sflag:s9] =	ssyncset.done $0x0  }
0xf9: {  	s24 =	simm.s32 $0x3500;
	s12 =	simm.s32 $0x4500;
	[sflag:s9] =	ssyncadd.s32 $0xFFFFFFC0  }
0xfa: {  	[spmem:s3] =	stream.indirect.scatter.add.f32 [tilespmem:s12], [sflag:$0x1], $0x1, s24, s11, $0xb8;
	[tilespmem:$0x4A80] =	vst v63  }
0xfb: {  	_ =	swait.ge [sflag:s9], $0x40  }
0xfc: {  	s10 =	simm.s32 $0x2800;
	[sflag:s9] =	ssyncset.done $0x0  }
0xfd: {  	s25 =	simm.s32 $0x3580;
	s13 =	simm.s32 $0x4580;
	[sflag:s9] =	ssyncadd.s32 $0xFFFFFFC0  }
0xfe: {  	[spmem:s3] =	stream.indirect.scatter.add.f32 [tilespmem:s13], [sflag:$0x1], $0x1, s25, s11, $0xb8;
	[tilespmem:$0x4A80] =	vst v63  }
0xff: {  	s28 =	simm.s32 $0x3800;
	s29 =	simm.s32 $0x3400;
	_ =	swait.ge [sflag:s9], $0x40  }
0x100: {  	s30 =	simm.s32 $0x4400;
	s31 =	simm.s32 $0x3580;
	[sflag:s9] =	ssyncset.done $0x0  }
0x101: {  	s26 =	simm.s32 $0x3600;
	s14 =	simm.s32 $0x4600;
	[sflag:s9] =	ssyncadd.s32 $0xFFFFFFC0  }
0x102: {  	[spmem:s3] =	stream.indirect.scatter.add.f32 [tilespmem:s14], [sflag:$0x1], $0x1, s26, s11, $0xb8;
	[tilespmem:$0x4A80] =	vst v63  }
0x103: {  	s0 =	simm.s32 $0x4280;
	s8 =	simm.s32 $0x0;
	_ =	swait.ge [sflag:s9], $0x40  }
0x104: {  	s20 =	simm.s32 $0x4300;
	s22 =	simm.s32 $0x3300;
	[sflag:s9] =	ssyncset.done $0x0  }
0x105: {  	s13 =	simm.s32 $0x3680;
	s14 =	simm.s32 $0x4680;
	[sflag:s9] =	ssyncadd.s32 $0xFFFFFFC0  }
0x106: {  	[spmem:s3] =	stream.indirect.scatter.add.f32 [tilespmem:s14], [sflag:$0x1], $0x1, s13, s11, $0xb8;
	[tilespmem:$0x4A80] =	vst v63  }
0x107: {  	s1 =	simm.s32 $0x3380;
	s4 =	simm.s32 $0x4600;
	_ =	swait.ge [sflag:s9], $0x40  }
0x108: {  	s15 =	simm.s32 $0x3700;
	s2 =	simm.s32 $0x4380;
	[sflag:s9] =	ssyncset.done $0x0  }
0x109: {  	s16 =	simm.s32 $0x4700;
	s17 =	simm.s32 $0x3780;
	[sflag:s9] =	ssyncadd.s32 $0xFFFFFFC0  }
0x10a: {  	[spmem:s3] =	stream.indirect.scatter.add.f32 [tilespmem:s16], [sflag:$0x1], $0x1, s15, s11, $0xb8;
	[tilespmem:$0x4A80] =	vst v63  }
0x10b: {  	s18 =	simm.s32 $0x4780;
	s5 =	simm.s32 $0x3480;
	_ =	swait.ge [sflag:s9], $0x40  }
0x10c: {  	s6 =	simm.s32 $0x3500;
	s21 =	simm.s32 $0x4480;
	[sflag:s9] =	ssyncset.done $0x0  }
0x10d: {  	s23 =	simm.s32 $0x4500;
	s7 =	simm.s32 $0x4580;
	[sflag:s9] =	ssyncadd.s32 $0xFFFFFFC0  }
0x10e: {  	[spmem:s3] =	stream.indirect.scatter.add.f32 [tilespmem:s18], [sflag:$0x1], $0x1, s17, s11, $0xb8;
	[tilespmem:$0x4A80] =	vst v63  }
0x10f: {  	s12 =	simm.s32 $0x3600;
	s24 =	simm.s32 $0x200;
	_ =	swait.ge [sflag:s9], $0x40  }
.LBB2_10:
0x110: {  	s25 =	rddreg [dreg:$0x8];
	s26 =	smov.u32 s24;
	[sflag:s9] =	ssyncset.done $0x0  }
0x111: {  	s25 =	sadd.s32 s26, s25;
	[sflag:s9] =	ssyncadd.s32 $0xFFFFFFC0  }
0x112: {  	[tilespmem:s10], [sflag:$0x1] =	stream.linear.gather [hbm4b:s25+s8], $0x1000, $0x38;
	[tilespmem:$0x4A80] =	vst v63  }
0x113: {  	_ =	swait.ge [sflag:s9], $0x1000  }
0x114: {  	s19 =	rddreg [dreg:$0x7];
	[sflag:s9] =	ssyncset.done $0x0  }
0x115: {  	[sflag:s9] =	ssyncadd.s32 $0xFFFFF000;
	s25 =	sadd.s32 s26, s19  }
0x116: {  	[tilespmem:s28], [sflag:$0x1] =	stream.linear.gather [hbm4b:s25+s8], $0x1000, $0x38;
	[tilespmem:$0x4A80] =	vst v63  }
0x117: {  	_ =	swait.ge [sflag:s9], $0x1000  }
0x118: {  	[sflag:s9] =	ssyncset.done $0x0  }
0x119: {  	[sflag:s9] =	ssyncadd.s32 $0xFFFFF000  }
0x11a: {  	[spmem:s3] =	stream.indirect.scatter.add.f32 [tilespmem:s28], [sflag:$0x1], $0x1, s10, s11, $0xb8;
	[tilespmem:$0x4A80] =	vst v63  }
0x11b: {  	_ =	swait.ge [sflag:s9], $0x40  }
0x11c: {  	[sflag:s9] =	ssyncset.done $0x0  }
0x11d: {  	s26 =	simm.s32 $0x2880;
	s19 =	simm.s32 $0x3880;
	[sflag:s9] =	ssyncadd.s32 $0xFFFFFFC0  }
0x11e: {  	[spmem:s3] =	stream.indirect.scatter.add.f32 [tilespmem:s19], [sflag:$0x1], $0x1, s26, s11, $0xb8;
	[tilespmem:$0x4A80] =	vst v63  }
0x11f: {  	_ =	swait.ge [sflag:s9], $0x40  }
0x120: {  	[sflag:s9] =	ssyncset.done $0x0  }
0x121: {  	s25 =	simm.s32 $0x2900;
	s19 =	simm.s32 $0x3900;
	[sflag:s9] =	ssyncadd.s32 $0xFFFFFFC0  }
0x122: {  	[spmem:s3] =	stream.indirect.scatter.add.f32 [tilespmem:s19], [sflag:$0x1], $0x1, s25, s11, $0xb8;
	[tilespmem:$0x4A80] =	vst v63  }
0x123: {  	_ =	swait.ge [sflag:s9], $0x40  }
0x124: {  	[sflag:s9] =	ssyncset.done $0x0  }
0x125: {  	s19 =	simm.s32 $0x2980;
	s25 =	simm.s32 $0x3980;
	[sflag:s9] =	ssyncadd.s32 $0xFFFFFFC0  }
0x126: {  	[spmem:s3] =	stream.indirect.scatter.add.f32 [tilespmem:s25], [sflag:$0x1], $0x1, s19, s11, $0xb8;
	[tilespmem:$0x4A80] =	vst v63  }
0x127: {  	_ =	swait.ge [sflag:s9], $0x40  }
0x128: {  	[sflag:s9] =	ssyncset.done $0x0  }
0x129: {  	s19 =	simm.s32 $0x2A00;
	s25 =	simm.s32 $0x3A00;
	[sflag:s9] =	ssyncadd.s32 $0xFFFFFFC0  }
0x12a: {  	[spmem:s3] =	stream.indirect.scatter.add.f32 [tilespmem:s25], [sflag:$0x1], $0x1, s19, s11, $0xb8;
	[tilespmem:$0x4A80] =	vst v63  }
0x12b: {  	_ =	swait.ge [sflag:s9], $0x40  }
0x12c: {  	[sflag:s9] =	ssyncset.done $0x0  }
0x12d: {  	s19 =	simm.s32 $0x2A80;
	s25 =	simm.s32 $0x3A80;
	[sflag:s9] =	ssyncadd.s32 $0xFFFFFFC0  }
0x12e: {  	[spmem:s3] =	stream.indirect.scatter.add.f32 [tilespmem:s25], [sflag:$0x1], $0x1, s19, s11, $0xb8;
	[tilespmem:$0x4A80] =	vst v63  }
0x12f: {  	_ =	swait.ge [sflag:s9], $0x40  }
0x130: {  	[sflag:s9] =	ssyncset.done $0x0  }
0x131: {  	s19 =	simm.s32 $0x2B00;
	s25 =	simm.s32 $0x3B00;
	[sflag:s9] =	ssyncadd.s32 $0xFFFFFFC0  }
0x132: {  	[spmem:s3] =	stream.indirect.scatter.add.f32 [tilespmem:s25], [sflag:$0x1], $0x1, s19, s11, $0xb8;
	[tilespmem:$0x4A80] =	vst v63  }
0x133: {  	_ =	swait.ge [sflag:s9], $0x40  }
0x134: {  	[sflag:s9] =	ssyncset.done $0x0  }
0x135: {  	s19 =	simm.s32 $0x2B80;
	s25 =	simm.s32 $0x3B80;
	[sflag:s9] =	ssyncadd.s32 $0xFFFFFFC0  }
0x136: {  	[spmem:s3] =	stream.indirect.scatter.add.f32 [tilespmem:s25], [sflag:$0x1], $0x1, s19, s11, $0xb8;
	[tilespmem:$0x4A80] =	vst v63  }
0x137: {  	_ =	swait.ge [sflag:s9], $0x40  }
0x138: {  	[sflag:s9] =	ssyncset.done $0x0  }
0x139: {  	s19 =	simm.s32 $0x2C00;
	s25 =	simm.s32 $0x3C00;
	[sflag:s9] =	ssyncadd.s32 $0xFFFFFFC0  }
0x13a: {  	[spmem:s3] =	stream.indirect.scatter.add.f32 [tilespmem:s25], [sflag:$0x1], $0x1, s19, s11, $0xb8;
	[tilespmem:$0x4A80] =	vst v63  }
0x13b: {  	_ =	swait.ge [sflag:s9], $0x40  }
0x13c: {  	[sflag:s9] =	ssyncset.done $0x0  }
0x13d: {  	s19 =	simm.s32 $0x2C80;
	s25 =	simm.s32 $0x3C80;
	[sflag:s9] =	ssyncadd.s32 $0xFFFFFFC0  }
0x13e: {  	[spmem:s3] =	stream.indirect.scatter.add.f32 [tilespmem:s25], [sflag:$0x1], $0x1, s19, s11, $0xb8;
	[tilespmem:$0x4A80] =	vst v63  }
0x13f: {  	_ =	swait.ge [sflag:s9], $0x40  }
0x140: {  	[sflag:s9] =	ssyncset.done $0x0  }
0x141: {  	s19 =	simm.s32 $0x2D00;
	s25 =	simm.s32 $0x3D00;
	[sflag:s9] =	ssyncadd.s32 $0xFFFFFFC0  }
0x142: {  	[spmem:s3] =	stream.indirect.scatter.add.f32 [tilespmem:s25], [sflag:$0x1], $0x1, s19, s11, $0xb8;
	[tilespmem:$0x4A80] =	vst v63  }
0x143: {  	_ =	swait.ge [sflag:s9], $0x40  }
0x144: {  	[sflag:s9] =	ssyncset.done $0x0  }
0x145: {  	s19 =	simm.s32 $0x2D80;
	s25 =	simm.s32 $0x3D80;
	[sflag:s9] =	ssyncadd.s32 $0xFFFFFFC0  }
0x146: {  	[spmem:s3] =	stream.indirect.scatter.add.f32 [tilespmem:s25], [sflag:$0x1], $0x1, s19, s11, $0xb8;
	[tilespmem:$0x4A80] =	vst v63  }
0x147: {  	_ =	swait.ge [sflag:s9], $0x40  }
0x148: {  	[sflag:s9] =	ssyncset.done $0x0  }
0x149: {  	s19 =	simm.s32 $0x2E00;
	s25 =	simm.s32 $0x3E00;
	[sflag:s9] =	ssyncadd.s32 $0xFFFFFFC0  }
0x14a: {  	[spmem:s3] =	stream.indirect.scatter.add.f32 [tilespmem:s25], [sflag:$0x1], $0x1, s19, s11, $0xb8;
	[tilespmem:$0x4A80] =	vst v63  }
0x14b: {  	_ =	swait.ge [sflag:s9], $0x40  }
0x14c: {  	[sflag:s9] =	ssyncset.done $0x0  }
0x14d: {  	s19 =	simm.s32 $0x2E80;
	s25 =	simm.s32 $0x3E80;
	[sflag:s9] =	ssyncadd.s32 $0xFFFFFFC0  }
0x14e: {  	[spmem:s3] =	stream.indirect.scatter.add.f32 [tilespmem:s25], [sflag:$0x1], $0x1, s19, s11, $0xb8;
	[tilespmem:$0x4A80] =	vst v63  }
0x14f: {  	_ =	swait.ge [sflag:s9], $0x40  }
0x150: {  	[sflag:s9] =	ssyncset.done $0x0  }
0x151: {  	s19 =	simm.s32 $0x2F00;
	s25 =	simm.s32 $0x3F00;
	[sflag:s9] =	ssyncadd.s32 $0xFFFFFFC0  }
0x152: {  	[spmem:s3] =	stream.indirect.scatter.add.f32 [tilespmem:s25], [sflag:$0x1], $0x1, s19, s11, $0xb8;
	[tilespmem:$0x4A80] =	vst v63  }
0x153: {  	_ =	swait.ge [sflag:s9], $0x40  }
0x154: {  	[sflag:s9] =	ssyncset.done $0x0  }
0x155: {  	s19 =	simm.s32 $0x2F80;
	s25 =	simm.s32 $0x3F80;
	[sflag:s9] =	ssyncadd.s32 $0xFFFFFFC0  }
0x156: {  	[spmem:s3] =	stream.indirect.scatter.add.f32 [tilespmem:s25], [sflag:$0x1], $0x1, s19, s11, $0xb8;
	[tilespmem:$0x4A80] =	vst v63  }
0x157: {  	_ =	swait.ge [sflag:s9], $0x40  }
0x158: {  	[sflag:s9] =	ssyncset.done $0x0  }
0x159: {  	s19 =	simm.s32 $0x3000;
	s25 =	simm.s32 $0x4000;
	[sflag:s9] =	ssyncadd.s32 $0xFFFFFFC0  }
0x15a: {  	[spmem:s3] =	stream.indirect.scatter.add.f32 [tilespmem:s25], [sflag:$0x1], $0x1, s19, s11, $0xb8;
	[tilespmem:$0x4A80] =	vst v63  }
0x15b: {  	_ =	swait.ge [sflag:s9], $0x40  }
0x15c: {  	[sflag:s9] =	ssyncset.done $0x0  }
0x15d: {  	s19 =	simm.s32 $0x3080;
	s25 =	simm.s32 $0x4080;
	[sflag:s9] =	ssyncadd.s32 $0xFFFFFFC0  }
0x15e: {  	[spmem:s3] =	stream.indirect.scatter.add.f32 [tilespmem:s25], [sflag:$0x1], $0x1, s19, s11, $0xb8;
	[tilespmem:$0x4A80] =	vst v63  }
0x15f: {  	_ =	swait.ge [sflag:s9], $0x40  }
0x160: {  	[sflag:s9] =	ssyncset.done $0x0  }
0x161: {  	s19 =	simm.s32 $0x3100;
	s25 =	simm.s32 $0x4100;
	[sflag:s9] =	ssyncadd.s32 $0xFFFFFFC0  }
0x162: {  	[spmem:s3] =	stream.indirect.scatter.add.f32 [tilespmem:s25], [sflag:$0x1], $0x1, s19, s11, $0xb8;
	[tilespmem:$0x4A80] =	vst v63  }
0x163: {  	_ =	swait.ge [sflag:s9], $0x40  }
0x164: {  	[sflag:s9] =	ssyncset.done $0x0  }
0x165: {  	s19 =	simm.s32 $0x3180;
	s25 =	simm.s32 $0x4180;
	[sflag:s9] =	ssyncadd.s32 $0xFFFFFFC0  }
0x166: {  	[spmem:s3] =	stream.indirect.scatter.add.f32 [tilespmem:s25], [sflag:$0x1], $0x1, s19, s11, $0xb8;
	[tilespmem:$0x4A80] =	vst v63  }
0x167: {  	_ =	swait.ge [sflag:s9], $0x40  }
0x168: {  	[sflag:s9] =	ssyncset.done $0x0  }
0x169: {  	s19 =	simm.s32 $0x3200;
	s25 =	simm.s32 $0x4200;
	[sflag:s9] =	ssyncadd.s32 $0xFFFFFFC0  }
0x16a: {  	[spmem:s3] =	stream.indirect.scatter.add.f32 [tilespmem:s25], [sflag:$0x1], $0x1, s19, s11, $0xb8;
	[tilespmem:$0x4A80] =	vst v63  }
0x16b: {  	_ =	swait.ge [sflag:s9], $0x40  }
0x16c: {  	[sflag:s9] =	ssyncset.done $0x0  }
0x16d: {  	s25 =	simm.s32 $0x3280;
	[sflag:s9] =	ssyncadd.s32 $0xFFFFFFC0  }
0x16e: {  	[spmem:s3] =	stream.indirect.scatter.add.f32 [tilespmem:s0], [sflag:$0x1], $0x1, s25, s11, $0xb8;
	[tilespmem:$0x4A80] =	vst v63  }
0x16f: {  	_ =	swait.ge [sflag:s9], $0x40  }
0x170: {  	[sflag:s9] =	ssyncset.done $0x0  }
0x171: {  	[sflag:s9] =	ssyncadd.s32 $0xFFFFFFC0  }
0x172: {  	[spmem:s3] =	stream.indirect.scatter.add.f32 [tilespmem:s20], [sflag:$0x1], $0x1, s22, s11, $0xb8;
	[tilespmem:$0x4A80] =	vst v63  }
0x173: {  	_ =	swait.ge [sflag:s9], $0x40  }
0x174: {  	[sflag:s9] =	ssyncset.done $0x0  }
0x175: {  	[sflag:s9] =	ssyncadd.s32 $0xFFFFFFC0  }
0x176: {  	[spmem:s3] =	stream.indirect.scatter.add.f32 [tilespmem:s2], [sflag:$0x1], $0x1, s1, s11, $0xb8;
	[tilespmem:$0x4A80] =	vst v63  }
0x177: {  	_ =	swait.ge [sflag:s9], $0x40  }
0x178: {  	[sflag:s9] =	ssyncset.done $0x0  }
0x179: {  	[sflag:s9] =	ssyncadd.s32 $0xFFFFFFC0  }
0x17a: {  	[spmem:s3] =	stream.indirect.scatter.add.f32 [tilespmem:s30], [sflag:$0x1], $0x1, s29, s11, $0xb8;
	[tilespmem:$0x4A80] =	vst v63  }
0x17b: {  	_ =	swait.ge [sflag:s9], $0x40  }
0x17c: {  	[sflag:s9] =	ssyncset.done $0x0  }
0x17d: {  	[sflag:s9] =	ssyncadd.s32 $0xFFFFFFC0  }
0x17e: {  	[spmem:s3] =	stream.indirect.scatter.add.f32 [tilespmem:s21], [sflag:$0x1], $0x1, s5, s11, $0xb8;
	[tilespmem:$0x4A80] =	vst v63  }
0x17f: {  	_ =	swait.ge [sflag:s9], $0x40  }
0x180: {  	[sflag:s9] =	ssyncset.done $0x0  }
0x181: {  	[sflag:s9] =	ssyncadd.s32 $0xFFFFFFC0  }
0x182: {  	[spmem:s3] =	stream.indirect.scatter.add.f32 [tilespmem:s23], [sflag:$0x1], $0x1, s6, s11, $0xb8;
	[tilespmem:$0x4A80] =	vst v63  }
0x183: {  	_ =	swait.ge [sflag:s9], $0x40  }
0x184: {  	[sflag:s9] =	ssyncset.done $0x0  }
0x185: {  	[sflag:s9] =	ssyncadd.s32 $0xFFFFFFC0  }
0x186: {  	[spmem:s3] =	stream.indirect.scatter.add.f32 [tilespmem:s7], [sflag:$0x1], $0x1, s31, s11, $0xb8;
	[tilespmem:$0x4A80] =	vst v63  }
0x187: {  	_ =	swait.ge [sflag:s9], $0x40  }
0x188: {  	[sflag:s9] =	ssyncset.done $0x0  }
0x189: {  	[sflag:s9] =	ssyncadd.s32 $0xFFFFFFC0  }
0x18a: {  	[spmem:s3] =	stream.indirect.scatter.add.f32 [tilespmem:s4], [sflag:$0x1], $0x1, s12, s11, $0xb8;
	[tilespmem:$0x4A80] =	vst v63  }
0x18b: {  	_ =	swait.ge [sflag:s9], $0x40  }
0x18c: {  	[sflag:s9] =	ssyncset.done $0x0  }
0x18d: {  	[sflag:s9] =	ssyncadd.s32 $0xFFFFFFC0  }
0x18e: {  	[spmem:s3] =	stream.indirect.scatter.add.f32 [tilespmem:s14], [sflag:$0x1], $0x1, s13, s11, $0xb8;
	[tilespmem:$0x4A80] =	vst v63  }
0x18f: {  	_ =	swait.ge [sflag:s9], $0x40  }
0x190: {  	[sflag:s9] =	ssyncset.done $0x0  }
0x191: {  	p2 =	sne.s32 s24, $0x800;
	[sflag:s9] =	ssyncadd.s32 $0xFFFFFFC0  }
0x192: {  	[spmem:s3] =	stream.indirect.scatter.add.f32 [tilespmem:s16], [sflag:$0x1], $0x1, s15, s11, $0xb8;
	[tilespmem:$0x4A80] =	vst v63  }
.Ltmp4:
0x193: {  	_ =	swait.ge [sflag:s9], $0x40;
	(pc) =	sbr.rel @p2 .LBB2_10-.Ltmp4, $4  }
0x194: {  	[sflag:s9] =	ssyncset.done $0x0  }
0x195: {  	[sflag:s9] =	ssyncadd.s32 $0xFFFFFFC0  }
0x196: {  	[spmem:s3] =	stream.indirect.scatter.add.f32 [tilespmem:s18], [sflag:$0x1], $0x1, s17, s11, $0xb8;
	[tilespmem:$0x4A80] =	vst v63  }
0x197: {  	s24 =	sadd.s32 $0x200, s24;
	_ =	swait.ge [sflag:s9], $0x40  }
0x198: {  	[sflag:s9] =	ssyncset.done $0x0  }
0x199: {  	[sflag:s9] =	ssyncadd.s32 $0xFFFFFFC0  }
0x19a: {  	[bflag:$0x0] =	sbarrier.arrive $0xFFFF  }
0x19b: {  	s24 =	simm.s32 $0x0;
	s25 =	rddreg [dreg:$0x9]  }
0x19c: {  	[tilespmem:s24], [sflag:$0x1] =	stream.linear.gather [spmem:s25], $0x280, $0x38;
	[tilespmem:$0x4A80] =	vst v63  }
0x19d: {  	_ =	swait.ge [sflag:s9], $0x280  }
0x19e: {  	[sflag:s9] =	ssyncset.done $0x0  }
0x19f: {  	s24 =	simm.s32 $0x0;
	s25 =	simm.s32 $0x40;
	[sflag:s9] =	ssyncadd.s32 $0xFFFFFD80  }
.LBB2_12:
0x1a0: {  	p2 =	sne.s32 s25, $0x9C0;
	v1 =	vld [tilespmem:s24+$0x0];
	_ =	sdelay $0x4  }
0x1a1: {  	v1 =	vadd.f32 $1.000000000e+00, v1;
	_ =	sdelay $0x1  }
0x1a2: {  	v2 =	vadd.f32 $1.000000000e+00, v1;
	_ =	sdelay $0x1  }
0x1a3: {  	v2 =	vmul.f32 $5.000000000e-01, v2;
	_ =	sdelay $0x1  }
0x1a4: {  	(erf) = vrcp.f32 v2;
	_ =	sdelay $0x8  }
0x1a5: {  	v3 =	vpop (erf)  }
0x1a6: {  	v3 =	vmul.f32 v3, v1;
	_ =	sdelay $0x1  }
0x1a7: {  	v2 =	vadd.f32 v3, v2;
	_ =	sdelay $0x1  }
0x1a8: {  	v2 =	vmul.f32 $5.000000000e-01, v2;
	_ =	sdelay $0x1  }
0x1a9: {  	(erf) = vrcp.f32 v2;
	_ =	sdelay $0x8  }
0x1aa: {  	v3 =	vpop (erf)  }
0x1ab: {  	v3 =	vmul.f32 v3, v1;
	_ =	sdelay $0x1  }
0x1ac: {  	v2 =	vadd.f32 v3, v2;
	_ =	sdelay $0x1  }
0x1ad: {  	v2 =	vmul.f32 $5.000000000e-01, v2;
	_ =	sdelay $0x1  }
0x1ae: {  	(erf) = vrcp.f32 v2;
	_ =	sdelay $0x8  }
0x1af: {  	v3 =	vpop (erf)  }
0x1b0: {  	v3 =	vmul.f32 v3, v1;
	_ =	sdelay $0x1  }
0x1b1: {  	v2 =	vadd.f32 v3, v2;
	_ =	sdelay $0x1  }
0x1b2: {  	v2 =	vmul.f32 $5.000000000e-01, v2;
	_ =	sdelay $0x1  }
0x1b3: {  	(erf) = vrcp.f32 v2;
	_ =	sdelay $0x8  }
0x1b4: {  	v3 =	vpop (erf)  }
0x1b5: {  	v3 =	vmul.f32 v3, v1;
	_ =	sdelay $0x1  }
0x1b6: {  	v2 =	vadd.f32 v3, v2;
	_ =	sdelay $0x1  }
0x1b7: {  	v2 =	vmul.f32 $5.000000000e-01, v2;
	_ =	sdelay $0x1  }
0x1b8: {  	(erf) = vrcp.f32 v2;
	_ =	sdelay $0x8  }
0x1b9: {  	v3 =	vpop (erf)  }
0x1ba: {  	v3 =	vmul.f32 v3, v1;
	_ =	sdelay $0x1  }
0x1bb: {  	v2 =	vadd.f32 v3, v2;
	_ =	sdelay $0x1  }
0x1bc: {  	v2 =	vmul.f32 $5.000000000e-01, v2;
	_ =	sdelay $0x1  }
0x1bd: {  	(erf) = vrcp.f32 v2;
	_ =	sdelay $0x8  }
0x1be: {  	v3 =	vpop (erf)  }
0x1bf: {  	v3 =	vmul.f32 v3, v1;
	_ =	sdelay $0x1  }
0x1c0: {  	v2 =	vadd.f32 v3, v2;
	_ =	sdelay $0x1  }
0x1c1: {  	v2 =	vmul.f32 $5.000000000e-01, v2;
	_ =	sdelay $0x1  }
0x1c2: {  	(erf) = vrcp.f32 v2;
	_ =	sdelay $0x8  }
0x1c3: {  	v3 =	vpop (erf)  }
0x1c4: {  	v3 =	vmul.f32 v3, v1;
	_ =	sdelay $0x1  }
0x1c5: {  	v2 =	vadd.f32 v3, v2;
	_ =	sdelay $0x1  }
0x1c6: {  	v2 =	vmul.f32 $5.000000000e-01, v2;
	_ =	sdelay $0x1  }
0x1c7: {  	(erf) = vrcp.f32 v2;
	_ =	sdelay $0x8  }
0x1c8: {  	v3 =	vpop (erf)  }
0x1c9: {  	v3 =	vmul.f32 v3, v1;
	_ =	sdelay $0x1  }
0x1ca: {  	v2 =	vadd.f32 v3, v2;
	_ =	sdelay $0x1  }
0x1cb: {  	v2 =	vmul.f32 $5.000000000e-01, v2;
	_ =	sdelay $0x1  }
0x1cc: {  	(erf) = vrcp.f32 v2;
	_ =	sdelay $0x8  }
0x1cd: {  	v3 =	vpop (erf)  }
0x1ce: {  	v3 =	vmul.f32 v3, v1;
	_ =	sdelay $0x1  }
0x1cf: {  	v2 =	vadd.f32 v3, v2;
	_ =	sdelay $0x1  }
0x1d0: {  	v2 =	vmul.f32 $5.000000000e-01, v2;
	_ =	sdelay $0x1  }
0x1d1: {  	(erf) = vrcp.f32 v2;
	_ =	sdelay $0x8  }
0x1d2: {  	v3 =	vpop (erf)  }
0x1d3: {  	v3 =	vmul.f32 v3, v1;
	_ =	sdelay $0x1  }
0x1d4: {  	v2 =	vadd.f32 v3, v2;
	_ =	sdelay $0x1  }
0x1d5: {  	v2 =	vmul.f32 $5.000000000e-01, v2;
	_ =	sdelay $0x1  }
0x1d6: {  	(erf) = vrcp.f32 v2;
	_ =	sdelay $0x8  }
0x1d7: {  	v3 =	vpop (erf)  }
0x1d8: {  	v3 =	vmul.f32 v3, v1;
	_ =	sdelay $0x1  }
0x1d9: {  	v2 =	vadd.f32 v3, v2;
	_ =	sdelay $0x1  }
0x1da: {  	v2 =	vmul.f32 $5.000000000e-01, v2;
	_ =	sdelay $0x1  }
0x1db: {  	(erf) = vrcp.f32 v2;
	_ =	sdelay $0x8  }
0x1dc: {  	v3 =	vpop (erf)  }
0x1dd: {  	v3 =	vmul.f32 v3, v1;
	_ =	sdelay $0x1  }
0x1de: {  	v2 =	vadd.f32 v3, v2;
	_ =	sdelay $0x1  }
0x1df: {  	v2 =	vmul.f32 $5.000000000e-01, v2;
	_ =	sdelay $0x1  }
0x1e0: {  	(erf) = vrcp.f32 v2;
	_ =	sdelay $0x8  }
0x1e1: {  	v3 =	vpop (erf)  }
0x1e2: {  	v3 =	vmul.f32 v3, v1;
	_ =	sdelay $0x1  }
0x1e3: {  	v2 =	vadd.f32 v3, v2;
	_ =	sdelay $0x1  }
0x1e4: {  	v2 =	vmul.f32 $5.000000000e-01, v2;
	_ =	sdelay $0x1  }
0x1e5: {  	(erf) = vrcp.f32 v2;
	_ =	sdelay $0x8  }
0x1e6: {  	v3 =	vpop (erf)  }
0x1e7: {  	v3 =	vmul.f32 v3, v1;
	_ =	sdelay $0x1  }
0x1e8: {  	v2 =	vadd.f32 v3, v2;
	_ =	sdelay $0x1  }
0x1e9: {  	v2 =	vmul.f32 $5.000000000e-01, v2;
	_ =	sdelay $0x1  }
0x1ea: {  	(erf) = vrcp.f32 v2;
	_ =	sdelay $0x8  }
0x1eb: {  	v3 =	vpop (erf)  }
0x1ec: {  	v3 =	vmul.f32 v3, v1;
	_ =	sdelay $0x1  }
0x1ed: {  	v2 =	vadd.f32 v3, v2;
	_ =	sdelay $0x1  }
0x1ee: {  	v2 =	vmul.f32 $5.000000000e-01, v2;
	_ =	sdelay $0x1  }
0x1ef: {  	(erf) = vrcp.f32 v2;
	_ =	sdelay $0x8  }
0x1f0: {  	v3 =	vpop (erf)  }
0x1f1: {  	v3 =	vmul.f32 v3, v1;
	_ =	sdelay $0x1  }
0x1f2: {  	v2 =	vadd.f32 v3, v2;
	_ =	sdelay $0x1  }
0x1f3: {  	v2 =	vmul.f32 $5.000000000e-01, v2;
	_ =	sdelay $0x1  }
0x1f4: {  	(erf) = vrcp.f32 v2;
	_ =	sdelay $0x8  }
0x1f5: {  	v3 =	vpop (erf)  }
0x1f6: {  	v3 =	vmul.f32 v3, v1;
	_ =	sdelay $0x1  }
0x1f7: {  	v2 =	vadd.f32 v3, v2;
	_ =	sdelay $0x1  }
0x1f8: {  	v2 =	vmul.f32 $5.000000000e-01, v2;
	_ =	sdelay $0x1  }
0x1f9: {  	(erf) = vrcp.f32 v2;
	_ =	sdelay $0x8  }
0x1fa: {  	v3 =	vpop (erf)  }
0x1fb: {  	v1 =	vmul.f32 v3, v1;
	_ =	sdelay $0x1  }
0x1fc: {  	v1 =	vadd.f32 v1, v2;
	_ =	sdelay $0x1  }
0x1fd: {  	v1 =	vmul.f32 $5.000000000e-01, v1;
	_ =	sdelay $0x1  }
0x1fe: {  	(erf) = vrcp.f32 v1;
	_ =	sdelay $0x5  }
.Ltmp5:
0x1ff: {  	(pc) =	sbr.rel @p2 .LBB2_12-.Ltmp5, $3  }
0x200: {  	_ =	sdelay $0x1  }
0x201: {  	v1 =	vpop (erf)  }
0x202: {  	[tilespmem:s24+$0x0] =	vst v1;
	s24 =	sshra.s32 s25, $0x2;
	s25 =	sadd.s32 $0x40, s25  }
.Ltmp6:
0x203: {  	_ = 	snop;
	(pc) =	sbr.rel .LBB2_13-.Ltmp6, $1  }
0x204: {  	_ =	sdelay $0x3  }
.LBB2_2:
0x205: {  	p2 =	sne.s32 s24, $0x9FC0;
	[tilespmem:s25+$0x0] =	vst v0;
	s25 =	smov.u32 s24;
	s24 =	sadd.s32 $0x40, s24  }
.Ltmp7:
0x206: {  	(pc) =	sbr.rel @p2 .LBB2_2-.Ltmp7, $2  }
0x207: {  	_ =	sdelay $0x2  }
0x208: {  	s25 =	sshra.s32 s25, $0x2  }
0x209: {  	[tilespmem:s25+$0x0] =	vst v0;
	s24 =	simm.s32 @!p1 $0x0  }
0x20a: {  	[spmem:s3] =	stream.linear.scatter @!p1 [tilespmem:s24], [sflag:$0x1], $0x2800, $0x38;
	[tilespmem:$0x4A80] =	vst v63  }
0x20b: {  	s24 =	simm.s32 @!p1 $0x1  }
0x20c: {  	_ =	swait.ge @!p1 [sflag:s24], $0x2800  }
0x20d: {  	[sflag:s24] =	ssyncset.done @!p1 $0x0  }
0x20e: {  	[sflag:s24] =	ssyncadd.s32 @!p1 $0xFFFFD800  }
0x20f: {  	[bflag:$0x0] =	sbarrier.arrive $0xFFFF  }
0x210: {  	s20 =	rddreg [dreg:$0x6]  }
0x211: {  	s24 =	sadd.s32 $0x0, s20  }
0x212: {  	[tilespmem:s0], [sflag:$0x1] =	stream.linear.gather [hbm4b:s24+s4], $0x1000, $0x38;
	[tilespmem:$0x4A80] =	vst v63  }
0x213: {  	_ =	swait.ge [sflag:s9], $0x1000  }
0x214: {  	s21 =	rddreg [dreg:$0x5];
	[sflag:s9] =	ssyncset.done $0x0  }
0x215: {  	[sflag:s9] =	ssyncadd.s32 $0xFFFFF000;
	s24 =	sadd.s32 $0x0, s21  }
0x216: {  	[tilespmem:s1], [sflag:$0x1] =	stream.linear.gather [hbm4b:s24+s4], $0x1000, $0x38;
	[tilespmem:$0x4A80] =	vst v63  }
0x217: {  	_ =	swait.ge [sflag:s9], $0x1000  }
0x218: {  	[sflag:s9] =	ssyncset.done $0x0  }
0x219: {  	[sflag:s9] =	ssyncadd.s32 $0xFFFFF000  }
0x21a: {  	[spmem:s3] =	stream.indirect.scatter.add.f32 [tilespmem:s1], [sflag:$0x1], $0x1, s0, s11, $0xb8;
	[tilespmem:$0x4A80] =	vst v63  }
0x21b: {  	_ =	swait.ge [sflag:s9], $0x40  }
0x21c: {  	[sflag:s9] =	ssyncset.done $0x0  }
0x21d: {  	s22 =	simm.s32 $0x3880;
	[sflag:s9] =	ssyncadd.s32 $0xFFFFFFC0  }
0x21e: {  	[spmem:s3] =	stream.indirect.scatter.add.f32 [tilespmem:s22], [sflag:$0x1], $0x1, s26, s11, $0xb8;
	[tilespmem:$0x4A80] =	vst v63  }
0x21f: {  	_ =	swait.ge [sflag:s9], $0x40  }
0x220: {  	[sflag:s9] =	ssyncset.done $0x0  }
0x221: {  	s23 =	simm.s32 $0x2900;
	s24 =	simm.s32 $0x3900;
	[sflag:s9] =	ssyncadd.s32 $0xFFFFFFC0  }
0x222: {  	[spmem:s3] =	stream.indirect.scatter.add.f32 [tilespmem:s24], [sflag:$0x1], $0x1, s23, s11, $0xb8;
	[tilespmem:$0x4A80] =	vst v63  }
0x223: {  	_ =	swait.ge [sflag:s9], $0x40  }
0x224: {  	[sflag:s9] =	ssyncset.done $0x0  }
0x225: {  	s25 =	simm.s32 $0x2980;
	s26 =	simm.s32 $0x3980;
	[sflag:s9] =	ssyncadd.s32 $0xFFFFFFC0  }
0x226: {  	[spmem:s3] =	stream.indirect.scatter.add.f32 [tilespmem:s26], [sflag:$0x1], $0x1, s25, s11, $0xb8;
	[tilespmem:$0x4A80] =	vst v63  }
0x227: {  	_ =	swait.ge [sflag:s9], $0x40  }
0x228: {  	[sflag:s9] =	ssyncset.done $0x0  }
0x229: {  	s2 =	simm.s32 $0x3A00;
	s1 =	simm.s32 $0x2A00;
	[sflag:s9] =	ssyncadd.s32 $0xFFFFFFC0  }
0x22a: {  	[spmem:s3] =	stream.indirect.scatter.add.f32 [tilespmem:s2], [sflag:$0x1], $0x1, s1, s11, $0xb8;
	[tilespmem:$0x4A80] =	vst v63  }
0x22b: {  	_ =	swait.ge [sflag:s9], $0x40  }
0x22c: {  	[sflag:s9] =	ssyncset.done $0x0  }
0x22d: {  	s5 =	simm.s32 $0x3A80;
	s4 =	simm.s32 $0x2A80;
	[sflag:s9] =	ssyncadd.s32 $0xFFFFFFC0  }
0x22e: {  	[spmem:s3] =	stream.indirect.scatter.add.f32 [tilespmem:s5], [sflag:$0x1], $0x1, s4, s11, $0xb8;
	[tilespmem:$0x4A80] =	vst v63  }
0x22f: {  	_ =	swait.ge [sflag:s9], $0x40  }
0x230: {  	[sflag:s9] =	ssyncset.done $0x0  }
0x231: {  	s6 =	simm.s32 $0x2B00;
	s7 =	simm.s32 $0x3B00;
	[sflag:s9] =	ssyncadd.s32 $0xFFFFFFC0  }
0x232: {  	[spmem:s3] =	stream.indirect.scatter.add.f32 [tilespmem:s7], [sflag:$0x1], $0x1, s6, s11, $0xb8;
	[tilespmem:$0x4A80] =	vst v63  }
0x233: {  	_ =	swait.ge [sflag:s9], $0x40  }
0x234: {  	[sflag:s9] =	ssyncset.done $0x0  }
0x235: {  	s8 =	simm.s32 $0x2B80;
	s12 =	simm.s32 $0x3B80;
	[sflag:s9] =	ssyncadd.s32 $0xFFFFFFC0  }
0x236: {  	[spmem:s3] =	stream.indirect.scatter.add.f32 [tilespmem:s12], [sflag:$0x1], $0x1, s8, s11, $0xb8;
	[tilespmem:$0x4A80] =	vst v63  }
0x237: {  	_ =	swait.ge [sflag:s9], $0x40  }
0x238: {  	[sflag:s9] =	ssyncset.done $0x0  }
0x239: {  	s13 =	simm.s32 $0x2C00;
	s14 =	simm.s32 $0x3C00;
	[sflag:s9] =	ssyncadd.s32 $0xFFFFFFC0  }
0x23a: {  	[spmem:s3] =	stream.indirect.scatter.add.f32 [tilespmem:s14], [sflag:$0x1], $0x1, s13, s11, $0xb8;
	[tilespmem:$0x4A80] =	vst v63  }
0x23b: {  	_ =	swait.ge [sflag:s9], $0x40  }
0x23c: {  	[sflag:s9] =	ssyncset.done $0x0  }
0x23d: {  	s15 =	simm.s32 $0x2C80;
	s16 =	simm.s32 $0x3C80;
	[sflag:s9] =	ssyncadd.s32 $0xFFFFFFC0  }
0x23e: {  	[spmem:s3] =	stream.indirect.scatter.add.f32 [tilespmem:s16], [sflag:$0x1], $0x1, s15, s11, $0xb8;
	[tilespmem:$0x4A80] =	vst v63  }
0x23f: {  	_ =	swait.ge [sflag:s9], $0x40  }
0x240: {  	[sflag:s9] =	ssyncset.done $0x0  }
0x241: {  	s17 =	simm.s32 $0x2D00;
	s18 =	simm.s32 $0x3D00;
	[sflag:s9] =	ssyncadd.s32 $0xFFFFFFC0  }
0x242: {  	[spmem:s3] =	stream.indirect.scatter.add.f32 [tilespmem:s18], [sflag:$0x1], $0x1, s17, s11, $0xb8;
	[tilespmem:$0x4A80] =	vst v63  }
0x243: {  	_ =	swait.ge [sflag:s9], $0x40  }
0x244: {  	[sflag:s9] =	ssyncset.done $0x0  }
0x245: {  	s19 =	simm.s32 $0x2D80;
	s20 =	simm.s32 $0x3D80;
	[sflag:s9] =	ssyncadd.s32 $0xFFFFFFC0  }
0x246: {  	[spmem:s3] =	stream.indirect.scatter.add.f32 [tilespmem:s20], [sflag:$0x1], $0x1, s19, s11, $0xb8;
	[tilespmem:$0x4A80] =	vst v63  }
0x247: {  	_ =	swait.ge [sflag:s9], $0x40  }
0x248: {  	[sflag:s9] =	ssyncset.done $0x0  }
0x249: {  	s21 =	simm.s32 $0x2E00;
	s22 =	simm.s32 $0x3E00;
	[sflag:s9] =	ssyncadd.s32 $0xFFFFFFC0  }
0x24a: {  	[spmem:s3] =	stream.indirect.scatter.add.f32 [tilespmem:s22], [sflag:$0x1], $0x1, s21, s11, $0xb8;
	[tilespmem:$0x4A80] =	vst v63  }
0x24b: {  	_ =	swait.ge [sflag:s9], $0x40  }
0x24c: {  	[sflag:s9] =	ssyncset.done $0x0  }
0x24d: {  	s23 =	simm.s32 $0x2E80;
	s24 =	simm.s32 $0x3E80;
	[sflag:s9] =	ssyncadd.s32 $0xFFFFFFC0  }
0x24e: {  	[spmem:s3] =	stream.indirect.scatter.add.f32 [tilespmem:s24], [sflag:$0x1], $0x1, s23, s11, $0xb8;
	[tilespmem:$0x4A80] =	vst v63  }
0x24f: {  	_ =	swait.ge [sflag:s9], $0x40  }
0x250: {  	[sflag:s9] =	ssyncset.done $0x0  }
0x251: {  	s25 =	simm.s32 $0x2F00;
	s26 =	simm.s32 $0x3F00;
	[sflag:s9] =	ssyncadd.s32 $0xFFFFFFC0  }
0x252: {  	[spmem:s3] =	stream.indirect.scatter.add.f32 [tilespmem:s26], [sflag:$0x1], $0x1, s25, s11, $0xb8;
	[tilespmem:$0x4A80] =	vst v63  }
0x253: {  	_ =	swait.ge [sflag:s9], $0x40  }
0x254: {  	[sflag:s9] =	ssyncset.done $0x0  }
0x255: {  	s2 =	simm.s32 $0x2F80;
	s4 =	simm.s32 $0x3F80;
	[sflag:s9] =	ssyncadd.s32 $0xFFFFFFC0  }
0x256: {  	[spmem:s3] =	stream.indirect.scatter.add.f32 [tilespmem:s4], [sflag:$0x1], $0x1, s2, s11, $0xb8;
	[tilespmem:$0x4A80] =	vst v63  }
0x257: {  	_ =	swait.ge [sflag:s9], $0x40  }
0x258: {  	[sflag:s9] =	ssyncset.done $0x0  }
0x259: {  	s5 =	simm.s32 $0x3000;
	s6 =	simm.s32 $0x4000;
	[sflag:s9] =	ssyncadd.s32 $0xFFFFFFC0  }
0x25a: {  	[spmem:s3] =	stream.indirect.scatter.add.f32 [tilespmem:s6], [sflag:$0x1], $0x1, s5, s11, $0xb8;
	[tilespmem:$0x4A80] =	vst v63  }
0x25b: {  	_ =	swait.ge [sflag:s9], $0x40  }
0x25c: {  	[sflag:s9] =	ssyncset.done $0x0  }
0x25d: {  	s7 =	simm.s32 $0x3080;
	s12 =	simm.s32 $0x4080;
	[sflag:s9] =	ssyncadd.s32 $0xFFFFFFC0  }
0x25e: {  	[spmem:s3] =	stream.indirect.scatter.add.f32 [tilespmem:s12], [sflag:$0x1], $0x1, s7, s11, $0xb8;
	[tilespmem:$0x4A80] =	vst v63  }
0x25f: {  	_ =	swait.ge [sflag:s9], $0x40  }
0x260: {  	[sflag:s9] =	ssyncset.done $0x0  }
0x261: {  	s13 =	simm.s32 $0x3100;
	s14 =	simm.s32 $0x4100;
	[sflag:s9] =	ssyncadd.s32 $0xFFFFFFC0  }
0x262: {  	[spmem:s3] =	stream.indirect.scatter.add.f32 [tilespmem:s14], [sflag:$0x1], $0x1, s13, s11, $0xb8;
	[tilespmem:$0x4A80] =	vst v63  }
0x263: {  	_ =	swait.ge [sflag:s9], $0x40  }
0x264: {  	[sflag:s9] =	ssyncset.done $0x0  }
0x265: {  	s15 =	simm.s32 $0x3180;
	s16 =	simm.s32 $0x4180;
	[sflag:s9] =	ssyncadd.s32 $0xFFFFFFC0  }
0x266: {  	[spmem:s3] =	stream.indirect.scatter.add.f32 [tilespmem:s16], [sflag:$0x1], $0x1, s15, s11, $0xb8;
	[tilespmem:$0x4A80] =	vst v63  }
0x267: {  	_ =	swait.ge [sflag:s9], $0x40  }
0x268: {  	[sflag:s9] =	ssyncset.done $0x0  }
0x269: {  	s17 =	simm.s32 $0x3200;
	s18 =	simm.s32 $0x4200;
	[sflag:s9] =	ssyncadd.s32 $0xFFFFFFC0  }
0x26a: {  	[spmem:s3] =	stream.indirect.scatter.add.f32 [tilespmem:s18], [sflag:$0x1], $0x1, s17, s11, $0xb8;
	[tilespmem:$0x4A80] =	vst v63  }
0x26b: {  	_ =	swait.ge [sflag:s9], $0x40  }
0x26c: {  	[sflag:s9] =	ssyncset.done $0x0  }
0x26d: {  	s19 =	simm.s32 $0x3280;
	s21 =	simm.s32 $0x4280;
	[sflag:s9] =	ssyncadd.s32 $0xFFFFFFC0  }
0x26e: {  	[spmem:s3] =	stream.indirect.scatter.add.f32 [tilespmem:s21], [sflag:$0x1], $0x1, s19, s11, $0xb8;
	[tilespmem:$0x4A80] =	vst v63  }
0x26f: {  	_ =	swait.ge [sflag:s9], $0x40  }
0x270: {  	[sflag:s9] =	ssyncset.done $0x0  }
0x271: {  	s22 =	simm.s32 $0x3300;
	s24 =	simm.s32 $0x4300;
	[sflag:s9] =	ssyncadd.s32 $0xFFFFFFC0  }
0x272: {  	[spmem:s3] =	stream.indirect.scatter.add.f32 [tilespmem:s24], [sflag:$0x1], $0x1, s22, s11, $0xb8;
	[tilespmem:$0x4A80] =	vst v63  }
0x273: {  	_ =	swait.ge [sflag:s9], $0x40  }
0x274: {  	[sflag:s9] =	ssyncset.done $0x0  }
0x275: {  	s25 =	simm.s32 $0x3380;
	s26 =	simm.s32 $0x4380;
	[sflag:s9] =	ssyncadd.s32 $0xFFFFFFC0  }
0x276: {  	[spmem:s3] =	stream.indirect.scatter.add.f32 [tilespmem:s26], [sflag:$0x1], $0x1, s25, s11, $0xb8;
	[tilespmem:$0x4A80] =	vst v63  }
0x277: {  	_ =	swait.ge [sflag:s9], $0x40  }
0x278: {  	[sflag:s9] =	ssyncset.done $0x0  }
0x279: {  	s29 =	simm.s32 $0x3400;
	s30 =	simm.s32 $0x4400;
	[sflag:s9] =	ssyncadd.s32 $0xFFFFFFC0  }
0x27a: {  	[spmem:s3] =	stream.indirect.scatter.add.f32 [tilespmem:s30], [sflag:$0x1], $0x1, s29, s11, $0xb8;
	[tilespmem:$0x4A80] =	vst v63  }
0x27b: {  	_ =	swait.ge [sflag:s9], $0x40  }
0x27c: {  	[sflag:s9] =	ssyncset.done $0x0  }
0x27d: {  	s31 =	simm.s32 $0x3480;
	s0 =	simm.s32 $0x4480;
	[sflag:s9] =	ssyncadd.s32 $0xFFFFFFC0  }
0x27e: {  	[spmem:s3] =	stream.indirect.scatter.add.f32 [tilespmem:s0], [sflag:$0x1], $0x1, s31, s11, $0xb8;
	[tilespmem:$0x4A80] =	vst v63  }
0x27f: {  	_ =	swait.ge [sflag:s9], $0x40  }
0x280: {  	[sflag:s9] =	ssyncset.done $0x0  }
0x281: {  	s1 =	simm.s32 $0x3500;
	s2 =	simm.s32 $0x4500;
	[sflag:s9] =	ssyncadd.s32 $0xFFFFFFC0  }
0x282: {  	[spmem:s3] =	stream.indirect.scatter.add.f32 [tilespmem:s2], [sflag:$0x1], $0x1, s1, s11, $0xb8;
	[tilespmem:$0x4A80] =	vst v63  }
0x283: {  	_ =	swait.ge [sflag:s9], $0x40  }
0x284: {  	[sflag:s9] =	ssyncset.done $0x0  }
0x285: {  	s5 =	simm.s32 $0x3580;
	s6 =	simm.s32 $0x4580;
	[sflag:s9] =	ssyncadd.s32 $0xFFFFFFC0  }
0x286: {  	[spmem:s3] =	stream.indirect.scatter.add.f32 [tilespmem:s6], [sflag:$0x1], $0x1, s5, s11, $0xb8;
	[tilespmem:$0x4A80] =	vst v63  }
0x287: {  	_ =	swait.ge [sflag:s9], $0x40  }
0x288: {  	[sflag:s9] =	ssyncset.done $0x0  }
0x289: {  	s7 =	simm.s32 $0x3600;
	s12 =	simm.s32 $0x4600;
	[sflag:s9] =	ssyncadd.s32 $0xFFFFFFC0  }
0x28a: {  	[spmem:s3] =	stream.indirect.scatter.add.f32 [tilespmem:s12], [sflag:$0x1], $0x1, s7, s11, $0xb8;
	[tilespmem:$0x4A80] =	vst v63  }
0x28b: {  	_ =	swait.ge [sflag:s9], $0x40  }
0x28c: {  	[sflag:s9] =	ssyncset.done $0x0  }
0x28d: {  	s13 =	simm.s32 $0x3680;
	s14 =	simm.s32 $0x4680;
	[sflag:s9] =	ssyncadd.s32 $0xFFFFFFC0  }
0x28e: {  	[spmem:s3] =	stream.indirect.scatter.add.f32 [tilespmem:s14], [sflag:$0x1], $0x1, s13, s11, $0xb8;
	[tilespmem:$0x4A80] =	vst v63  }
0x28f: {  	s10 =	simm.s32 $0x2800;
	_ =	swait.ge [sflag:s9], $0x40  }
0x290: {  	s28 =	simm.s32 $0x3800;
	s8 =	simm.s32 $0x0;
	[sflag:s9] =	ssyncset.done $0x0  }
0x291: {  	s15 =	simm.s32 $0x3700;
	s16 =	simm.s32 $0x4700;
	[sflag:s9] =	ssyncadd.s32 $0xFFFFFFC0  }
0x292: {  	[spmem:s3] =	stream.indirect.scatter.add.f32 [tilespmem:s16], [sflag:$0x1], $0x1, s15, s11, $0xb8;
	[tilespmem:$0x4A80] =	vst v63  }
0x293: {  	s20 =	simm.s32 $0x4280;
	s23 =	simm.s32 $0x4300;
	_ =	swait.ge [sflag:s9], $0x40  }
0x294: {  	s4 =	simm.s32 $0x3380;
	s17 =	simm.s32 $0x3780;
	[sflag:s9] =	ssyncset.done $0x0  }
0x295: {  	s18 =	simm.s32 $0x4780;
	s21 =	simm.s32 $0x3300;
	[sflag:s9] =	ssyncadd.s32 $0xFFFFFFC0  }
0x296: {  	[spmem:s3] =	stream.indirect.scatter.add.f32 [tilespmem:s18], [sflag:$0x1], $0x1, s17, s11, $0xb8;
	[tilespmem:$0x4A80] =	vst v63  }
0x297: {  	s22 =	simm.s32 $0x4380;
	s24 =	simm.s32 $0x200;
	_ =	swait.ge [sflag:s9], $0x40  }
.LBB2_4:
0x298: {  	s25 =	rddreg [dreg:$0x6];
	s26 =	smov.u32 s24;
	[sflag:s9] =	ssyncset.done $0x0  }
0x299: {  	s25 =	sadd.s32 s26, s25;
	[sflag:s9] =	ssyncadd.s32 $0xFFFFFFC0  }
0x29a: {  	[tilespmem:s10], [sflag:$0x1] =	stream.linear.gather [hbm4b:s25+s8], $0x1000, $0x38;
	[tilespmem:$0x4A80] =	vst v63  }
0x29b: {  	_ =	swait.ge [sflag:s9], $0x1000  }
0x29c: {  	s19 =	rddreg [dreg:$0x5];
	[sflag:s9] =	ssyncset.done $0x0  }
0x29d: {  	[sflag:s9] =	ssyncadd.s32 $0xFFFFF000;
	s25 =	sadd.s32 s26, s19  }
0x29e: {  	[tilespmem:s28], [sflag:$0x1] =	stream.linear.gather [hbm4b:s25+s8], $0x1000, $0x38;
	[tilespmem:$0x4A80] =	vst v63  }
0x29f: {  	_ =	swait.ge [sflag:s9], $0x1000  }
0x2a0: {  	[sflag:s9] =	ssyncset.done $0x0  }
0x2a1: {  	[sflag:s9] =	ssyncadd.s32 $0xFFFFF000  }
0x2a2: {  	[spmem:s3] =	stream.indirect.scatter.add.f32 [tilespmem:s28], [sflag:$0x1], $0x1, s10, s11, $0xb8;
	[tilespmem:$0x4A80] =	vst v63  }
0x2a3: {  	_ =	swait.ge [sflag:s9], $0x40  }
0x2a4: {  	[sflag:s9] =	ssyncset.done $0x0  }
0x2a5: {  	s26 =	simm.s32 $0x2880;
	s19 =	simm.s32 $0x3880;
	[sflag:s9] =	ssyncadd.s32 $0xFFFFFFC0  }
0x2a6: {  	[spmem:s3] =	stream.indirect.scatter.add.f32 [tilespmem:s19], [sflag:$0x1], $0x1, s26, s11, $0xb8;
	[tilespmem:$0x4A80] =	vst v63  }
0x2a7: {  	_ =	swait.ge [sflag:s9], $0x40  }
0x2a8: {  	[sflag:s9] =	ssyncset.done $0x0  }
0x2a9: {  	s25 =	simm.s32 $0x2900;
	s19 =	simm.s32 $0x3900;
	[sflag:s9] =	ssyncadd.s32 $0xFFFFFFC0  }
0x2aa: {  	[spmem:s3] =	stream.indirect.scatter.add.f32 [tilespmem:s19], [sflag:$0x1], $0x1, s25, s11, $0xb8;
	[tilespmem:$0x4A80] =	vst v63  }
0x2ab: {  	_ =	swait.ge [sflag:s9], $0x40  }
0x2ac: {  	[sflag:s9] =	ssyncset.done $0x0  }
0x2ad: {  	s19 =	simm.s32 $0x2980;
	s25 =	simm.s32 $0x3980;
	[sflag:s9] =	ssyncadd.s32 $0xFFFFFFC0  }
0x2ae: {  	[spmem:s3] =	stream.indirect.scatter.add.f32 [tilespmem:s25], [sflag:$0x1], $0x1, s19, s11, $0xb8;
	[tilespmem:$0x4A80] =	vst v63  }
0x2af: {  	_ =	swait.ge [sflag:s9], $0x40  }
0x2b0: {  	[sflag:s9] =	ssyncset.done $0x0  }
0x2b1: {  	s19 =	simm.s32 $0x2A00;
	s25 =	simm.s32 $0x3A00;
	[sflag:s9] =	ssyncadd.s32 $0xFFFFFFC0  }
0x2b2: {  	[spmem:s3] =	stream.indirect.scatter.add.f32 [tilespmem:s25], [sflag:$0x1], $0x1, s19, s11, $0xb8;
	[tilespmem:$0x4A80] =	vst v63  }
0x2b3: {  	_ =	swait.ge [sflag:s9], $0x40  }
0x2b4: {  	[sflag:s9] =	ssyncset.done $0x0  }
0x2b5: {  	s19 =	simm.s32 $0x2A80;
	s25 =	simm.s32 $0x3A80;
	[sflag:s9] =	ssyncadd.s32 $0xFFFFFFC0  }
0x2b6: {  	[spmem:s3] =	stream.indirect.scatter.add.f32 [tilespmem:s25], [sflag:$0x1], $0x1, s19, s11, $0xb8;
	[tilespmem:$0x4A80] =	vst v63  }
0x2b7: {  	_ =	swait.ge [sflag:s9], $0x40  }
0x2b8: {  	[sflag:s9] =	ssyncset.done $0x0  }
0x2b9: {  	s19 =	simm.s32 $0x2B00;
	s25 =	simm.s32 $0x3B00;
	[sflag:s9] =	ssyncadd.s32 $0xFFFFFFC0  }
0x2ba: {  	[spmem:s3] =	stream.indirect.scatter.add.f32 [tilespmem:s25], [sflag:$0x1], $0x1, s19, s11, $0xb8;
	[tilespmem:$0x4A80] =	vst v63  }
0x2bb: {  	_ =	swait.ge [sflag:s9], $0x40  }
0x2bc: {  	[sflag:s9] =	ssyncset.done $0x0  }
0x2bd: {  	s19 =	simm.s32 $0x2B80;
	s25 =	simm.s32 $0x3B80;
	[sflag:s9] =	ssyncadd.s32 $0xFFFFFFC0  }
0x2be: {  	[spmem:s3] =	stream.indirect.scatter.add.f32 [tilespmem:s25], [sflag:$0x1], $0x1, s19, s11, $0xb8;
	[tilespmem:$0x4A80] =	vst v63  }
0x2bf: {  	_ =	swait.ge [sflag:s9], $0x40  }
0x2c0: {  	[sflag:s9] =	ssyncset.done $0x0  }
0x2c1: {  	s19 =	simm.s32 $0x2C00;
	s25 =	simm.s32 $0x3C00;
	[sflag:s9] =	ssyncadd.s32 $0xFFFFFFC0  }
0x2c2: {  	[spmem:s3] =	stream.indirect.scatter.add.f32 [tilespmem:s25], [sflag:$0x1], $0x1, s19, s11, $0xb8;
	[tilespmem:$0x4A80] =	vst v63  }
0x2c3: {  	_ =	swait.ge [sflag:s9], $0x40  }
0x2c4: {  	[sflag:s9] =	ssyncset.done $0x0  }
0x2c5: {  	s19 =	simm.s32 $0x2C80;
	s25 =	simm.s32 $0x3C80;
	[sflag:s9] =	ssyncadd.s32 $0xFFFFFFC0  }
0x2c6: {  	[spmem:s3] =	stream.indirect.scatter.add.f32 [tilespmem:s25], [sflag:$0x1], $0x1, s19, s11, $0xb8;
	[tilespmem:$0x4A80] =	vst v63  }
0x2c7: {  	_ =	swait.ge [sflag:s9], $0x40  }
0x2c8: {  	[sflag:s9] =	ssyncset.done $0x0  }
0x2c9: {  	s19 =	simm.s32 $0x2D00;
	s25 =	simm.s32 $0x3D00;
	[sflag:s9] =	ssyncadd.s32 $0xFFFFFFC0  }
0x2ca: {  	[spmem:s3] =	stream.indirect.scatter.add.f32 [tilespmem:s25], [sflag:$0x1], $0x1, s19, s11, $0xb8;
	[tilespmem:$0x4A80] =	vst v63  }
0x2cb: {  	_ =	swait.ge [sflag:s9], $0x40  }
0x2cc: {  	[sflag:s9] =	ssyncset.done $0x0  }
0x2cd: {  	s19 =	simm.s32 $0x2D80;
	s25 =	simm.s32 $0x3D80;
	[sflag:s9] =	ssyncadd.s32 $0xFFFFFFC0  }
0x2ce: {  	[spmem:s3] =	stream.indirect.scatter.add.f32 [tilespmem:s25], [sflag:$0x1], $0x1, s19, s11, $0xb8;
	[tilespmem:$0x4A80] =	vst v63  }
0x2cf: {  	_ =	swait.ge [sflag:s9], $0x40  }
0x2d0: {  	[sflag:s9] =	ssyncset.done $0x0  }
0x2d1: {  	s19 =	simm.s32 $0x2E00;
	s25 =	simm.s32 $0x3E00;
	[sflag:s9] =	ssyncadd.s32 $0xFFFFFFC0  }
0x2d2: {  	[spmem:s3] =	stream.indirect.scatter.add.f32 [tilespmem:s25], [sflag:$0x1], $0x1, s19, s11, $0xb8;
	[tilespmem:$0x4A80] =	vst v63  }
0x2d3: {  	_ =	swait.ge [sflag:s9], $0x40  }
0x2d4: {  	[sflag:s9] =	ssyncset.done $0x0  }
0x2d5: {  	s19 =	simm.s32 $0x2E80;
	s25 =	simm.s32 $0x3E80;
	[sflag:s9] =	ssyncadd.s32 $0xFFFFFFC0  }
0x2d6: {  	[spmem:s3] =	stream.indirect.scatter.add.f32 [tilespmem:s25], [sflag:$0x1], $0x1, s19, s11, $0xb8;
	[tilespmem:$0x4A80] =	vst v63  }
0x2d7: {  	_ =	swait.ge [sflag:s9], $0x40  }
0x2d8: {  	[sflag:s9] =	ssyncset.done $0x0  }
0x2d9: {  	s19 =	simm.s32 $0x2F00;
	s25 =	simm.s32 $0x3F00;
	[sflag:s9] =	ssyncadd.s32 $0xFFFFFFC0  }
0x2da: {  	[spmem:s3] =	stream.indirect.scatter.add.f32 [tilespmem:s25], [sflag:$0x1], $0x1, s19, s11, $0xb8;
	[tilespmem:$0x4A80] =	vst v63  }
0x2db: {  	_ =	swait.ge [sflag:s9], $0x40  }
0x2dc: {  	[sflag:s9] =	ssyncset.done $0x0  }
0x2dd: {  	s19 =	simm.s32 $0x2F80;
	s25 =	simm.s32 $0x3F80;
	[sflag:s9] =	ssyncadd.s32 $0xFFFFFFC0  }
0x2de: {  	[spmem:s3] =	stream.indirect.scatter.add.f32 [tilespmem:s25], [sflag:$0x1], $0x1, s19, s11, $0xb8;
	[tilespmem:$0x4A80] =	vst v63  }
0x2df: {  	_ =	swait.ge [sflag:s9], $0x40  }
0x2e0: {  	[sflag:s9] =	ssyncset.done $0x0  }
0x2e1: {  	s19 =	simm.s32 $0x3000;
	s25 =	simm.s32 $0x4000;
	[sflag:s9] =	ssyncadd.s32 $0xFFFFFFC0  }
0x2e2: {  	[spmem:s3] =	stream.indirect.scatter.add.f32 [tilespmem:s25], [sflag:$0x1], $0x1, s19, s11, $0xb8;
	[tilespmem:$0x4A80] =	vst v63  }
0x2e3: {  	_ =	swait.ge [sflag:s9], $0x40  }
0x2e4: {  	[sflag:s9] =	ssyncset.done $0x0  }
0x2e5: {  	s19 =	simm.s32 $0x3080;
	s25 =	simm.s32 $0x4080;
	[sflag:s9] =	ssyncadd.s32 $0xFFFFFFC0  }
0x2e6: {  	[spmem:s3] =	stream.indirect.scatter.add.f32 [tilespmem:s25], [sflag:$0x1], $0x1, s19, s11, $0xb8;
	[tilespmem:$0x4A80] =	vst v63  }
0x2e7: {  	_ =	swait.ge [sflag:s9], $0x40  }
0x2e8: {  	[sflag:s9] =	ssyncset.done $0x0  }
0x2e9: {  	s19 =	simm.s32 $0x3100;
	s25 =	simm.s32 $0x4100;
	[sflag:s9] =	ssyncadd.s32 $0xFFFFFFC0  }
0x2ea: {  	[spmem:s3] =	stream.indirect.scatter.add.f32 [tilespmem:s25], [sflag:$0x1], $0x1, s19, s11, $0xb8;
	[tilespmem:$0x4A80] =	vst v63  }
0x2eb: {  	_ =	swait.ge [sflag:s9], $0x40  }
0x2ec: {  	[sflag:s9] =	ssyncset.done $0x0  }
0x2ed: {  	s19 =	simm.s32 $0x3180;
	s25 =	simm.s32 $0x4180;
	[sflag:s9] =	ssyncadd.s32 $0xFFFFFFC0  }
0x2ee: {  	[spmem:s3] =	stream.indirect.scatter.add.f32 [tilespmem:s25], [sflag:$0x1], $0x1, s19, s11, $0xb8;
	[tilespmem:$0x4A80] =	vst v63  }
0x2ef: {  	_ =	swait.ge [sflag:s9], $0x40  }
0x2f0: {  	[sflag:s9] =	ssyncset.done $0x0  }
0x2f1: {  	s19 =	simm.s32 $0x3200;
	s25 =	simm.s32 $0x4200;
	[sflag:s9] =	ssyncadd.s32 $0xFFFFFFC0  }
0x2f2: {  	[spmem:s3] =	stream.indirect.scatter.add.f32 [tilespmem:s25], [sflag:$0x1], $0x1, s19, s11, $0xb8;
	[tilespmem:$0x4A80] =	vst v63  }
0x2f3: {  	_ =	swait.ge [sflag:s9], $0x40  }
0x2f4: {  	[sflag:s9] =	ssyncset.done $0x0  }
0x2f5: {  	s25 =	simm.s32 $0x3280;
	[sflag:s9] =	ssyncadd.s32 $0xFFFFFFC0  }
0x2f6: {  	[spmem:s3] =	stream.indirect.scatter.add.f32 [tilespmem:s20], [sflag:$0x1], $0x1, s25, s11, $0xb8;
	[tilespmem:$0x4A80] =	vst v63  }
0x2f7: {  	_ =	swait.ge [sflag:s9], $0x40  }
0x2f8: {  	[sflag:s9] =	ssyncset.done $0x0  }
0x2f9: {  	[sflag:s9] =	ssyncadd.s32 $0xFFFFFFC0  }
0x2fa: {  	[spmem:s3] =	stream.indirect.scatter.add.f32 [tilespmem:s23], [sflag:$0x1], $0x1, s21, s11, $0xb8;
	[tilespmem:$0x4A80] =	vst v63  }
0x2fb: {  	_ =	swait.ge [sflag:s9], $0x40  }
0x2fc: {  	[sflag:s9] =	ssyncset.done $0x0  }
0x2fd: {  	[sflag:s9] =	ssyncadd.s32 $0xFFFFFFC0  }
0x2fe: {  	[spmem:s3] =	stream.indirect.scatter.add.f32 [tilespmem:s22], [sflag:$0x1], $0x1, s4, s11, $0xb8;
	[tilespmem:$0x4A80] =	vst v63  }
0x2ff: {  	_ =	swait.ge [sflag:s9], $0x40  }
0x300: {  	[sflag:s9] =	ssyncset.done $0x0  }
0x301: {  	[sflag:s9] =	ssyncadd.s32 $0xFFFFFFC0  }
0x302: {  	[spmem:s3] =	stream.indirect.scatter.add.f32 [tilespmem:s30], [sflag:$0x1], $0x1, s29, s11, $0xb8;
	[tilespmem:$0x4A80] =	vst v63  }
0x303: {  	_ =	swait.ge [sflag:s9], $0x40  }
0x304: {  	[sflag:s9] =	ssyncset.done $0x0  }
0x305: {  	[sflag:s9] =	ssyncadd.s32 $0xFFFFFFC0  }
0x306: {  	[spmem:s3] =	stream.indirect.scatter.add.f32 [tilespmem:s0], [sflag:$0x1], $0x1, s31, s11, $0xb8;
	[tilespmem:$0x4A80] =	vst v63  }
0x307: {  	_ =	swait.ge [sflag:s9], $0x40  }
0x308: {  	[sflag:s9] =	ssyncset.done $0x0  }
0x309: {  	[sflag:s9] =	ssyncadd.s32 $0xFFFFFFC0  }
0x30a: {  	[spmem:s3] =	stream.indirect.scatter.add.f32 [tilespmem:s2], [sflag:$0x1], $0x1, s1, s11, $0xb8;
	[tilespmem:$0x4A80] =	vst v63  }
0x30b: {  	_ =	swait.ge [sflag:s9], $0x40  }
0x30c: {  	[sflag:s9] =	ssyncset.done $0x0  }
0x30d: {  	[sflag:s9] =	ssyncadd.s32 $0xFFFFFFC0  }
0x30e: {  	[spmem:s3] =	stream.indirect.scatter.add.f32 [tilespmem:s6], [sflag:$0x1], $0x1, s5, s11, $0xb8;
	[tilespmem:$0x4A80] =	vst v63  }
0x30f: {  	_ =	swait.ge [sflag:s9], $0x40  }
0x310: {  	[sflag:s9] =	ssyncset.done $0x0  }
0x311: {  	[sflag:s9] =	ssyncadd.s32 $0xFFFFFFC0  }
0x312: {  	[spmem:s3] =	stream.indirect.scatter.add.f32 [tilespmem:s12], [sflag:$0x1], $0x1, s7, s11, $0xb8;
	[tilespmem:$0x4A80] =	vst v63  }
0x313: {  	_ =	swait.ge [sflag:s9], $0x40  }
0x314: {  	[sflag:s9] =	ssyncset.done $0x0  }
0x315: {  	[sflag:s9] =	ssyncadd.s32 $0xFFFFFFC0  }
0x316: {  	[spmem:s3] =	stream.indirect.scatter.add.f32 [tilespmem:s14], [sflag:$0x1], $0x1, s13, s11, $0xb8;
	[tilespmem:$0x4A80] =	vst v63  }
0x317: {  	_ =	swait.ge [sflag:s9], $0x40  }
0x318: {  	[sflag:s9] =	ssyncset.done $0x0  }
0x319: {  	p2 =	sne.s32 s24, $0x1200;
	[sflag:s9] =	ssyncadd.s32 $0xFFFFFFC0  }
0x31a: {  	[spmem:s3] =	stream.indirect.scatter.add.f32 [tilespmem:s16], [sflag:$0x1], $0x1, s15, s11, $0xb8;
	[tilespmem:$0x4A80] =	vst v63  }
.Ltmp8:
0x31b: {  	_ =	swait.ge [sflag:s9], $0x40;
	(pc) =	sbr.rel @p2 .LBB2_4-.Ltmp8, $4  }
0x31c: {  	[sflag:s9] =	ssyncset.done $0x0  }
0x31d: {  	[sflag:s9] =	ssyncadd.s32 $0xFFFFFFC0  }
0x31e: {  	[spmem:s3] =	stream.indirect.scatter.add.f32 [tilespmem:s18], [sflag:$0x1], $0x1, s17, s11, $0xb8;
	[tilespmem:$0x4A80] =	vst v63  }
0x31f: {  	s24 =	sadd.s32 $0x200, s24;
	_ =	swait.ge [sflag:s9], $0x40  }
0x320: {  	[sflag:s9] =	ssyncset.done $0x0  }
0x321: {  	[sflag:s9] =	ssyncadd.s32 $0xFFFFFFC0  }
0x322: {  	[bflag:$0x0] =	sbarrier.arrive $0xFFFF  }
0x323: {  	s24 =	simm.s32 $0x0;
	s25 =	rddreg [dreg:$0x9]  }
0x324: {  	[tilespmem:s24], [sflag:$0x1] =	stream.linear.gather [spmem:s25], $0x280, $0x38;
	[tilespmem:$0x4A80] =	vst v63  }
0x325: {  	_ =	swait.ge [sflag:s9], $0x280  }
0x326: {  	[sflag:s9] =	ssyncset.done $0x0  }
0x327: {  	s24 =	simm.s32 $0x0;
	s25 =	simm.s32 $0x40;
	[sflag:s9] =	ssyncadd.s32 $0xFFFFFD80  }
.LBB2_6:
0x328: {  	p2 =	seq.s32 s25, $0x9C0;
	v1 =	vld [tilespmem:s24+$0x0];
	_ =	sdelay $0x4  }
0x329: {  	v1 =	vadd.f32 $1.000000000e+00, v1;
	_ =	sdelay $0x1  }
0x32a: {  	v2 =	vadd.f32 $1.000000000e+00, v1;
	_ =	sdelay $0x1  }
0x32b: {  	v2 =	vmul.f32 $5.000000000e-01, v2;
	_ =	sdelay $0x1  }
0x32c: {  	(erf) = vrcp.f32 v2;
	_ =	sdelay $0x8  }
0x32d: {  	v3 =	vpop (erf)  }
0x32e: {  	v3 =	vmul.f32 v3, v1;
	_ =	sdelay $0x1  }
0x32f: {  	v2 =	vadd.f32 v3, v2;
	_ =	sdelay $0x1  }
0x330: {  	v2 =	vmul.f32 $5.000000000e-01, v2;
	_ =	sdelay $0x1  }
0x331: {  	(erf) = vrcp.f32 v2;
	_ =	sdelay $0x8  }
0x332: {  	v3 =	vpop (erf)  }
0x333: {  	v3 =	vmul.f32 v3, v1;
	_ =	sdelay $0x1  }
0x334: {  	v2 =	vadd.f32 v3, v2;
	_ =	sdelay $0x1  }
0x335: {  	v2 =	vmul.f32 $5.000000000e-01, v2;
	_ =	sdelay $0x1  }
0x336: {  	(erf) = vrcp.f32 v2;
	_ =	sdelay $0x8  }
0x337: {  	v3 =	vpop (erf)  }
0x338: {  	v3 =	vmul.f32 v3, v1;
	_ =	sdelay $0x1  }
0x339: {  	v2 =	vadd.f32 v3, v2;
	_ =	sdelay $0x1  }
0x33a: {  	v2 =	vmul.f32 $5.000000000e-01, v2;
	_ =	sdelay $0x1  }
0x33b: {  	(erf) = vrcp.f32 v2;
	_ =	sdelay $0x8  }
0x33c: {  	v3 =	vpop (erf)  }
0x33d: {  	v3 =	vmul.f32 v3, v1;
	_ =	sdelay $0x1  }
0x33e: {  	v2 =	vadd.f32 v3, v2;
	_ =	sdelay $0x1  }
0x33f: {  	v2 =	vmul.f32 $5.000000000e-01, v2;
	_ =	sdelay $0x1  }
0x340: {  	(erf) = vrcp.f32 v2;
	_ =	sdelay $0x8  }
0x341: {  	v3 =	vpop (erf)  }
0x342: {  	v3 =	vmul.f32 v3, v1;
	_ =	sdelay $0x1  }
0x343: {  	v2 =	vadd.f32 v3, v2;
	_ =	sdelay $0x1  }
0x344: {  	v2 =	vmul.f32 $5.000000000e-01, v2;
	_ =	sdelay $0x1  }
0x345: {  	(erf) = vrcp.f32 v2;
	_ =	sdelay $0x8  }
0x346: {  	v3 =	vpop (erf)  }
0x347: {  	v3 =	vmul.f32 v3, v1;
	_ =	sdelay $0x1  }
0x348: {  	v2 =	vadd.f32 v3, v2;
	_ =	sdelay $0x1  }
0x349: {  	v2 =	vmul.f32 $5.000000000e-01, v2;
	_ =	sdelay $0x1  }
0x34a: {  	(erf) = vrcp.f32 v2;
	_ =	sdelay $0x8  }
0x34b: {  	v3 =	vpop (erf)  }
0x34c: {  	v3 =	vmul.f32 v3, v1;
	_ =	sdelay $0x1  }
0x34d: {  	v2 =	vadd.f32 v3, v2;
	_ =	sdelay $0x1  }
0x34e: {  	v2 =	vmul.f32 $5.000000000e-01, v2;
	_ =	sdelay $0x1  }
0x34f: {  	(erf) = vrcp.f32 v2;
	_ =	sdelay $0x8  }
0x350: {  	v3 =	vpop (erf)  }
0x351: {  	v3 =	vmul.f32 v3, v1;
	_ =	sdelay $0x1  }
0x352: {  	v2 =	vadd.f32 v3, v2;
	_ =	sdelay $0x1  }
0x353: {  	v2 =	vmul.f32 $5.000000000e-01, v2;
	_ =	sdelay $0x1  }
0x354: {  	(erf) = vrcp.f32 v2;
	_ =	sdelay $0x8  }
0x355: {  	v3 =	vpop (erf)  }
0x356: {  	v3 =	vmul.f32 v3, v1;
	_ =	sdelay $0x1  }
0x357: {  	v2 =	vadd.f32 v3, v2;
	_ =	sdelay $0x1  }
0x358: {  	v2 =	vmul.f32 $5.000000000e-01, v2;
	_ =	sdelay $0x1  }
0x359: {  	(erf) = vrcp.f32 v2;
	_ =	sdelay $0x8  }
0x35a: {  	v3 =	vpop (erf)  }
0x35b: {  	v3 =	vmul.f32 v3, v1;
	_ =	sdelay $0x1  }
0x35c: {  	v2 =	vadd.f32 v3, v2;
	_ =	sdelay $0x1  }
0x35d: {  	v2 =	vmul.f32 $5.000000000e-01, v2;
	_ =	sdelay $0x1  }
0x35e: {  	(erf) = vrcp.f32 v2;
	_ =	sdelay $0x8  }
0x35f: {  	v3 =	vpop (erf)  }
0x360: {  	v3 =	vmul.f32 v3, v1;
	_ =	sdelay $0x1  }
0x361: {  	v2 =	vadd.f32 v3, v2;
	_ =	sdelay $0x1  }
0x362: {  	v2 =	vmul.f32 $5.000000000e-01, v2;
	_ =	sdelay $0x1  }
0x363: {  	(erf) = vrcp.f32 v2;
	_ =	sdelay $0x8  }
0x364: {  	v3 =	vpop (erf)  }
0x365: {  	v3 =	vmul.f32 v3, v1;
	_ =	sdelay $0x1  }
0x366: {  	v2 =	vadd.f32 v3, v2;
	_ =	sdelay $0x1  }
0x367: {  	v2 =	vmul.f32 $5.000000000e-01, v2;
	_ =	sdelay $0x1  }
0x368: {  	(erf) = vrcp.f32 v2;
	_ =	sdelay $0x8  }
0x369: {  	v3 =	vpop (erf)  }
0x36a: {  	v3 =	vmul.f32 v3, v1;
	_ =	sdelay $0x1  }
0x36b: {  	v2 =	vadd.f32 v3, v2;
	_ =	sdelay $0x1  }
0x36c: {  	v2 =	vmul.f32 $5.000000000e-01, v2;
	_ =	sdelay $0x1  }
0x36d: {  	(erf) = vrcp.f32 v2;
	_ =	sdelay $0x8  }
0x36e: {  	v3 =	vpop (erf)  }
0x36f: {  	v3 =	vmul.f32 v3, v1;
	_ =	sdelay $0x1  }
0x370: {  	v2 =	vadd.f32 v3, v2;
	_ =	sdelay $0x1  }
0x371: {  	v2 =	vmul.f32 $5.000000000e-01, v2;
	_ =	sdelay $0x1  }
0x372: {  	(erf) = vrcp.f32 v2;
	_ =	sdelay $0x8  }
0x373: {  	v3 =	vpop (erf)  }
0x374: {  	v3 =	vmul.f32 v3, v1;
	_ =	sdelay $0x1  }
0x375: {  	v2 =	vadd.f32 v3, v2;
	_ =	sdelay $0x1  }
0x376: {  	v2 =	vmul.f32 $5.000000000e-01, v2;
	_ =	sdelay $0x1  }
0x377: {  	(erf) = vrcp.f32 v2;
	_ =	sdelay $0x8  }
0x378: {  	v3 =	vpop (erf)  }
0x379: {  	v3 =	vmul.f32 v3, v1;
	_ =	sdelay $0x1  }
0x37a: {  	v2 =	vadd.f32 v3, v2;
	_ =	sdelay $0x1  }
0x37b: {  	v2 =	vmul.f32 $5.000000000e-01, v2;
	_ =	sdelay $0x1  }
0x37c: {  	(erf) = vrcp.f32 v2;
	_ =	sdelay $0x8  }
0x37d: {  	v3 =	vpop (erf)  }
0x37e: {  	v3 =	vmul.f32 v3, v1;
	_ =	sdelay $0x1  }
0x37f: {  	v2 =	vadd.f32 v3, v2;
	_ =	sdelay $0x1  }
0x380: {  	v2 =	vmul.f32 $5.000000000e-01, v2;
	_ =	sdelay $0x1  }
0x381: {  	(erf) = vrcp.f32 v2;
	_ =	sdelay $0x8  }
0x382: {  	v3 =	vpop (erf)  }
0x383: {  	v1 =	vmul.f32 v3, v1;
	_ =	sdelay $0x1  }
0x384: {  	v1 =	vadd.f32 v1, v2;
	_ =	sdelay $0x1  }
0x385: {  	v1 =	vmul.f32 $5.000000000e-01, v1;
	_ =	sdelay $0x1  }
0x386: {  	(erf) = vrcp.f32 v1;
	_ =	sdelay $0x5  }
.Ltmp9:
0x387: {  	(pc) =	sbr.rel @!p2 .LBB2_6-.Ltmp9, $3  }
0x388: {  	_ =	sdelay $0x1  }
0x389: {  	v1 =	vpop (erf)  }
0x38a: {  	[tilespmem:s24+$0x0] =	vst v1;
	s24 =	sshra.s32 s25, $0x2;
	s25 =	sadd.s32 $0x40, s25  }
0x38b: {  	v1 =	vld [tilespmem:s24+$0x0];
	_ =	sdelay $0x4  }
0x38c: {  	v1 =	vadd.f32 $1.000000000e+00, v1;
	_ =	sdelay $0x1  }
0x38d: {  	v2 =	vadd.f32 $1.000000000e+00, v1;
	_ =	sdelay $0x1  }
0x38e: {  	v2 =	vmul.f32 $5.000000000e-01, v2;
	_ =	sdelay $0x1  }
0x38f: {  	(erf) = vrcp.f32 v2;
	_ =	sdelay $0x8  }
0x390: {  	v3 =	vpop (erf)  }
0x391: {  	v3 =	vmul.f32 v3, v1;
	_ =	sdelay $0x1  }
0x392: {  	v2 =	vadd.f32 v3, v2;
	_ =	sdelay $0x1  }
0x393: {  	v2 =	vmul.f32 $5.000000000e-01, v2;
	_ =	sdelay $0x1  }
0x394: {  	(erf) = vrcp.f32 v2;
	_ =	sdelay $0x8  }
0x395: {  	v3 =	vpop (erf)  }
0x396: {  	v3 =	vmul.f32 v3, v1;
	_ =	sdelay $0x1  }
0x397: {  	v2 =	vadd.f32 v3, v2;
	_ =	sdelay $0x1  }
0x398: {  	v2 =	vmul.f32 $5.000000000e-01, v2;
	_ =	sdelay $0x1  }
0x399: {  	(erf) = vrcp.f32 v2;
	_ =	sdelay $0x8  }
0x39a: {  	v3 =	vpop (erf)  }
0x39b: {  	v3 =	vmul.f32 v3, v1;
	_ =	sdelay $0x1  }
0x39c: {  	v2 =	vadd.f32 v3, v2;
	_ =	sdelay $0x1  }
0x39d: {  	v2 =	vmul.f32 $5.000000000e-01, v2;
	_ =	sdelay $0x1  }
0x39e: {  	(erf) = vrcp.f32 v2;
	_ =	sdelay $0x8  }
0x39f: {  	v3 =	vpop (erf)  }
0x3a0: {  	v3 =	vmul.f32 v3, v1;
	_ =	sdelay $0x1  }
0x3a1: {  	v2 =	vadd.f32 v3, v2;
	_ =	sdelay $0x1  }
0x3a2: {  	v2 =	vmul.f32 $5.000000000e-01, v2;
	_ =	sdelay $0x1  }
0x3a3: {  	(erf) = vrcp.f32 v2;
	_ =	sdelay $0x8  }
0x3a4: {  	v3 =	vpop (erf)  }
0x3a5: {  	v3 =	vmul.f32 v3, v1;
	_ =	sdelay $0x1  }
0x3a6: {  	v2 =	vadd.f32 v3, v2;
	_ =	sdelay $0x1  }
0x3a7: {  	v2 =	vmul.f32 $5.000000000e-01, v2;
	_ =	sdelay $0x1  }
0x3a8: {  	(erf) = vrcp.f32 v2;
	_ =	sdelay $0x8  }
0x3a9: {  	v3 =	vpop (erf)  }
0x3aa: {  	v3 =	vmul.f32 v3, v1;
	_ =	sdelay $0x1  }
0x3ab: {  	v2 =	vadd.f32 v3, v2;
	_ =	sdelay $0x1  }
0x3ac: {  	v2 =	vmul.f32 $5.000000000e-01, v2;
	_ =	sdelay $0x1  }
0x3ad: {  	(erf) = vrcp.f32 v2;
	_ =	sdelay $0x8  }
0x3ae: {  	v3 =	vpop (erf)  }
0x3af: {  	v3 =	vmul.f32 v3, v1;
	_ =	sdelay $0x1  }
0x3b0: {  	v2 =	vadd.f32 v3, v2;
	_ =	sdelay $0x1  }
0x3b1: {  	v2 =	vmul.f32 $5.000000000e-01, v2;
	_ =	sdelay $0x1  }
0x3b2: {  	(erf) = vrcp.f32 v2;
	_ =	sdelay $0x8  }
0x3b3: {  	v3 =	vpop (erf)  }
0x3b4: {  	v3 =	vmul.f32 v3, v1;
	_ =	sdelay $0x1  }
0x3b5: {  	v2 =	vadd.f32 v3, v2;
	_ =	sdelay $0x1  }
0x3b6: {  	v2 =	vmul.f32 $5.000000000e-01, v2;
	_ =	sdelay $0x1  }
0x3b7: {  	(erf) = vrcp.f32 v2;
	_ =	sdelay $0x8  }
0x3b8: {  	v3 =	vpop (erf)  }
0x3b9: {  	v3 =	vmul.f32 v3, v1;
	_ =	sdelay $0x1  }
0x3ba: {  	v2 =	vadd.f32 v3, v2;
	_ =	sdelay $0x1  }
0x3bb: {  	v2 =	vmul.f32 $5.000000000e-01, v2;
	_ =	sdelay $0x1  }
0x3bc: {  	(erf) = vrcp.f32 v2;
	_ =	sdelay $0x8  }
0x3bd: {  	v3 =	vpop (erf)  }
0x3be: {  	v3 =	vmul.f32 v3, v1;
	_ =	sdelay $0x1  }
0x3bf: {  	v2 =	vadd.f32 v3, v2;
	_ =	sdelay $0x1  }
0x3c0: {  	v2 =	vmul.f32 $5.000000000e-01, v2;
	_ =	sdelay $0x1  }
0x3c1: {  	(erf) = vrcp.f32 v2;
	_ =	sdelay $0x8  }
0x3c2: {  	v3 =	vpop (erf)  }
0x3c3: {  	v3 =	vmul.f32 v3, v1;
	_ =	sdelay $0x1  }
0x3c4: {  	v2 =	vadd.f32 v3, v2;
	_ =	sdelay $0x1  }
0x3c5: {  	v2 =	vmul.f32 $5.000000000e-01, v2;
	_ =	sdelay $0x1  }
0x3c6: {  	(erf) = vrcp.f32 v2;
	_ =	sdelay $0x8  }
0x3c7: {  	v3 =	vpop (erf)  }
0x3c8: {  	v3 =	vmul.f32 v3, v1;
	_ =	sdelay $0x1  }
0x3c9: {  	v2 =	vadd.f32 v3, v2;
	_ =	sdelay $0x1  }
0x3ca: {  	v2 =	vmul.f32 $5.000000000e-01, v2;
	_ =	sdelay $0x1  }
0x3cb: {  	(erf) = vrcp.f32 v2;
	_ =	sdelay $0x8  }
0x3cc: {  	v3 =	vpop (erf)  }
0x3cd: {  	v3 =	vmul.f32 v3, v1;
	_ =	sdelay $0x1  }
0x3ce: {  	v2 =	vadd.f32 v3, v2;
	_ =	sdelay $0x1  }
0x3cf: {  	v2 =	vmul.f32 $5.000000000e-01, v2;
	_ =	sdelay $0x1  }
0x3d0: {  	(erf) = vrcp.f32 v2;
	_ =	sdelay $0x8  }
0x3d1: {  	v3 =	vpop (erf)  }
0x3d2: {  	v3 =	vmul.f32 v3, v1;
	_ =	sdelay $0x1  }
0x3d3: {  	v2 =	vadd.f32 v3, v2;
	_ =	sdelay $0x1  }
0x3d4: {  	v2 =	vmul.f32 $5.000000000e-01, v2;
	_ =	sdelay $0x1  }
0x3d5: {  	(erf) = vrcp.f32 v2;
	_ =	sdelay $0x8  }
0x3d6: {  	v3 =	vpop (erf)  }
0x3d7: {  	v3 =	vmul.f32 v3, v1;
	_ =	sdelay $0x1  }
0x3d8: {  	v2 =	vadd.f32 v3, v2;
	_ =	sdelay $0x1  }
0x3d9: {  	v2 =	vmul.f32 $5.000000000e-01, v2;
	_ =	sdelay $0x1  }
0x3da: {  	(erf) = vrcp.f32 v2;
	_ =	sdelay $0x8  }
0x3db: {  	v3 =	vpop (erf)  }
0x3dc: {  	v3 =	vmul.f32 v3, v1;
	_ =	sdelay $0x1  }
0x3dd: {  	v2 =	vadd.f32 v3, v2;
	_ =	sdelay $0x1  }
0x3de: {  	v2 =	vmul.f32 $5.000000000e-01, v2;
	_ =	sdelay $0x1  }
0x3df: {  	(erf) = vrcp.f32 v2;
	_ =	sdelay $0x8  }
0x3e0: {  	v3 =	vpop (erf)  }
0x3e1: {  	v3 =	vmul.f32 v3, v1;
	_ =	sdelay $0x1  }
0x3e2: {  	v2 =	vadd.f32 v3, v2;
	_ =	sdelay $0x1  }
0x3e3: {  	v2 =	vmul.f32 $5.000000000e-01, v2;
	_ =	sdelay $0x1  }
0x3e4: {  	(erf) = vrcp.f32 v2;
	_ =	sdelay $0x8  }
0x3e5: {  	v3 =	vpop (erf)  }
0x3e6: {  	v1 =	vmul.f32 v3, v1;
	_ =	sdelay $0x1  }
0x3e7: {  	v1 =	vadd.f32 v1, v2;
	_ =	sdelay $0x1  }
0x3e8: {  	v1 =	vmul.f32 $5.000000000e-01, v1;
	_ =	sdelay $0x1  }
0x3e9: {  	(erf) = vrcp.f32 v1;
	_ =	sdelay $0x5  }
.Ltmp10:
0x3ea: {  	_ = 	snop;
	(pc) =	sbr.rel .LBB2_14-.Ltmp10, $3  }
0x3eb: {  	_ =	sdelay $0x1  }
0x3ec: {  	s4 =	simm.s32 $0x0;
	s2 =	rddreg [dreg:$0xc];
	v1 =	vpop (erf)  }
0x3ed: {  	s0 =	simm.s32 $0x2800;
	s1 =	simm.s32 $0x3800;
	[tilespmem:s24+$0x0] =	vst v1;
	s24 =	rddreg [dreg:$0x1]  }
.LBB2_15:
0x3ee: {  	_ =	sfence.sel $0x180000  }
0x3ef: {  	[bflag:$0x0] =	sbarrier.arrive $0xFFFF  }
0x3f0: {  	_ =	strace $0x90000047  }
0x3f1: {  	[bflag:$0x2] =	sbarrier.arrive $0xFFFF  }
0x3f2: {  	s0 =	rddreg [dreg:$0x4]  }
0x3f3: {  	s0 =	sadd.s32 @!p1 $0x100000, s0  }
0x3f4: {  	[sflag:s0] =	ssyncadd.tile.s32 @!p1 $0x1;
	_ =	shalt  }
.Lfunc_end2:
_tile_overlayer_lowered:
.L_overlay_start_2:
0x3f5: {  	(tag) =	ssettag $0x2  }
0x3f6: {  	s0 =	rddreg [dreg:$0x0];
	s2 =	stileid.u32  }
0x3f7: {  	s1 =	rddreg [dreg:$0x1];
	p0 =	sne.s32 s2, $0x0  }
0x3f8: {  	s3 =	rddreg [dreg:$0x2];
	[bflag:$0x3] =	sbarrier.arrive $0xFFFF;
	s2 =	simm.s32 @!p0 $0x1C01  }
0x3f9: {  	[timem:s3], [sflag:s2] =	dma.local @!p0 [hbm:s0], s1  }
0x3fa: {  	s0 =	simm.s32 @!p0 $0x1  }
0x3fb: {  	_ =	swait.ge @!p0 [sflag:s0], s1  }
0x3fc: {  	s1 =	ssub.s32 @!p0 $0x0, s1;
	[sflag:s0] =	ssyncset.done @!p0 $0x0  }
0x3fd: {  	[sflag:s0] =	ssyncadd.s32 @!p0 s1  }
0x3fe: {  	[bflag:$0x3] =	sbarrier.arrive $0xFFFF  }
0x3ff: {  	_ =	shalt  }

</sc_bundles>
